<compile_context>
chip_gen: v7x
topology: tpu7x:2x2x1
jax: 0.10.2.dev20260603
libtpu: 0.0.44.dev20260713+nightly
codegen_flags: <defaults>
</compile_context>

<pallas_src>
import jax
import jax.numpy as jnp
from jax import lax
from jax.experimental import pallas as pl
from jax.experimental.pallas import tpu as pltpu
from jax.experimental.pallas import tpu_sc as plsc

N = 10000
E = 320000
D = 128

NC = 2
NS = 16
NW = NC * NS
CHUNK = 80
CPT = -(-E // (NW * CHUNK))
E_PAD = NW * CPT * CHUNK
N_PAD = 10240
ZPT = N_PAD // NS


def _sc_body(x_hbm, src_hbm, dst_hbm, w_hbm, zeros_hbm, out_hbm,
             srcs, dsts, w2_v, rows_ab, acc,
             gsem, wsem, ssem, isem):
    c = lax.axis_index("c")
    s = lax.axis_index("s")
    g = c * NS + s

    r0 = s * ZPT
    pltpu.sync_copy(src_hbm.at[g, 0], srcs[0])
    pltpu.async_copy(w_hbm.at[g, 0], w2_v.at[0], wsem)
    pltpu.async_copy(x_hbm.at[srcs[0]], rows_ab[0], gsem)
    pltpu.sync_copy(dst_hbm.at[g, 0], dsts[0])
    pltpu.sync_copy(src_hbm.at[g, 1], srcs[1])
    pltpu.sync_copy(dst_hbm.at[g, 1], dsts[1])
    pltpu.sync_copy(zeros_hbm.at[pl.ds(r0, ZPT)], acc.at[pl.ds(r0, ZPT)])
    plsc.subcore_barrier()

    def chunk_body(i, carry):
        par = lax.rem(i, 2)
        npar = 1 - par
        slot = lax.rem(i, 3)
        slot_n = lax.rem(i + 1, 3)
        slot_nn = lax.rem(i + 2, 3)

        @pl.when(i >= 1)
        def _drain_prev_scatter():
            pltpu.make_async_copy(rows_ab[0], acc.at[dsts[0]], ssem).wait()

        @pl.when((i >= 1) & (i + 1 < CPT))
        def _wait_next_idx():
            pltpu.make_async_copy(src_hbm.at[g, i + 1], srcs[0], isem).wait()
            pltpu.make_async_copy(dst_hbm.at[g, i + 1], dsts[0], isem).wait()

        pltpu.make_async_copy(w_hbm.at[g, i], w2_v.at[0], wsem).wait()
        pltpu.make_async_copy(x_hbm.at[srcs[0]], rows_ab[0], gsem).wait()

        @pl.when(i + 1 < CPT)
        def _prefetch_next():
            for k in range(3):
                @pl.when(slot_n == k)
                def _(k=k):
                    for p in range(2):
                        @pl.when(npar == p)
                        def _(k=k, p=p):
                            pltpu.async_copy(x_hbm.at[srcs[k]], rows_ab[p],
                                             gsem)
            pltpu.async_copy(w_hbm.at[g, i + 1], w2_v.at[npar], wsem)

        @pl.when(i + 2 < CPT)
        def _fetch_idx_two_ahead():
            for k in range(3):
                @pl.when(slot_nn == k)
                def _(k=k):
                    pltpu.async_copy(src_hbm.at[g, i + 2], srcs[k], isem)
                    pltpu.async_copy(dst_hbm.at[g, i + 2], dsts[k], isem)

        for p in range(2):
            @pl.when(par == p)
            def _mul(p=p):
                rows_v = rows_ab[p]
                wbuf = p

                def mul_body(grp, carry2):
                    for l in range(16):
                        e = grp * 16 + l
                        wb = w2_v[wbuf, e]
                        for j in range(D // 16):
                            sl = rows_v[e, pl.ds(j * 16, 16)]
                            rows_v[e, pl.ds(j * 16, 16)] = sl * wb
                    return carry2

                lax.fori_loop(0, CHUNK // 16, mul_body, 0, unroll=False)

        for k in range(3):
            @pl.when(slot == k)
            def _(k=k):
                for p in range(2):
                    @pl.when(par == p)
                    def _(k=k, p=p):
                        pltpu.async_copy(rows_ab[p], acc.at[dsts[k]], ssem,
                                         add=True)
        return carry

    lax.fori_loop(0, CPT, chunk_body, 0, unroll=False)
    pltpu.make_async_copy(rows_ab[0], acc.at[dsts[0]], ssem).wait()
    plsc.subcore_barrier()

    pltpu.sync_copy(acc.at[pl.ds(r0, ZPT)], out_hbm.at[c, pl.ds(r0, ZPT)])


def _add_body(a_ref, b_ref, o_ref):
    o_ref[...] = a_ref[...] + b_ref[...]


def kernel(x, edge_index, edge_weight):
    src = edge_index[0].astype(jnp.int32)
    dst = edge_index[1].astype(jnp.int32)
    pad = E_PAD - E
    src = jnp.pad(src, (0, pad)).reshape(NW, CPT, CHUNK)
    dst = jnp.pad(dst, (0, pad)).reshape(NW, CPT, CHUNK)
    wf = jnp.pad(edge_weight.astype(jnp.float32), (0, pad))
    w = jnp.broadcast_to(wf[:, None], (E_PAD, 16)).reshape(NW, CPT, CHUNK, 16)
    zeros = jnp.zeros((N_PAD, D), jnp.float32)

    sc = pl.kernel(
        _sc_body,
        out_type=jax.ShapeDtypeStruct((NC, N_PAD, D), jnp.float32),
        mesh=plsc.VectorSubcoreMesh(core_axis_name="c", subcore_axis_name="s"),
        scratch_types=[
            [pltpu.VMEM((CHUNK,), jnp.int32) for _ in range(3)],
            [pltpu.VMEM((CHUNK,), jnp.int32) for _ in range(3)],
            pltpu.VMEM((2, CHUNK, 16), jnp.float32),
            [pltpu.VMEM((CHUNK, D), jnp.float32) for _ in range(2)],
            pltpu.VMEM_SHARED((N_PAD, D), jnp.float32),
            pltpu.SemaphoreType.DMA,
            pltpu.SemaphoreType.DMA,
            pltpu.SemaphoreType.DMA,
            pltpu.SemaphoreType.DMA,
        ],
    )
    partial = sc(x, src, dst, w, zeros)

    blk = 2000
    out = pl.pallas_call(
        _add_body,
        grid=(N // blk,),
        in_specs=[pl.BlockSpec((blk, D), lambda i: (i, 0))] * 2,
        out_specs=pl.BlockSpec((blk, D), lambda i: (i, 0)),
        out_shape=jax.ShapeDtypeStruct((N, D), jnp.float32),
    )(partial[0], partial[1])
    return out

# --- scband reference (transcript-rebuilt; emitter-appended) ---
"""Pipeline reference for scband-propagation-85074712199331 (READ-ONLY COPY).

The authoritative reference and input builder live on the scoring server;
editing this copy changes nothing except your own understanding.
"""

import jax, jax.numpy as jnp
import numpy as np

N = 10000
E = 320000
D = 128


def setup_inputs(seed: int = 0) -> dict:
    key = jax.random.key(seed)
    k1, k2, k3 = jax.random.split(key, 3)
    x = jax.random.normal(k1, (N, D), dtype=jnp.float32)
    edge_index = jax.random.randint(k2, (2, E), 0, N)
    edge_weight = jax.random.uniform(k3, (E,), dtype=jnp.float32)
    return {"x": x, "edge_index": edge_index, "edge_weight": edge_weight}


def reference(x, edge_index, edge_weight):
    # Propagation layer: out = T @ X where T is a sparse [N, N] transition/adjacency
    # matrix given in COO form (edge_index row 0 = src/col, row 1 = dst/row,
    # edge_weight = nonzero values). Sparse matmul as gather + scale + scatter-add.
    src = edge_index[0]
    dst = edge_index[1]
    msgs = jnp.take(x, src, axis=0) * edge_weight[:, None]
    out = jax.ops.segment_sum(msgs, dst, num_segments=N)
    # out has the same shape as X (out.set_shape(X.shape) in original)
    return out

if __name__ == "__main__":
    import jax
    _d = setup_inputs()
    print(jax.jit(kernel)(*tuple(_d.values())))

</pallas_src>

<mosaic_0001>
#map = affine_map<(d0, d1) -> (0, 0)>
#map1 = affine_map<(d0, d1) -> (0, 0, 0)>
#map2 = affine_map<(d0, d1) -> (0, 0, 0, 0)>
module attributes {stable_mosaic.version = 14 : i64} {
  func.func @_sc_body(%arg0: i32, %arg1: i32, %arg2: memref<10000x128xf32, #tpu.memory_space<hbm>>, %arg3: memref<32x125x80xi32, #tpu.memory_space<hbm>>, %arg4: memref<32x125x80xi32, #tpu.memory_space<hbm>>, %arg5: memref<32x125x80x16xf32, #tpu.memory_space<hbm>>, %arg6: memref<10240x128xf32, #tpu.memory_space<hbm>>, %arg7: memref<2x10240x128xf32, #tpu.memory_space<hbm>>, %arg8: memref<80xi32, #tpu.memory_space<vmem>>, %arg9: memref<80xi32, #tpu.memory_space<vmem>>, %arg10: memref<80xi32, #tpu.memory_space<vmem>>, %arg11: memref<80xi32, #tpu.memory_space<vmem>>, %arg12: memref<80xi32, #tpu.memory_space<vmem>>, %arg13: memref<80xi32, #tpu.memory_space<vmem>>, %arg14: memref<2x80x16xf32, #tpu.memory_space<vmem>>, %arg15: memref<80x128xf32, #tpu.memory_space<vmem>>, %arg16: memref<80x128xf32, #tpu.memory_space<vmem>>, %arg17: memref<10240x128xf32, #tpu.memory_space<vmem_shared>>, %arg18: memref<!tpu.dma_semaphore, #tpu.memory_space<semaphore_mem>>, %arg19: memref<!tpu.dma_semaphore, #tpu.memory_space<semaphore_mem>>, %arg20: memref<!tpu.dma_semaphore, #tpu.memory_space<semaphore_mem>>, %arg21: memref<!tpu.dma_semaphore, #tpu.memory_space<semaphore_mem>>) attributes {dimension_semantics = [#tpu.dimension_semantics<core_parallel>, #tpu.dimension_semantics<subcore_parallel>], iteration_bounds = array<i64: 2, 16>, scalar_prefetch = 0 : i64, scratch_operands = 14 : i64, tpu.core_type = #tpu.core_type<sc_vector_subcore>, window_params = [{transform_indices = #map}, {transform_indices = #map1}, {transform_indices = #map1}, {transform_indices = #map2}, {transform_indices = #map}, {transform_indices = #map1}]} {
    %mul3A = arith.constant 16 : i32
    %mul3A_0 = arith.muli %arg0, %mul3A : i32
    %add3A = arith.addi %mul3A_0, %arg1 : i32
    %mul3A_1 = arith.constant 640 : i32
    %mul3A_2 = arith.muli %arg1, %mul3A_1 : i32
    %run_scoped3A = arith.constant 0 : i32
    "tpu.region"() ({
      %run_scoped3A_34 = tpu.sem_alloc : memref<!tpu.dma_semaphore, #tpu.memory_space<semaphore_mem>>
      %dma_start3A_35 = arith.constant 0 : i32
      %dma_start3A_36 = tpu.memref_slice %arg3[%add3A, %run_scoped3A, %dma_start3A_35] : memref<32x125x80xi32, #tpu.memory_space<hbm>> -> memref<1x1x80xi32, #tpu.memory_space<hbm>>
      %dma_start3A_37 = tpu.memref_squeeze %dma_start3A_36 : memref<1x1x80xi32, #tpu.memory_space<hbm>> -> memref<80xi32, #tpu.memory_space<hbm>>
      %dma_start3A_38 = arith.constant 0 : i32
      %dma_start3A_39 = tpu.memref_slice %arg3[%add3A, %run_scoped3A, %dma_start3A_38] : memref<32x125x80xi32, #tpu.memory_space<hbm>> -> memref<1x1x80xi32, #tpu.memory_space<hbm>>
      %dma_start3A_40 = tpu.memref_squeeze %dma_start3A_39 : memref<1x1x80xi32, #tpu.memory_space<hbm>> -> memref<80xi32, #tpu.memory_space<hbm>>
      tpu.enqueue_dma source(%dma_start3A_40 : memref<80xi32, #tpu.memory_space<hbm>>) target(%arg8 : memref<80xi32, #tpu.memory_space<vmem>>) target_semaphore(%run_scoped3A_34 : memref<!tpu.dma_semaphore, #tpu.memory_space<semaphore_mem>>)
      %dma_wait3A_41 = arith.constant 0 : i32
      %dma_wait3A_42 = tpu.memref_slice %arg3[%add3A, %run_scoped3A, %dma_wait3A_41] : memref<32x125x80xi32, #tpu.memory_space<hbm>> -> memref<1x1x80xi32, #tpu.memory_space<hbm>>
      %dma_wait3A_43 = tpu.memref_squeeze %dma_wait3A_42 : memref<1x1x80xi32, #tpu.memory_space<hbm>> -> memref<80xi32, #tpu.memory_space<hbm>>
      %dma_wait3A_44 = arith.constant 0 : i32
      %dma_wait3A_45 = tpu.memref_slice %arg3[%add3A, %run_scoped3A, %dma_wait3A_44] : memref<32x125x80xi32, #tpu.memory_space<hbm>> -> memref<1x1x80xi32, #tpu.memory_space<hbm>>
      %dma_wait3A_46 = tpu.memref_squeeze %dma_wait3A_45 : memref<1x1x80xi32, #tpu.memory_space<hbm>> -> memref<80xi32, #tpu.memory_space<hbm>>
      tpu.wait_dma2 semaphore(%run_scoped3A_34 : memref<!tpu.dma_semaphore, #tpu.memory_space<semaphore_mem>>) src(%dma_wait3A_46 : memref<80xi32, #tpu.memory_space<hbm>>) dst(%arg8 : memref<80xi32, #tpu.memory_space<vmem>>)
      tpu.yield
    }) : () -> ()
    %dma_start3A = arith.constant 0 : i32
    %dma_start3A_3 = arith.constant 0 : i32
    %dma_start3A_4 = arith.constant 0 : i32
    %dma_start3A_5 = arith.constant 0 : i32
    %dma_start3A_6 = tpu.memref_slice %arg14[%dma_start3A_3, %dma_start3A_4, %dma_start3A_5] : memref<2x80x16xf32, #tpu.memory_space<vmem>> -> memref<1x80x16xf32, #tpu.memory_space<vmem>>
    %dma_start3A_7 = tpu.memref_squeeze %dma_start3A_6 : memref<1x80x16xf32, #tpu.memory_space<vmem>> -> memref<80x16xf32, #tpu.memory_space<vmem>>
    %dma_start3A_8 = arith.constant 0 : i32
    %dma_start3A_9 = arith.constant 0 : i32
    %dma_start3A_10 = tpu.memref_slice %arg5[%add3A, %dma_start3A, %dma_start3A_8, %dma_start3A_9] : memref<32x125x80x16xf32, #tpu.memory_space<hbm>> -> memref<1x1x80x16xf32, #tpu.memory_space<hbm>>
    %dma_start3A_11 = tpu.memref_squeeze %dma_start3A_10 : memref<1x1x80x16xf32, #tpu.memory_space<hbm>> -> memref<80x16xf32, #tpu.memory_space<hbm>>
    %dma_start3A_12 = arith.constant 0 : i32
    %dma_start3A_13 = arith.constant 0 : i32
    %dma_start3A_14 = tpu.memref_slice %arg14[%dma_start3A_3, %dma_start3A_12, %dma_start3A_13] : memref<2x80x16xf32, #tpu.memory_space<vmem>> -> memref<1x80x16xf32, #tpu.memory_space<vmem>>
    %dma_start3A_15 = tpu.memref_squeeze %dma_start3A_14 : memref<1x80x16xf32, #tpu.memory_space<vmem>> -> memref<80x16xf32, #tpu.memory_space<vmem>>
    %dma_start3A_16 = arith.constant 0 : i32
    %dma_start3A_17 = arith.constant 0 : i32
    %dma_start3A_18 = tpu.memref_slice %arg5[%add3A, %dma_start3A, %dma_start3A_16, %dma_start3A_17] : memref<32x125x80x16xf32, #tpu.memory_space<hbm>> -> memref<1x1x80x16xf32, #tpu.memory_space<hbm>>
    %dma_start3A_19 = tpu.memref_squeeze %dma_start3A_18 : memref<1x1x80x16xf32, #tpu.memory_space<hbm>> -> memref<80x16xf32, #tpu.memory_space<hbm>>
    tpu.enqueue_dma source(%dma_start3A_19 : memref<80x16xf32, #tpu.memory_space<hbm>>) target(%dma_start3A_15 : memref<80x16xf32, #tpu.memory_space<vmem>>) target_semaphore(%arg19 : memref<!tpu.dma_semaphore, #tpu.memory_space<semaphore_mem>>)
    %dma_start3A_20 = arith.constant 0 : i32
    %dma_start3A_21 = arith.constant 0 : i32
    %dma_start3A_22 = tpu.memref_slice %arg2[%dma_start3A_20, %dma_start3A_21] : memref<10000x128xf32, #tpu.memory_space<hbm>> -> memref<10000x128xf32, #tpu.memory_space<hbm>>
    tpu.enqueue_indirect_dma source(%dma_start3A_22 : memref<10000x128xf32, #tpu.memory_space<hbm>>) target(%arg15 : memref<80x128xf32, #tpu.memory_space<vmem>>) offsets(%arg8 : memref<80xi32, #tpu.memory_space<vmem>>) semaphore(%arg18 : memref<!tpu.dma_semaphore, #tpu.memory_space<semaphore_mem>>)
    %run_scoped3A_23 = arith.constant 0 : i32
    "tpu.region"() ({
      %run_scoped3A_34 = tpu.sem_alloc : memref<!tpu.dma_semaphore, #tpu.memory_space<semaphore_mem>>
      %dma_start3A_35 = arith.constant 0 : i32
      %dma_start3A_36 = tpu.memref_slice %arg4[%add3A, %run_scoped3A_23, %dma_start3A_35] : memref<32x125x80xi32, #tpu.memory_space<hbm>> -> memref<1x1x80xi32, #tpu.memory_space<hbm>>
      %dma_start3A_37 = tpu.memref_squeeze %dma_start3A_36 : memref<1x1x80xi32, #tpu.memory_space<hbm>> -> memref<80xi32, #tpu.memory_space<hbm>>
      %dma_start3A_38 = arith.constant 0 : i32
      %dma_start3A_39 = tpu.memref_slice %arg4[%add3A, %run_scoped3A_23, %dma_start3A_38] : memref<32x125x80xi32, #tpu.memory_space<hbm>> -> memref<1x1x80xi32, #tpu.memory_space<hbm>>
      %dma_start3A_40 = tpu.memref_squeeze %dma_start3A_39 : memref<1x1x80xi32, #tpu.memory_space<hbm>> -> memref<80xi32, #tpu.memory_space<hbm>>
      tpu.enqueue_dma source(%dma_start3A_40 : memref<80xi32, #tpu.memory_space<hbm>>) target(%arg11 : memref<80xi32, #tpu.memory_space<vmem>>) target_semaphore(%run_scoped3A_34 : memref<!tpu.dma_semaphore, #tpu.memory_space<semaphore_mem>>)
      %dma_wait3A_41 = arith.constant 0 : i32
      %dma_wait3A_42 = tpu.memref_slice %arg4[%add3A, %run_scoped3A_23, %dma_wait3A_41] : memref<32x125x80xi32, #tpu.memory_space<hbm>> -> memref<1x1x80xi32, #tpu.memory_space<hbm>>
      %dma_wait3A_43 = tpu.memref_squeeze %dma_wait3A_42 : memref<1x1x80xi32, #tpu.memory_space<hbm>> -> memref<80xi32, #tpu.memory_space<hbm>>
      %dma_wait3A_44 = arith.constant 0 : i32
      %dma_wait3A_45 = tpu.memref_slice %arg4[%add3A, %run_scoped3A_23, %dma_wait3A_44] : memref<32x125x80xi32, #tpu.memory_space<hbm>> -> memref<1x1x80xi32, #tpu.memory_space<hbm>>
      %dma_wait3A_46 = tpu.memref_squeeze %dma_wait3A_45 : memref<1x1x80xi32, #tpu.memory_space<hbm>> -> memref<80xi32, #tpu.memory_space<hbm>>
      tpu.wait_dma2 semaphore(%run_scoped3A_34 : memref<!tpu.dma_semaphore, #tpu.memory_space<semaphore_mem>>) src(%dma_wait3A_46 : memref<80xi32, #tpu.memory_space<hbm>>) dst(%arg11 : memref<80xi32, #tpu.memory_space<vmem>>)
      tpu.yield
    }) : () -> ()
    %run_scoped3A_24 = arith.constant 1 : i32
    "tpu.region"() ({
      %run_scoped3A_34 = tpu.sem_alloc : memref<!tpu.dma_semaphore, #tpu.memory_space<semaphore_mem>>
      %dma_start3A_35 = arith.constant 0 : i32
      %dma_start3A_36 = tpu.memref_slice %arg3[%add3A, %run_scoped3A_24, %dma_start3A_35] : memref<32x125x80xi32, #tpu.memory_space<hbm>> -> memref<1x1x80xi32, #tpu.memory_space<hbm>>
      %dma_start3A_37 = tpu.memref_squeeze %dma_start3A_36 : memref<1x1x80xi32, #tpu.memory_space<hbm>> -> memref<80xi32, #tpu.memory_space<hbm>>
      %dma_start3A_38 = arith.constant 0 : i32
      %dma_start3A_39 = tpu.memref_slice %arg3[%add3A, %run_scoped3A_24, %dma_start3A_38] : memref<32x125x80xi32, #tpu.memory_space<hbm>> -> memref<1x1x80xi32, #tpu.memory_space<hbm>>
      %dma_start3A_40 = tpu.memref_squeeze %dma_start3A_39 : memref<1x1x80xi32, #tpu.memory_space<hbm>> -> memref<80xi32, #tpu.memory_space<hbm>>
      tpu.enqueue_dma source(%dma_start3A_40 : memref<80xi32, #tpu.memory_space<hbm>>) target(%arg9 : memref<80xi32, #tpu.memory_space<vmem>>) target_semaphore(%run_scoped3A_34 : memref<!tpu.dma_semaphore, #tpu.memory_space<semaphore_mem>>)
      %dma_wait3A_41 = arith.constant 0 : i32
      %dma_wait3A_42 = tpu.memref_slice %arg3[%add3A, %run_scoped3A_24, %dma_wait3A_41] : memref<32x125x80xi32, #tpu.memory_space<hbm>> -> memref<1x1x80xi32, #tpu.memory_space<hbm>>
      %dma_wait3A_43 = tpu.memref_squeeze %dma_wait3A_42 : memref<1x1x80xi32, #tpu.memory_space<hbm>> -> memref<80xi32, #tpu.memory_space<hbm>>
      %dma_wait3A_44 = arith.constant 0 : i32
      %dma_wait3A_45 = tpu.memref_slice %arg3[%add3A, %run_scoped3A_24, %dma_wait3A_44] : memref<32x125x80xi32, #tpu.memory_space<hbm>> -> memref<1x1x80xi32, #tpu.memory_space<hbm>>
      %dma_wait3A_46 = tpu.memref_squeeze %dma_wait3A_45 : memref<1x1x80xi32, #tpu.memory_space<hbm>> -> memref<80xi32, #tpu.memory_space<hbm>>
      tpu.wait_dma2 semaphore(%run_scoped3A_34 : memref<!tpu.dma_semaphore, #tpu.memory_space<semaphore_mem>>) src(%dma_wait3A_46 : memref<80xi32, #tpu.memory_space<hbm>>) dst(%arg9 : memref<80xi32, #tpu.memory_space<vmem>>)
      tpu.yield
    }) : () -> ()
    %run_scoped3A_25 = arith.constant 1 : i32
    "tpu.region"() ({
      %run_scoped3A_34 = tpu.sem_alloc : memref<!tpu.dma_semaphore, #tpu.memory_space<semaphore_mem>>
      %dma_start3A_35 = arith.constant 0 : i32
      %dma_start3A_36 = tpu.memref_slice %arg4[%add3A, %run_scoped3A_25, %dma_start3A_35] : memref<32x125x80xi32, #tpu.memory_space<hbm>> -> memref<1x1x80xi32, #tpu.memory_space<hbm>>
      %dma_start3A_37 = tpu.memref_squeeze %dma_start3A_36 : memref<1x1x80xi32, #tpu.memory_space<hbm>> -> memref<80xi32, #tpu.memory_space<hbm>>
      %dma_start3A_38 = arith.constant 0 : i32
      %dma_start3A_39 = tpu.memref_slice %arg4[%add3A, %run_scoped3A_25, %dma_start3A_38] : memref<32x125x80xi32, #tpu.memory_space<hbm>> -> memref<1x1x80xi32, #tpu.memory_space<hbm>>
      %dma_start3A_40 = tpu.memref_squeeze %dma_start3A_39 : memref<1x1x80xi32, #tpu.memory_space<hbm>> -> memref<80xi32, #tpu.memory_space<hbm>>
      tpu.enqueue_dma source(%dma_start3A_40 : memref<80xi32, #tpu.memory_space<hbm>>) target(%arg12 : memref<80xi32, #tpu.memory_space<vmem>>) target_semaphore(%run_scoped3A_34 : memref<!tpu.dma_semaphore, #tpu.memory_space<semaphore_mem>>)
      %dma_wait3A_41 = arith.constant 0 : i32
      %dma_wait3A_42 = tpu.memref_slice %arg4[%add3A, %run_scoped3A_25, %dma_wait3A_41] : memref<32x125x80xi32, #tpu.memory_space<hbm>> -> memref<1x1x80xi32, #tpu.memory_space<hbm>>
      %dma_wait3A_43 = tpu.memref_squeeze %dma_wait3A_42 : memref<1x1x80xi32, #tpu.memory_space<hbm>> -> memref<80xi32, #tpu.memory_space<hbm>>
      %dma_wait3A_44 = arith.constant 0 : i32
      %dma_wait3A_45 = tpu.memref_slice %arg4[%add3A, %run_scoped3A_25, %dma_wait3A_44] : memref<32x125x80xi32, #tpu.memory_space<hbm>> -> memref<1x1x80xi32, #tpu.memory_space<hbm>>
      %dma_wait3A_46 = tpu.memref_squeeze %dma_wait3A_45 : memref<1x1x80xi32, #tpu.memory_space<hbm>> -> memref<80xi32, #tpu.memory_space<hbm>>
      tpu.wait_dma2 semaphore(%run_scoped3A_34 : memref<!tpu.dma_semaphore, #tpu.memory_space<semaphore_mem>>) src(%dma_wait3A_46 : memref<80xi32, #tpu.memory_space<hbm>>) dst(%arg12 : memref<80xi32, #tpu.memory_space<vmem>>)
      tpu.yield
    }) : () -> ()
    "tpu.region"() ({
      %run_scoped3A_34 = tpu.sem_alloc : memref<!tpu.dma_semaphore, #tpu.memory_space<semaphore_mem>>
      %dma_start3A_35 = arith.constant 0 : i32
      %dma_start3A_36 = tpu.memref_slice %arg17[%mul3A_2, %dma_start3A_35] : memref<10240x128xf32, #tpu.memory_space<vmem_shared>> -> memref<640x128xf32, #tpu.memory_space<vmem_shared>>
      %dma_start3A_37 = arith.constant 0 : i32
      %dma_start3A_38 = tpu.memref_slice %arg6[%mul3A_2, %dma_start3A_37] : memref<10240x128xf32, #tpu.memory_space<hbm>> -> memref<640x128xf32, #tpu.memory_space<hbm>>
      tpu.enqueue_dma source(%dma_start3A_38 : memref<640x128xf32, #tpu.memory_space<hbm>>) target(%dma_start3A_36 : memref<640x128xf32, #tpu.memory_space<vmem_shared>>) target_semaphore(%run_scoped3A_34 : memref<!tpu.dma_semaphore, #tpu.memory_space<semaphore_mem>>)
      %dma_wait3A_39 = arith.constant 0 : i32
      %dma_wait3A_40 = tpu.memref_slice %arg17[%mul3A_2, %dma_wait3A_39] : memref<10240x128xf32, #tpu.memory_space<vmem_shared>> -> memref<640x128xf32, #tpu.memory_space<vmem_shared>>
      %dma_wait3A_41 = arith.constant 0 : i32
      %dma_wait3A_42 = tpu.memref_slice %arg6[%mul3A_2, %dma_wait3A_41] : memref<10240x128xf32, #tpu.memory_space<hbm>> -> memref<640x128xf32, #tpu.memory_space<hbm>>
      tpu.wait_dma2 semaphore(%run_scoped3A_34 : memref<!tpu.dma_semaphore, #tpu.memory_space<semaphore_mem>>) src(%dma_wait3A_42 : memref<640x128xf32, #tpu.memory_space<hbm>>) dst(%dma_wait3A_40 : memref<640x128xf32, #tpu.memory_space<vmem_shared>>)
      tpu.yield
    }) : () -> ()
    %barrier3A = arith.constant 0 : index
    tpu.barrier barrier_id(%barrier3A)
    %scan3A = arith.constant 0 : i32
    %scan3A_26 = arith.constant 0 : i32
    %scan3A_27 = arith.constant 125 : i32
    %scan3A_28 = arith.addi %scan3A_26, %scan3A_27 : i32
    %scan3A_29 = arith.constant 1 : i32
    scf.for %scan3A_34 = %scan3A_26 to %scan3A_28 step %scan3A_29  : i32 {
      %rem3A = arith.constant 2 : i32
      %rem3A_35 = arith.remsi %scan3A_34, %rem3A : i32
      %sub3A = arith.constant 1 : i32
      %sub3A_36 = arith.subi %sub3A, %rem3A_35 : i32
      %rem3A_37 = arith.constant 3 : i32
      %rem3A_38 = arith.remsi %scan3A_34, %rem3A_37 : i32
      %add3A_39 = arith.constant 1 : i32
      %add3A_40 = arith.addi %scan3A_34, %add3A_39 : i32
      %rem3A_41 = arith.constant 3 : i32
      %rem3A_42 = arith.remsi %add3A_40, %rem3A_41 : i32
      %add3A_43 = arith.constant 2 : i32
      %add3A_44 = arith.addi %scan3A_34, %add3A_43 : i32
      %rem3A_45 = arith.constant 3 : i32
      %rem3A_46 = arith.remsi %add3A_44, %rem3A_45 : i32
      %ge3A = arith.constant 1 : i32
      %ge3A_47 = arith.cmpi sge, %scan3A_34, %ge3A : i32
      %convert_element_type3A = arith.extui %ge3A_47 : i1 to i32
      %cond3A = arith.constant 0 : i32
      %cond3A_48 = arith.cmpi ne, %convert_element_type3A, %cond3A : i32
      scf.if %cond3A_48 {
        %dma_wait3A_115 = arith.constant 0 : i32
        %dma_wait3A_116 = arith.constant 0 : i32
        %dma_wait3A_117 = tpu.memref_slice %arg17[%dma_wait3A_115, %dma_wait3A_116] : memref<10240x128xf32, #tpu.memory_space<vmem_shared>> -> memref<10240x128xf32, #tpu.memory_space<vmem_shared>>
        tpu.wait_indirect_dma semaphore(%arg20 : memref<!tpu.dma_semaphore, #tpu.memory_space<semaphore_mem>>) src(%arg15 : memref<80x128xf32, #tpu.memory_space<vmem>>) dst(%dma_wait3A_117 : memref<10240x128xf32, #tpu.memory_space<vmem_shared>>)
      } else {
      }
      %ge3A_49 = arith.constant 1 : i32
      %ge3A_50 = arith.cmpi sge, %scan3A_34, %ge3A_49 : i32
      %add3A_51 = arith.constant 1 : i32
      %add3A_52 = arith.addi %scan3A_34, %add3A_51 : i32
      %lt3A = arith.constant 125 : i32
      %lt3A_53 = arith.cmpi slt, %add3A_52, %lt3A : i32
      %and3A = arith.andi %ge3A_50, %lt3A_53 : i1
      %convert_element_type3A_54 = arith.extui %and3A : i1 to i32
      %cond3A_55 = arith.constant 0 : i32
      %cond3A_56 = arith.cmpi ne, %convert_element_type3A_54, %cond3A_55 : i32
      scf.if %cond3A_56 {
        %add3A_115 = arith.constant 1 : i32
        %add3A_116 = arith.addi %scan3A_34, %add3A_115 : i32
        %dma_wait3A_117 = arith.constant 0 : i32
        %dma_wait3A_118 = tpu.memref_slice %arg3[%add3A, %add3A_116, %dma_wait3A_117] : memref<32x125x80xi32, #tpu.memory_space<hbm>> -> memref<1x1x80xi32, #tpu.memory_space<hbm>>
        %dma_wait3A_119 = tpu.memref_squeeze %dma_wait3A_118 : memref<1x1x80xi32, #tpu.memory_space<hbm>> -> memref<80xi32, #tpu.memory_space<hbm>>
        %dma_wait3A_120 = arith.constant 0 : i32
        %dma_wait3A_121 = tpu.memref_slice %arg3[%add3A, %add3A_116, %dma_wait3A_120] : memref<32x125x80xi32, #tpu.memory_space<hbm>> -> memref<1x1x80xi32, #tpu.memory_space<hbm>>
        %dma_wait3A_122 = tpu.memref_squeeze %dma_wait3A_121 : memref<1x1x80xi32, #tpu.memory_space<hbm>> -> memref<80xi32, #tpu.memory_space<hbm>>
        tpu.wait_dma2 semaphore(%arg21 : memref<!tpu.dma_semaphore, #tpu.memory_space<semaphore_mem>>) src(%dma_wait3A_122 : memref<80xi32, #tpu.memory_space<hbm>>) dst(%arg8 : memref<80xi32, #tpu.memory_space<vmem>>)
        %add3A_123 = arith.constant 1 : i32
        %add3A_124 = arith.addi %scan3A_34, %add3A_123 : i32
        %dma_wait3A_125 = arith.constant 0 : i32
        %dma_wait3A_126 = tpu.memref_slice %arg4[%add3A, %add3A_124, %dma_wait3A_125] : memref<32x125x80xi32, #tpu.memory_space<hbm>> -> memref<1x1x80xi32, #tpu.memory_space<hbm>>
        %dma_wait3A_127 = tpu.memref_squeeze %dma_wait3A_126 : memref<1x1x80xi32, #tpu.memory_space<hbm>> -> memref<80xi32, #tpu.memory_space<hbm>>
        %dma_wait3A_128 = arith.constant 0 : i32
        %dma_wait3A_129 = tpu.memref_slice %arg4[%add3A, %add3A_124, %dma_wait3A_128] : memref<32x125x80xi32, #tpu.memory_space<hbm>> -> memref<1x1x80xi32, #tpu.memory_space<hbm>>
        %dma_wait3A_130 = tpu.memref_squeeze %dma_wait3A_129 : memref<1x1x80xi32, #tpu.memory_space<hbm>> -> memref<80xi32, #tpu.memory_space<hbm>>
        tpu.wait_dma2 semaphore(%arg21 : memref<!tpu.dma_semaphore, #tpu.memory_space<semaphore_mem>>) src(%dma_wait3A_130 : memref<80xi32, #tpu.memory_space<hbm>>) dst(%arg11 : memref<80xi32, #tpu.memory_space<vmem>>)
      } else {
      }
      %dma_wait3A_57 = arith.constant 0 : i32
      %dma_wait3A_58 = arith.constant 0 : i32
      %dma_wait3A_59 = arith.constant 0 : i32
      %dma_wait3A_60 = tpu.memref_slice %arg14[%dma_wait3A_57, %dma_wait3A_58, %dma_wait3A_59] : memref<2x80x16xf32, #tpu.memory_space<vmem>> -> memref<1x80x16xf32, #tpu.memory_space<vmem>>
      %dma_wait3A_61 = tpu.memref_squeeze %dma_wait3A_60 : memref<1x80x16xf32, #tpu.memory_space<vmem>> -> memref<80x16xf32, #tpu.memory_space<vmem>>
      %dma_wait3A_62 = arith.constant 0 : i32
      %dma_wait3A_63 = arith.constant 0 : i32
      %dma_wait3A_64 = tpu.memref_slice %arg5[%add3A, %scan3A_34, %dma_wait3A_62, %dma_wait3A_63] : memref<32x125x80x16xf32, #tpu.memory_space<hbm>> -> memref<1x1x80x16xf32, #tpu.memory_space<hbm>>
      %dma_wait3A_65 = tpu.memref_squeeze %dma_wait3A_64 : memref<1x1x80x16xf32, #tpu.memory_space<hbm>> -> memref<80x16xf32, #tpu.memory_space<hbm>>
      %dma_wait3A_66 = arith.constant 0 : i32
      %dma_wait3A_67 = arith.constant 0 : i32
      %dma_wait3A_68 = tpu.memref_slice %arg14[%dma_wait3A_57, %dma_wait3A_66, %dma_wait3A_67] : memref<2x80x16xf32, #tpu.memory_space<vmem>> -> memref<1x80x16xf32, #tpu.memory_space<vmem>>
      %dma_wait3A_69 = tpu.memref_squeeze %dma_wait3A_68 : memref<1x80x16xf32, #tpu.memory_space<vmem>> -> memref<80x16xf32, #tpu.memory_space<vmem>>
      %dma_wait3A_70 = arith.constant 0 : i32
      %dma_wait3A_71 = arith.constant 0 : i32
      %dma_wait3A_72 = tpu.memref_slice %arg5[%add3A, %scan3A_34, %dma_wait3A_70, %dma_wait3A_71] : memref<32x125x80x16xf32, #tpu.memory_space<hbm>> -> memref<1x1x80x16xf32, #tpu.memory_space<hbm>>
      %dma_wait3A_73 = tpu.memref_squeeze %dma_wait3A_72 : memref<1x1x80x16xf32, #tpu.memory_space<hbm>> -> memref<80x16xf32, #tpu.memory_space<hbm>>
      tpu.wait_dma2 semaphore(%arg19 : memref<!tpu.dma_semaphore, #tpu.memory_space<semaphore_mem>>) src(%dma_wait3A_73 : memref<80x16xf32, #tpu.memory_space<hbm>>) dst(%dma_wait3A_69 : memref<80x16xf32, #tpu.memory_space<vmem>>)
      %dma_wait3A_74 = arith.constant 0 : i32
      %dma_wait3A_75 = arith.constant 0 : i32
      %dma_wait3A_76 = tpu.memref_slice %arg2[%dma_wait3A_74, %dma_wait3A_75] : memref<10000x128xf32, #tpu.memory_space<hbm>> -> memref<10000x128xf32, #tpu.memory_space<hbm>>
      tpu.wait_indirect_dma semaphore(%arg18 : memref<!tpu.dma_semaphore, #tpu.memory_space<semaphore_mem>>) src(%dma_wait3A_76 : memref<10000x128xf32, #tpu.memory_space<hbm>>) dst(%arg15 : memref<80x128xf32, #tpu.memory_space<vmem>>)
      %add3A_77 = arith.constant 1 : i32
      %add3A_78 = arith.addi %scan3A_34, %add3A_77 : i32
      %lt3A_79 = arith.constant 125 : i32
      %lt3A_80 = arith.cmpi slt, %add3A_78, %lt3A_79 : i32
      %convert_element_type3A_81 = arith.extui %lt3A_80 : i1 to i32
      %cond3A_82 = arith.constant 0 : i32
      %cond3A_83 = arith.cmpi ne, %convert_element_type3A_81, %cond3A_82 : i32
      scf.if %cond3A_83 {
        %eq3A_115 = arith.constant 0 : i32
        %eq3A_116 = arith.cmpi eq, %rem3A_42, %eq3A_115 : i32
        %convert_element_type3A_117 = arith.extui %eq3A_116 : i1 to i32
        %cond3A_118 = arith.constant 0 : i32
        %cond3A_119 = arith.cmpi ne, %convert_element_type3A_117, %cond3A_118 : i32
        scf.if %cond3A_119 {
          %eq3A_148 = arith.constant 0 : i32
          %eq3A_149 = arith.cmpi eq, %sub3A_36, %eq3A_148 : i32
          %convert_element_type3A_150 = arith.extui %eq3A_149 : i1 to i32
          %cond3A_151 = arith.constant 0 : i32
          %cond3A_152 = arith.cmpi ne, %convert_element_type3A_150, %cond3A_151 : i32
          scf.if %cond3A_152 {
            %dma_start3A_158 = arith.constant 0 : i32
            %dma_start3A_159 = arith.constant 0 : i32
            %dma_start3A_160 = tpu.memref_slice %arg2[%dma_start3A_158, %dma_start3A_159] : memref<10000x128xf32, #tpu.memory_space<hbm>> -> memref<10000x128xf32, #tpu.memory_space<hbm>>
            tpu.enqueue_indirect_dma source(%dma_start3A_160 : memref<10000x128xf32, #tpu.memory_space<hbm>>) target(%arg15 : memref<80x128xf32, #tpu.memory_space<vmem>>) offsets(%arg8 : memref<80xi32, #tpu.memory_space<vmem>>) semaphore(%arg18 : memref<!tpu.dma_semaphore, #tpu.memory_space<semaphore_mem>>)
          } else {
          }
          %eq3A_153 = arith.constant 1 : i32
          %eq3A_154 = arith.cmpi eq, %sub3A_36, %eq3A_153 : i32
          %convert_element_type3A_155 = arith.extui %eq3A_154 : i1 to i32
          %cond3A_156 = arith.constant 0 : i32
          %cond3A_157 = arith.cmpi ne, %convert_element_type3A_155, %cond3A_156 : i32
          scf.if %cond3A_157 {
            %dma_start3A_158 = arith.constant 0 : i32
            %dma_start3A_159 = arith.constant 0 : i32
            %dma_start3A_160 = tpu.memref_slice %arg2[%dma_start3A_158, %dma_start3A_159] : memref<10000x128xf32, #tpu.memory_space<hbm>> -> memref<10000x128xf32, #tpu.memory_space<hbm>>
            tpu.enqueue_indirect_dma source(%dma_start3A_160 : memref<10000x128xf32, #tpu.memory_space<hbm>>) target(%arg16 : memref<80x128xf32, #tpu.memory_space<vmem>>) offsets(%arg8 : memref<80xi32, #tpu.memory_space<vmem>>) semaphore(%arg18 : memref<!tpu.dma_semaphore, #tpu.memory_space<semaphore_mem>>)
          } else {
          }
        } else {
        }
        %eq3A_120 = arith.constant 1 : i32
        %eq3A_121 = arith.cmpi eq, %rem3A_42, %eq3A_120 : i32
        %convert_element_type3A_122 = arith.extui %eq3A_121 : i1 to i32
        %cond3A_123 = arith.constant 0 : i32
        %cond3A_124 = arith.cmpi ne, %convert_element_type3A_122, %cond3A_123 : i32
        scf.if %cond3A_124 {
          %eq3A_148 = arith.constant 0 : i32
          %eq3A_149 = arith.cmpi eq, %sub3A_36, %eq3A_148 : i32
          %convert_element_type3A_150 = arith.extui %eq3A_149 : i1 to i32
          %cond3A_151 = arith.constant 0 : i32
          %cond3A_152 = arith.cmpi ne, %convert_element_type3A_150, %cond3A_151 : i32
          scf.if %cond3A_152 {
            %dma_start3A_158 = arith.constant 0 : i32
            %dma_start3A_159 = arith.constant 0 : i32
            %dma_start3A_160 = tpu.memref_slice %arg2[%dma_start3A_158, %dma_start3A_159] : memref<10000x128xf32, #tpu.memory_space<hbm>> -> memref<10000x128xf32, #tpu.memory_space<hbm>>
            tpu.enqueue_indirect_dma source(%dma_start3A_160 : memref<10000x128xf32, #tpu.memory_space<hbm>>) target(%arg15 : memref<80x128xf32, #tpu.memory_space<vmem>>) offsets(%arg9 : memref<80xi32, #tpu.memory_space<vmem>>) semaphore(%arg18 : memref<!tpu.dma_semaphore, #tpu.memory_space<semaphore_mem>>)
          } else {
          }
          %eq3A_153 = arith.constant 1 : i32
          %eq3A_154 = arith.cmpi eq, %sub3A_36, %eq3A_153 : i32
          %convert_element_type3A_155 = arith.extui %eq3A_154 : i1 to i32
          %cond3A_156 = arith.constant 0 : i32
          %cond3A_157 = arith.cmpi ne, %convert_element_type3A_155, %cond3A_156 : i32
          scf.if %cond3A_157 {
            %dma_start3A_158 = arith.constant 0 : i32
            %dma_start3A_159 = arith.constant 0 : i32
            %dma_start3A_160 = tpu.memref_slice %arg2[%dma_start3A_158, %dma_start3A_159] : memref<10000x128xf32, #tpu.memory_space<hbm>> -> memref<10000x128xf32, #tpu.memory_space<hbm>>
            tpu.enqueue_indirect_dma source(%dma_start3A_160 : memref<10000x128xf32, #tpu.memory_space<hbm>>) target(%arg16 : memref<80x128xf32, #tpu.memory_space<vmem>>) offsets(%arg9 : memref<80xi32, #tpu.memory_space<vmem>>) semaphore(%arg18 : memref<!tpu.dma_semaphore, #tpu.memory_space<semaphore_mem>>)
          } else {
          }
        } else {
        }
        %eq3A_125 = arith.constant 2 : i32
        %eq3A_126 = arith.cmpi eq, %rem3A_42, %eq3A_125 : i32
        %convert_element_type3A_127 = arith.extui %eq3A_126 : i1 to i32
        %cond3A_128 = arith.constant 0 : i32
        %cond3A_129 = arith.cmpi ne, %convert_element_type3A_127, %cond3A_128 : i32
        scf.if %cond3A_129 {
          %eq3A_148 = arith.constant 0 : i32
          %eq3A_149 = arith.cmpi eq, %sub3A_36, %eq3A_148 : i32
          %convert_element_type3A_150 = arith.extui %eq3A_149 : i1 to i32
          %cond3A_151 = arith.constant 0 : i32
          %cond3A_152 = arith.cmpi ne, %convert_element_type3A_150, %cond3A_151 : i32
          scf.if %cond3A_152 {
            %dma_start3A_158 = arith.constant 0 : i32
            %dma_start3A_159 = arith.constant 0 : i32
            %dma_start3A_160 = tpu.memref_slice %arg2[%dma_start3A_158, %dma_start3A_159] : memref<10000x128xf32, #tpu.memory_space<hbm>> -> memref<10000x128xf32, #tpu.memory_space<hbm>>
            tpu.enqueue_indirect_dma source(%dma_start3A_160 : memref<10000x128xf32, #tpu.memory_space<hbm>>) target(%arg15 : memref<80x128xf32, #tpu.memory_space<vmem>>) offsets(%arg10 : memref<80xi32, #tpu.memory_space<vmem>>) semaphore(%arg18 : memref<!tpu.dma_semaphore, #tpu.memory_space<semaphore_mem>>)
          } else {
          }
          %eq3A_153 = arith.constant 1 : i32
          %eq3A_154 = arith.cmpi eq, %sub3A_36, %eq3A_153 : i32
          %convert_element_type3A_155 = arith.extui %eq3A_154 : i1 to i32
          %cond3A_156 = arith.constant 0 : i32
          %cond3A_157 = arith.cmpi ne, %convert_element_type3A_155, %cond3A_156 : i32
          scf.if %cond3A_157 {
            %dma_start3A_158 = arith.constant 0 : i32
            %dma_start3A_159 = arith.constant 0 : i32
            %dma_start3A_160 = tpu.memref_slice %arg2[%dma_start3A_158, %dma_start3A_159] : memref<10000x128xf32, #tpu.memory_space<hbm>> -> memref<10000x128xf32, #tpu.memory_space<hbm>>
            tpu.enqueue_indirect_dma source(%dma_start3A_160 : memref<10000x128xf32, #tpu.memory_space<hbm>>) target(%arg16 : memref<80x128xf32, #tpu.memory_space<vmem>>) offsets(%arg10 : memref<80xi32, #tpu.memory_space<vmem>>) semaphore(%arg18 : memref<!tpu.dma_semaphore, #tpu.memory_space<semaphore_mem>>)
          } else {
          }
        } else {
        }
        %add3A_130 = arith.constant 1 : i32
        %add3A_131 = arith.addi %scan3A_34, %add3A_130 : i32
        %dma_start3A_132 = arith.constant 0 : i32
        %dma_start3A_133 = arith.constant 0 : i32
        %dma_start3A_134 = tpu.memref_slice %arg14[%sub3A_36, %dma_start3A_132, %dma_start3A_133] : memref<2x80x16xf32, #tpu.memory_space<vmem>> -> memref<1x80x16xf32, #tpu.memory_space<vmem>>
        %dma_start3A_135 = tpu.memref_squeeze %dma_start3A_134 : memref<1x80x16xf32, #tpu.memory_space<vmem>> -> memref<80x16xf32, #tpu.memory_space<vmem>>
        %dma_start3A_136 = arith.constant 0 : i32
        %dma_start3A_137 = arith.constant 0 : i32
        %dma_start3A_138 = tpu.memref_slice %arg5[%add3A, %add3A_131, %dma_start3A_136, %dma_start3A_137] : memref<32x125x80x16xf32, #tpu.memory_space<hbm>> -> memref<1x1x80x16xf32, #tpu.memory_space<hbm>>
        %dma_start3A_139 = tpu.memref_squeeze %dma_start3A_138 : memref<1x1x80x16xf32, #tpu.memory_space<hbm>> -> memref<80x16xf32, #tpu.memory_space<hbm>>
        %dma_start3A_140 = arith.constant 0 : i32
        %dma_start3A_141 = arith.constant 0 : i32
        %dma_start3A_142 = tpu.memref_slice %arg14[%sub3A_36, %dma_start3A_140, %dma_start3A_141] : memref<2x80x16xf32, #tpu.memory_space<vmem>> -> memref<1x80x16xf32, #tpu.memory_space<vmem>>
        %dma_start3A_143 = tpu.memref_squeeze %dma_start3A_142 : memref<1x80x16xf32, #tpu.memory_space<vmem>> -> memref<80x16xf32, #tpu.memory_space<vmem>>
        %dma_start3A_144 = arith.constant 0 : i32
        %dma_start3A_145 = arith.constant 0 : i32
        %dma_start3A_146 = tpu.memref_slice %arg5[%add3A, %add3A_131, %dma_start3A_144, %dma_start3A_145] : memref<32x125x80x16xf32, #tpu.memory_space<hbm>> -> memref<1x1x80x16xf32, #tpu.memory_space<hbm>>
        %dma_start3A_147 = tpu.memref_squeeze %dma_start3A_146 : memref<1x1x80x16xf32, #tpu.memory_space<hbm>> -> memref<80x16xf32, #tpu.memory_space<hbm>>
        tpu.enqueue_dma source(%dma_start3A_147 : memref<80x16xf32, #tpu.memory_space<hbm>>) target(%dma_start3A_143 : memref<80x16xf32, #tpu.memory_space<vmem>>) target_semaphore(%arg19 : memref<!tpu.dma_semaphore, #tpu.memory_space<semaphore_mem>>)
      } else {
      }
      %add3A_84 = arith.constant 2 : i32
      %add3A_85 = arith.addi %scan3A_34, %add3A_84 : i32
      %lt3A_86 = arith.constant 125 : i32
      %lt3A_87 = arith.cmpi slt, %add3A_85, %lt3A_86 : i32
      %convert_element_type3A_88 = arith.extui %lt3A_87 : i1 to i32
      %cond3A_89 = arith.constant 0 : i32
      %cond3A_90 = arith.cmpi ne, %convert_element_type3A_88, %cond3A_89 : i32
      scf.if %cond3A_90 {
        %eq3A_115 = arith.constant 0 : i32
        %eq3A_116 = arith.cmpi eq, %rem3A_46, %eq3A_115 : i32
        %convert_element_type3A_117 = arith.extui %eq3A_116 : i1 to i32
        %cond3A_118 = arith.constant 0 : i32
        %cond3A_119 = arith.cmpi ne, %convert_element_type3A_117, %cond3A_118 : i32
        scf.if %cond3A_119 {
          %add3A_130 = arith.constant 2 : i32
          %add3A_131 = arith.addi %scan3A_34, %add3A_130 : i32
          %dma_start3A_132 = arith.constant 0 : i32
          %dma_start3A_133 = tpu.memref_slice %arg3[%add3A, %add3A_131, %dma_start3A_132] : memref<32x125x80xi32, #tpu.memory_space<hbm>> -> memref<1x1x80xi32, #tpu.memory_space<hbm>>
          %dma_start3A_134 = tpu.memref_squeeze %dma_start3A_133 : memref<1x1x80xi32, #tpu.memory_space<hbm>> -> memref<80xi32, #tpu.memory_space<hbm>>
          %dma_start3A_135 = arith.constant 0 : i32
          %dma_start3A_136 = tpu.memref_slice %arg3[%add3A, %add3A_131, %dma_start3A_135] : memref<32x125x80xi32, #tpu.memory_space<hbm>> -> memref<1x1x80xi32, #tpu.memory_space<hbm>>
          %dma_start3A_137 = tpu.memref_squeeze %dma_start3A_136 : memref<1x1x80xi32, #tpu.memory_space<hbm>> -> memref<80xi32, #tpu.memory_space<hbm>>
          tpu.enqueue_dma source(%dma_start3A_137 : memref<80xi32, #tpu.memory_space<hbm>>) target(%arg8 : memref<80xi32, #tpu.memory_space<vmem>>) target_semaphore(%arg21 : memref<!tpu.dma_semaphore, #tpu.memory_space<semaphore_mem>>)
          %add3A_138 = arith.constant 2 : i32
          %add3A_139 = arith.addi %scan3A_34, %add3A_138 : i32
          %dma_start3A_140 = arith.constant 0 : i32
          %dma_start3A_141 = tpu.memref_slice %arg4[%add3A, %add3A_139, %dma_start3A_140] : memref<32x125x80xi32, #tpu.memory_space<hbm>> -> memref<1x1x80xi32, #tpu.memory_space<hbm>>
          %dma_start3A_142 = tpu.memref_squeeze %dma_start3A_141 : memref<1x1x80xi32, #tpu.memory_space<hbm>> -> memref<80xi32, #tpu.memory_space<hbm>>
          %dma_start3A_143 = arith.constant 0 : i32
          %dma_start3A_144 = tpu.memref_slice %arg4[%add3A, %add3A_139, %dma_start3A_143] : memref<32x125x80xi32, #tpu.memory_space<hbm>> -> memref<1x1x80xi32, #tpu.memory_space<hbm>>
          %dma_start3A_145 = tpu.memref_squeeze %dma_start3A_144 : memref<1x1x80xi32, #tpu.memory_space<hbm>> -> memref<80xi32, #tpu.memory_space<hbm>>
          tpu.enqueue_dma source(%dma_start3A_145 : memref<80xi32, #tpu.memory_space<hbm>>) target(%arg11 : memref<80xi32, #tpu.memory_space<vmem>>) target_semaphore(%arg21 : memref<!tpu.dma_semaphore, #tpu.memory_space<semaphore_mem>>)
        } else {
        }
        %eq3A_120 = arith.constant 1 : i32
        %eq3A_121 = arith.cmpi eq, %rem3A_46, %eq3A_120 : i32
        %convert_element_type3A_122 = arith.extui %eq3A_121 : i1 to i32
        %cond3A_123 = arith.constant 0 : i32
        %cond3A_124 = arith.cmpi ne, %convert_element_type3A_122, %cond3A_123 : i32
        scf.if %cond3A_124 {
          %add3A_130 = arith.constant 2 : i32
          %add3A_131 = arith.addi %scan3A_34, %add3A_130 : i32
          %dma_start3A_132 = arith.constant 0 : i32
          %dma_start3A_133 = tpu.memref_slice %arg3[%add3A, %add3A_131, %dma_start3A_132] : memref<32x125x80xi32, #tpu.memory_space<hbm>> -> memref<1x1x80xi32, #tpu.memory_space<hbm>>
          %dma_start3A_134 = tpu.memref_squeeze %dma_start3A_133 : memref<1x1x80xi32, #tpu.memory_space<hbm>> -> memref<80xi32, #tpu.memory_space<hbm>>
          %dma_start3A_135 = arith.constant 0 : i32
          %dma_start3A_136 = tpu.memref_slice %arg3[%add3A, %add3A_131, %dma_start3A_135] : memref<32x125x80xi32, #tpu.memory_space<hbm>> -> memref<1x1x80xi32, #tpu.memory_space<hbm>>
          %dma_start3A_137 = tpu.memref_squeeze %dma_start3A_136 : memref<1x1x80xi32, #tpu.memory_space<hbm>> -> memref<80xi32, #tpu.memory_space<hbm>>
          tpu.enqueue_dma source(%dma_start3A_137 : memref<80xi32, #tpu.memory_space<hbm>>) target(%arg9 : memref<80xi32, #tpu.memory_space<vmem>>) target_semaphore(%arg21 : memref<!tpu.dma_semaphore, #tpu.memory_space<semaphore_mem>>)
          %add3A_138 = arith.constant 2 : i32
          %add3A_139 = arith.addi %scan3A_34, %add3A_138 : i32
          %dma_start3A_140 = arith.constant 0 : i32
          %dma_start3A_141 = tpu.memref_slice %arg4[%add3A, %add3A_139, %dma_start3A_140] : memref<32x125x80xi32, #tpu.memory_space<hbm>> -> memref<1x1x80xi32, #tpu.memory_space<hbm>>
          %dma_start3A_142 = tpu.memref_squeeze %dma_start3A_141 : memref<1x1x80xi32, #tpu.memory_space<hbm>> -> memref<80xi32, #tpu.memory_space<hbm>>
          %dma_start3A_143 = arith.constant 0 : i32
          %dma_start3A_144 = tpu.memref_slice %arg4[%add3A, %add3A_139, %dma_start3A_143] : memref<32x125x80xi32, #tpu.memory_space<hbm>> -> memref<1x1x80xi32, #tpu.memory_space<hbm>>
          %dma_start3A_145 = tpu.memref_squeeze %dma_start3A_144 : memref<1x1x80xi32, #tpu.memory_space<hbm>> -> memref<80xi32, #tpu.memory_space<hbm>>
          tpu.enqueue_dma source(%dma_start3A_145 : memref<80xi32, #tpu.memory_space<hbm>>) target(%arg12 : memref<80xi32, #tpu.memory_space<vmem>>) target_semaphore(%arg21 : memref<!tpu.dma_semaphore, #tpu.memory_space<semaphore_mem>>)
        } else {
        }
        %eq3A_125 = arith.constant 2 : i32
        %eq3A_126 = arith.cmpi eq, %rem3A_46, %eq3A_125 : i32
        %convert_element_type3A_127 = arith.extui %eq3A_126 : i1 to i32
        %cond3A_128 = arith.constant 0 : i32
        %cond3A_129 = arith.cmpi ne, %convert_element_type3A_127, %cond3A_128 : i32
        scf.if %cond3A_129 {
          %add3A_130 = arith.constant 2 : i32
          %add3A_131 = arith.addi %scan3A_34, %add3A_130 : i32
          %dma_start3A_132 = arith.constant 0 : i32
          %dma_start3A_133 = tpu.memref_slice %arg3[%add3A, %add3A_131, %dma_start3A_132] : memref<32x125x80xi32, #tpu.memory_space<hbm>> -> memref<1x1x80xi32, #tpu.memory_space<hbm>>
          %dma_start3A_134 = tpu.memref_squeeze %dma_start3A_133 : memref<1x1x80xi32, #tpu.memory_space<hbm>> -> memref<80xi32, #tpu.memory_space<hbm>>
          %dma_start3A_135 = arith.constant 0 : i32
          %dma_start3A_136 = tpu.memref_slice %arg3[%add3A, %add3A_131, %dma_start3A_135] : memref<32x125x80xi32, #tpu.memory_space<hbm>> -> memref<1x1x80xi32, #tpu.memory_space<hbm>>
          %dma_start3A_137 = tpu.memref_squeeze %dma_start3A_136 : memref<1x1x80xi32, #tpu.memory_space<hbm>> -> memref<80xi32, #tpu.memory_space<hbm>>
          tpu.enqueue_dma source(%dma_start3A_137 : memref<80xi32, #tpu.memory_space<hbm>>) target(%arg10 : memref<80xi32, #tpu.memory_space<vmem>>) target_semaphore(%arg21 : memref<!tpu.dma_semaphore, #tpu.memory_space<semaphore_mem>>)
          %add3A_138 = arith.constant 2 : i32
          %add3A_139 = arith.addi %scan3A_34, %add3A_138 : i32
          %dma_start3A_140 = arith.constant 0 : i32
          %dma_start3A_141 = tpu.memref_slice %arg4[%add3A, %add3A_139, %dma_start3A_140] : memref<32x125x80xi32, #tpu.memory_space<hbm>> -> memref<1x1x80xi32, #tpu.memory_space<hbm>>
          %dma_start3A_142 = tpu.memref_squeeze %dma_start3A_141 : memref<1x1x80xi32, #tpu.memory_space<hbm>> -> memref<80xi32, #tpu.memory_space<hbm>>
          %dma_start3A_143 = arith.constant 0 : i32
          %dma_start3A_144 = tpu.memref_slice %arg4[%add3A, %add3A_139, %dma_start3A_143] : memref<32x125x80xi32, #tpu.memory_space<hbm>> -> memref<1x1x80xi32, #tpu.memory_space<hbm>>
          %dma_start3A_145 = tpu.memref_squeeze %dma_start3A_144 : memref<1x1x80xi32, #tpu.memory_space<hbm>> -> memref<80xi32, #tpu.memory_space<hbm>>
          tpu.enqueue_dma source(%dma_start3A_145 : memref<80xi32, #tpu.memory_space<hbm>>) target(%arg13 : memref<80xi32, #tpu.memory_space<vmem>>) target_semaphore(%arg21 : memref<!tpu.dma_semaphore, #tpu.memory_space<semaphore_mem>>)
        } else {
        }
      } else {
      }
      %eq3A = arith.constant 0 : i32
      %eq3A_91 = arith.cmpi eq, %rem3A_35, %eq3A : i32
      %convert_element_type3A_92 = arith.extui %eq3A_91 : i1 to i32
      %cond3A_93 = arith.constant 0 : i32
      %cond3A_94 = arith.cmpi ne, %convert_element_type3A_92, %cond3A_93 : i32
      scf.if %cond3A_94 {
        %scan3A_115 = arith.constant 0 : i32
        %scan3A_116 = arith.constant 0 : i32
        %scan3A_117 = arith.constant 5 : i32
        %scan3A_118 = arith.addi %scan3A_116, %scan3A_117 : i32
        %scan3A_119 = arith.constant 1 : i32
        scf.for %scan3A_121 = %scan3A_116 to %scan3A_118 step %scan3A_119  : i32 {
          %mul3A_122 = arith.constant 16 : i32
          %mul3A_123 = arith.muli %scan3A_121, %mul3A_122 : i32
          %add3A_124 = arith.constant 0 : i32
          %add3A_125 = arith.addi %mul3A_123, %add3A_124 : i32
          %get3A = arith.constant 0 : i32
          %get3A_126 = arith.index_cast %get3A : i32 to index
          %get3A_127 = arith.index_cast %add3A_125 : i32 to index
          %get3A_128 = arith.constant 0 : index
          %get3A_129 = tpu.vector_load %arg14[%get3A_126, %get3A_127, %get3A_128] {strides = array<i32>} : memref<2x80x16xf32, #tpu.memory_space<vmem>>, vector<1x1x16xf32>,
          %get3A_130 = vector.shape_cast %get3A_129 : vector<1x1x16xf32> to vector<16xf32>
          %get3A_131 = arith.index_cast %add3A_125 : i32 to index
          %get3A_132 = arith.constant 0 : index
          %get3A_133 = tpu.vector_load %arg15[%get3A_131, %get3A_132] {strides = array<i32>} : memref<80x128xf32, #tpu.memory_space<vmem>>, vector<1x16xf32>,
          %get3A_134 = vector.shape_cast %get3A_133 : vector<1x16xf32> to vector<16xf32>
          %mul3A_135 = arith.mulf %get3A_134, %get3A_130 : vector<16xf32>
          %swap3A = arith.index_cast %add3A_125 : i32 to index
          %swap3A_136 = arith.constant 0 : index
          %swap3A_137 = tpu.vector_load %arg15[%swap3A, %swap3A_136] {strides = array<i32>} : memref<80x128xf32, #tpu.memory_space<vmem>>, vector<1x16xf32>,
          %swap3A_138 = vector.shape_cast %swap3A_137 : vector<1x16xf32> to vector<16xf32>
          %swap3A_139 = vector.shape_cast %mul3A_135 : vector<16xf32> to vector<1x16xf32>
          tpu.vector_store %arg15[%swap3A, %swap3A_136], %swap3A_139 {strides = array<i32>} : memref<80x128xf32, #tpu.memory_space<vmem>>, vector<1x16xf32>,
          %get3A_140 = arith.index_cast %add3A_125 : i32 to index
          %get3A_141 = arith.constant 16 : index
          %get3A_142 = tpu.vector_load %arg15[%get3A_140, %get3A_141] {strides = array<i32>} : memref<80x128xf32, #tpu.memory_space<vmem>>, vector<1x16xf32>,
          %get3A_143 = vector.shape_cast %get3A_142 : vector<1x16xf32> to vector<16xf32>
          %mul3A_144 = arith.mulf %get3A_143, %get3A_130 : vector<16xf32>
          %swap3A_145 = arith.index_cast %add3A_125 : i32 to index
          %swap3A_146 = arith.constant 16 : index
          %swap3A_147 = tpu.vector_load %arg15[%swap3A_145, %swap3A_146] {strides = array<i32>} : memref<80x128xf32, #tpu.memory_space<vmem>>, vector<1x16xf32>,
          %swap3A_148 = vector.shape_cast %swap3A_147 : vector<1x16xf32> to vector<16xf32>
          %swap3A_149 = vector.shape_cast %mul3A_144 : vector<16xf32> to vector<1x16xf32>
          tpu.vector_store %arg15[%swap3A_145, %swap3A_146], %swap3A_149 {strides = array<i32>} : memref<80x128xf32, #tpu.memory_space<vmem>>, vector<1x16xf32>,
          %get3A_150 = arith.index_cast %add3A_125 : i32 to index
          %get3A_151 = arith.constant 32 : index
          %get3A_152 = tpu.vector_load %arg15[%get3A_150, %get3A_151] {strides = array<i32>} : memref<80x128xf32, #tpu.memory_space<vmem>>, vector<1x16xf32>,
          %get3A_153 = vector.shape_cast %get3A_152 : vector<1x16xf32> to vector<16xf32>
          %mul3A_154 = arith.mulf %get3A_153, %get3A_130 : vector<16xf32>
          %swap3A_155 = arith.index_cast %add3A_125 : i32 to index
          %swap3A_156 = arith.constant 32 : index
          %swap3A_157 = tpu.vector_load %arg15[%swap3A_155, %swap3A_156] {strides = array<i32>} : memref<80x128xf32, #tpu.memory_space<vmem>>, vector<1x16xf32>,
          %swap3A_158 = vector.shape_cast %swap3A_157 : vector<1x16xf32> to vector<16xf32>
          %swap3A_159 = vector.shape_cast %mul3A_154 : vector<16xf32> to vector<1x16xf32>
          tpu.vector_store %arg15[%swap3A_155, %swap3A_156], %swap3A_159 {strides = array<i32>} : memref<80x128xf32, #tpu.memory_space<vmem>>, vector<1x16xf32>,
          %get3A_160 = arith.index_cast %add3A_125 : i32 to index
          %get3A_161 = arith.constant 48 : index
          %get3A_162 = tpu.vector_load %arg15[%get3A_160, %get3A_161] {strides = array<i32>} : memref<80x128xf32, #tpu.memory_space<vmem>>, vector<1x16xf32>,
          %get3A_163 = vector.shape_cast %get3A_162 : vector<1x16xf32> to vector<16xf32>
          %mul3A_164 = arith.mulf %get3A_163, %get3A_130 : vector<16xf32>
          %swap3A_165 = arith.index_cast %add3A_125 : i32 to index
          %swap3A_166 = arith.constant 48 : index
          %swap3A_167 = tpu.vector_load %arg15[%swap3A_165, %swap3A_166] {strides = array<i32>} : memref<80x128xf32, #tpu.memory_space<vmem>>, vector<1x16xf32>,
          %swap3A_168 = vector.shape_cast %swap3A_167 : vector<1x16xf32> to vector<16xf32>
          %swap3A_169 = vector.shape_cast %mul3A_164 : vector<16xf32> to vector<1x16xf32>
          tpu.vector_store %arg15[%swap3A_165, %swap3A_166], %swap3A_169 {strides = array<i32>} : memref<80x128xf32, #tpu.memory_space<vmem>>, vector<1x16xf32>,
          %get3A_170 = arith.index_cast %add3A_125 : i32 to index
          %get3A_171 = arith.constant 64 : index
          %get3A_172 = tpu.vector_load %arg15[%get3A_170, %get3A_171] {strides = array<i32>} : memref<80x128xf32, #tpu.memory_space<vmem>>, vector<1x16xf32>,
          %get3A_173 = vector.shape_cast %get3A_172 : vector<1x16xf32> to vector<16xf32>
          %mul3A_174 = arith.mulf %get3A_173, %get3A_130 : vector<16xf32>
          %swap3A_175 = arith.index_cast %add3A_125 : i32 to index
          %swap3A_176 = arith.constant 64 : index
          %swap3A_177 = tpu.vector_load %arg15[%swap3A_175, %swap3A_176] {strides = array<i32>} : memref<80x128xf32, #tpu.memory_space<vmem>>, vector<1x16xf32>,
          %swap3A_178 = vector.shape_cast %swap3A_177 : vector<1x16xf32> to vector<16xf32>
          %swap3A_179 = vector.shape_cast %mul3A_174 : vector<16xf32> to vector<1x16xf32>
          tpu.vector_store %arg15[%swap3A_175, %swap3A_176], %swap3A_179 {strides = array<i32>} : memref<80x128xf32, #tpu.memory_space<vmem>>, vector<1x16xf32>,
          %get3A_180 = arith.index_cast %add3A_125 : i32 to index
          %get3A_181 = arith.constant 80 : index
          %get3A_182 = tpu.vector_load %arg15[%get3A_180, %get3A_181] {strides = array<i32>} : memref<80x128xf32, #tpu.memory_space<vmem>>, vector<1x16xf32>,
          %get3A_183 = vector.shape_cast %get3A_182 : vector<1x16xf32> to vector<16xf32>
          %mul3A_184 = arith.mulf %get3A_183, %get3A_130 : vector<16xf32>
          %swap3A_185 = arith.index_cast %add3A_125 : i32 to index
          %swap3A_186 = arith.constant 80 : index
          %swap3A_187 = tpu.vector_load %arg15[%swap3A_185, %swap3A_186] {strides = array<i32>} : memref<80x128xf32, #tpu.memory_space<vmem>>, vector<1x16xf32>,
          %swap3A_188 = vector.shape_cast %swap3A_187 : vector<1x16xf32> to vector<16xf32>
          %swap3A_189 = vector.shape_cast %mul3A_184 : vector<16xf32> to vector<1x16xf32>
          tpu.vector_store %arg15[%swap3A_185, %swap3A_186], %swap3A_189 {strides = array<i32>} : memref<80x128xf32, #tpu.memory_space<vmem>>, vector<1x16xf32>,
          %get3A_190 = arith.index_cast %add3A_125 : i32 to index
          %get3A_191 = arith.constant 96 : index
          %get3A_192 = tpu.vector_load %arg15[%get3A_190, %get3A_191] {strides = array<i32>} : memref<80x128xf32, #tpu.memory_space<vmem>>, vector<1x16xf32>,
          %get3A_193 = vector.shape_cast %get3A_192 : vector<1x16xf32> to vector<16xf32>
          %mul3A_194 = arith.mulf %get3A_193, %get3A_130 : vector<16xf32>
          %swap3A_195 = arith.index_cast %add3A_125 : i32 to index
          %swap3A_196 = arith.constant 96 : index
          %swap3A_197 = tpu.vector_load %arg15[%swap3A_195, %swap3A_196] {strides = array<i32>} : memref<80x128xf32, #tpu.memory_space<vmem>>, vector<1x16xf32>,
          %swap3A_198 = vector.shape_cast %swap3A_197 : vector<1x16xf32> to vector<16xf32>
          %swap3A_199 = vector.shape_cast %mul3A_194 : vector<16xf32> to vector<1x16xf32>
          tpu.vector_store %arg15[%swap3A_195, %swap3A_196], %swap3A_199 {strides = array<i32>} : memref<80x128xf32, #tpu.memory_space<vmem>>, vector<1x16xf32>,
          %get3A_200 = arith.index_cast %add3A_125 : i32 to index
          %get3A_201 = arith.constant 112 : index
          %get3A_202 = tpu.vector_load %arg15[%get3A_200, %get3A_201] {strides = array<i32>} : memref<80x128xf32, #tpu.memory_space<vmem>>, vector<1x16xf32>,
          %get3A_203 = vector.shape_cast %get3A_202 : vector<1x16xf32> to vector<16xf32>
          %mul3A_204 = arith.mulf %get3A_203, %get3A_130 : vector<16xf32>
          %swap3A_205 = arith.index_cast %add3A_125 : i32 to index
          %swap3A_206 = arith.constant 112 : index
          %swap3A_207 = tpu.vector_load %arg15[%swap3A_205, %swap3A_206] {strides = array<i32>} : memref<80x128xf32, #tpu.memory_space<vmem>>, vector<1x16xf32>,
          %swap3A_208 = vector.shape_cast %swap3A_207 : vector<1x16xf32> to vector<16xf32>
          %swap3A_209 = vector.shape_cast %mul3A_204 : vector<16xf32> to vector<1x16xf32>
          tpu.vector_store %arg15[%swap3A_205, %swap3A_206], %swap3A_209 {strides = array<i32>} : memref<80x128xf32, #tpu.memory_space<vmem>>, vector<1x16xf32>,
          %mul3A_210 = arith.constant 16 : i32
          %mul3A_211 = arith.muli %scan3A_121, %mul3A_210 : i32
          %add3A_212 = arith.constant 1 : i32
          %add3A_213 = arith.addi %mul3A_211, %add3A_212 : i32
          %get3A_214 = arith.constant 0 : i32
          %get3A_215 = arith.index_cast %get3A_214 : i32 to index
          %get3A_216 = arith.index_cast %add3A_213 : i32 to index
          %get3A_217 = arith.constant 0 : index
          %get3A_218 = tpu.vector_load %arg14[%get3A_215, %get3A_216, %get3A_217] {strides = array<i32>} : memref<2x80x16xf32, #tpu.memory_space<vmem>>, vector<1x1x16xf32>,
          %get3A_219 = vector.shape_cast %get3A_218 : vector<1x1x16xf32> to vector<16xf32>
          %get3A_220 = arith.index_cast %add3A_213 : i32 to index
          %get3A_221 = arith.constant 0 : index
          %get3A_222 = tpu.vector_load %arg15[%get3A_220, %get3A_221] {strides = array<i32>} : memref<80x128xf32, #tpu.memory_space<vmem>>, vector<1x16xf32>,
          %get3A_223 = vector.shape_cast %get3A_222 : vector<1x16xf32> to vector<16xf32>
          %mul3A_224 = arith.mulf %get3A_223, %get3A_219 : vector<16xf32>
          %swap3A_225 = arith.index_cast %add3A_213 : i32 to index
          %swap3A_226 = arith.constant 0 : index
          %swap3A_227 = tpu.vector_load %arg15[%swap3A_225, %swap3A_226] {strides = array<i32>} : memref<80x128xf32, #tpu.memory_space<vmem>>, vector<1x16xf32>,
          %swap3A_228 = vector.shape_cast %swap3A_227 : vector<1x16xf32> to vector<16xf32>
          %swap3A_229 = vector.shape_cast %mul3A_224 : vector<16xf32> to vector<1x16xf32>
          tpu.vector_store %arg15[%swap3A_225, %swap3A_226], %swap3A_229 {strides = array<i32>} : memref<80x128xf32, #tpu.memory_space<vmem>>, vector<1x16xf32>,
          %get3A_230 = arith.index_cast %add3A_213 : i32 to index
          %get3A_231 = arith.constant 16 : index
          %get3A_232 = tpu.vector_load %arg15[%get3A_230, %get3A_231] {strides = array<i32>} : memref<80x128xf32, #tpu.memory_space<vmem>>, vector<1x16xf32>,
          %get3A_233 = vector.shape_cast %get3A_232 : vector<1x16xf32> to vector<16xf32>
          %mul3A_234 = arith.mulf %get3A_233, %get3A_219 : vector<16xf32>
          %swap3A_235 = arith.index_cast %add3A_213 : i32 to index
          %swap3A_236 = arith.constant 16 : index
          %swap3A_237 = tpu.vector_load %arg15[%swap3A_235, %swap3A_236] {strides = array<i32>} : memref<80x128xf32, #tpu.memory_space<vmem>>, vector<1x16xf32>,
          %swap3A_238 = vector.shape_cast %swap3A_237 : vector<1x16xf32> to vector<16xf32>
          %swap3A_239 = vector.shape_cast %mul3A_234 : vector<16xf32> to vector<1x16xf32>
          tpu.vector_store %arg15[%swap3A_235, %swap3A_236], %swap3A_239 {strides = array<i32>} : memref<80x128xf32, #tpu.memory_space<vmem>>, vector<1x16xf32>,
          %get3A_240 = arith.index_cast %add3A_213 : i32 to index
          %get3A_241 = arith.constant 32 : index
          %get3A_242 = tpu.vector_load %arg15[%get3A_240, %get3A_241] {strides = array<i32>} : memref<80x128xf32, #tpu.memory_space<vmem>>, vector<1x16xf32>,
          %get3A_243 = vector.shape_cast %get3A_242 : vector<1x16xf32> to vector<16xf32>
          %mul3A_244 = arith.mulf %get3A_243, %get3A_219 : vector<16xf32>
          %swap3A_245 = arith.index_cast %add3A_213 : i32 to index
          %swap3A_246 = arith.constant 32 : index
          %swap3A_247 = tpu.vector_load %arg15[%swap3A_245, %swap3A_246] {strides = array<i32>} : memref<80x128xf32, #tpu.memory_space<vmem>>, vector<1x16xf32>,
          %swap3A_248 = vector.shape_cast %swap3A_247 : vector<1x16xf32> to vector<16xf32>
          %swap3A_249 = vector.shape_cast %mul3A_244 : vector<16xf32> to vector<1x16xf32>
          tpu.vector_store %arg15[%swap3A_245, %swap3A_246], %swap3A_249 {strides = array<i32>} : memref<80x128xf32, #tpu.memory_space<vmem>>, vector<1x16xf32>,
          %get3A_250 = arith.index_cast %add3A_213 : i32 to index
          %get3A_251 = arith.constant 48 : index
          %get3A_252 = tpu.vector_load %arg15[%get3A_250, %get3A_251] {strides = array<i32>} : memref<80x128xf32, #tpu.memory_space<vmem>>, vector<1x16xf32>,
          %get3A_253 = vector.shape_cast %get3A_252 : vector<1x16xf32> to vector<16xf32>
          %mul3A_254 = arith.mulf %get3A_253, %get3A_219 : vector<16xf32>
          %swap3A_255 = arith.index_cast %add3A_213 : i32 to index
          %swap3A_256 = arith.constant 48 : index
          %swap3A_257 = tpu.vector_load %arg15[%swap3A_255, %swap3A_256] {strides = array<i32>} : memref<80x128xf32, #tpu.memory_space<vmem>>, vector<1x16xf32>,
          %swap3A_258 = vector.shape_cast %swap3A_257 : vector<1x16xf32> to vector<16xf32>
          %swap3A_259 = vector.shape_cast %mul3A_254 : vector<16xf32> to vector<1x16xf32>
          tpu.vector_store %arg15[%swap3A_255, %swap3A_256], %swap3A_259 {strides = array<i32>} : memref<80x128xf32, #tpu.memory_space<vmem>>, vector<1x16xf32>,
          %get3A_260 = arith.index_cast %add3A_213 : i32 to index
          %get3A_261 = arith.constant 64 : index
          %get3A_262 = tpu.vector_load %arg15[%get3A_260, %get3A_261] {strides = array<i32>} : memref<80x128xf32, #tpu.memory_space<vmem>>, vector<1x16xf32>,
          %get3A_263 = vector.shape_cast %get3A_262 : vector<1x16xf32> to vector<16xf32>
          %mul3A_264 = arith.mulf %get3A_263, %get3A_219 : vector<16xf32>
          %swap3A_265 = arith.index_cast %add3A_213 : i32 to index
          %swap3A_266 = arith.constant 64 : index
          %swap3A_267 = tpu.vector_load %arg15[%swap3A_265, %swap3A_266] {strides = array<i32>} : memref<80x128xf32, #tpu.memory_space<vmem>>, vector<1x16xf32>,
          %swap3A_268 = vector.shape_cast %swap3A_267 : vector<1x16xf32> to vector<16xf32>
          %swap3A_269 = vector.shape_cast %mul3A_264 : vector<16xf32> to vector<1x16xf32>
          tpu.vector_store %arg15[%swap3A_265, %swap3A_266], %swap3A_269 {strides = array<i32>} : memref<80x128xf32, #tpu.memory_space<vmem>>, vector<1x16xf32>,
          %get3A_270 = arith.index_cast %add3A_213 : i32 to index
          %get3A_271 = arith.constant 80 : index
          %get3A_272 = tpu.vector_load %arg15[%get3A_270, %get3A_271] {strides = array<i32>} : memref<80x128xf32, #tpu.memory_space<vmem>>, vector<1x16xf32>,
          %get3A_273 = vector.shape_cast %get3A_272 : vector<1x16xf32> to vector<16xf32>
          %mul3A_274 = arith.mulf %get3A_273, %get3A_219 : vector<16xf32>
          %swap3A_275 = arith.index_cast %add3A_213 : i32 to index
          %swap3A_276 = arith.constant 80 : index
          %swap3A_277 = tpu.vector_load %arg15[%swap3A_275, %swap3A_276] {strides = array<i32>} : memref<80x128xf32, #tpu.memory_space<vmem>>, vector<1x16xf32>,
          %swap3A_278 = vector.shape_cast %swap3A_277 : vector<1x16xf32> to vector<16xf32>
          %swap3A_279 = vector.shape_cast %mul3A_274 : vector<16xf32> to vector<1x16xf32>
          tpu.vector_store %arg15[%swap3A_275, %swap3A_276], %swap3A_279 {strides = array<i32>} : memref<80x128xf32, #tpu.memory_space<vmem>>, vector<1x16xf32>,
          %get3A_280 = arith.index_cast %add3A_213 : i32 to index
          %get3A_281 = arith.constant 96 : index
          %get3A_282 = tpu.vector_load %arg15[%get3A_280, %get3A_281] {strides = array<i32>} : memref<80x128xf32, #tpu.memory_space<vmem>>, vector<1x16xf32>,
          %get3A_283 = vector.shape_cast %get3A_282 : vector<1x16xf32> to vector<16xf32>
          %mul3A_284 = arith.mulf %get3A_283, %get3A_219 : vector<16xf32>
          %swap3A_285 = arith.index_cast %add3A_213 : i32 to index
          %swap3A_286 = arith.constant 96 : index
          %swap3A_287 = tpu.vector_load %arg15[%swap3A_285, %swap3A_286] {strides = array<i32>} : memref<80x128xf32, #tpu.memory_space<vmem>>, vector<1x16xf32>,
          %swap3A_288 = vector.shape_cast %swap3A_287 : vector<1x16xf32> to vector<16xf32>
          %swap3A_289 = vector.shape_cast %mul3A_284 : vector<16xf32> to vector<1x16xf32>
          tpu.vector_store %arg15[%swap3A_285, %swap3A_286], %swap3A_289 {strides = array<i32>} : memref<80x128xf32, #tpu.memory_space<vmem>>, vector<1x16xf32>,
          %get3A_290 = arith.index_cast %add3A_213 : i32 to index
          %get3A_291 = arith.constant 112 : index
          %get3A_292 = tpu.vector_load %arg15[%get3A_290, %get3A_291] {strides = array<i32>} : memref<80x128xf32, #tpu.memory_space<vmem>>, vector<1x16xf32>,
          %get3A_293 = vector.shape_cast %get3A_292 : vector<1x16xf32> to vector<16xf32>
          %mul3A_294 = arith.mulf %get3A_293, %get3A_219 : vector<16xf32>
          %swap3A_295 = arith.index_cast %add3A_213 : i32 to index
          %swap3A_296 = arith.constant 112 : index
          %swap3A_297 = tpu.vector_load %arg15[%swap3A_295, %swap3A_296] {strides = array<i32>} : memref<80x128xf32, #tpu.memory_space<vmem>>, vector<1x16xf32>,
          %swap3A_298 = vector.shape_cast %swap3A_297 : vector<1x16xf32> to vector<16xf32>
          %swap3A_299 = vector.shape_cast %mul3A_294 : vector<16xf32> to vector<1x16xf32>
          tpu.vector_store %arg15[%swap3A_295, %swap3A_296], %swap3A_299 {strides = array<i32>} : memref<80x128xf32, #tpu.memory_space<vmem>>, vector<1x16xf32>,
          %mul3A_300 = arith.constant 16 : i32
          %mul3A_301 = arith.muli %scan3A_121, %mul3A_300 : i32
          %add3A_302 = arith.constant 2 : i32
          %add3A_303 = arith.addi %mul3A_301, %add3A_302 : i32
          %get3A_304 = arith.constant 0 : i32
          %get3A_305 = arith.index_cast %get3A_304 : i32 to index
          %get3A_306 = arith.index_cast %add3A_303 : i32 to index
          %get3A_307 = arith.constant 0 : index
          %get3A_308 = tpu.vector_load %arg14[%get3A_305, %get3A_306, %get3A_307] {strides = array<i32>} : memref<2x80x16xf32, #tpu.memory_space<vmem>>, vector<1x1x16xf32>,
          %get3A_309 = vector.shape_cast %get3A_308 : vector<1x1x16xf32> to vector<16xf32>
          %get3A_310 = arith.index_cast %add3A_303 : i32 to index
          %get3A_311 = arith.constant 0 : index
          %get3A_312 = tpu.vector_load %arg15[%get3A_310, %get3A_311] {strides = array<i32>} : memref<80x128xf32, #tpu.memory_space<vmem>>, vector<1x16xf32>,
          %get3A_313 = vector.shape_cast %get3A_312 : vector<1x16xf32> to vector<16xf32>
          %mul3A_314 = arith.mulf %get3A_313, %get3A_309 : vector<16xf32>
          %swap3A_315 = arith.index_cast %add3A_303 : i32 to index
          %swap3A_316 = arith.constant 0 : index
          %swap3A_317 = tpu.vector_load %arg15[%swap3A_315, %swap3A_316] {strides = array<i32>} : memref<80x128xf32, #tpu.memory_space<vmem>>, vector<1x16xf32>,
          %swap3A_318 = vector.shape_cast %swap3A_317 : vector<1x16xf32> to vector<16xf32>
          %swap3A_319 = vector.shape_cast %mul3A_314 : vector<16xf32> to vector<1x16xf32>
          tpu.vector_store %arg15[%swap3A_315, %swap3A_316], %swap3A_319 {strides = array<i32>} : memref<80x128xf32, #tpu.memory_space<vmem>>, vector<1x16xf32>,
          %get3A_320 = arith.index_cast %add3A_303 : i32 to index
          %get3A_321 = arith.constant 16 : index
          %get3A_322 = tpu.vector_load %arg15[%get3A_320, %get3A_321] {strides = array<i32>} : memref<80x128xf32, #tpu.memory_space<vmem>>, vector<1x16xf32>,
          %get3A_323 = vector.shape_cast %get3A_322 : vector<1x16xf32> to vector<16xf32>
          %mul3A_324 = arith.mulf %get3A_323, %get3A_309 : vector<16xf32>
          %swap3A_325 = arith.index_cast %add3A_303 : i32 to index
          %swap3A_326 = arith.constant 16 : index
          %swap3A_327 = tpu.vector_load %arg15[%swap3A_325, %swap3A_326] {strides = array<i32>} : memref<80x128xf32, #tpu.memory_space<vmem>>, vector<1x16xf32>,
          %swap3A_328 = vector.shape_cast %swap3A_327 : vector<1x16xf32> to vector<16xf32>
          %swap3A_329 = vector.shape_cast %mul3A_324 : vector<16xf32> to vector<1x16xf32>
          tpu.vector_store %arg15[%swap3A_325, %swap3A_326], %swap3A_329 {strides = array<i32>} : memref<80x128xf32, #tpu.memory_space<vmem>>, vector<1x16xf32>,
          %get3A_330 = arith.index_cast %add3A_303 : i32 to index
          %get3A_331 = arith.constant 32 : index
          %get3A_332 = tpu.vector_load %arg15[%get3A_330, %get3A_331] {strides = array<i32>} : memref<80x128xf32, #tpu.memory_space<vmem>>, vector<1x16xf32>,
          %get3A_333 = vector.shape_cast %get3A_332 : vector<1x16xf32> to vector<16xf32>
          %mul3A_334 = arith.mulf %get3A_333, %get3A_309 : vector<16xf32>
          %swap3A_335 = arith.index_cast %add3A_303 : i32 to index
          %swap3A_336 = arith.constant 32 : index
          %swap3A_337 = tpu.vector_load %arg15[%swap3A_335, %swap3A_336] {strides = array<i32>} : memref<80x128xf32, #tpu.memory_space<vmem>>, vector<1x16xf32>,
          %swap3A_338 = vector.shape_cast %swap3A_337 : vector<1x16xf32> to vector<16xf32>
          %swap3A_339 = vector.shape_cast %mul3A_334 : vector<16xf32> to vector<1x16xf32>
          tpu.vector_store %arg15[%swap3A_335, %swap3A_336], %swap3A_339 {strides = array<i32>} : memref<80x128xf32, #tpu.memory_space<vmem>>, vector<1x16xf32>,
          %get3A_340 = arith.index_cast %add3A_303 : i32 to index
          %get3A_341 = arith.constant 48 : index
          %get3A_342 = tpu.vector_load %arg15[%get3A_340, %get3A_341] {strides = array<i32>} : memref<80x128xf32, #tpu.memory_space<vmem>>, vector<1x16xf32>,
          %get3A_343 = vector.shape_cast %get3A_342 : vector<1x16xf32> to vector<16xf32>
          %mul3A_344 = arith.mulf %get3A_343, %get3A_309 : vector<16xf32>
          %swap3A_345 = arith.index_cast %add3A_303 : i32 to index
          %swap3A_346 = arith.constant 48 : index
          %swap3A_347 = tpu.vector_load %arg15[%swap3A_345, %swap3A_346] {strides = array<i32>} : memref<80x128xf32, #tpu.memory_space<vmem>>, vector<1x16xf32>,
          %swap3A_348 = vector.shape_cast %swap3A_347 : vector<1x16xf32> to vector<16xf32>
          %swap3A_349 = vector.shape_cast %mul3A_344 : vector<16xf32> to vector<1x16xf32>
          tpu.vector_store %arg15[%swap3A_345, %swap3A_346], %swap3A_349 {strides = array<i32>} : memref<80x128xf32, #tpu.memory_space<vmem>>, vector<1x16xf32>,
          %get3A_350 = arith.index_cast %add3A_303 : i32 to index
          %get3A_351 = arith.constant 64 : index
          %get3A_352 = tpu.vector_load %arg15[%get3A_350, %get3A_351] {strides = array<i32>} : memref<80x128xf32, #tpu.memory_space<vmem>>, vector<1x16xf32>,
          %get3A_353 = vector.shape_cast %get3A_352 : vector<1x16xf32> to vector<16xf32>
          %mul3A_354 = arith.mulf %get3A_353, %get3A_309 : vector<16xf32>
          %swap3A_355 = arith.index_cast %add3A_303 : i32 to index
          %swap3A_356 = arith.constant 64 : index
          %swap3A_357 = tpu.vector_load %arg15[%swap3A_355, %swap3A_356] {strides = array<i32>} : memref<80x128xf32, #tpu.memory_space<vmem>>, vector<1x16xf32>,
          %swap3A_358 = vector.shape_cast %swap3A_357 : vector<1x16xf32> to vector<16xf32>
          %swap3A_359 = vector.shape_cast %mul3A_354 : vector<16xf32> to vector<1x16xf32>
          tpu.vector_store %arg15[%swap3A_355, %swap3A_356], %swap3A_359 {strides = array<i32>} : memref<80x128xf32, #tpu.memory_space<vmem>>, vector<1x16xf32>,
          %get3A_360 = arith.index_cast %add3A_303 : i32 to index
          %get3A_361 = arith.constant 80 : index
          %get3A_362 = tpu.vector_load %arg15[%get3A_360, %get3A_361] {strides = array<i32>} : memref<80x128xf32, #tpu.memory_space<vmem>>, vector<1x16xf32>,
          %get3A_363 = vector.shape_cast %get3A_362 : vector<1x16xf32> to vector<16xf32>
          %mul3A_364 = arith.mulf %get3A_363, %get3A_309 : vector<16xf32>
          %swap3A_365 = arith.index_cast %add3A_303 : i32 to index
          %swap3A_366 = arith.constant 80 : index
          %swap3A_367 = tpu.vector_load %arg15[%swap3A_365, %swap3A_366] {strides = array<i32>} : memref<80x128xf32, #tpu.memory_space<vmem>>, vector<1x16xf32>,
          %swap3A_368 = vector.shape_cast %swap3A_367 : vector<1x16xf32> to vector<16xf32>
          %swap3A_369 = vector.shape_cast %mul3A_364 : vector<16xf32> to vector<1x16xf32>
          tpu.vector_store %arg15[%swap3A_365, %swap3A_366], %swap3A_369 {strides = array<i32>} : memref<80x128xf32, #tpu.memory_space<vmem>>, vector<1x16xf32>,
          %get3A_370 = arith.index_cast %add3A_303 : i32 to index
          %get3A_371 = arith.constant 96 : index
          %get3A_372 = tpu.vector_load %arg15[%get3A_370, %get3A_371] {strides = array<i32>} : memref<80x128xf32, #tpu.memory_space<vmem>>, vector<1x16xf32>,
          %get3A_373 = vector.shape_cast %get3A_372 : vector<1x16xf32> to vector<16xf32>
          %mul3A_374 = arith.mulf %get3A_373, %get3A_309 : vector<16xf32>
          %swap3A_375 = arith.index_cast %add3A_303 : i32 to index
          %swap3A_376 = arith.constant 96 : index
          %swap3A_377 = tpu.vector_load %arg15[%swap3A_375, %swap3A_376] {strides = array<i32>} : memref<80x128xf32, #tpu.memory_space<vmem>>, vector<1x16xf32>,
          %swap3A_378 = vector.shape_cast %swap3A_377 : vector<1x16xf32> to vector<16xf32>
          %swap3A_379 = vector.shape_cast %mul3A_374 : vector<16xf32> to vector<1x16xf32>
          tpu.vector_store %arg15[%swap3A_375, %swap3A_376], %swap3A_379 {strides = array<i32>} : memref<80x128xf32, #tpu.memory_space<vmem>>, vector<1x16xf32>,
          %get3A_380 = arith.index_cast %add3A_303 : i32 to index
          %get3A_381 = arith.constant 112 : index
          %get3A_382 = tpu.vector_load %arg15[%get3A_380, %get3A_381] {strides = array<i32>} : memref<80x128xf32, #tpu.memory_space<vmem>>, vector<1x16xf32>,
          %get3A_383 = vector.shape_cast %get3A_382 : vector<1x16xf32> to vector<16xf32>
          %mul3A_384 = arith.mulf %get3A_383, %get3A_309 : vector<16xf32>
          %swap3A_385 = arith.index_cast %add3A_303 : i32 to index
          %swap3A_386 = arith.constant 112 : index
          %swap3A_387 = tpu.vector_load %arg15[%swap3A_385, %swap3A_386] {strides = array<i32>} : memref<80x128xf32, #tpu.memory_space<vmem>>, vector<1x16xf32>,
          %swap3A_388 = vector.shape_cast %swap3A_387 : vector<1x16xf32> to vector<16xf32>
          %swap3A_389 = vector.shape_cast %mul3A_384 : vector<16xf32> to vector<1x16xf32>
          tpu.vector_store %arg15[%swap3A_385, %swap3A_386], %swap3A_389 {strides = array<i32>} : memref<80x128xf32, #tpu.memory_space<vmem>>, vector<1x16xf32>,
          %mul3A_390 = arith.constant 16 : i32
          %mul3A_391 = arith.muli %scan3A_121, %mul3A_390 : i32
          %add3A_392 = arith.constant 3 : i32
          %add3A_393 = arith.addi %mul3A_391, %add3A_392 : i32
          %get3A_394 = arith.constant 0 : i32
          %get3A_395 = arith.index_cast %get3A_394 : i32 to index
          %get3A_396 = arith.index_cast %add3A_393 : i32 to index
          %get3A_397 = arith.constant 0 : index
          %get3A_398 = tpu.vector_load %arg14[%get3A_395, %get3A_396, %get3A_397] {strides = array<i32>} : memref<2x80x16xf32, #tpu.memory_space<vmem>>, vector<1x1x16xf32>,
          %get3A_399 = vector.shape_cast %get3A_398 : vector<1x1x16xf32> to vector<16xf32>
          %get3A_400 = arith.index_cast %add3A_393 : i32 to index
          %get3A_401 = arith.constant 0 : index
          %get3A_402 = tpu.vector_load %arg15[%get3A_400, %get3A_401] {strides = array<i32>} : memref<80x128xf32, #tpu.memory_space<vmem>>, vector<1x16xf32>,
          %get3A_403 = vector.shape_cast %get3A_402 : vector<1x16xf32> to vector<16xf32>
          %mul3A_404 = arith.mulf %get3A_403, %get3A_399 : vector<16xf32>
          %swap3A_405 = arith.index_cast %add3A_393 : i32 to index
          %swap3A_406 = arith.constant 0 : index
          %swap3A_407 = tpu.vector_load %arg15[%swap3A_405, %swap3A_406] {strides = array<i32>} : memref<80x128xf32, #tpu.memory_space<vmem>>, vector<1x16xf32>,
          %swap3A_408 = vector.shape_cast %swap3A_407 : vector<1x16xf32> to vector<16xf32>
          %swap3A_409 = vector.shape_cast %mul3A_404 : vector<16xf32> to vector<1x16xf32>
          tpu.vector_store %arg15[%swap3A_405, %swap3A_406], %swap3A_409 {strides = array<i32>} : memref<80x128xf32, #tpu.memory_space<vmem>>, vector<1x16xf32>,
          %get3A_410 = arith.index_cast %add3A_393 : i32 to index
          %get3A_411 = arith.constant 16 : index
          %get3A_412 = tpu.vector_load %arg15[%get3A_410, %get3A_411] {strides = array<i32>} : memref<80x128xf32, #tpu.memory_space<vmem>>, vector<1x16xf32>,
          %get3A_413 = vector.shape_cast %get3A_412 : vector<1x16xf32> to vector<16xf32>
          %mul3A_414 = arith.mulf %get3A_413, %get3A_399 : vector<16xf32>
          %swap3A_415 = arith.index_cast %add3A_393 : i32 to index
          %swap3A_416 = arith.constant 16 : index
          %swap3A_417 = tpu.vector_load %arg15[%swap3A_415, %swap3A_416] {strides = array<i32>} : memref<80x128xf32, #tpu.memory_space<vmem>>, vector<1x16xf32>,
          %swap3A_418 = vector.shape_cast %swap3A_417 : vector<1x16xf32> to vector<16xf32>
          %swap3A_419 = vector.shape_cast %mul3A_414 : vector<16xf32> to vector<1x16xf32>
          tpu.vector_store %arg15[%swap3A_415, %swap3A_416], %swap3A_419 {strides = array<i32>} : memref<80x128xf32, #tpu.memory_space<vmem>>, vector<1x16xf32>,
          %get3A_420 = arith.index_cast %add3A_393 : i32 to index
          %get3A_421 = arith.constant 32 : index
          %get3A_422 = tpu.vector_load %arg15[%get3A_420, %get3A_421] {strides = array<i32>} : memref<80x128xf32, #tpu.memory_space<vmem>>, vector<1x16xf32>,
          %get3A_423 = vector.shape_cast %get3A_422 : vector<1x16xf32> to vector<16xf32>
          %mul3A_424 = arith.mulf %get3A_423, %get3A_399 : vector<16xf32>
          %swap3A_425 = arith.index_cast %add3A_393 : i32 to index
          %swap3A_426 = arith.constant 32 : index
          %swap3A_427 = tpu.vector_load %arg15[%swap3A_425, %swap3A_426] {strides = array<i32>} : memref<80x128xf32, #tpu.memory_space<vmem>>, vector<1x16xf32>,
          %swap3A_428 = vector.shape_cast %swap3A_427 : vector<1x16xf32> to vector<16xf32>
          %swap3A_429 = vector.shape_cast %mul3A_424 : vector<16xf32> to vector<1x16xf32>
          tpu.vector_store %arg15[%swap3A_425, %swap3A_426], %swap3A_429 {strides = array<i32>} : memref<80x128xf32, #tpu.memory_space<vmem>>, vector<1x16xf32>,
          %get3A_430 = arith.index_cast %add3A_393 : i32 to index
          %get3A_431 = arith.constant 48 : index
          %get3A_432 = tpu.vector_load %arg15[%get3A_430, %get3A_431] {strides = array<i32>} : memref<80x128xf32, #tpu.memory_space<vmem>>, vector<1x16xf32>,
          %get3A_433 = vector.shape_cast %get3A_432 : vector<1x16xf32> to vector<16xf32>
          %mul3A_434 = arith.mulf %get3A_433, %get3A_399 : vector<16xf32>
          %swap3A_435 = arith.index_cast %add3A_393 : i32 to index
          %swap3A_436 = arith.constant 48 : index
          %swap3A_437 = tpu.vector_load %arg15[%swap3A_435, %swap3A_436] {strides = array<i32>} : memref<80x128xf32, #tpu.memory_space<vmem>>, vector<1x16xf32>,
          %swap3A_438 = vector.shape_cast %swap3A_437 : vector<1x16xf32> to vector<16xf32>
          %swap3A_439 = vector.shape_cast %mul3A_434 : vector<16xf32> to vector<1x16xf32>
          tpu.vector_store %arg15[%swap3A_435, %swap3A_436], %swap3A_439 {strides = array<i32>} : memref<80x128xf32, #tpu.memory_space<vmem>>, vector<1x16xf32>,
          %get3A_440 = arith.index_cast %add3A_393 : i32 to index
          %get3A_441 = arith.constant 64 : index
          %get3A_442 = tpu.vector_load %arg15[%get3A_440, %get3A_441] {strides = array<i32>} : memref<80x128xf32, #tpu.memory_space<vmem>>, vector<1x16xf32>,
          %get3A_443 = vector.shape_cast %get3A_442 : vector<1x16xf32> to vector<16xf32>
          %mul3A_444 = arith.mulf %get3A_443, %get3A_399 : vector<16xf32>
          %swap3A_445 = arith.index_cast %add3A_393 : i32 to index
          %swap3A_446 = arith.constant 64 : index
          %swap3A_447 = tpu.vector_load %arg15[%swap3A_445, %swap3A_446] {strides = array<i32>} : memref<80x128xf32, #tpu.memory_space<vmem>>, vector<1x16xf32>,
          %swap3A_448 = vector.shape_cast %swap3A_447 : vector<1x16xf32> to vector<16xf32>
          %swap3A_449 = vector.shape_cast %mul3A_444 : vector<16xf32> to vector<1x16xf32>
          tpu.vector_store %arg15[%swap3A_445, %swap3A_446], %swap3A_449 {strides = array<i32>} : memref<80x128xf32, #tpu.memory_space<vmem>>, vector<1x16xf32>,
          %get3A_450 = arith.index_cast %add3A_393 : i32 to index
          %get3A_451 = arith.constant 80 : index
          %get3A_452 = tpu.vector_load %arg15[%get3A_450, %get3A_451] {strides = array<i32>} : memref<80x128xf32, #tpu.memory_space<vmem>>, vector<1x16xf32>,
          %get3A_453 = vector.shape_cast %get3A_452 : vector<1x16xf32> to vector<16xf32>
          %mul3A_454 = arith.mulf %get3A_453, %get3A_399 : vector<16xf32>
          %swap3A_455 = arith.index_cast %add3A_393 : i32 to index
          %swap3A_456 = arith.constant 80 : index
          %swap3A_457 = tpu.vector_load %arg15[%swap3A_455, %swap3A_456] {strides = array<i32>} : memref<80x128xf32, #tpu.memory_space<vmem>>, vector<1x16xf32>,
          %swap3A_458 = vector.shape_cast %swap3A_457 : vector<1x16xf32> to vector<16xf32>
          %swap3A_459 = vector.shape_cast %mul3A_454 : vector<16xf32> to vector<1x16xf32>
          tpu.vector_store %arg15[%swap3A_455, %swap3A_456], %swap3A_459 {strides = array<i32>} : memref<80x128xf32, #tpu.memory_space<vmem>>, vector<1x16xf32>,
          %get3A_460 = arith.index_cast %add3A_393 : i32 to index
          %get3A_461 = arith.constant 96 : index
          %get3A_462 = tpu.vector_load %arg15[%get3A_460, %get3A_461] {strides = array<i32>} : memref<80x128xf32, #tpu.memory_space<vmem>>, vector<1x16xf32>,
          %get3A_463 = vector.shape_cast %get3A_462 : vector<1x16xf32> to vector<16xf32>
          %mul3A_464 = arith.mulf %get3A_463, %get3A_399 : vector<16xf32>
          %swap3A_465 = arith.index_cast %add3A_393 : i32 to index
          %swap3A_466 = arith.constant 96 : index
          %swap3A_467 = tpu.vector_load %arg15[%swap3A_465, %swap3A_466] {strides = array<i32>} : memref<80x128xf32, #tpu.memory_space<vmem>>, vector<1x16xf32>,
          %swap3A_468 = vector.shape_cast %swap3A_467 : vector<1x16xf32> to vector<16xf32>
          %swap3A_469 = vector.shape_cast %mul3A_464 : vector<16xf32> to vector<1x16xf32>
          tpu.vector_store %arg15[%swap3A_465, %swap3A_466], %swap3A_469 {strides = array<i32>} : memref<80x128xf32, #tpu.memory_space<vmem>>, vector<1x16xf32>,
          %get3A_470 = arith.index_cast %add3A_393 : i32 to index
          %get3A_471 = arith.constant 112 : index
          %get3A_472 = tpu.vector_load %arg15[%get3A_470, %get3A_471] {strides = array<i32>} : memref<80x128xf32, #tpu.memory_space<vmem>>, vector<1x16xf32>,
          %get3A_473 = vector.shape_cast %get3A_472 : vector<1x16xf32> to vector<16xf32>
          %mul3A_474 = arith.mulf %get3A_473, %get3A_399 : vector<16xf32>
          %swap3A_475 = arith.index_cast %add3A_393 : i32 to index
          %swap3A_476 = arith.constant 112 : index
          %swap3A_477 = tpu.vector_load %arg15[%swap3A_475, %swap3A_476] {strides = array<i32>} : memref<80x128xf32, #tpu.memory_space<vmem>>, vector<1x16xf32>,
          %swap3A_478 = vector.shape_cast %swap3A_477 : vector<1x16xf32> to vector<16xf32>
          %swap3A_479 = vector.shape_cast %mul3A_474 : vector<16xf32> to vector<1x16xf32>
          tpu.vector_store %arg15[%swap3A_475, %swap3A_476], %swap3A_479 {strides = array<i32>} : memref<80x128xf32, #tpu.memory_space<vmem>>, vector<1x16xf32>,
          %mul3A_480 = arith.constant 16 : i32
          %mul3A_481 = arith.muli %scan3A_121, %mul3A_480 : i32
          %add3A_482 = arith.constant 4 : i32
          %add3A_483 = arith.addi %mul3A_481, %add3A_482 : i32
          %get3A_484 = arith.constant 0 : i32
          %get3A_485 = arith.index_cast %get3A_484 : i32 to index
          %get3A_486 = arith.index_cast %add3A_483 : i32 to index
          %get3A_487 = arith.constant 0 : index
          %get3A_488 = tpu.vector_load %arg14[%get3A_485, %get3A_486, %get3A_487] {strides = array<i32>} : memref<2x80x16xf32, #tpu.memory_space<vmem>>, vector<1x1x16xf32>,
          %get3A_489 = vector.shape_cast %get3A_488 : vector<1x1x16xf32> to vector<16xf32>
          %get3A_490 = arith.index_cast %add3A_483 : i32 to index
          %get3A_491 = arith.constant 0 : index
          %get3A_492 = tpu.vector_load %arg15[%get3A_490, %get3A_491] {strides = array<i32>} : memref<80x128xf32, #tpu.memory_space<vmem>>, vector<1x16xf32>,
          %get3A_493 = vector.shape_cast %get3A_492 : vector<1x16xf32> to vector<16xf32>
          %mul3A_494 = arith.mulf %get3A_493, %get3A_489 : vector<16xf32>
          %swap3A_495 = arith.index_cast %add3A_483 : i32 to index
          %swap3A_496 = arith.constant 0 : index
          %swap3A_497 = tpu.vector_load %arg15[%swap3A_495, %swap3A_496] {strides = array<i32>} : memref<80x128xf32, #tpu.memory_space<vmem>>, vector<1x16xf32>,
          %swap3A_498 = vector.shape_cast %swap3A_497 : vector<1x16xf32> to vector<16xf32>
          %swap3A_499 = vector.shape_cast %mul3A_494 : vector<16xf32> to vector<1x16xf32>
          tpu.vector_store %arg15[%swap3A_495, %swap3A_496], %swap3A_499 {strides = array<i32>} : memref<80x128xf32, #tpu.memory_space<vmem>>, vector<1x16xf32>,
          %get3A_500 = arith.index_cast %add3A_483 : i32 to index
          %get3A_501 = arith.constant 16 : index
          %get3A_502 = tpu.vector_load %arg15[%get3A_500, %get3A_501] {strides = array<i32>} : memref<80x128xf32, #tpu.memory_space<vmem>>, vector<1x16xf32>,
          %get3A_503 = vector.shape_cast %get3A_502 : vector<1x16xf32> to vector<16xf32>
          %mul3A_504 = arith.mulf %get3A_503, %get3A_489 : vector<16xf32>
          %swap3A_505 = arith.index_cast %add3A_483 : i32 to index
          %swap3A_506 = arith.constant 16 : index
          %swap3A_507 = tpu.vector_load %arg15[%swap3A_505, %swap3A_506] {strides = array<i32>} : memref<80x128xf32, #tpu.memory_space<vmem>>, vector<1x16xf32>,
          %swap3A_508 = vector.shape_cast %swap3A_507 : vector<1x16xf32> to vector<16xf32>
          %swap3A_509 = vector.shape_cast %mul3A_504 : vector<16xf32> to vector<1x16xf32>
          tpu.vector_store %arg15[%swap3A_505, %swap3A_506], %swap3A_509 {strides = array<i32>} : memref<80x128xf32, #tpu.memory_space<vmem>>, vector<1x16xf32>,
          %get3A_510 = arith.index_cast %add3A_483 : i32 to index
          %get3A_511 = arith.constant 32 : index
          %get3A_512 = tpu.vector_load %arg15[%get3A_510, %get3A_511] {strides = array<i32>} : memref<80x128xf32, #tpu.memory_space<vmem>>, vector<1x16xf32>,
          %get3A_513 = vector.shape_cast %get3A_512 : vector<1x16xf32> to vector<16xf32>
          %mul3A_514 = arith.mulf %get3A_513, %get3A_489 : vector<16xf32>
          %swap3A_515 = arith.index_cast %add3A_483 : i32 to index
          %swap3A_516 = arith.constant 32 : index
          %swap3A_517 = tpu.vector_load %arg15[%swap3A_515, %swap3A_516] {strides = array<i32>} : memref<80x128xf32, #tpu.memory_space<vmem>>, vector<1x16xf32>,
          %swap3A_518 = vector.shape_cast %swap3A_517 : vector<1x16xf32> to vector<16xf32>
          %swap3A_519 = vector.shape_cast %mul3A_514 : vector<16xf32> to vector<1x16xf32>
          tpu.vector_store %arg15[%swap3A_515, %swap3A_516], %swap3A_519 {strides = array<i32>} : memref<80x128xf32, #tpu.memory_space<vmem>>, vector<1x16xf32>,
          %get3A_520 = arith.index_cast %add3A_483 : i32 to index
          %get3A_521 = arith.constant 48 : index
          %get3A_522 = tpu.vector_load %arg15[%get3A_520, %get3A_521] {strides = array<i32>} : memref<80x128xf32, #tpu.memory_space<vmem>>, vector<1x16xf32>,
          %get3A_523 = vector.shape_cast %get3A_522 : vector<1x16xf32> to vector<16xf32>
          %mul3A_524 = arith.mulf %get3A_523, %get3A_489 : vector<16xf32>
          %swap3A_525 = arith.index_cast %add3A_483 : i32 to index
          %swap3A_526 = arith.constant 48 : index
          %swap3A_527 = tpu.vector_load %arg15[%swap3A_525, %swap3A_526] {strides = array<i32>} : memref<80x128xf32, #tpu.memory_space<vmem>>, vector<1x16xf32>,
          %swap3A_528 = vector.shape_cast %swap3A_527 : vector<1x16xf32> to vector<16xf32>
          %swap3A_529 = vector.shape_cast %mul3A_524 : vector<16xf32> to vector<1x16xf32>
          tpu.vector_store %arg15[%swap3A_525, %swap3A_526], %swap3A_529 {strides = array<i32>} : memref<80x128xf32, #tpu.memory_space<vmem>>, vector<1x16xf32>,
          %get3A_530 = arith.index_cast %add3A_483 : i32 to index
          %get3A_531 = arith.constant 64 : index
          %get3A_532 = tpu.vector_load %arg15[%get3A_530, %get3A_531] {strides = array<i32>} : memref<80x128xf32, #tpu.memory_space<vmem>>, vector<1x16xf32>,
          %get3A_533 = vector.shape_cast %get3A_532 : vector<1x16xf32> to vector<16xf32>
          %mul3A_534 = arith.mulf %get3A_533, %get3A_489 : vector<16xf32>
          %swap3A_535 = arith.index_cast %add3A_483 : i32 to index
          %swap3A_536 = arith.constant 64 : index
          %swap3A_537 = tpu.vector_load %arg15[%swap3A_535, %swap3A_536] {strides = array<i32>} : memref<80x128xf32, #tpu.memory_space<vmem>>, vector<1x16xf32>,
          %swap3A_538 = vector.shape_cast %swap3A_537 : vector<1x16xf32> to vector<16xf32>
          %swap3A_539 = vector.shape_cast %mul3A_534 : vector<16xf32> to vector<1x16xf32>
          tpu.vector_store %arg15[%swap3A_535, %swap3A_536], %swap3A_539 {strides = array<i32>} : memref<80x128xf32, #tpu.memory_space<vmem>>, vector<1x16xf32>,
          %get3A_540 = arith.index_cast %add3A_483 : i32 to index
          %get3A_541 = arith.constant 80 : index
          %get3A_542 = tpu.vector_load %arg15[%get3A_540, %get3A_541] {strides = array<i32>} : memref<80x128xf32, #tpu.memory_space<vmem>>, vector<1x16xf32>,
          %get3A_543 = vector.shape_cast %get3A_542 : vector<1x16xf32> to vector<16xf32>
          %mul3A_544 = arith.mulf %get3A_543, %get3A_489 : vector<16xf32>
          %swap3A_545 = arith.index_cast %add3A_483 : i32 to index
          %swap3A_546 = arith.constant 80 : index
          %swap3A_547 = tpu.vector_load %arg15[%swap3A_545, %swap3A_546] {strides = array<i32>} : memref<80x128xf32, #tpu.memory_space<vmem>>, vector<1x16xf32>,
          %swap3A_548 = vector.shape_cast %swap3A_547 : vector<1x16xf32> to vector<16xf32>
          %swap3A_549 = vector.shape_cast %mul3A_544 : vector<16xf32> to vector<1x16xf32>
          tpu.vector_store %arg15[%swap3A_545, %swap3A_546], %swap3A_549 {strides = array<i32>} : memref<80x128xf32, #tpu.memory_space<vmem>>, vector<1x16xf32>,
          %get3A_550 = arith.index_cast %add3A_483 : i32 to index
          %get3A_551 = arith.constant 96 : index
          %get3A_552 = tpu.vector_load %arg15[%get3A_550, %get3A_551] {strides = array<i32>} : memref<80x128xf32, #tpu.memory_space<vmem>>, vector<1x16xf32>,
          %get3A_553 = vector.shape_cast %get3A_552 : vector<1x16xf32> to vector<16xf32>
          %mul3A_554 = arith.mulf %get3A_553, %get3A_489 : vector<16xf32>
          %swap3A_555 = arith.index_cast %add3A_483 : i32 to index
          %swap3A_556 = arith.constant 96 : index
          %swap3A_557 = tpu.vector_load %arg15[%swap3A_555, %swap3A_556] {strides = array<i32>} : memref<80x128xf32, #tpu.memory_space<vmem>>, vector<1x16xf32>,
          %swap3A_558 = vector.shape_cast %swap3A_557 : vector<1x16xf32> to vector<16xf32>
          %swap3A_559 = vector.shape_cast %mul3A_554 : vector<16xf32> to vector<1x16xf32>
          tpu.vector_store %arg15[%swap3A_555, %swap3A_556], %swap3A_559 {strides = array<i32>} : memref<80x128xf32, #tpu.memory_space<vmem>>, vector<1x16xf32>,
          %get3A_560 = arith.index_cast %add3A_483 : i32 to index
          %get3A_561 = arith.constant 112 : index
          %get3A_562 = tpu.vector_load %arg15[%get3A_560, %get3A_561] {strides = array<i32>} : memref<80x128xf32, #tpu.memory_space<vmem>>, vector<1x16xf32>,
          %get3A_563 = vector.shape_cast %get3A_562 : vector<1x16xf32> to vector<16xf32>
          %mul3A_564 = arith.mulf %get3A_563, %get3A_489 : vector<16xf32>
          %swap3A_565 = arith.index_cast %add3A_483 : i32 to index
          %swap3A_566 = arith.constant 112 : index
          %swap3A_567 = tpu.vector_load %arg15[%swap3A_565, %swap3A_566] {strides = array<i32>} : memref<80x128xf32, #tpu.memory_space<vmem>>, vector<1x16xf32>,
          %swap3A_568 = vector.shape_cast %swap3A_567 : vector<1x16xf32> to vector<16xf32>
          %swap3A_569 = vector.shape_cast %mul3A_564 : vector<16xf32> to vector<1x16xf32>
          tpu.vector_store %arg15[%swap3A_565, %swap3A_566], %swap3A_569 {strides = array<i32>} : memref<80x128xf32, #tpu.memory_space<vmem>>, vector<1x16xf32>,
          %mul3A_570 = arith.constant 16 : i32
          %mul3A_571 = arith.muli %scan3A_121, %mul3A_570 : i32
          %add3A_572 = arith.constant 5 : i32
          %add3A_573 = arith.addi %mul3A_571, %add3A_572 : i32
          %get3A_574 = arith.constant 0 : i32
          %get3A_575 = arith.index_cast %get3A_574 : i32 to index
          %get3A_576 = arith.index_cast %add3A_573 : i32 to index
          %get3A_577 = arith.constant 0 : index
          %get3A_578 = tpu.vector_load %arg14[%get3A_575, %get3A_576, %get3A_577] {strides = array<i32>} : memref<2x80x16xf32, #tpu.memory_space<vmem>>, vector<1x1x16xf32>,
          %get3A_579 = vector.shape_cast %get3A_578 : vector<1x1x16xf32> to vector<16xf32>
          %get3A_580 = arith.index_cast %add3A_573 : i32 to index
          %get3A_581 = arith.constant 0 : index
          %get3A_582 = tpu.vector_load %arg15[%get3A_580, %get3A_581] {strides = array<i32>} : memref<80x128xf32, #tpu.memory_space<vmem>>, vector<1x16xf32>,
          %get3A_583 = vector.shape_cast %get3A_582 : vector<1x16xf32> to vector<16xf32>
          %mul3A_584 = arith.mulf %get3A_583, %get3A_579 : vector<16xf32>
          %swap3A_585 = arith.index_cast %add3A_573 : i32 to index
          %swap3A_586 = arith.constant 0 : index
          %swap3A_587 = tpu.vector_load %arg15[%swap3A_585, %swap3A_586] {strides = array<i32>} : memref<80x128xf32, #tpu.memory_space<vmem>>, vector<1x16xf32>,
          %swap3A_588 = vector.shape_cast %swap3A_587 : vector<1x16xf32> to vector<16xf32>
          %swap3A_589 = vector.shape_cast %mul3A_584 : vector<16xf32> to vector<1x16xf32>
          tpu.vector_store %arg15[%swap3A_585, %swap3A_586], %swap3A_589 {strides = array<i32>} : memref<80x128xf32, #tpu.memory_space<vmem>>, vector<1x16xf32>,
          %get3A_590 = arith.index_cast %add3A_573 : i32 to index
          %get3A_591 = arith.constant 16 : index
          %get3A_592 = tpu.vector_load %arg15[%get3A_590, %get3A_591] {strides = array<i32>} : memref<80x128xf32, #tpu.memory_space<vmem>>, vector<1x16xf32>,
          %get3A_593 = vector.shape_cast %get3A_592 : vector<1x16xf32> to vector<16xf32>
          %mul3A_594 = arith.mulf %get3A_593, %get3A_579 : vector<16xf32>
          %swap3A_595 = arith.index_cast %add3A_573 : i32 to index
          %swap3A_596 = arith.constant 16 : index
          %swap3A_597 = tpu.vector_load %arg15[%swap3A_595, %swap3A_596] {strides = array<i32>} : memref<80x128xf32, #tpu.memory_space<vmem>>, vector<1x16xf32>,
          %swap3A_598 = vector.shape_cast %swap3A_597 : vector<1x16xf32> to vector<16xf32>
          %swap3A_599 = vector.shape_cast %mul3A_594 : vector<16xf32> to vector<1x16xf32>
          tpu.vector_store %arg15[%swap3A_595, %swap3A_596], %swap3A_599 {strides = array<i32>} : memref<80x128xf32, #tpu.memory_space<vmem>>, vector<1x16xf32>,
          %get3A_600 = arith.index_cast %add3A_573 : i32 to index
          %get3A_601 = arith.constant 32 : index
          %get3A_602 = tpu.vector_load %arg15[%get3A_600, %get3A_601] {strides = array<i32>} : memref<80x128xf32, #tpu.memory_space<vmem>>, vector<1x16xf32>,
          %get3A_603 = vector.shape_cast %get3A_602 : vector<1x16xf32> to vector<16xf32>
          %mul3A_604 = arith.mulf %get3A_603, %get3A_579 : vector<16xf32>
          %swap3A_605 = arith.index_cast %add3A_573 : i32 to index
          %swap3A_606 = arith.constant 32 : index
          %swap3A_607 = tpu.vector_load %arg15[%swap3A_605, %swap3A_606] {strides = array<i32>} : memref<80x128xf32, #tpu.memory_space<vmem>>, vector<1x16xf32>,
          %swap3A_608 = vector.shape_cast %swap3A_607 : vector<1x16xf32> to vector<16xf32>
          %swap3A_609 = vector.shape_cast %mul3A_604 : vector<16xf32> to vector<1x16xf32>
          tpu.vector_store %arg15[%swap3A_605, %swap3A_606], %swap3A_609 {strides = array<i32>} : memref<80x128xf32, #tpu.memory_space<vmem>>, vector<1x16xf32>,
          %get3A_610 = arith.index_cast %add3A_573 : i32 to index
          %get3A_611 = arith.constant 48 : index
          %get3A_612 = tpu.vector_load %arg15[%get3A_610, %get3A_611] {strides = array<i32>} : memref<80x128xf32, #tpu.memory_space<vmem>>, vector<1x16xf32>,
          %get3A_613 = vector.shape_cast %get3A_612 : vector<1x16xf32> to vector<16xf32>
          %mul3A_614 = arith.mulf %get3A_613, %get3A_579 : vector<16xf32>
          %swap3A_615 = arith.index_cast %add3A_573 : i32 to index
          %swap3A_616 = arith.constant 48 : index
          %swap3A_617 = tpu.vector_load %arg15[%swap3A_615, %swap3A_616] {strides = array<i32>} : memref<80x128xf32, #tpu.memory_space<vmem>>, vector<1x16xf32>,
          %swap3A_618 = vector.shape_cast %swap3A_617 : vector<1x16xf32> to vector<16xf32>
          %swap3A_619 = vector.shape_cast %mul3A_614 : vector<16xf32> to vector<1x16xf32>
          tpu.vector_store %arg15[%swap3A_615, %swap3A_616], %swap3A_619 {strides = array<i32>} : memref<80x128xf32, #tpu.memory_space<vmem>>, vector<1x16xf32>,
          %get3A_620 = arith.index_cast %add3A_573 : i32 to index
          %get3A_621 = arith.constant 64 : index
          %get3A_622 = tpu.vector_load %arg15[%get3A_620, %get3A_621] {strides = array<i32>} : memref<80x128xf32, #tpu.memory_space<vmem>>, vector<1x16xf32>,
          %get3A_623 = vector.shape_cast %get3A_622 : vector<1x16xf32> to vector<16xf32>
          %mul3A_624 = arith.mulf %get3A_623, %get3A_579 : vector<16xf32>
          %swap3A_625 = arith.index_cast %add3A_573 : i32 to index
          %swap3A_626 = arith.constant 64 : index
          %swap3A_627 = tpu.vector_load %arg15[%swap3A_625, %swap3A_626] {strides = array<i32>} : memref<80x128xf32, #tpu.memory_space<vmem>>, vector<1x16xf32>,
          %swap3A_628 = vector.shape_cast %swap3A_627 : vector<1x16xf32> to vector<16xf32>
          %swap3A_629 = vector.shape_cast %mul3A_624 : vector<16xf32> to vector<1x16xf32>
          tpu.vector_store %arg15[%swap3A_625, %swap3A_626], %swap3A_629 {strides = array<i32>} : memref<80x128xf32, #tpu.memory_space<vmem>>, vector<1x16xf32>,
          %get3A_630 = arith.index_cast %add3A_573 : i32 to index
          %get3A_631 = arith.constant 80 : index
          %get3A_632 = tpu.vector_load %arg15[%get3A_630, %get3A_631] {strides = array<i32>} : memref<80x128xf32, #tpu.memory_space<vmem>>, vector<1x16xf32>,
          %get3A_633 = vector.shape_cast %get3A_632 : vector<1x16xf32> to vector<16xf32>
          %mul3A_634 = arith.mulf %get3A_633, %get3A_579 : vector<16xf32>
          %swap3A_635 = arith.index_cast %add3A_573 : i32 to index
          %swap3A_636 = arith.constant 80 : index
          %swap3A_637 = tpu.vector_load %arg15[%swap3A_635, %swap3A_636] {strides = array<i32>} : memref<80x128xf32, #tpu.memory_space<vmem>>, vector<1x16xf32>,
          %swap3A_638 = vector.shape_cast %swap3A_637 : vector<1x16xf32> to vector<16xf32>
          %swap3A_639 = vector.shape_cast %mul3A_634 : vector<16xf32> to vector<1x16xf32>
          tpu.vector_store %arg15[%swap3A_635, %swap3A_636], %swap3A_639 {strides = array<i32>} : memref<80x128xf32, #tpu.memory_space<vmem>>, vector<1x16xf32>,
          %get3A_640 = arith.index_cast %add3A_573 : i32 to index
          %get3A_641 = arith.constant 96 : index
          %get3A_642 = tpu.vector_load %arg15[%get3A_640, %get3A_641] {strides = array<i32>} : memref<80x128xf32, #tpu.memory_space<vmem>>, vector<1x16xf32>,
          %get3A_643 = vector.shape_cast %get3A_642 : vector<1x16xf32> to vector<16xf32>
          %mul3A_644 = arith.mulf %get3A_643, %get3A_579 : vector<16xf32>
          %swap3A_645 = arith.index_cast %add3A_573 : i32 to index
          %swap3A_646 = arith.constant 96 : index
          %swap3A_647 = tpu.vector_load %arg15[%swap3A_645, %swap3A_646] {strides = array<i32>} : memref<80x128xf32, #tpu.memory_space<vmem>>, vector<1x16xf32>,
          %swap3A_648 = vector.shape_cast %swap3A_647 : vector<1x16xf32> to vector<16xf32>
          %swap3A_649 = vector.shape_cast %mul3A_644 : vector<16xf32> to vector<1x16xf32>
          tpu.vector_store %arg15[%swap3A_645, %swap3A_646], %swap3A_649 {strides = array<i32>} : memref<80x128xf32, #tpu.memory_space<vmem>>, vector<1x16xf32>,
          %get3A_650 = arith.index_cast %add3A_573 : i32 to index
          %get3A_651 = arith.constant 112 : index
          %get3A_652 = tpu.vector_load %arg15[%get3A_650, %get3A_651] {strides = array<i32>} : memref<80x128xf32, #tpu.memory_space<vmem>>, vector<1x16xf32>,
          %get3A_653 = vector.shape_cast %get3A_652 : vector<1x16xf32> to vector<16xf32>
          %mul3A_654 = arith.mulf %get3A_653, %get3A_579 : vector<16xf32>
          %swap3A_655 = arith.index_cast %add3A_573 : i32 to index
          %swap3A_656 = arith.constant 112 : index
          %swap3A_657 = tpu.vector_load %arg15[%swap3A_655, %swap3A_656] {strides = array<i32>} : memref<80x128xf32, #tpu.memory_space<vmem>>, vector<1x16xf32>,
          %swap3A_658 = vector.shape_cast %swap3A_657 : vector<1x16xf32> to vector<16xf32>
          %swap3A_659 = vector.shape_cast %mul3A_654 : vector<16xf32> to vector<1x16xf32>
          tpu.vector_store %arg15[%swap3A_655, %swap3A_656], %swap3A_659 {strides = array<i32>} : memref<80x128xf32, #tpu.memory_space<vmem>>, vector<1x16xf32>,
          %mul3A_660 = arith.constant 16 : i32
          %mul3A_661 = arith.muli %scan3A_121, %mul3A_660 : i32
          %add3A_662 = arith.constant 6 : i32
          %add3A_663 = arith.addi %mul3A_661, %add3A_662 : i32
          %get3A_664 = arith.constant 0 : i32
          %get3A_665 = arith.index_cast %get3A_664 : i32 to index
          %get3A_666 = arith.index_cast %add3A_663 : i32 to index
          %get3A_667 = arith.constant 0 : index
          %get3A_668 = tpu.vector_load %arg14[%get3A_665, %get3A_666, %get3A_667] {strides = array<i32>} : memref<2x80x16xf32, #tpu.memory_space<vmem>>, vector<1x1x16xf32>,
          %get3A_669 = vector.shape_cast %get3A_668 : vector<1x1x16xf32> to vector<16xf32>
          %get3A_670 = arith.index_cast %add3A_663 : i32 to index
          %get3A_671 = arith.constant 0 : index
          %get3A_672 = tpu.vector_load %arg15[%get3A_670, %get3A_671] {strides = array<i32>} : memref<80x128xf32, #tpu.memory_space<vmem>>, vector<1x16xf32>,
          %get3A_673 = vector.shape_cast %get3A_672 : vector<1x16xf32> to vector<16xf32>
          %mul3A_674 = arith.mulf %get3A_673, %get3A_669 : vector<16xf32>
          %swap3A_675 = arith.index_cast %add3A_663 : i32 to index
          %swap3A_676 = arith.constant 0 : index
          %swap3A_677 = tpu.vector_load %arg15[%swap3A_675, %swap3A_676] {strides = array<i32>} : memref<80x128xf32, #tpu.memory_space<vmem>>, vector<1x16xf32>,
          %swap3A_678 = vector.shape_cast %swap3A_677 : vector<1x16xf32> to vector<16xf32>
          %swap3A_679 = vector.shape_cast %mul3A_674 : vector<16xf32> to vector<1x16xf32>
          tpu.vector_store %arg15[%swap3A_675, %swap3A_676], %swap3A_679 {strides = array<i32>} : memref<80x128xf32, #tpu.memory_space<vmem>>, vector<1x16xf32>,
          %get3A_680 = arith.index_cast %add3A_663 : i32 to index
          %get3A_681 = arith.constant 16 : index
          %get3A_682 = tpu.vector_load %arg15[%get3A_680, %get3A_681] {strides = array<i32>} : memref<80x128xf32, #tpu.memory_space<vmem>>, vector<1x16xf32>,
          %get3A_683 = vector.shape_cast %get3A_682 : vector<1x16xf32> to vector<16xf32>
          %mul3A_684 = arith.mulf %get3A_683, %get3A_669 : vector<16xf32>
          %swap3A_685 = arith.index_cast %add3A_663 : i32 to index
          %swap3A_686 = arith.constant 16 : index
          %swap3A_687 = tpu.vector_load %arg15[%swap3A_685, %swap3A_686] {strides = array<i32>} : memref<80x128xf32, #tpu.memory_space<vmem>>, vector<1x16xf32>,
          %swap3A_688 = vector.shape_cast %swap3A_687 : vector<1x16xf32> to vector<16xf32>
          %swap3A_689 = vector.shape_cast %mul3A_684 : vector<16xf32> to vector<1x16xf32>
          tpu.vector_store %arg15[%swap3A_685, %swap3A_686], %swap3A_689 {strides = array<i32>} : memref<80x128xf32, #tpu.memory_space<vmem>>, vector<1x16xf32>,
          %get3A_690 = arith.index_cast %add3A_663 : i32 to index
          %get3A_691 = arith.constant 32 : index
          %get3A_692 = tpu.vector_load %arg15[%get3A_690, %get3A_691] {strides = array<i32>} : memref<80x128xf32, #tpu.memory_space<vmem>>, vector<1x16xf32>,
          %get3A_693 = vector.shape_cast %get3A_692 : vector<1x16xf32> to vector<16xf32>
          %mul3A_694 = arith.mulf %get3A_693, %get3A_669 : vector<16xf32>
          %swap3A_695 = arith.index_cast %add3A_663 : i32 to index
          %swap3A_696 = arith.constant 32 : index
          %swap3A_697 = tpu.vector_load %arg15[%swap3A_695, %swap3A_696] {strides = array<i32>} : memref<80x128xf32, #tpu.memory_space<vmem>>, vector<1x16xf32>,
          %swap3A_698 = vector.shape_cast %swap3A_697 : vector<1x16xf32> to vector<16xf32>
          %swap3A_699 = vector.shape_cast %mul3A_694 : vector<16xf32> to vector<1x16xf32>
          tpu.vector_store %arg15[%swap3A_695, %swap3A_696], %swap3A_699 {strides = array<i32>} : memref<80x128xf32, #tpu.memory_space<vmem>>, vector<1x16xf32>,
          %get3A_700 = arith.index_cast %add3A_663 : i32 to index
          %get3A_701 = arith.constant 48 : index
          %get3A_702 = tpu.vector_load %arg15[%get3A_700, %get3A_701] {strides = array<i32>} : memref<80x128xf32, #tpu.memory_space<vmem>>, vector<1x16xf32>,
          %get3A_703 = vector.shape_cast %get3A_702 : vector<1x16xf32> to vector<16xf32>
          %mul3A_704 = arith.mulf %get3A_703, %get3A_669 : vector<16xf32>
          %swap3A_705 = arith.index_cast %add3A_663 : i32 to index
          %swap3A_706 = arith.constant 48 : index
          %swap3A_707 = tpu.vector_load %arg15[%swap3A_705, %swap3A_706] {strides = array<i32>} : memref<80x128xf32, #tpu.memory_space<vmem>>, vector<1x16xf32>,
          %swap3A_708 = vector.shape_cast %swap3A_707 : vector<1x16xf32> to vector<16xf32>
          %swap3A_709 = vector.shape_cast %mul3A_704 : vector<16xf32> to vector<1x16xf32>
          tpu.vector_store %arg15[%swap3A_705, %swap3A_706], %swap3A_709 {strides = array<i32>} : memref<80x128xf32, #tpu.memory_space<vmem>>, vector<1x16xf32>,
          %get3A_710 = arith.index_cast %add3A_663 : i32 to index
          %get3A_711 = arith.constant 64 : index
          %get3A_712 = tpu.vector_load %arg15[%get3A_710, %get3A_711] {strides = array<i32>} : memref<80x128xf32, #tpu.memory_space<vmem>>, vector<1x16xf32>,
          %get3A_713 = vector.shape_cast %get3A_712 : vector<1x16xf32> to vector<16xf32>
          %mul3A_714 = arith.mulf %get3A_713, %get3A_669 : vector<16xf32>
          %swap3A_715 = arith.index_cast %add3A_663 : i32 to index
          %swap3A_716 = arith.constant 64 : index
          %swap3A_717 = tpu.vector_load %arg15[%swap3A_715, %swap3A_716] {strides = array<i32>} : memref<80x128xf32, #tpu.memory_space<vmem>>, vector<1x16xf32>,
          %swap3A_718 = vector.shape_cast %swap3A_717 : vector<1x16xf32> to vector<16xf32>
          %swap3A_719 = vector.shape_cast %mul3A_714 : vector<16xf32> to vector<1x16xf32>
          tpu.vector_store %arg15[%swap3A_715, %swap3A_716], %swap3A_719 {strides = array<i32>} : memref<80x128xf32, #tpu.memory_space<vmem>>, vector<1x16xf32>,
          %get3A_720 = arith.index_cast %add3A_663 : i32 to index
          %get3A_721 = arith.constant 80 : index
          %get3A_722 = tpu.vector_load %arg15[%get3A_720, %get3A_721] {strides = array<i32>} : memref<80x128xf32, #tpu.memory_space<vmem>>, vector<1x16xf32>,
          %get3A_723 = vector.shape_cast %get3A_722 : vector<1x16xf32> to vector<16xf32>
          %mul3A_724 = arith.mulf %get3A_723, %get3A_669 : vector<16xf32>
          %swap3A_725 = arith.index_cast %add3A_663 : i32 to index
          %swap3A_726 = arith.constant 80 : index
          %swap3A_727 = tpu.vector_load %arg15[%swap3A_725, %swap3A_726] {strides = array<i32>} : memref<80x128xf32, #tpu.memory_space<vmem>>, vector<1x16xf32>,
          %swap3A_728 = vector.shape_cast %swap3A_727 : vector<1x16xf32> to vector<16xf32>
          %swap3A_729 = vector.shape_cast %mul3A_724 : vector<16xf32> to vector<1x16xf32>
          tpu.vector_store %arg15[%swap3A_725, %swap3A_726], %swap3A_729 {strides = array<i32>} : memref<80x128xf32, #tpu.memory_space<vmem>>, vector<1x16xf32>,
          %get3A_730 = arith.index_cast %add3A_663 : i32 to index
          %get3A_731 = arith.constant 96 : index
          %get3A_732 = tpu.vector_load %arg15[%get3A_730, %get3A_731] {strides = array<i32>} : memref<80x128xf32, #tpu.memory_space<vmem>>, vector<1x16xf32>,
          %get3A_733 = vector.shape_cast %get3A_732 : vector<1x16xf32> to vector<16xf32>
          %mul3A_734 = arith.mulf %get3A_733, %get3A_669 : vector<16xf32>
          %swap3A_735 = arith.index_cast %add3A_663 : i32 to index
          %swap3A_736 = arith.constant 96 : index
          %swap3A_737 = tpu.vector_load %arg15[%swap3A_735, %swap3A_736] {strides = array<i32>} : memref<80x128xf32, #tpu.memory_space<vmem>>, vector<1x16xf32>,
          %swap3A_738 = vector.shape_cast %swap3A_737 : vector<1x16xf32> to vector<16xf32>
          %swap3A_739 = vector.shape_cast %mul3A_734 : vector<16xf32> to vector<1x16xf32>
          tpu.vector_store %arg15[%swap3A_735, %swap3A_736], %swap3A_739 {strides = array<i32>} : memref<80x128xf32, #tpu.memory_space<vmem>>, vector<1x16xf32>,
          %get3A_740 = arith.index_cast %add3A_663 : i32 to index
          %get3A_741 = arith.constant 112 : index
          %get3A_742 = tpu.vector_load %arg15[%get3A_740, %get3A_741] {strides = array<i32>} : memref<80x128xf32, #tpu.memory_space<vmem>>, vector<1x16xf32>,
          %get3A_743 = vector.shape_cast %get3A_742 : vector<1x16xf32> to vector<16xf32>
          %mul3A_744 = arith.mulf %get3A_743, %get3A_669 : vector<16xf32>
          %swap3A_745 = arith.index_cast %add3A_663 : i32 to index
          %swap3A_746 = arith.constant 112 : index
          %swap3A_747 = tpu.vector_load %arg15[%swap3A_745, %swap3A_746] {strides = array<i32>} : memref<80x128xf32, #tpu.memory_space<vmem>>, vector<1x16xf32>,
          %swap3A_748 = vector.shape_cast %swap3A_747 : vector<1x16xf32> to vector<16xf32>
          %swap3A_749 = vector.shape_cast %mul3A_744 : vector<16xf32> to vector<1x16xf32>
          tpu.vector_store %arg15[%swap3A_745, %swap3A_746], %swap3A_749 {strides = array<i32>} : memref<80x128xf32, #tpu.memory_space<vmem>>, vector<1x16xf32>,
          %mul3A_750 = arith.constant 16 : i32
          %mul3A_751 = arith.muli %scan3A_121, %mul3A_750 : i32
          %add3A_752 = arith.constant 7 : i32
          %add3A_753 = arith.addi %mul3A_751, %add3A_752 : i32
          %get3A_754 = arith.constant 0 : i32
          %get3A_755 = arith.index_cast %get3A_754 : i32 to index
          %get3A_756 = arith.index_cast %add3A_753 : i32 to index
          %get3A_757 = arith.constant 0 : index
          %get3A_758 = tpu.vector_load %arg14[%get3A_755, %get3A_756, %get3A_757] {strides = array<i32>} : memref<2x80x16xf32, #tpu.memory_space<vmem>>, vector<1x1x16xf32>,
          %get3A_759 = vector.shape_cast %get3A_758 : vector<1x1x16xf32> to vector<16xf32>
          %get3A_760 = arith.index_cast %add3A_753 : i32 to index
          %get3A_761 = arith.constant 0 : index
          %get3A_762 = tpu.vector_load %arg15[%get3A_760, %get3A_761] {strides = array<i32>} : memref<80x128xf32, #tpu.memory_space<vmem>>, vector<1x16xf32>,
          %get3A_763 = vector.shape_cast %get3A_762 : vector<1x16xf32> to vector<16xf32>
          %mul3A_764 = arith.mulf %get3A_763, %get3A_759 : vector<16xf32>
          %swap3A_765 = arith.index_cast %add3A_753 : i32 to index
          %swap3A_766 = arith.constant 0 : index
          %swap3A_767 = tpu.vector_load %arg15[%swap3A_765, %swap3A_766] {strides = array<i32>} : memref<80x128xf32, #tpu.memory_space<vmem>>, vector<1x16xf32>,
          %swap3A_768 = vector.shape_cast %swap3A_767 : vector<1x16xf32> to vector<16xf32>
          %swap3A_769 = vector.shape_cast %mul3A_764 : vector<16xf32> to vector<1x16xf32>
          tpu.vector_store %arg15[%swap3A_765, %swap3A_766], %swap3A_769 {strides = array<i32>} : memref<80x128xf32, #tpu.memory_space<vmem>>, vector<1x16xf32>,
          %get3A_770 = arith.index_cast %add3A_753 : i32 to index
          %get3A_771 = arith.constant 16 : index
          %get3A_772 = tpu.vector_load %arg15[%get3A_770, %get3A_771] {strides = array<i32>} : memref<80x128xf32, #tpu.memory_space<vmem>>, vector<1x16xf32>,
          %get3A_773 = vector.shape_cast %get3A_772 : vector<1x16xf32> to vector<16xf32>
          %mul3A_774 = arith.mulf %get3A_773, %get3A_759 : vector<16xf32>
          %swap3A_775 = arith.index_cast %add3A_753 : i32 to index
          %swap3A_776 = arith.constant 16 : index
          %swap3A_777 = tpu.vector_load %arg15[%swap3A_775, %swap3A_776] {strides = array<i32>} : memref<80x128xf32, #tpu.memory_space<vmem>>, vector<1x16xf32>,
          %swap3A_778 = vector.shape_cast %swap3A_777 : vector<1x16xf32> to vector<16xf32>
          %swap3A_779 = vector.shape_cast %mul3A_774 : vector<16xf32> to vector<1x16xf32>
          tpu.vector_store %arg15[%swap3A_775, %swap3A_776], %swap3A_779 {strides = array<i32>} : memref<80x128xf32, #tpu.memory_space<vmem>>, vector<1x16xf32>,
          %get3A_780 = arith.index_cast %add3A_753 : i32 to index
          %get3A_781 = arith.constant 32 : index
          %get3A_782 = tpu.vector_load %arg15[%get3A_780, %get3A_781] {strides = array<i32>} : memref<80x128xf32, #tpu.memory_space<vmem>>, vector<1x16xf32>,
          %get3A_783 = vector.shape_cast %get3A_782 : vector<1x16xf32> to vector<16xf32>
          %mul3A_784 = arith.mulf %get3A_783, %get3A_759 : vector<16xf32>
          %swap3A_785 = arith.index_cast %add3A_753 : i32 to index
          %swap3A_786 = arith.constant 32 : index
          %swap3A_787 = tpu.vector_load %arg15[%swap3A_785, %swap3A_786] {strides = array<i32>} : memref<80x128xf32, #tpu.memory_space<vmem>>, vector<1x16xf32>,
          %swap3A_788 = vector.shape_cast %swap3A_787 : vector<1x16xf32> to vector<16xf32>
          %swap3A_789 = vector.shape_cast %mul3A_784 : vector<16xf32> to vector<1x16xf32>
          tpu.vector_store %arg15[%swap3A_785, %swap3A_786], %swap3A_789 {strides = array<i32>} : memref<80x128xf32, #tpu.memory_space<vmem>>, vector<1x16xf32>,
          %get3A_790 = arith.index_cast %add3A_753 : i32 to index
          %get3A_791 = arith.constant 48 : index
          %get3A_792 = tpu.vector_load %arg15[%get3A_790, %get3A_791] {strides = array<i32>} : memref<80x128xf32, #tpu.memory_space<vmem>>, vector<1x16xf32>,
          %get3A_793 = vector.shape_cast %get3A_792 : vector<1x16xf32> to vector<16xf32>
          %mul3A_794 = arith.mulf %get3A_793, %get3A_759 : vector<16xf32>
          %swap3A_795 = arith.index_cast %add3A_753 : i32 to index
          %swap3A_796 = arith.constant 48 : index
          %swap3A_797 = tpu.vector_load %arg15[%swap3A_795, %swap3A_796] {strides = array<i32>} : memref<80x128xf32, #tpu.memory_space<vmem>>, vector<1x16xf32>,
          %swap3A_798 = vector.shape_cast %swap3A_797 : vector<1x16xf32> to vector<16xf32>
          %swap3A_799 = vector.shape_cast %mul3A_794 : vector<16xf32> to vector<1x16xf32>
          tpu.vector_store %arg15[%swap3A_795, %swap3A_796], %swap3A_799 {strides = array<i32>} : memref<80x128xf32, #tpu.memory_space<vmem>>, vector<1x16xf32>,
          %get3A_800 = arith.index_cast %add3A_753 : i32 to index
          %get3A_801 = arith.constant 64 : index
          %get3A_802 = tpu.vector_load %arg15[%get3A_800, %get3A_801] {strides = array<i32>} : memref<80x128xf32, #tpu.memory_space<vmem>>, vector<1x16xf32>,
          %get3A_803 = vector.shape_cast %get3A_802 : vector<1x16xf32> to vector<16xf32>
          %mul3A_804 = arith.mulf %get3A_803, %get3A_759 : vector<16xf32>
          %swap3A_805 = arith.index_cast %add3A_753 : i32 to index
          %swap3A_806 = arith.constant 64 : index
          %swap3A_807 = tpu.vector_load %arg15[%swap3A_805, %swap3A_806] {strides = array<i32>} : memref<80x128xf32, #tpu.memory_space<vmem>>, vector<1x16xf32>,
          %swap3A_808 = vector.shape_cast %swap3A_807 : vector<1x16xf32> to vector<16xf32>
          %swap3A_809 = vector.shape_cast %mul3A_804 : vector<16xf32> to vector<1x16xf32>
          tpu.vector_store %arg15[%swap3A_805, %swap3A_806], %swap3A_809 {strides = array<i32>} : memref<80x128xf32, #tpu.memory_space<vmem>>, vector<1x16xf32>,
          %get3A_810 = arith.index_cast %add3A_753 : i32 to index
          %get3A_811 = arith.constant 80 : index
          %get3A_812 = tpu.vector_load %arg15[%get3A_810, %get3A_811] {strides = array<i32>} : memref<80x128xf32, #tpu.memory_space<vmem>>, vector<1x16xf32>,
          %get3A_813 = vector.shape_cast %get3A_812 : vector<1x16xf32> to vector<16xf32>
          %mul3A_814 = arith.mulf %get3A_813, %get3A_759 : vector<16xf32>
          %swap3A_815 = arith.index_cast %add3A_753 : i32 to index
          %swap3A_816 = arith.constant 80 : index
          %swap3A_817 = tpu.vector_load %arg15[%swap3A_815, %swap3A_816] {strides = array<i32>} : memref<80x128xf32, #tpu.memory_space<vmem>>, vector<1x16xf32>,
          %swap3A_818 = vector.shape_cast %swap3A_817 : vector<1x16xf32> to vector<16xf32>
          %swap3A_819 = vector.shape_cast %mul3A_814 : vector<16xf32> to vector<1x16xf32>
          tpu.vector_store %arg15[%swap3A_815, %swap3A_816], %swap3A_819 {strides = array<i32>} : memref<80x128xf32, #tpu.memory_space<vmem>>, vector<1x16xf32>,
          %get3A_820 = arith.index_cast %add3A_753 : i32 to index
          %get3A_821 = arith.constant 96 : index
          %get3A_822 = tpu.vector_load %arg15[%get3A_820, %get3A_821] {strides = array<i32>} : memref<80x128xf32, #tpu.memory_space<vmem>>, vector<1x16xf32>,
          %get3A_823 = vector.shape_cast %get3A_822 : vector<1x16xf32> to vector<16xf32>
          %mul3A_824 = arith.mulf %get3A_823, %get3A_759 : vector<16xf32>
          %swap3A_825 = arith.index_cast %add3A_753 : i32 to index
          %swap3A_826 = arith.constant 96 : index
          %swap3A_827 = tpu.vector_load %arg15[%swap3A_825, %swap3A_826] {strides = array<i32>} : memref<80x128xf32, #tpu.memory_space<vmem>>, vector<1x16xf32>,
          %swap3A_828 = vector.shape_cast %swap3A_827 : vector<1x16xf32> to vector<16xf32>
          %swap3A_829 = vector.shape_cast %mul3A_824 : vector<16xf32> to vector<1x16xf32>
          tpu.vector_store %arg15[%swap3A_825, %swap3A_826], %swap3A_829 {strides = array<i32>} : memref<80x128xf32, #tpu.memory_space<vmem>>, vector<1x16xf32>,
          %get3A_830 = arith.index_cast %add3A_753 : i32 to index
          %get3A_831 = arith.constant 112 : index
          %get3A_832 = tpu.vector_load %arg15[%get3A_830, %get3A_831] {strides = array<i32>} : memref<80x128xf32, #tpu.memory_space<vmem>>, vector<1x16xf32>,
          %get3A_833 = vector.shape_cast %get3A_832 : vector<1x16xf32> to vector<16xf32>
          %mul3A_834 = arith.mulf %get3A_833, %get3A_759 : vector<16xf32>
          %swap3A_835 = arith.index_cast %add3A_753 : i32 to index
          %swap3A_836 = arith.constant 112 : index
          %swap3A_837 = tpu.vector_load %arg15[%swap3A_835, %swap3A_836] {strides = array<i32>} : memref<80x128xf32, #tpu.memory_space<vmem>>, vector<1x16xf32>,
          %swap3A_838 = vector.shape_cast %swap3A_837 : vector<1x16xf32> to vector<16xf32>
          %swap3A_839 = vector.shape_cast %mul3A_834 : vector<16xf32> to vector<1x16xf32>
          tpu.vector_store %arg15[%swap3A_835, %swap3A_836], %swap3A_839 {strides = array<i32>} : memref<80x128xf32, #tpu.memory_space<vmem>>, vector<1x16xf32>,
          %mul3A_840 = arith.constant 16 : i32
          %mul3A_841 = arith.muli %scan3A_121, %mul3A_840 : i32
          %add3A_842 = arith.constant 8 : i32
          %add3A_843 = arith.addi %mul3A_841, %add3A_842 : i32
          %get3A_844 = arith.constant 0 : i32
          %get3A_845 = arith.index_cast %get3A_844 : i32 to index
          %get3A_846 = arith.index_cast %add3A_843 : i32 to index
          %get3A_847 = arith.constant 0 : index
          %get3A_848 = tpu.vector_load %arg14[%get3A_845, %get3A_846, %get3A_847] {strides = array<i32>} : memref<2x80x16xf32, #tpu.memory_space<vmem>>, vector<1x1x16xf32>,
          %get3A_849 = vector.shape_cast %get3A_848 : vector<1x1x16xf32> to vector<16xf32>
          %get3A_850 = arith.index_cast %add3A_843 : i32 to index
          %get3A_851 = arith.constant 0 : index
          %get3A_852 = tpu.vector_load %arg15[%get3A_850, %get3A_851] {strides = array<i32>} : memref<80x128xf32, #tpu.memory_space<vmem>>, vector<1x16xf32>,
          %get3A_853 = vector.shape_cast %get3A_852 : vector<1x16xf32> to vector<16xf32>
          %mul3A_854 = arith.mulf %get3A_853, %get3A_849 : vector<16xf32>
          %swap3A_855 = arith.index_cast %add3A_843 : i32 to index
          %swap3A_856 = arith.constant 0 : index
          %swap3A_857 = tpu.vector_load %arg15[%swap3A_855, %swap3A_856] {strides = array<i32>} : memref<80x128xf32, #tpu.memory_space<vmem>>, vector<1x16xf32>,
          %swap3A_858 = vector.shape_cast %swap3A_857 : vector<1x16xf32> to vector<16xf32>
          %swap3A_859 = vector.shape_cast %mul3A_854 : vector<16xf32> to vector<1x16xf32>
          tpu.vector_store %arg15[%swap3A_855, %swap3A_856], %swap3A_859 {strides = array<i32>} : memref<80x128xf32, #tpu.memory_space<vmem>>, vector<1x16xf32>,
          %get3A_860 = arith.index_cast %add3A_843 : i32 to index
          %get3A_861 = arith.constant 16 : index
          %get3A_862 = tpu.vector_load %arg15[%get3A_860, %get3A_861] {strides = array<i32>} : memref<80x128xf32, #tpu.memory_space<vmem>>, vector<1x16xf32>,
          %get3A_863 = vector.shape_cast %get3A_862 : vector<1x16xf32> to vector<16xf32>
          %mul3A_864 = arith.mulf %get3A_863, %get3A_849 : vector<16xf32>
          %swap3A_865 = arith.index_cast %add3A_843 : i32 to index
          %swap3A_866 = arith.constant 16 : index
          %swap3A_867 = tpu.vector_load %arg15[%swap3A_865, %swap3A_866] {strides = array<i32>} : memref<80x128xf32, #tpu.memory_space<vmem>>, vector<1x16xf32>,
          %swap3A_868 = vector.shape_cast %swap3A_867 : vector<1x16xf32> to vector<16xf32>
          %swap3A_869 = vector.shape_cast %mul3A_864 : vector<16xf32> to vector<1x16xf32>
          tpu.vector_store %arg15[%swap3A_865, %swap3A_866], %swap3A_869 {strides = array<i32>} : memref<80x128xf32, #tpu.memory_space<vmem>>, vector<1x16xf32>,
          %get3A_870 = arith.index_cast %add3A_843 : i32 to index
          %get3A_871 = arith.constant 32 : index
          %get3A_872 = tpu.vector_load %arg15[%get3A_870, %get3A_871] {strides = array<i32>} : memref<80x128xf32, #tpu.memory_space<vmem>>, vector<1x16xf32>,
          %get3A_873 = vector.shape_cast %get3A_872 : vector<1x16xf32> to vector<16xf32>
          %mul3A_874 = arith.mulf %get3A_873, %get3A_849 : vector<16xf32>
          %swap3A_875 = arith.index_cast %add3A_843 : i32 to index
          %swap3A_876 = arith.constant 32 : index
          %swap3A_877 = tpu.vector_load %arg15[%swap3A_875, %swap3A_876] {strides = array<i32>} : memref<80x128xf32, #tpu.memory_space<vmem>>, vector<1x16xf32>,
          %swap3A_878 = vector.shape_cast %swap3A_877 : vector<1x16xf32> to vector<16xf32>
          %swap3A_879 = vector.shape_cast %mul3A_874 : vector<16xf32> to vector<1x16xf32>
          tpu.vector_store %arg15[%swap3A_875, %swap3A_876], %swap3A_879 {strides = array<i32>} : memref<80x128xf32, #tpu.memory_space<vmem>>, vector<1x16xf32>,
          %get3A_880 = arith.index_cast %add3A_843 : i32 to index
          %get3A_881 = arith.constant 48 : index
          %get3A_882 = tpu.vector_load %arg15[%get3A_880, %get3A_881] {strides = array<i32>} : memref<80x128xf32, #tpu.memory_space<vmem>>, vector<1x16xf32>,
          %get3A_883 = vector.shape_cast %get3A_882 : vector<1x16xf32> to vector<16xf32>
          %mul3A_884 = arith.mulf %get3A_883, %get3A_849 : vector<16xf32>
          %swap3A_885 = arith.index_cast %add3A_843 : i32 to index
          %swap3A_886 = arith.constant 48 : index
          %swap3A_887 = tpu.vector_load %arg15[%swap3A_885, %swap3A_886] {strides = array<i32>} : memref<80x128xf32, #tpu.memory_space<vmem>>, vector<1x16xf32>,
          %swap3A_888 = vector.shape_cast %swap3A_887 : vector<1x16xf32> to vector<16xf32>
          %swap3A_889 = vector.shape_cast %mul3A_884 : vector<16xf32> to vector<1x16xf32>
          tpu.vector_store %arg15[%swap3A_885, %swap3A_886], %swap3A_889 {strides = array<i32>} : memref<80x128xf32, #tpu.memory_space<vmem>>, vector<1x16xf32>,
          %get3A_890 = arith.index_cast %add3A_843 : i32 to index
          %get3A_891 = arith.constant 64 : index
          %get3A_892 = tpu.vector_load %arg15[%get3A_890, %get3A_891] {strides = array<i32>} : memref<80x128xf32, #tpu.memory_space<vmem>>, vector<1x16xf32>,
          %get3A_893 = vector.shape_cast %get3A_892 : vector<1x16xf32> to vector<16xf32>
          %mul3A_894 = arith.mulf %get3A_893, %get3A_849 : vector<16xf32>
          %swap3A_895 = arith.index_cast %add3A_843 : i32 to index
          %swap3A_896 = arith.constant 64 : index
          %swap3A_897 = tpu.vector_load %arg15[%swap3A_895, %swap3A_896] {strides = array<i32>} : memref<80x128xf32, #tpu.memory_space<vmem>>, vector<1x16xf32>,
          %swap3A_898 = vector.shape_cast %swap3A_897 : vector<1x16xf32> to vector<16xf32>
          %swap3A_899 = vector.shape_cast %mul3A_894 : vector<16xf32> to vector<1x16xf32>
          tpu.vector_store %arg15[%swap3A_895, %swap3A_896], %swap3A_899 {strides = array<i32>} : memref<80x128xf32, #tpu.memory_space<vmem>>, vector<1x16xf32>,
          %get3A_900 = arith.index_cast %add3A_843 : i32 to index
          %get3A_901 = arith.constant 80 : index
          %get3A_902 = tpu.vector_load %arg15[%get3A_900, %get3A_901] {strides = array<i32>} : memref<80x128xf32, #tpu.memory_space<vmem>>, vector<1x16xf32>,
          %get3A_903 = vector.shape_cast %get3A_902 : vector<1x16xf32> to vector<16xf32>
          %mul3A_904 = arith.mulf %get3A_903, %get3A_849 : vector<16xf32>
          %swap3A_905 = arith.index_cast %add3A_843 : i32 to index
          %swap3A_906 = arith.constant 80 : index
          %swap3A_907 = tpu.vector_load %arg15[%swap3A_905, %swap3A_906] {strides = array<i32>} : memref<80x128xf32, #tpu.memory_space<vmem>>, vector<1x16xf32>,
          %swap3A_908 = vector.shape_cast %swap3A_907 : vector<1x16xf32> to vector<16xf32>
          %swap3A_909 = vector.shape_cast %mul3A_904 : vector<16xf32> to vector<1x16xf32>
          tpu.vector_store %arg15[%swap3A_905, %swap3A_906], %swap3A_909 {strides = array<i32>} : memref<80x128xf32, #tpu.memory_space<vmem>>, vector<1x16xf32>,
          %get3A_910 = arith.index_cast %add3A_843 : i32 to index
          %get3A_911 = arith.constant 96 : index
          %get3A_912 = tpu.vector_load %arg15[%get3A_910, %get3A_911] {strides = array<i32>} : memref<80x128xf32, #tpu.memory_space<vmem>>, vector<1x16xf32>,
          %get3A_913 = vector.shape_cast %get3A_912 : vector<1x16xf32> to vector<16xf32>
          %mul3A_914 = arith.mulf %get3A_913, %get3A_849 : vector<16xf32>
          %swap3A_915 = arith.index_cast %add3A_843 : i32 to index
          %swap3A_916 = arith.constant 96 : index
          %swap3A_917 = tpu.vector_load %arg15[%swap3A_915, %swap3A_916] {strides = array<i32>} : memref<80x128xf32, #tpu.memory_space<vmem>>, vector<1x16xf32>,
          %swap3A_918 = vector.shape_cast %swap3A_917 : vector<1x16xf32> to vector<16xf32>
          %swap3A_919 = vector.shape_cast %mul3A_914 : vector<16xf32> to vector<1x16xf32>
          tpu.vector_store %arg15[%swap3A_915, %swap3A_916], %swap3A_919 {strides = array<i32>} : memref<80x128xf32, #tpu.memory_space<vmem>>, vector<1x16xf32>,
          %get3A_920 = arith.index_cast %add3A_843 : i32 to index
          %get3A_921 = arith.constant 112 : index
          %get3A_922 = tpu.vector_load %arg15[%get3A_920, %get3A_921] {strides = array<i32>} : memref<80x128xf32, #tpu.memory_space<vmem>>, vector<1x16xf32>,
          %get3A_923 = vector.shape_cast %get3A_922 : vector<1x16xf32> to vector<16xf32>
          %mul3A_924 = arith.mulf %get3A_923, %get3A_849 : vector<16xf32>
          %swap3A_925 = arith.index_cast %add3A_843 : i32 to index
          %swap3A_926 = arith.constant 112 : index
          %swap3A_927 = tpu.vector_load %arg15[%swap3A_925, %swap3A_926] {strides = array<i32>} : memref<80x128xf32, #tpu.memory_space<vmem>>, vector<1x16xf32>,
          %swap3A_928 = vector.shape_cast %swap3A_927 : vector<1x16xf32> to vector<16xf32>
          %swap3A_929 = vector.shape_cast %mul3A_924 : vector<16xf32> to vector<1x16xf32>
          tpu.vector_store %arg15[%swap3A_925, %swap3A_926], %swap3A_929 {strides = array<i32>} : memref<80x128xf32, #tpu.memory_space<vmem>>, vector<1x16xf32>,
          %mul3A_930 = arith.constant 16 : i32
          %mul3A_931 = arith.muli %scan3A_121, %mul3A_930 : i32
          %add3A_932 = arith.constant 9 : i32
          %add3A_933 = arith.addi %mul3A_931, %add3A_932 : i32
          %get3A_934 = arith.constant 0 : i32
          %get3A_935 = arith.index_cast %get3A_934 : i32 to index
          %get3A_936 = arith.index_cast %add3A_933 : i32 to index
          %get3A_937 = arith.constant 0 : index
          %get3A_938 = tpu.vector_load %arg14[%get3A_935, %get3A_936, %get3A_937] {strides = array<i32>} : memref<2x80x16xf32, #tpu.memory_space<vmem>>, vector<1x1x16xf32>,
          %get3A_939 = vector.shape_cast %get3A_938 : vector<1x1x16xf32> to vector<16xf32>
          %get3A_940 = arith.index_cast %add3A_933 : i32 to index
          %get3A_941 = arith.constant 0 : index
          %get3A_942 = tpu.vector_load %arg15[%get3A_940, %get3A_941] {strides = array<i32>} : memref<80x128xf32, #tpu.memory_space<vmem>>, vector<1x16xf32>,
          %get3A_943 = vector.shape_cast %get3A_942 : vector<1x16xf32> to vector<16xf32>
          %mul3A_944 = arith.mulf %get3A_943, %get3A_939 : vector<16xf32>
          %swap3A_945 = arith.index_cast %add3A_933 : i32 to index
          %swap3A_946 = arith.constant 0 : index
          %swap3A_947 = tpu.vector_load %arg15[%swap3A_945, %swap3A_946] {strides = array<i32>} : memref<80x128xf32, #tpu.memory_space<vmem>>, vector<1x16xf32>,
          %swap3A_948 = vector.shape_cast %swap3A_947 : vector<1x16xf32> to vector<16xf32>
          %swap3A_949 = vector.shape_cast %mul3A_944 : vector<16xf32> to vector<1x16xf32>
          tpu.vector_store %arg15[%swap3A_945, %swap3A_946], %swap3A_949 {strides = array<i32>} : memref<80x128xf32, #tpu.memory_space<vmem>>, vector<1x16xf32>,
          %get3A_950 = arith.index_cast %add3A_933 : i32 to index
          %get3A_951 = arith.constant 16 : index
          %get3A_952 = tpu.vector_load %arg15[%get3A_950, %get3A_951] {strides = array<i32>} : memref<80x128xf32, #tpu.memory_space<vmem>>, vector<1x16xf32>,
          %get3A_953 = vector.shape_cast %get3A_952 : vector<1x16xf32> to vector<16xf32>
          %mul3A_954 = arith.mulf %get3A_953, %get3A_939 : vector<16xf32>
          %swap3A_955 = arith.index_cast %add3A_933 : i32 to index
          %swap3A_956 = arith.constant 16 : index
          %swap3A_957 = tpu.vector_load %arg15[%swap3A_955, %swap3A_956] {strides = array<i32>} : memref<80x128xf32, #tpu.memory_space<vmem>>, vector<1x16xf32>,
          %swap3A_958 = vector.shape_cast %swap3A_957 : vector<1x16xf32> to vector<16xf32>
          %swap3A_959 = vector.shape_cast %mul3A_954 : vector<16xf32> to vector<1x16xf32>
          tpu.vector_store %arg15[%swap3A_955, %swap3A_956], %swap3A_959 {strides = array<i32>} : memref<80x128xf32, #tpu.memory_space<vmem>>, vector<1x16xf32>,
          %get3A_960 = arith.index_cast %add3A_933 : i32 to index
          %get3A_961 = arith.constant 32 : index
          %get3A_962 = tpu.vector_load %arg15[%get3A_960, %get3A_961] {strides = array<i32>} : memref<80x128xf32, #tpu.memory_space<vmem>>, vector<1x16xf32>,
          %get3A_963 = vector.shape_cast %get3A_962 : vector<1x16xf32> to vector<16xf32>
          %mul3A_964 = arith.mulf %get3A_963, %get3A_939 : vector<16xf32>
          %swap3A_965 = arith.index_cast %add3A_933 : i32 to index
          %swap3A_966 = arith.constant 32 : index
          %swap3A_967 = tpu.vector_load %arg15[%swap3A_965, %swap3A_966] {strides = array<i32>} : memref<80x128xf32, #tpu.memory_space<vmem>>, vector<1x16xf32>,
          %swap3A_968 = vector.shape_cast %swap3A_967 : vector<1x16xf32> to vector<16xf32>
          %swap3A_969 = vector.shape_cast %mul3A_964 : vector<16xf32> to vector<1x16xf32>
          tpu.vector_store %arg15[%swap3A_965, %swap3A_966], %swap3A_969 {strides = array<i32>} : memref<80x128xf32, #tpu.memory_space<vmem>>, vector<1x16xf32>,
          %get3A_970 = arith.index_cast %add3A_933 : i32 to index
          %get3A_971 = arith.constant 48 : index
          %get3A_972 = tpu.vector_load %arg15[%get3A_970, %get3A_971] {strides = array<i32>} : memref<80x128xf32, #tpu.memory_space<vmem>>, vector<1x16xf32>,
          %get3A_973 = vector.shape_cast %get3A_972 : vector<1x16xf32> to vector<16xf32>
          %mul3A_974 = arith.mulf %get3A_973, %get3A_939 : vector<16xf32>
          %swap3A_975 = arith.index_cast %add3A_933 : i32 to index
          %swap3A_976 = arith.constant 48 : index
          %swap3A_977 = tpu.vector_load %arg15[%swap3A_975, %swap3A_976] {strides = array<i32>} : memref<80x128xf32, #tpu.memory_space<vmem>>, vector<1x16xf32>,
          %swap3A_978 = vector.shape_cast %swap3A_977 : vector<1x16xf32> to vector<16xf32>
          %swap3A_979 = vector.shape_cast %mul3A_974 : vector<16xf32> to vector<1x16xf32>
          tpu.vector_store %arg15[%swap3A_975, %swap3A_976], %swap3A_979 {strides = array<i32>} : memref<80x128xf32, #tpu.memory_space<vmem>>, vector<1x16xf32>,
          %get3A_980 = arith.index_cast %add3A_933 : i32 to index
          %get3A_981 = arith.constant 64 : index
          %get3A_982 = tpu.vector_load %arg15[%get3A_980, %get3A_981] {strides = array<i32>} : memref<80x128xf32, #tpu.memory_space<vmem>>, vector<1x16xf32>,
          %get3A_983 = vector.shape_cast %get3A_982 : vector<1x16xf32> to vector<16xf32>
          %mul3A_984 = arith.mulf %get3A_983, %get3A_939 : vector<16xf32>
          %swap3A_985 = arith.index_cast %add3A_933 : i32 to index
          %swap3A_986 = arith.constant 64 : index
          %swap3A_987 = tpu.vector_load %arg15[%swap3A_985, %swap3A_986] {strides = array<i32>} : memref<80x128xf32, #tpu.memory_space<vmem>>, vector<1x16xf32>,
          %swap3A_988 = vector.shape_cast %swap3A_987 : vector<1x16xf32> to vector<16xf32>
          %swap3A_989 = vector.shape_cast %mul3A_984 : vector<16xf32> to vector<1x16xf32>
          tpu.vector_store %arg15[%swap3A_985, %swap3A_986], %swap3A_989 {strides = array<i32>} : memref<80x128xf32, #tpu.memory_space<vmem>>, vector<1x16xf32>,
          %get3A_990 = arith.index_cast %add3A_933 : i32 to index
          %get3A_991 = arith.constant 80 : index
          %get3A_992 = tpu.vector_load %arg15[%get3A_990, %get3A_991] {strides = array<i32>} : memref<80x128xf32, #tpu.memory_space<vmem>>, vector<1x16xf32>,
          %get3A_993 = vector.shape_cast %get3A_992 : vector<1x16xf32> to vector<16xf32>
          %mul3A_994 = arith.mulf %get3A_993, %get3A_939 : vector<16xf32>
          %swap3A_995 = arith.index_cast %add3A_933 : i32 to index
          %swap3A_996 = arith.constant 80 : index
          %swap3A_997 = tpu.vector_load %arg15[%swap3A_995, %swap3A_996] {strides = array<i32>} : memref<80x128xf32, #tpu.memory_space<vmem>>, vector<1x16xf32>,
          %swap3A_998 = vector.shape_cast %swap3A_997 : vector<1x16xf32> to vector<16xf32>
          %swap3A_999 = vector.shape_cast %mul3A_994 : vector<16xf32> to vector<1x16xf32>
          tpu.vector_store %arg15[%swap3A_995, %swap3A_996], %swap3A_999 {strides = array<i32>} : memref<80x128xf32, #tpu.memory_space<vmem>>, vector<1x16xf32>,
          %get3A_1000 = arith.index_cast %add3A_933 : i32 to index
          %get3A_1001 = arith.constant 96 : index
          %get3A_1002 = tpu.vector_load %arg15[%get3A_1000, %get3A_1001] {strides = array<i32>} : memref<80x128xf32, #tpu.memory_space<vmem>>, vector<1x16xf32>,
          %get3A_1003 = vector.shape_cast %get3A_1002 : vector<1x16xf32> to vector<16xf32>
          %mul3A_1004 = arith.mulf %get3A_1003, %get3A_939 : vector<16xf32>
          %swap3A_1005 = arith.index_cast %add3A_933 : i32 to index
          %swap3A_1006 = arith.constant 96 : index
          %swap3A_1007 = tpu.vector_load %arg15[%swap3A_1005, %swap3A_1006] {strides = array<i32>} : memref<80x128xf32, #tpu.memory_space<vmem>>, vector<1x16xf32>,
          %swap3A_1008 = vector.shape_cast %swap3A_1007 : vector<1x16xf32> to vector<16xf32>
          %swap3A_1009 = vector.shape_cast %mul3A_1004 : vector<16xf32> to vector<1x16xf32>
          tpu.vector_store %arg15[%swap3A_1005, %swap3A_1006], %swap3A_1009 {strides = array<i32>} : memref<80x128xf32, #tpu.memory_space<vmem>>, vector<1x16xf32>,
          %get3A_1010 = arith.index_cast %add3A_933 : i32 to index
          %get3A_1011 = arith.constant 112 : index
          %get3A_1012 = tpu.vector_load %arg15[%get3A_1010, %get3A_1011] {strides = array<i32>} : memref<80x128xf32, #tpu.memory_space<vmem>>, vector<1x16xf32>,
          %get3A_1013 = vector.shape_cast %get3A_1012 : vector<1x16xf32> to vector<16xf32>
          %mul3A_1014 = arith.mulf %get3A_1013, %get3A_939 : vector<16xf32>
          %swap3A_1015 = arith.index_cast %add3A_933 : i32 to index
          %swap3A_1016 = arith.constant 112 : index
          %swap3A_1017 = tpu.vector_load %arg15[%swap3A_1015, %swap3A_1016] {strides = array<i32>} : memref<80x128xf32, #tpu.memory_space<vmem>>, vector<1x16xf32>,
          %swap3A_1018 = vector.shape_cast %swap3A_1017 : vector<1x16xf32> to vector<16xf32>
          %swap3A_1019 = vector.shape_cast %mul3A_1014 : vector<16xf32> to vector<1x16xf32>
          tpu.vector_store %arg15[%swap3A_1015, %swap3A_1016], %swap3A_1019 {strides = array<i32>} : memref<80x128xf32, #tpu.memory_space<vmem>>, vector<1x16xf32>,
          %mul3A_1020 = arith.constant 16 : i32
          %mul3A_1021 = arith.muli %scan3A_121, %mul3A_1020 : i32
          %add3A_1022 = arith.constant 10 : i32
          %add3A_1023 = arith.addi %mul3A_1021, %add3A_1022 : i32
          %get3A_1024 = arith.constant 0 : i32
          %get3A_1025 = arith.index_cast %get3A_1024 : i32 to index
          %get3A_1026 = arith.index_cast %add3A_1023 : i32 to index
          %get3A_1027 = arith.constant 0 : index
          %get3A_1028 = tpu.vector_load %arg14[%get3A_1025, %get3A_1026, %get3A_1027] {strides = array<i32>} : memref<2x80x16xf32, #tpu.memory_space<vmem>>, vector<1x1x16xf32>,
          %get3A_1029 = vector.shape_cast %get3A_1028 : vector<1x1x16xf32> to vector<16xf32>
          %get3A_1030 = arith.index_cast %add3A_1023 : i32 to index
          %get3A_1031 = arith.constant 0 : index
          %get3A_1032 = tpu.vector_load %arg15[%get3A_1030, %get3A_1031] {strides = array<i32>} : memref<80x128xf32, #tpu.memory_space<vmem>>, vector<1x16xf32>,
          %get3A_1033 = vector.shape_cast %get3A_1032 : vector<1x16xf32> to vector<16xf32>
          %mul3A_1034 = arith.mulf %get3A_1033, %get3A_1029 : vector<16xf32>
          %swap3A_1035 = arith.index_cast %add3A_1023 : i32 to index
          %swap3A_1036 = arith.constant 0 : index
          %swap3A_1037 = tpu.vector_load %arg15[%swap3A_1035, %swap3A_1036] {strides = array<i32>} : memref<80x128xf32, #tpu.memory_space<vmem>>, vector<1x16xf32>,
          %swap3A_1038 = vector.shape_cast %swap3A_1037 : vector<1x16xf32> to vector<16xf32>
          %swap3A_1039 = vector.shape_cast %mul3A_1034 : vector<16xf32> to vector<1x16xf32>
          tpu.vector_store %arg15[%swap3A_1035, %swap3A_1036], %swap3A_1039 {strides = array<i32>} : memref<80x128xf32, #tpu.memory_space<vmem>>, vector<1x16xf32>,
          %get3A_1040 = arith.index_cast %add3A_1023 : i32 to index
          %get3A_1041 = arith.constant 16 : index
          %get3A_1042 = tpu.vector_load %arg15[%get3A_1040, %get3A_1041] {strides = array<i32>} : memref<80x128xf32, #tpu.memory_space<vmem>>, vector<1x16xf32>,
          %get3A_1043 = vector.shape_cast %get3A_1042 : vector<1x16xf32> to vector<16xf32>
          %mul3A_1044 = arith.mulf %get3A_1043, %get3A_1029 : vector<16xf32>
          %swap3A_1045 = arith.index_cast %add3A_1023 : i32 to index
          %swap3A_1046 = arith.constant 16 : index
          %swap3A_1047 = tpu.vector_load %arg15[%swap3A_1045, %swap3A_1046] {strides = array<i32>} : memref<80x128xf32, #tpu.memory_space<vmem>>, vector<1x16xf32>,
          %swap3A_1048 = vector.shape_cast %swap3A_1047 : vector<1x16xf32> to vector<16xf32>
          %swap3A_1049 = vector.shape_cast %mul3A_1044 : vector<16xf32> to vector<1x16xf32>
          tpu.vector_store %arg15[%swap3A_1045, %swap3A_1046], %swap3A_1049 {strides = array<i32>} : memref<80x128xf32, #tpu.memory_space<vmem>>, vector<1x16xf32>,
          %get3A_1050 = arith.index_cast %add3A_1023 : i32 to index
          %get3A_1051 = arith.constant 32 : index
          %get3A_1052 = tpu.vector_load %arg15[%get3A_1050, %get3A_1051] {strides = array<i32>} : memref<80x128xf32, #tpu.memory_space<vmem>>, vector<1x16xf32>,
          %get3A_1053 = vector.shape_cast %get3A_1052 : vector<1x16xf32> to vector<16xf32>
          %mul3A_1054 = arith.mulf %get3A_1053, %get3A_1029 : vector<16xf32>
          %swap3A_1055 = arith.index_cast %add3A_1023 : i32 to index
          %swap3A_1056 = arith.constant 32 : index
          %swap3A_1057 = tpu.vector_load %arg15[%swap3A_1055, %swap3A_1056] {strides = array<i32>} : memref<80x128xf32, #tpu.memory_space<vmem>>, vector<1x16xf32>,
          %swap3A_1058 = vector.shape_cast %swap3A_1057 : vector<1x16xf32> to vector<16xf32>
          %swap3A_1059 = vector.shape_cast %mul3A_1054 : vector<16xf32> to vector<1x16xf32>
          tpu.vector_store %arg15[%swap3A_1055, %swap3A_1056], %swap3A_1059 {strides = array<i32>} : memref<80x128xf32, #tpu.memory_space<vmem>>, vector<1x16xf32>,
          %get3A_1060 = arith.index_cast %add3A_1023 : i32 to index
          %get3A_1061 = arith.constant 48 : index
          %get3A_1062 = tpu.vector_load %arg15[%get3A_1060, %get3A_1061] {strides = array<i32>} : memref<80x128xf32, #tpu.memory_space<vmem>>, vector<1x16xf32>,
          %get3A_1063 = vector.shape_cast %get3A_1062 : vector<1x16xf32> to vector<16xf32>
          %mul3A_1064 = arith.mulf %get3A_1063, %get3A_1029 : vector<16xf32>
          %swap3A_1065 = arith.index_cast %add3A_1023 : i32 to index
          %swap3A_1066 = arith.constant 48 : index
          %swap3A_1067 = tpu.vector_load %arg15[%swap3A_1065, %swap3A_1066] {strides = array<i32>} : memref<80x128xf32, #tpu.memory_space<vmem>>, vector<1x16xf32>,
          %swap3A_1068 = vector.shape_cast %swap3A_1067 : vector<1x16xf32> to vector<16xf32>
          %swap3A_1069 = vector.shape_cast %mul3A_1064 : vector<16xf32> to vector<1x16xf32>
          tpu.vector_store %arg15[%swap3A_1065, %swap3A_1066], %swap3A_1069 {strides = array<i32>} : memref<80x128xf32, #tpu.memory_space<vmem>>, vector<1x16xf32>,
          %get3A_1070 = arith.index_cast %add3A_1023 : i32 to index
          %get3A_1071 = arith.constant 64 : index
          %get3A_1072 = tpu.vector_load %arg15[%get3A_1070, %get3A_1071] {strides = array<i32>} : memref<80x128xf32, #tpu.memory_space<vmem>>, vector<1x16xf32>,
          %get3A_1073 = vector.shape_cast %get3A_1072 : vector<1x16xf32> to vector<16xf32>
          %mul3A_1074 = arith.mulf %get3A_1073, %get3A_1029 : vector<16xf32>
          %swap3A_1075 = arith.index_cast %add3A_1023 : i32 to index
          %swap3A_1076 = arith.constant 64 : index
          %swap3A_1077 = tpu.vector_load %arg15[%swap3A_1075, %swap3A_1076] {strides = array<i32>} : memref<80x128xf32, #tpu.memory_space<vmem>>, vector<1x16xf32>,
          %swap3A_1078 = vector.shape_cast %swap3A_1077 : vector<1x16xf32> to vector<16xf32>
          %swap3A_1079 = vector.shape_cast %mul3A_1074 : vector<16xf32> to vector<1x16xf32>
          tpu.vector_store %arg15[%swap3A_1075, %swap3A_1076], %swap3A_1079 {strides = array<i32>} : memref<80x128xf32, #tpu.memory_space<vmem>>, vector<1x16xf32>,
          %get3A_1080 = arith.index_cast %add3A_1023 : i32 to index
          %get3A_1081 = arith.constant 80 : index
          %get3A_1082 = tpu.vector_load %arg15[%get3A_1080, %get3A_1081] {strides = array<i32>} : memref<80x128xf32, #tpu.memory_space<vmem>>, vector<1x16xf32>,
          %get3A_1083 = vector.shape_cast %get3A_1082 : vector<1x16xf32> to vector<16xf32>
          %mul3A_1084 = arith.mulf %get3A_1083, %get3A_1029 : vector<16xf32>
          %swap3A_1085 = arith.index_cast %add3A_1023 : i32 to index
          %swap3A_1086 = arith.constant 80 : index
          %swap3A_1087 = tpu.vector_load %arg15[%swap3A_1085, %swap3A_1086] {strides = array<i32>} : memref<80x128xf32, #tpu.memory_space<vmem>>, vector<1x16xf32>,
          %swap3A_1088 = vector.shape_cast %swap3A_1087 : vector<1x16xf32> to vector<16xf32>
          %swap3A_1089 = vector.shape_cast %mul3A_1084 : vector<16xf32> to vector<1x16xf32>
          tpu.vector_store %arg15[%swap3A_1085, %swap3A_1086], %swap3A_1089 {strides = array<i32>} : memref<80x128xf32, #tpu.memory_space<vmem>>, vector<1x16xf32>,
          %get3A_1090 = arith.index_cast %add3A_1023 : i32 to index
          %get3A_1091 = arith.constant 96 : index
          %get3A_1092 = tpu.vector_load %arg15[%get3A_1090, %get3A_1091] {strides = array<i32>} : memref<80x128xf32, #tpu.memory_space<vmem>>, vector<1x16xf32>,
          %get3A_1093 = vector.shape_cast %get3A_1092 : vector<1x16xf32> to vector<16xf32>
          %mul3A_1094 = arith.mulf %get3A_1093, %get3A_1029 : vector<16xf32>
          %swap3A_1095 = arith.index_cast %add3A_1023 : i32 to index
          %swap3A_1096 = arith.constant 96 : index
          %swap3A_1097 = tpu.vector_load %arg15[%swap3A_1095, %swap3A_1096] {strides = array<i32>} : memref<80x128xf32, #tpu.memory_space<vmem>>, vector<1x16xf32>,
          %swap3A_1098 = vector.shape_cast %swap3A_1097 : vector<1x16xf32> to vector<16xf32>
          %swap3A_1099 = vector.shape_cast %mul3A_1094 : vector<16xf32> to vector<1x16xf32>
          tpu.vector_store %arg15[%swap3A_1095, %swap3A_1096], %swap3A_1099 {strides = array<i32>} : memref<80x128xf32, #tpu.memory_space<vmem>>, vector<1x16xf32>,
          %get3A_1100 = arith.index_cast %add3A_1023 : i32 to index
          %get3A_1101 = arith.constant 112 : index
          %get3A_1102 = tpu.vector_load %arg15[%get3A_1100, %get3A_1101] {strides = array<i32>} : memref<80x128xf32, #tpu.memory_space<vmem>>, vector<1x16xf32>,
          %get3A_1103 = vector.shape_cast %get3A_1102 : vector<1x16xf32> to vector<16xf32>
          %mul3A_1104 = arith.mulf %get3A_1103, %get3A_1029 : vector<16xf32>
          %swap3A_1105 = arith.index_cast %add3A_1023 : i32 to index
          %swap3A_1106 = arith.constant 112 : index
          %swap3A_1107 = tpu.vector_load %arg15[%swap3A_1105, %swap3A_1106] {strides = array<i32>} : memref<80x128xf32, #tpu.memory_space<vmem>>, vector<1x16xf32>,
          %swap3A_1108 = vector.shape_cast %swap3A_1107 : vector<1x16xf32> to vector<16xf32>
          %swap3A_1109 = vector.shape_cast %mul3A_1104 : vector<16xf32> to vector<1x16xf32>
          tpu.vector_store %arg15[%swap3A_1105, %swap3A_1106], %swap3A_1109 {strides = array<i32>} : memref<80x128xf32, #tpu.memory_space<vmem>>, vector<1x16xf32>,
          %mul3A_1110 = arith.constant 16 : i32
          %mul3A_1111 = arith.muli %scan3A_121, %mul3A_1110 : i32
          %add3A_1112 = arith.constant 11 : i32
          %add3A_1113 = arith.addi %mul3A_1111, %add3A_1112 : i32
          %get3A_1114 = arith.constant 0 : i32
          %get3A_1115 = arith.index_cast %get3A_1114 : i32 to index
          %get3A_1116 = arith.index_cast %add3A_1113 : i32 to index
          %get3A_1117 = arith.constant 0 : index
          %get3A_1118 = tpu.vector_load %arg14[%get3A_1115, %get3A_1116, %get3A_1117] {strides = array<i32>} : memref<2x80x16xf32, #tpu.memory_space<vmem>>, vector<1x1x16xf32>,
          %get3A_1119 = vector.shape_cast %get3A_1118 : vector<1x1x16xf32> to vector<16xf32>
          %get3A_1120 = arith.index_cast %add3A_1113 : i32 to index
          %get3A_1121 = arith.constant 0 : index
          %get3A_1122 = tpu.vector_load %arg15[%get3A_1120, %get3A_1121] {strides = array<i32>} : memref<80x128xf32, #tpu.memory_space<vmem>>, vector<1x16xf32>,
          %get3A_1123 = vector.shape_cast %get3A_1122 : vector<1x16xf32> to vector<16xf32>
          %mul3A_1124 = arith.mulf %get3A_1123, %get3A_1119 : vector<16xf32>
          %swap3A_1125 = arith.index_cast %add3A_1113 : i32 to index
          %swap3A_1126 = arith.constant 0 : index
          %swap3A_1127 = tpu.vector_load %arg15[%swap3A_1125, %swap3A_1126] {strides = array<i32>} : memref<80x128xf32, #tpu.memory_space<vmem>>, vector<1x16xf32>,
          %swap3A_1128 = vector.shape_cast %swap3A_1127 : vector<1x16xf32> to vector<16xf32>
          %swap3A_1129 = vector.shape_cast %mul3A_1124 : vector<16xf32> to vector<1x16xf32>
          tpu.vector_store %arg15[%swap3A_1125, %swap3A_1126], %swap3A_1129 {strides = array<i32>} : memref<80x128xf32, #tpu.memory_space<vmem>>, vector<1x16xf32>,
          %get3A_1130 = arith.index_cast %add3A_1113 : i32 to index
          %get3A_1131 = arith.constant 16 : index
          %get3A_1132 = tpu.vector_load %arg15[%get3A_1130, %get3A_1131] {strides = array<i32>} : memref<80x128xf32, #tpu.memory_space<vmem>>, vector<1x16xf32>,
          %get3A_1133 = vector.shape_cast %get3A_1132 : vector<1x16xf32> to vector<16xf32>
          %mul3A_1134 = arith.mulf %get3A_1133, %get3A_1119 : vector<16xf32>
          %swap3A_1135 = arith.index_cast %add3A_1113 : i32 to index
          %swap3A_1136 = arith.constant 16 : index
          %swap3A_1137 = tpu.vector_load %arg15[%swap3A_1135, %swap3A_1136] {strides = array<i32>} : memref<80x128xf32, #tpu.memory_space<vmem>>, vector<1x16xf32>,
          %swap3A_1138 = vector.shape_cast %swap3A_1137 : vector<1x16xf32> to vector<16xf32>
          %swap3A_1139 = vector.shape_cast %mul3A_1134 : vector<16xf32> to vector<1x16xf32>
          tpu.vector_store %arg15[%swap3A_1135, %swap3A_1136], %swap3A_1139 {strides = array<i32>} : memref<80x128xf32, #tpu.memory_space<vmem>>, vector<1x16xf32>,
          %get3A_1140 = arith.index_cast %add3A_1113 : i32 to index
          %get3A_1141 = arith.constant 32 : index
          %get3A_1142 = tpu.vector_load %arg15[%get3A_1140, %get3A_1141] {strides = array<i32>} : memref<80x128xf32, #tpu.memory_space<vmem>>, vector<1x16xf32>,
          %get3A_1143 = vector.shape_cast %get3A_1142 : vector<1x16xf32> to vector<16xf32>
          %mul3A_1144 = arith.mulf %get3A_1143, %get3A_1119 : vector<16xf32>
          %swap3A_1145 = arith.index_cast %add3A_1113 : i32 to index
          %swap3A_1146 = arith.constant 32 : index
          %swap3A_1147 = tpu.vector_load %arg15[%swap3A_1145, %swap3A_1146] {strides = array<i32>} : memref<80x128xf32, #tpu.memory_space<vmem>>, vector<1x16xf32>,
          %swap3A_1148 = vector.shape_cast %swap3A_1147 : vector<1x16xf32> to vector<16xf32>
          %swap3A_1149 = vector.shape_cast %mul3A_1144 : vector<16xf32> to vector<1x16xf32>
          tpu.vector_store %arg15[%swap3A_1145, %swap3A_1146], %swap3A_1149 {strides = array<i32>} : memref<80x128xf32, #tpu.memory_space<vmem>>, vector<1x16xf32>,
          %get3A_1150 = arith.index_cast %add3A_1113 : i32 to index
          %get3A_1151 = arith.constant 48 : index
          %get3A_1152 = tpu.vector_load %arg15[%get3A_1150, %get3A_1151] {strides = array<i32>} : memref<80x128xf32, #tpu.memory_space<vmem>>, vector<1x16xf32>,
          %get3A_1153 = vector.shape_cast %get3A_1152 : vector<1x16xf32> to vector<16xf32>
          %mul3A_1154 = arith.mulf %get3A_1153, %get3A_1119 : vector<16xf32>
          %swap3A_1155 = arith.index_cast %add3A_1113 : i32 to index
          %swap3A_1156 = arith.constant 48 : index
          %swap3A_1157 = tpu.vector_load %arg15[%swap3A_1155, %swap3A_1156] {strides = array<i32>} : memref<80x128xf32, #tpu.memory_space<vmem>>, vector<1x16xf32>,
          %swap3A_1158 = vector.shape_cast %swap3A_1157 : vector<1x16xf32> to vector<16xf32>
          %swap3A_1159 = vector.shape_cast %mul3A_1154 : vector<16xf32> to vector<1x16xf32>
          tpu.vector_store %arg15[%swap3A_1155, %swap3A_1156], %swap3A_1159 {strides = array<i32>} : memref<80x128xf32, #tpu.memory_space<vmem>>, vector<1x16xf32>,
          %get3A_1160 = arith.index_cast %add3A_1113 : i32 to index
          %get3A_1161 = arith.constant 64 : index
          %get3A_1162 = tpu.vector_load %arg15[%get3A_1160, %get3A_1161] {strides = array<i32>} : memref<80x128xf32, #tpu.memory_space<vmem>>, vector<1x16xf32>,
          %get3A_1163 = vector.shape_cast %get3A_1162 : vector<1x16xf32> to vector<16xf32>
          %mul3A_1164 = arith.mulf %get3A_1163, %get3A_1119 : vector<16xf32>
          %swap3A_1165 = arith.index_cast %add3A_1113 : i32 to index
          %swap3A_1166 = arith.constant 64 : index
          %swap3A_1167 = tpu.vector_load %arg15[%swap3A_1165, %swap3A_1166] {strides = array<i32>} : memref<80x128xf32, #tpu.memory_space<vmem>>, vector<1x16xf32>,
          %swap3A_1168 = vector.shape_cast %swap3A_1167 : vector<1x16xf32> to vector<16xf32>
          %swap3A_1169 = vector.shape_cast %mul3A_1164 : vector<16xf32> to vector<1x16xf32>
          tpu.vector_store %arg15[%swap3A_1165, %swap3A_1166], %swap3A_1169 {strides = array<i32>} : memref<80x128xf32, #tpu.memory_space<vmem>>, vector<1x16xf32>,
          %get3A_1170 = arith.index_cast %add3A_1113 : i32 to index
          %get3A_1171 = arith.constant 80 : index
          %get3A_1172 = tpu.vector_load %arg15[%get3A_1170, %get3A_1171] {strides = array<i32>} : memref<80x128xf32, #tpu.memory_space<vmem>>, vector<1x16xf32>,
          %get3A_1173 = vector.shape_cast %get3A_1172 : vector<1x16xf32> to vector<16xf32>
          %mul3A_1174 = arith.mulf %get3A_1173, %get3A_1119 : vector<16xf32>
          %swap3A_1175 = arith.index_cast %add3A_1113 : i32 to index
          %swap3A_1176 = arith.constant 80 : index
          %swap3A_1177 = tpu.vector_load %arg15[%swap3A_1175, %swap3A_1176] {strides = array<i32>} : memref<80x128xf32, #tpu.memory_space<vmem>>, vector<1x16xf32>,
          %swap3A_1178 = vector.shape_cast %swap3A_1177 : vector<1x16xf32> to vector<16xf32>
          %swap3A_1179 = vector.shape_cast %mul3A_1174 : vector<16xf32> to vector<1x16xf32>
          tpu.vector_store %arg15[%swap3A_1175, %swap3A_1176], %swap3A_1179 {strides = array<i32>} : memref<80x128xf32, #tpu.memory_space<vmem>>, vector<1x16xf32>,
          %get3A_1180 = arith.index_cast %add3A_1113 : i32 to index
          %get3A_1181 = arith.constant 96 : index
          %get3A_1182 = tpu.vector_load %arg15[%get3A_1180, %get3A_1181] {strides = array<i32>} : memref<80x128xf32, #tpu.memory_space<vmem>>, vector<1x16xf32>,
          %get3A_1183 = vector.shape_cast %get3A_1182 : vector<1x16xf32> to vector<16xf32>
          %mul3A_1184 = arith.mulf %get3A_1183, %get3A_1119 : vector<16xf32>
          %swap3A_1185 = arith.index_cast %add3A_1113 : i32 to index
          %swap3A_1186 = arith.constant 96 : index
          %swap3A_1187 = tpu.vector_load %arg15[%swap3A_1185, %swap3A_1186] {strides = array<i32>} : memref<80x128xf32, #tpu.memory_space<vmem>>, vector<1x16xf32>,
          %swap3A_1188 = vector.shape_cast %swap3A_1187 : vector<1x16xf32> to vector<16xf32>
          %swap3A_1189 = vector.shape_cast %mul3A_1184 : vector<16xf32> to vector<1x16xf32>
          tpu.vector_store %arg15[%swap3A_1185, %swap3A_1186], %swap3A_1189 {strides = array<i32>} : memref<80x128xf32, #tpu.memory_space<vmem>>, vector<1x16xf32>,
          %get3A_1190 = arith.index_cast %add3A_1113 : i32 to index
          %get3A_1191 = arith.constant 112 : index
          %get3A_1192 = tpu.vector_load %arg15[%get3A_1190, %get3A_1191] {strides = array<i32>} : memref<80x128xf32, #tpu.memory_space<vmem>>, vector<1x16xf32>,
          %get3A_1193 = vector.shape_cast %get3A_1192 : vector<1x16xf32> to vector<16xf32>
          %mul3A_1194 = arith.mulf %get3A_1193, %get3A_1119 : vector<16xf32>
          %swap3A_1195 = arith.index_cast %add3A_1113 : i32 to index
          %swap3A_1196 = arith.constant 112 : index
          %swap3A_1197 = tpu.vector_load %arg15[%swap3A_1195, %swap3A_1196] {strides = array<i32>} : memref<80x128xf32, #tpu.memory_space<vmem>>, vector<1x16xf32>,
          %swap3A_1198 = vector.shape_cast %swap3A_1197 : vector<1x16xf32> to vector<16xf32>
          %swap3A_1199 = vector.shape_cast %mul3A_1194 : vector<16xf32> to vector<1x16xf32>
          tpu.vector_store %arg15[%swap3A_1195, %swap3A_1196], %swap3A_1199 {strides = array<i32>} : memref<80x128xf32, #tpu.memory_space<vmem>>, vector<1x16xf32>,
          %mul3A_1200 = arith.constant 16 : i32
          %mul3A_1201 = arith.muli %scan3A_121, %mul3A_1200 : i32
          %add3A_1202 = arith.constant 12 : i32
          %add3A_1203 = arith.addi %mul3A_1201, %add3A_1202 : i32
          %get3A_1204 = arith.constant 0 : i32
          %get3A_1205 = arith.index_cast %get3A_1204 : i32 to index
          %get3A_1206 = arith.index_cast %add3A_1203 : i32 to index
          %get3A_1207 = arith.constant 0 : index
          %get3A_1208 = tpu.vector_load %arg14[%get3A_1205, %get3A_1206, %get3A_1207] {strides = array<i32>} : memref<2x80x16xf32, #tpu.memory_space<vmem>>, vector<1x1x16xf32>,
          %get3A_1209 = vector.shape_cast %get3A_1208 : vector<1x1x16xf32> to vector<16xf32>
          %get3A_1210 = arith.index_cast %add3A_1203 : i32 to index
          %get3A_1211 = arith.constant 0 : index
          %get3A_1212 = tpu.vector_load %arg15[%get3A_1210, %get3A_1211] {strides = array<i32>} : memref<80x128xf32, #tpu.memory_space<vmem>>, vector<1x16xf32>,
          %get3A_1213 = vector.shape_cast %get3A_1212 : vector<1x16xf32> to vector<16xf32>
          %mul3A_1214 = arith.mulf %get3A_1213, %get3A_1209 : vector<16xf32>
          %swap3A_1215 = arith.index_cast %add3A_1203 : i32 to index
          %swap3A_1216 = arith.constant 0 : index
          %swap3A_1217 = tpu.vector_load %arg15[%swap3A_1215, %swap3A_1216] {strides = array<i32>} : memref<80x128xf32, #tpu.memory_space<vmem>>, vector<1x16xf32>,
          %swap3A_1218 = vector.shape_cast %swap3A_1217 : vector<1x16xf32> to vector<16xf32>
          %swap3A_1219 = vector.shape_cast %mul3A_1214 : vector<16xf32> to vector<1x16xf32>
          tpu.vector_store %arg15[%swap3A_1215, %swap3A_1216], %swap3A_1219 {strides = array<i32>} : memref<80x128xf32, #tpu.memory_space<vmem>>, vector<1x16xf32>,
          %get3A_1220 = arith.index_cast %add3A_1203 : i32 to index
          %get3A_1221 = arith.constant 16 : index
          %get3A_1222 = tpu.vector_load %arg15[%get3A_1220, %get3A_1221] {strides = array<i32>} : memref<80x128xf32, #tpu.memory_space<vmem>>, vector<1x16xf32>,
          %get3A_1223 = vector.shape_cast %get3A_1222 : vector<1x16xf32> to vector<16xf32>
          %mul3A_1224 = arith.mulf %get3A_1223, %get3A_1209 : vector<16xf32>
          %swap3A_1225 = arith.index_cast %add3A_1203 : i32 to index
          %swap3A_1226 = arith.constant 16 : index
          %swap3A_1227 = tpu.vector_load %arg15[%swap3A_1225, %swap3A_1226] {strides = array<i32>} : memref<80x128xf32, #tpu.memory_space<vmem>>, vector<1x16xf32>,
          %swap3A_1228 = vector.shape_cast %swap3A_1227 : vector<1x16xf32> to vector<16xf32>
          %swap3A_1229 = vector.shape_cast %mul3A_1224 : vector<16xf32> to vector<1x16xf32>
          tpu.vector_store %arg15[%swap3A_1225, %swap3A_1226], %swap3A_1229 {strides = array<i32>} : memref<80x128xf32, #tpu.memory_space<vmem>>, vector<1x16xf32>,
          %get3A_1230 = arith.index_cast %add3A_1203 : i32 to index
          %get3A_1231 = arith.constant 32 : index
          %get3A_1232 = tpu.vector_load %arg15[%get3A_1230, %get3A_1231] {strides = array<i32>} : memref<80x128xf32, #tpu.memory_space<vmem>>, vector<1x16xf32>,
          %get3A_1233 = vector.shape_cast %get3A_1232 : vector<1x16xf32> to vector<16xf32>
          %mul3A_1234 = arith.mulf %get3A_1233, %get3A_1209 : vector<16xf32>
          %swap3A_1235 = arith.index_cast %add3A_1203 : i32 to index
          %swap3A_1236 = arith.constant 32 : index
          %swap3A_1237 = tpu.vector_load %arg15[%swap3A_1235, %swap3A_1236] {strides = array<i32>} : memref<80x128xf32, #tpu.memory_space<vmem>>, vector<1x16xf32>,
          %swap3A_1238 = vector.shape_cast %swap3A_1237 : vector<1x16xf32> to vector<16xf32>
          %swap3A_1239 = vector.shape_cast %mul3A_1234 : vector<16xf32> to vector<1x16xf32>
          tpu.vector_store %arg15[%swap3A_1235, %swap3A_1236], %swap3A_1239 {strides = array<i32>} : memref<80x128xf32, #tpu.memory_space<vmem>>, vector<1x16xf32>,
          %get3A_1240 = arith.index_cast %add3A_1203 : i32 to index
          %get3A_1241 = arith.constant 48 : index
          %get3A_1242 = tpu.vector_load %arg15[%get3A_1240, %get3A_1241] {strides = array<i32>} : memref<80x128xf32, #tpu.memory_space<vmem>>, vector<1x16xf32>,
          %get3A_1243 = vector.shape_cast %get3A_1242 : vector<1x16xf32> to vector<16xf32>
          %mul3A_1244 = arith.mulf %get3A_1243, %get3A_1209 : vector<16xf32>
          %swap3A_1245 = arith.index_cast %add3A_1203 : i32 to index
          %swap3A_1246 = arith.constant 48 : index
          %swap3A_1247 = tpu.vector_load %arg15[%swap3A_1245, %swap3A_1246] {strides = array<i32>} : memref<80x128xf32, #tpu.memory_space<vmem>>, vector<1x16xf32>,
          %swap3A_1248 = vector.shape_cast %swap3A_1247 : vector<1x16xf32> to vector<16xf32>
          %swap3A_1249 = vector.shape_cast %mul3A_1244 : vector<16xf32> to vector<1x16xf32>
          tpu.vector_store %arg15[%swap3A_1245, %swap3A_1246], %swap3A_1249 {strides = array<i32>} : memref<80x128xf32, #tpu.memory_space<vmem>>, vector<1x16xf32>,
          %get3A_1250 = arith.index_cast %add3A_1203 : i32 to index
          %get3A_1251 = arith.constant 64 : index
          %get3A_1252 = tpu.vector_load %arg15[%get3A_1250, %get3A_1251] {strides = array<i32>} : memref<80x128xf32, #tpu.memory_space<vmem>>, vector<1x16xf32>,
          %get3A_1253 = vector.shape_cast %get3A_1252 : vector<1x16xf32> to vector<16xf32>
          %mul3A_1254 = arith.mulf %get3A_1253, %get3A_1209 : vector<16xf32>
          %swap3A_1255 = arith.index_cast %add3A_1203 : i32 to index
          %swap3A_1256 = arith.constant 64 : index
          %swap3A_1257 = tpu.vector_load %arg15[%swap3A_1255, %swap3A_1256] {strides = array<i32>} : memref<80x128xf32, #tpu.memory_space<vmem>>, vector<1x16xf32>,
          %swap3A_1258 = vector.shape_cast %swap3A_1257 : vector<1x16xf32> to vector<16xf32>
          %swap3A_1259 = vector.shape_cast %mul3A_1254 : vector<16xf32> to vector<1x16xf32>
          tpu.vector_store %arg15[%swap3A_1255, %swap3A_1256], %swap3A_1259 {strides = array<i32>} : memref<80x128xf32, #tpu.memory_space<vmem>>, vector<1x16xf32>,
          %get3A_1260 = arith.index_cast %add3A_1203 : i32 to index
          %get3A_1261 = arith.constant 80 : index
          %get3A_1262 = tpu.vector_load %arg15[%get3A_1260, %get3A_1261] {strides = array<i32>} : memref<80x128xf32, #tpu.memory_space<vmem>>, vector<1x16xf32>,
          %get3A_1263 = vector.shape_cast %get3A_1262 : vector<1x16xf32> to vector<16xf32>
          %mul3A_1264 = arith.mulf %get3A_1263, %get3A_1209 : vector<16xf32>
          %swap3A_1265 = arith.index_cast %add3A_1203 : i32 to index
          %swap3A_1266 = arith.constant 80 : index
          %swap3A_1267 = tpu.vector_load %arg15[%swap3A_1265, %swap3A_1266] {strides = array<i32>} : memref<80x128xf32, #tpu.memory_space<vmem>>, vector<1x16xf32>,
          %swap3A_1268 = vector.shape_cast %swap3A_1267 : vector<1x16xf32> to vector<16xf32>
          %swap3A_1269 = vector.shape_cast %mul3A_1264 : vector<16xf32> to vector<1x16xf32>
          tpu.vector_store %arg15[%swap3A_1265, %swap3A_1266], %swap3A_1269 {strides = array<i32>} : memref<80x128xf32, #tpu.memory_space<vmem>>, vector<1x16xf32>,
          %get3A_1270 = arith.index_cast %add3A_1203 : i32 to index
          %get3A_1271 = arith.constant 96 : index
          %get3A_1272 = tpu.vector_load %arg15[%get3A_1270, %get3A_1271] {strides = array<i32>} : memref<80x128xf32, #tpu.memory_space<vmem>>, vector<1x16xf32>,
          %get3A_1273 = vector.shape_cast %get3A_1272 : vector<1x16xf32> to vector<16xf32>
          %mul3A_1274 = arith.mulf %get3A_1273, %get3A_1209 : vector<16xf32>
          %swap3A_1275 = arith.index_cast %add3A_1203 : i32 to index
          %swap3A_1276 = arith.constant 96 : index
          %swap3A_1277 = tpu.vector_load %arg15[%swap3A_1275, %swap3A_1276] {strides = array<i32>} : memref<80x128xf32, #tpu.memory_space<vmem>>, vector<1x16xf32>,
          %swap3A_1278 = vector.shape_cast %swap3A_1277 : vector<1x16xf32> to vector<16xf32>
          %swap3A_1279 = vector.shape_cast %mul3A_1274 : vector<16xf32> to vector<1x16xf32>
          tpu.vector_store %arg15[%swap3A_1275, %swap3A_1276], %swap3A_1279 {strides = array<i32>} : memref<80x128xf32, #tpu.memory_space<vmem>>, vector<1x16xf32>,
          %get3A_1280 = arith.index_cast %add3A_1203 : i32 to index
          %get3A_1281 = arith.constant 112 : index
          %get3A_1282 = tpu.vector_load %arg15[%get3A_1280, %get3A_1281] {strides = array<i32>} : memref<80x128xf32, #tpu.memory_space<vmem>>, vector<1x16xf32>,
          %get3A_1283 = vector.shape_cast %get3A_1282 : vector<1x16xf32> to vector<16xf32>
          %mul3A_1284 = arith.mulf %get3A_1283, %get3A_1209 : vector<16xf32>
          %swap3A_1285 = arith.index_cast %add3A_1203 : i32 to index
          %swap3A_1286 = arith.constant 112 : index
          %swap3A_1287 = tpu.vector_load %arg15[%swap3A_1285, %swap3A_1286] {strides = array<i32>} : memref<80x128xf32, #tpu.memory_space<vmem>>, vector<1x16xf32>,
          %swap3A_1288 = vector.shape_cast %swap3A_1287 : vector<1x16xf32> to vector<16xf32>
          %swap3A_1289 = vector.shape_cast %mul3A_1284 : vector<16xf32> to vector<1x16xf32>
          tpu.vector_store %arg15[%swap3A_1285, %swap3A_1286], %swap3A_1289 {strides = array<i32>} : memref<80x128xf32, #tpu.memory_space<vmem>>, vector<1x16xf32>,
          %mul3A_1290 = arith.constant 16 : i32
          %mul3A_1291 = arith.muli %scan3A_121, %mul3A_1290 : i32
          %add3A_1292 = arith.constant 13 : i32
          %add3A_1293 = arith.addi %mul3A_1291, %add3A_1292 : i32
          %get3A_1294 = arith.constant 0 : i32
          %get3A_1295 = arith.index_cast %get3A_1294 : i32 to index
          %get3A_1296 = arith.index_cast %add3A_1293 : i32 to index
          %get3A_1297 = arith.constant 0 : index
          %get3A_1298 = tpu.vector_load %arg14[%get3A_1295, %get3A_1296, %get3A_1297] {strides = array<i32>} : memref<2x80x16xf32, #tpu.memory_space<vmem>>, vector<1x1x16xf32>,
          %get3A_1299 = vector.shape_cast %get3A_1298 : vector<1x1x16xf32> to vector<16xf32>
          %get3A_1300 = arith.index_cast %add3A_1293 : i32 to index
          %get3A_1301 = arith.constant 0 : index
          %get3A_1302 = tpu.vector_load %arg15[%get3A_1300, %get3A_1301] {strides = array<i32>} : memref<80x128xf32, #tpu.memory_space<vmem>>, vector<1x16xf32>,
          %get3A_1303 = vector.shape_cast %get3A_1302 : vector<1x16xf32> to vector<16xf32>
          %mul3A_1304 = arith.mulf %get3A_1303, %get3A_1299 : vector<16xf32>
          %swap3A_1305 = arith.index_cast %add3A_1293 : i32 to index
          %swap3A_1306 = arith.constant 0 : index
          %swap3A_1307 = tpu.vector_load %arg15[%swap3A_1305, %swap3A_1306] {strides = array<i32>} : memref<80x128xf32, #tpu.memory_space<vmem>>, vector<1x16xf32>,
          %swap3A_1308 = vector.shape_cast %swap3A_1307 : vector<1x16xf32> to vector<16xf32>
          %swap3A_1309 = vector.shape_cast %mul3A_1304 : vector<16xf32> to vector<1x16xf32>
          tpu.vector_store %arg15[%swap3A_1305, %swap3A_1306], %swap3A_1309 {strides = array<i32>} : memref<80x128xf32, #tpu.memory_space<vmem>>, vector<1x16xf32>,
          %get3A_1310 = arith.index_cast %add3A_1293 : i32 to index
          %get3A_1311 = arith.constant 16 : index
          %get3A_1312 = tpu.vector_load %arg15[%get3A_1310, %get3A_1311] {strides = array<i32>} : memref<80x128xf32, #tpu.memory_space<vmem>>, vector<1x16xf32>,
          %get3A_1313 = vector.shape_cast %get3A_1312 : vector<1x16xf32> to vector<16xf32>
          %mul3A_1314 = arith.mulf %get3A_1313, %get3A_1299 : vector<16xf32>
          %swap3A_1315 = arith.index_cast %add3A_1293 : i32 to index
          %swap3A_1316 = arith.constant 16 : index
          %swap3A_1317 = tpu.vector_load %arg15[%swap3A_1315, %swap3A_1316] {strides = array<i32>} : memref<80x128xf32, #tpu.memory_space<vmem>>, vector<1x16xf32>,
          %swap3A_1318 = vector.shape_cast %swap3A_1317 : vector<1x16xf32> to vector<16xf32>
          %swap3A_1319 = vector.shape_cast %mul3A_1314 : vector<16xf32> to vector<1x16xf32>
          tpu.vector_store %arg15[%swap3A_1315, %swap3A_1316], %swap3A_1319 {strides = array<i32>} : memref<80x128xf32, #tpu.memory_space<vmem>>, vector<1x16xf32>,
          %get3A_1320 = arith.index_cast %add3A_1293 : i32 to index
          %get3A_1321 = arith.constant 32 : index
          %get3A_1322 = tpu.vector_load %arg15[%get3A_1320, %get3A_1321] {strides = array<i32>} : memref<80x128xf32, #tpu.memory_space<vmem>>, vector<1x16xf32>,
          %get3A_1323 = vector.shape_cast %get3A_1322 : vector<1x16xf32> to vector<16xf32>
          %mul3A_1324 = arith.mulf %get3A_1323, %get3A_1299 : vector<16xf32>
          %swap3A_1325 = arith.index_cast %add3A_1293 : i32 to index
          %swap3A_1326 = arith.constant 32 : index
          %swap3A_1327 = tpu.vector_load %arg15[%swap3A_1325, %swap3A_1326] {strides = array<i32>} : memref<80x128xf32, #tpu.memory_space<vmem>>, vector<1x16xf32>,
          %swap3A_1328 = vector.shape_cast %swap3A_1327 : vector<1x16xf32> to vector<16xf32>
          %swap3A_1329 = vector.shape_cast %mul3A_1324 : vector<16xf32> to vector<1x16xf32>
          tpu.vector_store %arg15[%swap3A_1325, %swap3A_1326], %swap3A_1329 {strides = array<i32>} : memref<80x128xf32, #tpu.memory_space<vmem>>, vector<1x16xf32>,
          %get3A_1330 = arith.index_cast %add3A_1293 : i32 to index
          %get3A_1331 = arith.constant 48 : index
          %get3A_1332 = tpu.vector_load %arg15[%get3A_1330, %get3A_1331] {strides = array<i32>} : memref<80x128xf32, #tpu.memory_space<vmem>>, vector<1x16xf32>,
          %get3A_1333 = vector.shape_cast %get3A_1332 : vector<1x16xf32> to vector<16xf32>
          %mul3A_1334 = arith.mulf %get3A_1333, %get3A_1299 : vector<16xf32>
          %swap3A_1335 = arith.index_cast %add3A_1293 : i32 to index
          %swap3A_1336 = arith.constant 48 : index
          %swap3A_1337 = tpu.vector_load %arg15[%swap3A_1335, %swap3A_1336] {strides = array<i32>} : memref<80x128xf32, #tpu.memory_space<vmem>>, vector<1x16xf32>,
          %swap3A_1338 = vector.shape_cast %swap3A_1337 : vector<1x16xf32> to vector<16xf32>
          %swap3A_1339 = vector.shape_cast %mul3A_1334 : vector<16xf32> to vector<1x16xf32>
          tpu.vector_store %arg15[%swap3A_1335, %swap3A_1336], %swap3A_1339 {strides = array<i32>} : memref<80x128xf32, #tpu.memory_space<vmem>>, vector<1x16xf32>,
          %get3A_1340 = arith.index_cast %add3A_1293 : i32 to index
          %get3A_1341 = arith.constant 64 : index
          %get3A_1342 = tpu.vector_load %arg15[%get3A_1340, %get3A_1341] {strides = array<i32>} : memref<80x128xf32, #tpu.memory_space<vmem>>, vector<1x16xf32>,
          %get3A_1343 = vector.shape_cast %get3A_1342 : vector<1x16xf32> to vector<16xf32>
          %mul3A_1344 = arith.mulf %get3A_1343, %get3A_1299 : vector<16xf32>
          %swap3A_1345 = arith.index_cast %add3A_1293 : i32 to index
          %swap3A_1346 = arith.constant 64 : index
          %swap3A_1347 = tpu.vector_load %arg15[%swap3A_1345, %swap3A_1346] {strides = array<i32>} : memref<80x128xf32, #tpu.memory_space<vmem>>, vector<1x16xf32>,
          %swap3A_1348 = vector.shape_cast %swap3A_1347 : vector<1x16xf32> to vector<16xf32>
          %swap3A_1349 = vector.shape_cast %mul3A_1344 : vector<16xf32> to vector<1x16xf32>
          tpu.vector_store %arg15[%swap3A_1345, %swap3A_1346], %swap3A_1349 {strides = array<i32>} : memref<80x128xf32, #tpu.memory_space<vmem>>, vector<1x16xf32>,
          %get3A_1350 = arith.index_cast %add3A_1293 : i32 to index
          %get3A_1351 = arith.constant 80 : index
          %get3A_1352 = tpu.vector_load %arg15[%get3A_1350, %get3A_1351] {strides = array<i32>} : memref<80x128xf32, #tpu.memory_space<vmem>>, vector<1x16xf32>,
          %get3A_1353 = vector.shape_cast %get3A_1352 : vector<1x16xf32> to vector<16xf32>
          %mul3A_1354 = arith.mulf %get3A_1353, %get3A_1299 : vector<16xf32>
          %swap3A_1355 = arith.index_cast %add3A_1293 : i32 to index
          %swap3A_1356 = arith.constant 80 : index
          %swap3A_1357 = tpu.vector_load %arg15[%swap3A_1355, %swap3A_1356] {strides = array<i32>} : memref<80x128xf32, #tpu.memory_space<vmem>>, vector<1x16xf32>,
          %swap3A_1358 = vector.shape_cast %swap3A_1357 : vector<1x16xf32> to vector<16xf32>
          %swap3A_1359 = vector.shape_cast %mul3A_1354 : vector<16xf32> to vector<1x16xf32>
          tpu.vector_store %arg15[%swap3A_1355, %swap3A_1356], %swap3A_1359 {strides = array<i32>} : memref<80x128xf32, #tpu.memory_space<vmem>>, vector<1x16xf32>,
          %get3A_1360 = arith.index_cast %add3A_1293 : i32 to index
          %get3A_1361 = arith.constant 96 : index
          %get3A_1362 = tpu.vector_load %arg15[%get3A_1360, %get3A_1361] {strides = array<i32>} : memref<80x128xf32, #tpu.memory_space<vmem>>, vector<1x16xf32>,
          %get3A_1363 = vector.shape_cast %get3A_1362 : vector<1x16xf32> to vector<16xf32>
          %mul3A_1364 = arith.mulf %get3A_1363, %get3A_1299 : vector<16xf32>
          %swap3A_1365 = arith.index_cast %add3A_1293 : i32 to index
          %swap3A_1366 = arith.constant 96 : index
          %swap3A_1367 = tpu.vector_load %arg15[%swap3A_1365, %swap3A_1366] {strides = array<i32>} : memref<80x128xf32, #tpu.memory_space<vmem>>, vector<1x16xf32>,
          %swap3A_1368 = vector.shape_cast %swap3A_1367 : vector<1x16xf32> to vector<16xf32>
          %swap3A_1369 = vector.shape_cast %mul3A_1364 : vector<16xf32> to vector<1x16xf32>
          tpu.vector_store %arg15[%swap3A_1365, %swap3A_1366], %swap3A_1369 {strides = array<i32>} : memref<80x128xf32, #tpu.memory_space<vmem>>, vector<1x16xf32>,
          %get3A_1370 = arith.index_cast %add3A_1293 : i32 to index
          %get3A_1371 = arith.constant 112 : index
          %get3A_1372 = tpu.vector_load %arg15[%get3A_1370, %get3A_1371] {strides = array<i32>} : memref<80x128xf32, #tpu.memory_space<vmem>>, vector<1x16xf32>,
          %get3A_1373 = vector.shape_cast %get3A_1372 : vector<1x16xf32> to vector<16xf32>
          %mul3A_1374 = arith.mulf %get3A_1373, %get3A_1299 : vector<16xf32>
          %swap3A_1375 = arith.index_cast %add3A_1293 : i32 to index
          %swap3A_1376 = arith.constant 112 : index
          %swap3A_1377 = tpu.vector_load %arg15[%swap3A_1375, %swap3A_1376] {strides = array<i32>} : memref<80x128xf32, #tpu.memory_space<vmem>>, vector<1x16xf32>,
          %swap3A_1378 = vector.shape_cast %swap3A_1377 : vector<1x16xf32> to vector<16xf32>
          %swap3A_1379 = vector.shape_cast %mul3A_1374 : vector<16xf32> to vector<1x16xf32>
          tpu.vector_store %arg15[%swap3A_1375, %swap3A_1376], %swap3A_1379 {strides = array<i32>} : memref<80x128xf32, #tpu.memory_space<vmem>>, vector<1x16xf32>,
          %mul3A_1380 = arith.constant 16 : i32
          %mul3A_1381 = arith.muli %scan3A_121, %mul3A_1380 : i32
          %add3A_1382 = arith.constant 14 : i32
          %add3A_1383 = arith.addi %mul3A_1381, %add3A_1382 : i32
          %get3A_1384 = arith.constant 0 : i32
          %get3A_1385 = arith.index_cast %get3A_1384 : i32 to index
          %get3A_1386 = arith.index_cast %add3A_1383 : i32 to index
          %get3A_1387 = arith.constant 0 : index
          %get3A_1388 = tpu.vector_load %arg14[%get3A_1385, %get3A_1386, %get3A_1387] {strides = array<i32>} : memref<2x80x16xf32, #tpu.memory_space<vmem>>, vector<1x1x16xf32>,
          %get3A_1389 = vector.shape_cast %get3A_1388 : vector<1x1x16xf32> to vector<16xf32>
          %get3A_1390 = arith.index_cast %add3A_1383 : i32 to index
          %get3A_1391 = arith.constant 0 : index
          %get3A_1392 = tpu.vector_load %arg15[%get3A_1390, %get3A_1391] {strides = array<i32>} : memref<80x128xf32, #tpu.memory_space<vmem>>, vector<1x16xf32>,
          %get3A_1393 = vector.shape_cast %get3A_1392 : vector<1x16xf32> to vector<16xf32>
          %mul3A_1394 = arith.mulf %get3A_1393, %get3A_1389 : vector<16xf32>
          %swap3A_1395 = arith.index_cast %add3A_1383 : i32 to index
          %swap3A_1396 = arith.constant 0 : index
          %swap3A_1397 = tpu.vector_load %arg15[%swap3A_1395, %swap3A_1396] {strides = array<i32>} : memref<80x128xf32, #tpu.memory_space<vmem>>, vector<1x16xf32>,
          %swap3A_1398 = vector.shape_cast %swap3A_1397 : vector<1x16xf32> to vector<16xf32>
          %swap3A_1399 = vector.shape_cast %mul3A_1394 : vector<16xf32> to vector<1x16xf32>
          tpu.vector_store %arg15[%swap3A_1395, %swap3A_1396], %swap3A_1399 {strides = array<i32>} : memref<80x128xf32, #tpu.memory_space<vmem>>, vector<1x16xf32>,
          %get3A_1400 = arith.index_cast %add3A_1383 : i32 to index
          %get3A_1401 = arith.constant 16 : index
          %get3A_1402 = tpu.vector_load %arg15[%get3A_1400, %get3A_1401] {strides = array<i32>} : memref<80x128xf32, #tpu.memory_space<vmem>>, vector<1x16xf32>,
          %get3A_1403 = vector.shape_cast %get3A_1402 : vector<1x16xf32> to vector<16xf32>
          %mul3A_1404 = arith.mulf %get3A_1403, %get3A_1389 : vector<16xf32>
          %swap3A_1405 = arith.index_cast %add3A_1383 : i32 to index
          %swap3A_1406 = arith.constant 16 : index
          %swap3A_1407 = tpu.vector_load %arg15[%swap3A_1405, %swap3A_1406] {strides = array<i32>} : memref<80x128xf32, #tpu.memory_space<vmem>>, vector<1x16xf32>,
          %swap3A_1408 = vector.shape_cast %swap3A_1407 : vector<1x16xf32> to vector<16xf32>
          %swap3A_1409 = vector.shape_cast %mul3A_1404 : vector<16xf32> to vector<1x16xf32>
          tpu.vector_store %arg15[%swap3A_1405, %swap3A_1406], %swap3A_1409 {strides = array<i32>} : memref<80x128xf32, #tpu.memory_space<vmem>>, vector<1x16xf32>,
          %get3A_1410 = arith.index_cast %add3A_1383 : i32 to index
          %get3A_1411 = arith.constant 32 : index
          %get3A_1412 = tpu.vector_load %arg15[%get3A_1410, %get3A_1411] {strides = array<i32>} : memref<80x128xf32, #tpu.memory_space<vmem>>, vector<1x16xf32>,
          %get3A_1413 = vector.shape_cast %get3A_1412 : vector<1x16xf32> to vector<16xf32>
          %mul3A_1414 = arith.mulf %get3A_1413, %get3A_1389 : vector<16xf32>
          %swap3A_1415 = arith.index_cast %add3A_1383 : i32 to index
          %swap3A_1416 = arith.constant 32 : index
          %swap3A_1417 = tpu.vector_load %arg15[%swap3A_1415, %swap3A_1416] {strides = array<i32>} : memref<80x128xf32, #tpu.memory_space<vmem>>, vector<1x16xf32>,
          %swap3A_1418 = vector.shape_cast %swap3A_1417 : vector<1x16xf32> to vector<16xf32>
          %swap3A_1419 = vector.shape_cast %mul3A_1414 : vector<16xf32> to vector<1x16xf32>
          tpu.vector_store %arg15[%swap3A_1415, %swap3A_1416], %swap3A_1419 {strides = array<i32>} : memref<80x128xf32, #tpu.memory_space<vmem>>, vector<1x16xf32>,
          %get3A_1420 = arith.index_cast %add3A_1383 : i32 to index
          %get3A_1421 = arith.constant 48 : index
          %get3A_1422 = tpu.vector_load %arg15[%get3A_1420, %get3A_1421] {strides = array<i32>} : memref<80x128xf32, #tpu.memory_space<vmem>>, vector<1x16xf32>,
          %get3A_1423 = vector.shape_cast %get3A_1422 : vector<1x16xf32> to vector<16xf32>
          %mul3A_1424 = arith.mulf %get3A_1423, %get3A_1389 : vector<16xf32>
          %swap3A_1425 = arith.index_cast %add3A_1383 : i32 to index
          %swap3A_1426 = arith.constant 48 : index
          %swap3A_1427 = tpu.vector_load %arg15[%swap3A_1425, %swap3A_1426] {strides = array<i32>} : memref<80x128xf32, #tpu.memory_space<vmem>>, vector<1x16xf32>,
          %swap3A_1428 = vector.shape_cast %swap3A_1427 : vector<1x16xf32> to vector<16xf32>
          %swap3A_1429 = vector.shape_cast %mul3A_1424 : vector<16xf32> to vector<1x16xf32>
          tpu.vector_store %arg15[%swap3A_1425, %swap3A_1426], %swap3A_1429 {strides = array<i32>} : memref<80x128xf32, #tpu.memory_space<vmem>>, vector<1x16xf32>,
          %get3A_1430 = arith.index_cast %add3A_1383 : i32 to index
          %get3A_1431 = arith.constant 64 : index
          %get3A_1432 = tpu.vector_load %arg15[%get3A_1430, %get3A_1431] {strides = array<i32>} : memref<80x128xf32, #tpu.memory_space<vmem>>, vector<1x16xf32>,
          %get3A_1433 = vector.shape_cast %get3A_1432 : vector<1x16xf32> to vector<16xf32>
          %mul3A_1434 = arith.mulf %get3A_1433, %get3A_1389 : vector<16xf32>
          %swap3A_1435 = arith.index_cast %add3A_1383 : i32 to index
          %swap3A_1436 = arith.constant 64 : index
          %swap3A_1437 = tpu.vector_load %arg15[%swap3A_1435, %swap3A_1436] {strides = array<i32>} : memref<80x128xf32, #tpu.memory_space<vmem>>, vector<1x16xf32>,
          %swap3A_1438 = vector.shape_cast %swap3A_1437 : vector<1x16xf32> to vector<16xf32>
          %swap3A_1439 = vector.shape_cast %mul3A_1434 : vector<16xf32> to vector<1x16xf32>
          tpu.vector_store %arg15[%swap3A_1435, %swap3A_1436], %swap3A_1439 {strides = array<i32>} : memref<80x128xf32, #tpu.memory_space<vmem>>, vector<1x16xf32>,
          %get3A_1440 = arith.index_cast %add3A_1383 : i32 to index
          %get3A_1441 = arith.constant 80 : index
          %get3A_1442 = tpu.vector_load %arg15[%get3A_1440, %get3A_1441] {strides = array<i32>} : memref<80x128xf32, #tpu.memory_space<vmem>>, vector<1x16xf32>,
          %get3A_1443 = vector.shape_cast %get3A_1442 : vector<1x16xf32> to vector<16xf32>
          %mul3A_1444 = arith.mulf %get3A_1443, %get3A_1389 : vector<16xf32>
          %swap3A_1445 = arith.index_cast %add3A_1383 : i32 to index
          %swap3A_1446 = arith.constant 80 : index
          %swap3A_1447 = tpu.vector_load %arg15[%swap3A_1445, %swap3A_1446] {strides = array<i32>} : memref<80x128xf32, #tpu.memory_space<vmem>>, vector<1x16xf32>,
          %swap3A_1448 = vector.shape_cast %swap3A_1447 : vector<1x16xf32> to vector<16xf32>
          %swap3A_1449 = vector.shape_cast %mul3A_1444 : vector<16xf32> to vector<1x16xf32>
          tpu.vector_store %arg15[%swap3A_1445, %swap3A_1446], %swap3A_1449 {strides = array<i32>} : memref<80x128xf32, #tpu.memory_space<vmem>>, vector<1x16xf32>,
          %get3A_1450 = arith.index_cast %add3A_1383 : i32 to index
          %get3A_1451 = arith.constant 96 : index
          %get3A_1452 = tpu.vector_load %arg15[%get3A_1450, %get3A_1451] {strides = array<i32>} : memref<80x128xf32, #tpu.memory_space<vmem>>, vector<1x16xf32>,
          %get3A_1453 = vector.shape_cast %get3A_1452 : vector<1x16xf32> to vector<16xf32>
          %mul3A_1454 = arith.mulf %get3A_1453, %get3A_1389 : vector<16xf32>
          %swap3A_1455 = arith.index_cast %add3A_1383 : i32 to index
          %swap3A_1456 = arith.constant 96 : index
          %swap3A_1457 = tpu.vector_load %arg15[%swap3A_1455, %swap3A_1456] {strides = array<i32>} : memref<80x128xf32, #tpu.memory_space<vmem>>, vector<1x16xf32>,
          %swap3A_1458 = vector.shape_cast %swap3A_1457 : vector<1x16xf32> to vector<16xf32>
          %swap3A_1459 = vector.shape_cast %mul3A_1454 : vector<16xf32> to vector<1x16xf32>
          tpu.vector_store %arg15[%swap3A_1455, %swap3A_1456], %swap3A_1459 {strides = array<i32>} : memref<80x128xf32, #tpu.memory_space<vmem>>, vector<1x16xf32>,
          %get3A_1460 = arith.index_cast %add3A_1383 : i32 to index
          %get3A_1461 = arith.constant 112 : index
          %get3A_1462 = tpu.vector_load %arg15[%get3A_1460, %get3A_1461] {strides = array<i32>} : memref<80x128xf32, #tpu.memory_space<vmem>>, vector<1x16xf32>,
          %get3A_1463 = vector.shape_cast %get3A_1462 : vector<1x16xf32> to vector<16xf32>
          %mul3A_1464 = arith.mulf %get3A_1463, %get3A_1389 : vector<16xf32>
          %swap3A_1465 = arith.index_cast %add3A_1383 : i32 to index
          %swap3A_1466 = arith.constant 112 : index
          %swap3A_1467 = tpu.vector_load %arg15[%swap3A_1465, %swap3A_1466] {strides = array<i32>} : memref<80x128xf32, #tpu.memory_space<vmem>>, vector<1x16xf32>,
          %swap3A_1468 = vector.shape_cast %swap3A_1467 : vector<1x16xf32> to vector<16xf32>
          %swap3A_1469 = vector.shape_cast %mul3A_1464 : vector<16xf32> to vector<1x16xf32>
          tpu.vector_store %arg15[%swap3A_1465, %swap3A_1466], %swap3A_1469 {strides = array<i32>} : memref<80x128xf32, #tpu.memory_space<vmem>>, vector<1x16xf32>,
          %mul3A_1470 = arith.constant 16 : i32
          %mul3A_1471 = arith.muli %scan3A_121, %mul3A_1470 : i32
          %add3A_1472 = arith.constant 15 : i32
          %add3A_1473 = arith.addi %mul3A_1471, %add3A_1472 : i32
          %get3A_1474 = arith.constant 0 : i32
          %get3A_1475 = arith.index_cast %get3A_1474 : i32 to index
          %get3A_1476 = arith.index_cast %add3A_1473 : i32 to index
          %get3A_1477 = arith.constant 0 : index
          %get3A_1478 = tpu.vector_load %arg14[%get3A_1475, %get3A_1476, %get3A_1477] {strides = array<i32>} : memref<2x80x16xf32, #tpu.memory_space<vmem>>, vector<1x1x16xf32>,
          %get3A_1479 = vector.shape_cast %get3A_1478 : vector<1x1x16xf32> to vector<16xf32>
          %get3A_1480 = arith.index_cast %add3A_1473 : i32 to index
          %get3A_1481 = arith.constant 0 : index
          %get3A_1482 = tpu.vector_load %arg15[%get3A_1480, %get3A_1481] {strides = array<i32>} : memref<80x128xf32, #tpu.memory_space<vmem>>, vector<1x16xf32>,
          %get3A_1483 = vector.shape_cast %get3A_1482 : vector<1x16xf32> to vector<16xf32>
          %mul3A_1484 = arith.mulf %get3A_1483, %get3A_1479 : vector<16xf32>
          %swap3A_1485 = arith.index_cast %add3A_1473 : i32 to index
          %swap3A_1486 = arith.constant 0 : index
          %swap3A_1487 = tpu.vector_load %arg15[%swap3A_1485, %swap3A_1486] {strides = array<i32>} : memref<80x128xf32, #tpu.memory_space<vmem>>, vector<1x16xf32>,
          %swap3A_1488 = vector.shape_cast %swap3A_1487 : vector<1x16xf32> to vector<16xf32>
          %swap3A_1489 = vector.shape_cast %mul3A_1484 : vector<16xf32> to vector<1x16xf32>
          tpu.vector_store %arg15[%swap3A_1485, %swap3A_1486], %swap3A_1489 {strides = array<i32>} : memref<80x128xf32, #tpu.memory_space<vmem>>, vector<1x16xf32>,
          %get3A_1490 = arith.index_cast %add3A_1473 : i32 to index
          %get3A_1491 = arith.constant 16 : index
          %get3A_1492 = tpu.vector_load %arg15[%get3A_1490, %get3A_1491] {strides = array<i32>} : memref<80x128xf32, #tpu.memory_space<vmem>>, vector<1x16xf32>,
          %get3A_1493 = vector.shape_cast %get3A_1492 : vector<1x16xf32> to vector<16xf32>
          %mul3A_1494 = arith.mulf %get3A_1493, %get3A_1479 : vector<16xf32>
          %swap3A_1495 = arith.index_cast %add3A_1473 : i32 to index
          %swap3A_1496 = arith.constant 16 : index
          %swap3A_1497 = tpu.vector_load %arg15[%swap3A_1495, %swap3A_1496] {strides = array<i32>} : memref<80x128xf32, #tpu.memory_space<vmem>>, vector<1x16xf32>,
          %swap3A_1498 = vector.shape_cast %swap3A_1497 : vector<1x16xf32> to vector<16xf32>
          %swap3A_1499 = vector.shape_cast %mul3A_1494 : vector<16xf32> to vector<1x16xf32>
          tpu.vector_store %arg15[%swap3A_1495, %swap3A_1496], %swap3A_1499 {strides = array<i32>} : memref<80x128xf32, #tpu.memory_space<vmem>>, vector<1x16xf32>,
          %get3A_1500 = arith.index_cast %add3A_1473 : i32 to index
          %get3A_1501 = arith.constant 32 : index
          %get3A_1502 = tpu.vector_load %arg15[%get3A_1500, %get3A_1501] {strides = array<i32>} : memref<80x128xf32, #tpu.memory_space<vmem>>, vector<1x16xf32>,
          %get3A_1503 = vector.shape_cast %get3A_1502 : vector<1x16xf32> to vector<16xf32>
          %mul3A_1504 = arith.mulf %get3A_1503, %get3A_1479 : vector<16xf32>
          %swap3A_1505 = arith.index_cast %add3A_1473 : i32 to index
          %swap3A_1506 = arith.constant 32 : index
          %swap3A_1507 = tpu.vector_load %arg15[%swap3A_1505, %swap3A_1506] {strides = array<i32>} : memref<80x128xf32, #tpu.memory_space<vmem>>, vector<1x16xf32>,
          %swap3A_1508 = vector.shape_cast %swap3A_1507 : vector<1x16xf32> to vector<16xf32>
          %swap3A_1509 = vector.shape_cast %mul3A_1504 : vector<16xf32> to vector<1x16xf32>
          tpu.vector_store %arg15[%swap3A_1505, %swap3A_1506], %swap3A_1509 {strides = array<i32>} : memref<80x128xf32, #tpu.memory_space<vmem>>, vector<1x16xf32>,
          %get3A_1510 = arith.index_cast %add3A_1473 : i32 to index
          %get3A_1511 = arith.constant 48 : index
          %get3A_1512 = tpu.vector_load %arg15[%get3A_1510, %get3A_1511] {strides = array<i32>} : memref<80x128xf32, #tpu.memory_space<vmem>>, vector<1x16xf32>,
          %get3A_1513 = vector.shape_cast %get3A_1512 : vector<1x16xf32> to vector<16xf32>
          %mul3A_1514 = arith.mulf %get3A_1513, %get3A_1479 : vector<16xf32>
          %swap3A_1515 = arith.index_cast %add3A_1473 : i32 to index
          %swap3A_1516 = arith.constant 48 : index
          %swap3A_1517 = tpu.vector_load %arg15[%swap3A_1515, %swap3A_1516] {strides = array<i32>} : memref<80x128xf32, #tpu.memory_space<vmem>>, vector<1x16xf32>,
          %swap3A_1518 = vector.shape_cast %swap3A_1517 : vector<1x16xf32> to vector<16xf32>
          %swap3A_1519 = vector.shape_cast %mul3A_1514 : vector<16xf32> to vector<1x16xf32>
          tpu.vector_store %arg15[%swap3A_1515, %swap3A_1516], %swap3A_1519 {strides = array<i32>} : memref<80x128xf32, #tpu.memory_space<vmem>>, vector<1x16xf32>,
          %get3A_1520 = arith.index_cast %add3A_1473 : i32 to index
          %get3A_1521 = arith.constant 64 : index
          %get3A_1522 = tpu.vector_load %arg15[%get3A_1520, %get3A_1521] {strides = array<i32>} : memref<80x128xf32, #tpu.memory_space<vmem>>, vector<1x16xf32>,
          %get3A_1523 = vector.shape_cast %get3A_1522 : vector<1x16xf32> to vector<16xf32>
          %mul3A_1524 = arith.mulf %get3A_1523, %get3A_1479 : vector<16xf32>
          %swap3A_1525 = arith.index_cast %add3A_1473 : i32 to index
          %swap3A_1526 = arith.constant 64 : index
          %swap3A_1527 = tpu.vector_load %arg15[%swap3A_1525, %swap3A_1526] {strides = array<i32>} : memref<80x128xf32, #tpu.memory_space<vmem>>, vector<1x16xf32>,
          %swap3A_1528 = vector.shape_cast %swap3A_1527 : vector<1x16xf32> to vector<16xf32>
          %swap3A_1529 = vector.shape_cast %mul3A_1524 : vector<16xf32> to vector<1x16xf32>
          tpu.vector_store %arg15[%swap3A_1525, %swap3A_1526], %swap3A_1529 {strides = array<i32>} : memref<80x128xf32, #tpu.memory_space<vmem>>, vector<1x16xf32>,
          %get3A_1530 = arith.index_cast %add3A_1473 : i32 to index
          %get3A_1531 = arith.constant 80 : index
          %get3A_1532 = tpu.vector_load %arg15[%get3A_1530, %get3A_1531] {strides = array<i32>} : memref<80x128xf32, #tpu.memory_space<vmem>>, vector<1x16xf32>,
          %get3A_1533 = vector.shape_cast %get3A_1532 : vector<1x16xf32> to vector<16xf32>
          %mul3A_1534 = arith.mulf %get3A_1533, %get3A_1479 : vector<16xf32>
          %swap3A_1535 = arith.index_cast %add3A_1473 : i32 to index
          %swap3A_1536 = arith.constant 80 : index
          %swap3A_1537 = tpu.vector_load %arg15[%swap3A_1535, %swap3A_1536] {strides = array<i32>} : memref<80x128xf32, #tpu.memory_space<vmem>>, vector<1x16xf32>,
          %swap3A_1538 = vector.shape_cast %swap3A_1537 : vector<1x16xf32> to vector<16xf32>
          %swap3A_1539 = vector.shape_cast %mul3A_1534 : vector<16xf32> to vector<1x16xf32>
          tpu.vector_store %arg15[%swap3A_1535, %swap3A_1536], %swap3A_1539 {strides = array<i32>} : memref<80x128xf32, #tpu.memory_space<vmem>>, vector<1x16xf32>,
          %get3A_1540 = arith.index_cast %add3A_1473 : i32 to index
          %get3A_1541 = arith.constant 96 : index
          %get3A_1542 = tpu.vector_load %arg15[%get3A_1540, %get3A_1541] {strides = array<i32>} : memref<80x128xf32, #tpu.memory_space<vmem>>, vector<1x16xf32>,
          %get3A_1543 = vector.shape_cast %get3A_1542 : vector<1x16xf32> to vector<16xf32>
          %mul3A_1544 = arith.mulf %get3A_1543, %get3A_1479 : vector<16xf32>
          %swap3A_1545 = arith.index_cast %add3A_1473 : i32 to index
          %swap3A_1546 = arith.constant 96 : index
          %swap3A_1547 = tpu.vector_load %arg15[%swap3A_1545, %swap3A_1546] {strides = array<i32>} : memref<80x128xf32, #tpu.memory_space<vmem>>, vector<1x16xf32>,
          %swap3A_1548 = vector.shape_cast %swap3A_1547 : vector<1x16xf32> to vector<16xf32>
          %swap3A_1549 = vector.shape_cast %mul3A_1544 : vector<16xf32> to vector<1x16xf32>
          tpu.vector_store %arg15[%swap3A_1545, %swap3A_1546], %swap3A_1549 {strides = array<i32>} : memref<80x128xf32, #tpu.memory_space<vmem>>, vector<1x16xf32>,
          %get3A_1550 = arith.index_cast %add3A_1473 : i32 to index
          %get3A_1551 = arith.constant 112 : index
          %get3A_1552 = tpu.vector_load %arg15[%get3A_1550, %get3A_1551] {strides = array<i32>} : memref<80x128xf32, #tpu.memory_space<vmem>>, vector<1x16xf32>,
          %get3A_1553 = vector.shape_cast %get3A_1552 : vector<1x16xf32> to vector<16xf32>
          %mul3A_1554 = arith.mulf %get3A_1553, %get3A_1479 : vector<16xf32>
          %swap3A_1555 = arith.index_cast %add3A_1473 : i32 to index
          %swap3A_1556 = arith.constant 112 : index
          %swap3A_1557 = tpu.vector_load %arg15[%swap3A_1555, %swap3A_1556] {strides = array<i32>} : memref<80x128xf32, #tpu.memory_space<vmem>>, vector<1x16xf32>,
          %swap3A_1558 = vector.shape_cast %swap3A_1557 : vector<1x16xf32> to vector<16xf32>
          %swap3A_1559 = vector.shape_cast %mul3A_1554 : vector<16xf32> to vector<1x16xf32>
          tpu.vector_store %arg15[%swap3A_1555, %swap3A_1556], %swap3A_1559 {strides = array<i32>} : memref<80x128xf32, #tpu.memory_space<vmem>>, vector<1x16xf32>,
        }
        %scan3A_120 = arith.constant 5 : i32
      } else {
      }
      %eq3A_95 = arith.constant 1 : i32
      %eq3A_96 = arith.cmpi eq, %rem3A_35, %eq3A_95 : i32
      %convert_element_type3A_97 = arith.extui %eq3A_96 : i1 to i32
      %cond3A_98 = arith.constant 0 : i32
      %cond3A_99 = arith.cmpi ne, %convert_element_type3A_97, %cond3A_98 : i32
      scf.if %cond3A_99 {
        %scan3A_115 = arith.constant 0 : i32
        %scan3A_116 = arith.constant 0 : i32
        %scan3A_117 = arith.constant 5 : i32
        %scan3A_118 = arith.addi %scan3A_116, %scan3A_117 : i32
        %scan3A_119 = arith.constant 1 : i32
        scf.for %scan3A_121 = %scan3A_116 to %scan3A_118 step %scan3A_119  : i32 {
          %mul3A_122 = arith.constant 16 : i32
          %mul3A_123 = arith.muli %scan3A_121, %mul3A_122 : i32
          %add3A_124 = arith.constant 0 : i32
          %add3A_125 = arith.addi %mul3A_123, %add3A_124 : i32
          %get3A = arith.constant 1 : i32
          %get3A_126 = arith.index_cast %get3A : i32 to index
          %get3A_127 = arith.index_cast %add3A_125 : i32 to index
          %get3A_128 = arith.constant 0 : index
          %get3A_129 = tpu.vector_load %arg14[%get3A_126, %get3A_127, %get3A_128] {strides = array<i32>} : memref<2x80x16xf32, #tpu.memory_space<vmem>>, vector<1x1x16xf32>,
          %get3A_130 = vector.shape_cast %get3A_129 : vector<1x1x16xf32> to vector<16xf32>
          %get3A_131 = arith.index_cast %add3A_125 : i32 to index
          %get3A_132 = arith.constant 0 : index
          %get3A_133 = tpu.vector_load %arg16[%get3A_131, %get3A_132] {strides = array<i32>} : memref<80x128xf32, #tpu.memory_space<vmem>>, vector<1x16xf32>,
          %get3A_134 = vector.shape_cast %get3A_133 : vector<1x16xf32> to vector<16xf32>
          %mul3A_135 = arith.mulf %get3A_134, %get3A_130 : vector<16xf32>
          %swap3A = arith.index_cast %add3A_125 : i32 to index
          %swap3A_136 = arith.constant 0 : index
          %swap3A_137 = tpu.vector_load %arg16[%swap3A, %swap3A_136] {strides = array<i32>} : memref<80x128xf32, #tpu.memory_space<vmem>>, vector<1x16xf32>,
          %swap3A_138 = vector.shape_cast %swap3A_137 : vector<1x16xf32> to vector<16xf32>
          %swap3A_139 = vector.shape_cast %mul3A_135 : vector<16xf32> to vector<1x16xf32>
          tpu.vector_store %arg16[%swap3A, %swap3A_136], %swap3A_139 {strides = array<i32>} : memref<80x128xf32, #tpu.memory_space<vmem>>, vector<1x16xf32>,
          %get3A_140 = arith.index_cast %add3A_125 : i32 to index
          %get3A_141 = arith.constant 16 : index
          %get3A_142 = tpu.vector_load %arg16[%get3A_140, %get3A_141] {strides = array<i32>} : memref<80x128xf32, #tpu.memory_space<vmem>>, vector<1x16xf32>,
          %get3A_143 = vector.shape_cast %get3A_142 : vector<1x16xf32> to vector<16xf32>
          %mul3A_144 = arith.mulf %get3A_143, %get3A_130 : vector<16xf32>
          %swap3A_145 = arith.index_cast %add3A_125 : i32 to index
          %swap3A_146 = arith.constant 16 : index
          %swap3A_147 = tpu.vector_load %arg16[%swap3A_145, %swap3A_146] {strides = array<i32>} : memref<80x128xf32, #tpu.memory_space<vmem>>, vector<1x16xf32>,
          %swap3A_148 = vector.shape_cast %swap3A_147 : vector<1x16xf32> to vector<16xf32>
          %swap3A_149 = vector.shape_cast %mul3A_144 : vector<16xf32> to vector<1x16xf32>
          tpu.vector_store %arg16[%swap3A_145, %swap3A_146], %swap3A_149 {strides = array<i32>} : memref<80x128xf32, #tpu.memory_space<vmem>>, vector<1x16xf32>,
          %get3A_150 = arith.index_cast %add3A_125 : i32 to index
          %get3A_151 = arith.constant 32 : index
          %get3A_152 = tpu.vector_load %arg16[%get3A_150, %get3A_151] {strides = array<i32>} : memref<80x128xf32, #tpu.memory_space<vmem>>, vector<1x16xf32>,
          %get3A_153 = vector.shape_cast %get3A_152 : vector<1x16xf32> to vector<16xf32>
          %mul3A_154 = arith.mulf %get3A_153, %get3A_130 : vector<16xf32>
          %swap3A_155 = arith.index_cast %add3A_125 : i32 to index
          %swap3A_156 = arith.constant 32 : index
          %swap3A_157 = tpu.vector_load %arg16[%swap3A_155, %swap3A_156] {strides = array<i32>} : memref<80x128xf32, #tpu.memory_space<vmem>>, vector<1x16xf32>,
          %swap3A_158 = vector.shape_cast %swap3A_157 : vector<1x16xf32> to vector<16xf32>
          %swap3A_159 = vector.shape_cast %mul3A_154 : vector<16xf32> to vector<1x16xf32>
          tpu.vector_store %arg16[%swap3A_155, %swap3A_156], %swap3A_159 {strides = array<i32>} : memref<80x128xf32, #tpu.memory_space<vmem>>, vector<1x16xf32>,
          %get3A_160 = arith.index_cast %add3A_125 : i32 to index
          %get3A_161 = arith.constant 48 : index
          %get3A_162 = tpu.vector_load %arg16[%get3A_160, %get3A_161] {strides = array<i32>} : memref<80x128xf32, #tpu.memory_space<vmem>>, vector<1x16xf32>,
          %get3A_163 = vector.shape_cast %get3A_162 : vector<1x16xf32> to vector<16xf32>
          %mul3A_164 = arith.mulf %get3A_163, %get3A_130 : vector<16xf32>
          %swap3A_165 = arith.index_cast %add3A_125 : i32 to index
          %swap3A_166 = arith.constant 48 : index
          %swap3A_167 = tpu.vector_load %arg16[%swap3A_165, %swap3A_166] {strides = array<i32>} : memref<80x128xf32, #tpu.memory_space<vmem>>, vector<1x16xf32>,
          %swap3A_168 = vector.shape_cast %swap3A_167 : vector<1x16xf32> to vector<16xf32>
          %swap3A_169 = vector.shape_cast %mul3A_164 : vector<16xf32> to vector<1x16xf32>
          tpu.vector_store %arg16[%swap3A_165, %swap3A_166], %swap3A_169 {strides = array<i32>} : memref<80x128xf32, #tpu.memory_space<vmem>>, vector<1x16xf32>,
          %get3A_170 = arith.index_cast %add3A_125 : i32 to index
          %get3A_171 = arith.constant 64 : index
          %get3A_172 = tpu.vector_load %arg16[%get3A_170, %get3A_171] {strides = array<i32>} : memref<80x128xf32, #tpu.memory_space<vmem>>, vector<1x16xf32>,
          %get3A_173 = vector.shape_cast %get3A_172 : vector<1x16xf32> to vector<16xf32>
          %mul3A_174 = arith.mulf %get3A_173, %get3A_130 : vector<16xf32>
          %swap3A_175 = arith.index_cast %add3A_125 : i32 to index
          %swap3A_176 = arith.constant 64 : index
          %swap3A_177 = tpu.vector_load %arg16[%swap3A_175, %swap3A_176] {strides = array<i32>} : memref<80x128xf32, #tpu.memory_space<vmem>>, vector<1x16xf32>,
          %swap3A_178 = vector.shape_cast %swap3A_177 : vector<1x16xf32> to vector<16xf32>
          %swap3A_179 = vector.shape_cast %mul3A_174 : vector<16xf32> to vector<1x16xf32>
          tpu.vector_store %arg16[%swap3A_175, %swap3A_176], %swap3A_179 {strides = array<i32>} : memref<80x128xf32, #tpu.memory_space<vmem>>, vector<1x16xf32>,
          %get3A_180 = arith.index_cast %add3A_125 : i32 to index
          %get3A_181 = arith.constant 80 : index
          %get3A_182 = tpu.vector_load %arg16[%get3A_180, %get3A_181] {strides = array<i32>} : memref<80x128xf32, #tpu.memory_space<vmem>>, vector<1x16xf32>,
          %get3A_183 = vector.shape_cast %get3A_182 : vector<1x16xf32> to vector<16xf32>
          %mul3A_184 = arith.mulf %get3A_183, %get3A_130 : vector<16xf32>
          %swap3A_185 = arith.index_cast %add3A_125 : i32 to index
          %swap3A_186 = arith.constant 80 : index
          %swap3A_187 = tpu.vector_load %arg16[%swap3A_185, %swap3A_186] {strides = array<i32>} : memref<80x128xf32, #tpu.memory_space<vmem>>, vector<1x16xf32>,
          %swap3A_188 = vector.shape_cast %swap3A_187 : vector<1x16xf32> to vector<16xf32>
          %swap3A_189 = vector.shape_cast %mul3A_184 : vector<16xf32> to vector<1x16xf32>
          tpu.vector_store %arg16[%swap3A_185, %swap3A_186], %swap3A_189 {strides = array<i32>} : memref<80x128xf32, #tpu.memory_space<vmem>>, vector<1x16xf32>,
          %get3A_190 = arith.index_cast %add3A_125 : i32 to index
          %get3A_191 = arith.constant 96 : index
          %get3A_192 = tpu.vector_load %arg16[%get3A_190, %get3A_191] {strides = array<i32>} : memref<80x128xf32, #tpu.memory_space<vmem>>, vector<1x16xf32>,
          %get3A_193 = vector.shape_cast %get3A_192 : vector<1x16xf32> to vector<16xf32>
          %mul3A_194 = arith.mulf %get3A_193, %get3A_130 : vector<16xf32>
          %swap3A_195 = arith.index_cast %add3A_125 : i32 to index
          %swap3A_196 = arith.constant 96 : index
          %swap3A_197 = tpu.vector_load %arg16[%swap3A_195, %swap3A_196] {strides = array<i32>} : memref<80x128xf32, #tpu.memory_space<vmem>>, vector<1x16xf32>,
          %swap3A_198 = vector.shape_cast %swap3A_197 : vector<1x16xf32> to vector<16xf32>
          %swap3A_199 = vector.shape_cast %mul3A_194 : vector<16xf32> to vector<1x16xf32>
          tpu.vector_store %arg16[%swap3A_195, %swap3A_196], %swap3A_199 {strides = array<i32>} : memref<80x128xf32, #tpu.memory_space<vmem>>, vector<1x16xf32>,
          %get3A_200 = arith.index_cast %add3A_125 : i32 to index
          %get3A_201 = arith.constant 112 : index
          %get3A_202 = tpu.vector_load %arg16[%get3A_200, %get3A_201] {strides = array<i32>} : memref<80x128xf32, #tpu.memory_space<vmem>>, vector<1x16xf32>,
          %get3A_203 = vector.shape_cast %get3A_202 : vector<1x16xf32> to vector<16xf32>
          %mul3A_204 = arith.mulf %get3A_203, %get3A_130 : vector<16xf32>
          %swap3A_205 = arith.index_cast %add3A_125 : i32 to index
          %swap3A_206 = arith.constant 112 : index
          %swap3A_207 = tpu.vector_load %arg16[%swap3A_205, %swap3A_206] {strides = array<i32>} : memref<80x128xf32, #tpu.memory_space<vmem>>, vector<1x16xf32>,
          %swap3A_208 = vector.shape_cast %swap3A_207 : vector<1x16xf32> to vector<16xf32>
          %swap3A_209 = vector.shape_cast %mul3A_204 : vector<16xf32> to vector<1x16xf32>
          tpu.vector_store %arg16[%swap3A_205, %swap3A_206], %swap3A_209 {strides = array<i32>} : memref<80x128xf32, #tpu.memory_space<vmem>>, vector<1x16xf32>,
          %mul3A_210 = arith.constant 16 : i32
          %mul3A_211 = arith.muli %scan3A_121, %mul3A_210 : i32
          %add3A_212 = arith.constant 1 : i32
          %add3A_213 = arith.addi %mul3A_211, %add3A_212 : i32
          %get3A_214 = arith.constant 1 : i32
          %get3A_215 = arith.index_cast %get3A_214 : i32 to index
          %get3A_216 = arith.index_cast %add3A_213 : i32 to index
          %get3A_217 = arith.constant 0 : index
          %get3A_218 = tpu.vector_load %arg14[%get3A_215, %get3A_216, %get3A_217] {strides = array<i32>} : memref<2x80x16xf32, #tpu.memory_space<vmem>>, vector<1x1x16xf32>,
          %get3A_219 = vector.shape_cast %get3A_218 : vector<1x1x16xf32> to vector<16xf32>
          %get3A_220 = arith.index_cast %add3A_213 : i32 to index
          %get3A_221 = arith.constant 0 : index
          %get3A_222 = tpu.vector_load %arg16[%get3A_220, %get3A_221] {strides = array<i32>} : memref<80x128xf32, #tpu.memory_space<vmem>>, vector<1x16xf32>,
          %get3A_223 = vector.shape_cast %get3A_222 : vector<1x16xf32> to vector<16xf32>
          %mul3A_224 = arith.mulf %get3A_223, %get3A_219 : vector<16xf32>
          %swap3A_225 = arith.index_cast %add3A_213 : i32 to index
          %swap3A_226 = arith.constant 0 : index
          %swap3A_227 = tpu.vector_load %arg16[%swap3A_225, %swap3A_226] {strides = array<i32>} : memref<80x128xf32, #tpu.memory_space<vmem>>, vector<1x16xf32>,
          %swap3A_228 = vector.shape_cast %swap3A_227 : vector<1x16xf32> to vector<16xf32>
          %swap3A_229 = vector.shape_cast %mul3A_224 : vector<16xf32> to vector<1x16xf32>
          tpu.vector_store %arg16[%swap3A_225, %swap3A_226], %swap3A_229 {strides = array<i32>} : memref<80x128xf32, #tpu.memory_space<vmem>>, vector<1x16xf32>,
          %get3A_230 = arith.index_cast %add3A_213 : i32 to index
          %get3A_231 = arith.constant 16 : index
          %get3A_232 = tpu.vector_load %arg16[%get3A_230, %get3A_231] {strides = array<i32>} : memref<80x128xf32, #tpu.memory_space<vmem>>, vector<1x16xf32>,
          %get3A_233 = vector.shape_cast %get3A_232 : vector<1x16xf32> to vector<16xf32>
          %mul3A_234 = arith.mulf %get3A_233, %get3A_219 : vector<16xf32>
          %swap3A_235 = arith.index_cast %add3A_213 : i32 to index
          %swap3A_236 = arith.constant 16 : index
          %swap3A_237 = tpu.vector_load %arg16[%swap3A_235, %swap3A_236] {strides = array<i32>} : memref<80x128xf32, #tpu.memory_space<vmem>>, vector<1x16xf32>,
          %swap3A_238 = vector.shape_cast %swap3A_237 : vector<1x16xf32> to vector<16xf32>
          %swap3A_239 = vector.shape_cast %mul3A_234 : vector<16xf32> to vector<1x16xf32>
          tpu.vector_store %arg16[%swap3A_235, %swap3A_236], %swap3A_239 {strides = array<i32>} : memref<80x128xf32, #tpu.memory_space<vmem>>, vector<1x16xf32>,
          %get3A_240 = arith.index_cast %add3A_213 : i32 to index
          %get3A_241 = arith.constant 32 : index
          %get3A_242 = tpu.vector_load %arg16[%get3A_240, %get3A_241] {strides = array<i32>} : memref<80x128xf32, #tpu.memory_space<vmem>>, vector<1x16xf32>,
          %get3A_243 = vector.shape_cast %get3A_242 : vector<1x16xf32> to vector<16xf32>
          %mul3A_244 = arith.mulf %get3A_243, %get3A_219 : vector<16xf32>
          %swap3A_245 = arith.index_cast %add3A_213 : i32 to index
          %swap3A_246 = arith.constant 32 : index
          %swap3A_247 = tpu.vector_load %arg16[%swap3A_245, %swap3A_246] {strides = array<i32>} : memref<80x128xf32, #tpu.memory_space<vmem>>, vector<1x16xf32>,
          %swap3A_248 = vector.shape_cast %swap3A_247 : vector<1x16xf32> to vector<16xf32>
          %swap3A_249 = vector.shape_cast %mul3A_244 : vector<16xf32> to vector<1x16xf32>
          tpu.vector_store %arg16[%swap3A_245, %swap3A_246], %swap3A_249 {strides = array<i32>} : memref<80x128xf32, #tpu.memory_space<vmem>>, vector<1x16xf32>,
          %get3A_250 = arith.index_cast %add3A_213 : i32 to index
          %get3A_251 = arith.constant 48 : index
          %get3A_252 = tpu.vector_load %arg16[%get3A_250, %get3A_251] {strides = array<i32>} : memref<80x128xf32, #tpu.memory_space<vmem>>, vector<1x16xf32>,
          %get3A_253 = vector.shape_cast %get3A_252 : vector<1x16xf32> to vector<16xf32>
          %mul3A_254 = arith.mulf %get3A_253, %get3A_219 : vector<16xf32>
          %swap3A_255 = arith.index_cast %add3A_213 : i32 to index
          %swap3A_256 = arith.constant 48 : index
          %swap3A_257 = tpu.vector_load %arg16[%swap3A_255, %swap3A_256] {strides = array<i32>} : memref<80x128xf32, #tpu.memory_space<vmem>>, vector<1x16xf32>,
          %swap3A_258 = vector.shape_cast %swap3A_257 : vector<1x16xf32> to vector<16xf32>
          %swap3A_259 = vector.shape_cast %mul3A_254 : vector<16xf32> to vector<1x16xf32>
          tpu.vector_store %arg16[%swap3A_255, %swap3A_256], %swap3A_259 {strides = array<i32>} : memref<80x128xf32, #tpu.memory_space<vmem>>, vector<1x16xf32>,
          %get3A_260 = arith.index_cast %add3A_213 : i32 to index
          %get3A_261 = arith.constant 64 : index
          %get3A_262 = tpu.vector_load %arg16[%get3A_260, %get3A_261] {strides = array<i32>} : memref<80x128xf32, #tpu.memory_space<vmem>>, vector<1x16xf32>,
          %get3A_263 = vector.shape_cast %get3A_262 : vector<1x16xf32> to vector<16xf32>
          %mul3A_264 = arith.mulf %get3A_263, %get3A_219 : vector<16xf32>
          %swap3A_265 = arith.index_cast %add3A_213 : i32 to index
          %swap3A_266 = arith.constant 64 : index
          %swap3A_267 = tpu.vector_load %arg16[%swap3A_265, %swap3A_266] {strides = array<i32>} : memref<80x128xf32, #tpu.memory_space<vmem>>, vector<1x16xf32>,
          %swap3A_268 = vector.shape_cast %swap3A_267 : vector<1x16xf32> to vector<16xf32>
          %swap3A_269 = vector.shape_cast %mul3A_264 : vector<16xf32> to vector<1x16xf32>
          tpu.vector_store %arg16[%swap3A_265, %swap3A_266], %swap3A_269 {strides = array<i32>} : memref<80x128xf32, #tpu.memory_space<vmem>>, vector<1x16xf32>,
          %get3A_270 = arith.index_cast %add3A_213 : i32 to index
          %get3A_271 = arith.constant 80 : index
          %get3A_272 = tpu.vector_load %arg16[%get3A_270, %get3A_271] {strides = array<i32>} : memref<80x128xf32, #tpu.memory_space<vmem>>, vector<1x16xf32>,
          %get3A_273 = vector.shape_cast %get3A_272 : vector<1x16xf32> to vector<16xf32>
          %mul3A_274 = arith.mulf %get3A_273, %get3A_219 : vector<16xf32>
          %swap3A_275 = arith.index_cast %add3A_213 : i32 to index
          %swap3A_276 = arith.constant 80 : index
          %swap3A_277 = tpu.vector_load %arg16[%swap3A_275, %swap3A_276] {strides = array<i32>} : memref<80x128xf32, #tpu.memory_space<vmem>>, vector<1x16xf32>,
          %swap3A_278 = vector.shape_cast %swap3A_277 : vector<1x16xf32> to vector<16xf32>
          %swap3A_279 = vector.shape_cast %mul3A_274 : vector<16xf32> to vector<1x16xf32>
          tpu.vector_store %arg16[%swap3A_275, %swap3A_276], %swap3A_279 {strides = array<i32>} : memref<80x128xf32, #tpu.memory_space<vmem>>, vector<1x16xf32>,
          %get3A_280 = arith.index_cast %add3A_213 : i32 to index
          %get3A_281 = arith.constant 96 : index
          %get3A_282 = tpu.vector_load %arg16[%get3A_280, %get3A_281] {strides = array<i32>} : memref<80x128xf32, #tpu.memory_space<vmem>>, vector<1x16xf32>,
          %get3A_283 = vector.shape_cast %get3A_282 : vector<1x16xf32> to vector<16xf32>
          %mul3A_284 = arith.mulf %get3A_283, %get3A_219 : vector<16xf32>
          %swap3A_285 = arith.index_cast %add3A_213 : i32 to index
          %swap3A_286 = arith.constant 96 : index
          %swap3A_287 = tpu.vector_load %arg16[%swap3A_285, %swap3A_286] {strides = array<i32>} : memref<80x128xf32, #tpu.memory_space<vmem>>, vector<1x16xf32>,
          %swap3A_288 = vector.shape_cast %swap3A_287 : vector<1x16xf32> to vector<16xf32>
          %swap3A_289 = vector.shape_cast %mul3A_284 : vector<16xf32> to vector<1x16xf32>
          tpu.vector_store %arg16[%swap3A_285, %swap3A_286], %swap3A_289 {strides = array<i32>} : memref<80x128xf32, #tpu.memory_space<vmem>>, vector<1x16xf32>,
          %get3A_290 = arith.index_cast %add3A_213 : i32 to index
          %get3A_291 = arith.constant 112 : index
          %get3A_292 = tpu.vector_load %arg16[%get3A_290, %get3A_291] {strides = array<i32>} : memref<80x128xf32, #tpu.memory_space<vmem>>, vector<1x16xf32>,
          %get3A_293 = vector.shape_cast %get3A_292 : vector<1x16xf32> to vector<16xf32>
          %mul3A_294 = arith.mulf %get3A_293, %get3A_219 : vector<16xf32>
          %swap3A_295 = arith.index_cast %add3A_213 : i32 to index
          %swap3A_296 = arith.constant 112 : index
          %swap3A_297 = tpu.vector_load %arg16[%swap3A_295, %swap3A_296] {strides = array<i32>} : memref<80x128xf32, #tpu.memory_space<vmem>>, vector<1x16xf32>,
          %swap3A_298 = vector.shape_cast %swap3A_297 : vector<1x16xf32> to vector<16xf32>
          %swap3A_299 = vector.shape_cast %mul3A_294 : vector<16xf32> to vector<1x16xf32>
          tpu.vector_store %arg16[%swap3A_295, %swap3A_296], %swap3A_299 {strides = array<i32>} : memref<80x128xf32, #tpu.memory_space<vmem>>, vector<1x16xf32>,
          %mul3A_300 = arith.constant 16 : i32
          %mul3A_301 = arith.muli %scan3A_121, %mul3A_300 : i32
          %add3A_302 = arith.constant 2 : i32
          %add3A_303 = arith.addi %mul3A_301, %add3A_302 : i32
          %get3A_304 = arith.constant 1 : i32
          %get3A_305 = arith.index_cast %get3A_304 : i32 to index
          %get3A_306 = arith.index_cast %add3A_303 : i32 to index
          %get3A_307 = arith.constant 0 : index
          %get3A_308 = tpu.vector_load %arg14[%get3A_305, %get3A_306, %get3A_307] {strides = array<i32>} : memref<2x80x16xf32, #tpu.memory_space<vmem>>, vector<1x1x16xf32>,
          %get3A_309 = vector.shape_cast %get3A_308 : vector<1x1x16xf32> to vector<16xf32>
          %get3A_310 = arith.index_cast %add3A_303 : i32 to index
          %get3A_311 = arith.constant 0 : index
          %get3A_312 = tpu.vector_load %arg16[%get3A_310, %get3A_311] {strides = array<i32>} : memref<80x128xf32, #tpu.memory_space<vmem>>, vector<1x16xf32>,
          %get3A_313 = vector.shape_cast %get3A_312 : vector<1x16xf32> to vector<16xf32>
          %mul3A_314 = arith.mulf %get3A_313, %get3A_309 : vector<16xf32>
          %swap3A_315 = arith.index_cast %add3A_303 : i32 to index
          %swap3A_316 = arith.constant 0 : index
          %swap3A_317 = tpu.vector_load %arg16[%swap3A_315, %swap3A_316] {strides = array<i32>} : memref<80x128xf32, #tpu.memory_space<vmem>>, vector<1x16xf32>,
          %swap3A_318 = vector.shape_cast %swap3A_317 : vector<1x16xf32> to vector<16xf32>
          %swap3A_319 = vector.shape_cast %mul3A_314 : vector<16xf32> to vector<1x16xf32>
          tpu.vector_store %arg16[%swap3A_315, %swap3A_316], %swap3A_319 {strides = array<i32>} : memref<80x128xf32, #tpu.memory_space<vmem>>, vector<1x16xf32>,
          %get3A_320 = arith.index_cast %add3A_303 : i32 to index
          %get3A_321 = arith.constant 16 : index
          %get3A_322 = tpu.vector_load %arg16[%get3A_320, %get3A_321] {strides = array<i32>} : memref<80x128xf32, #tpu.memory_space<vmem>>, vector<1x16xf32>,
          %get3A_323 = vector.shape_cast %get3A_322 : vector<1x16xf32> to vector<16xf32>
          %mul3A_324 = arith.mulf %get3A_323, %get3A_309 : vector<16xf32>
          %swap3A_325 = arith.index_cast %add3A_303 : i32 to index
          %swap3A_326 = arith.constant 16 : index
          %swap3A_327 = tpu.vector_load %arg16[%swap3A_325, %swap3A_326] {strides = array<i32>} : memref<80x128xf32, #tpu.memory_space<vmem>>, vector<1x16xf32>,
          %swap3A_328 = vector.shape_cast %swap3A_327 : vector<1x16xf32> to vector<16xf32>
          %swap3A_329 = vector.shape_cast %mul3A_324 : vector<16xf32> to vector<1x16xf32>
          tpu.vector_store %arg16[%swap3A_325, %swap3A_326], %swap3A_329 {strides = array<i32>} : memref<80x128xf32, #tpu.memory_space<vmem>>, vector<1x16xf32>,
          %get3A_330 = arith.index_cast %add3A_303 : i32 to index
          %get3A_331 = arith.constant 32 : index
          %get3A_332 = tpu.vector_load %arg16[%get3A_330, %get3A_331] {strides = array<i32>} : memref<80x128xf32, #tpu.memory_space<vmem>>, vector<1x16xf32>,
          %get3A_333 = vector.shape_cast %get3A_332 : vector<1x16xf32> to vector<16xf32>
          %mul3A_334 = arith.mulf %get3A_333, %get3A_309 : vector<16xf32>
          %swap3A_335 = arith.index_cast %add3A_303 : i32 to index
          %swap3A_336 = arith.constant 32 : index
          %swap3A_337 = tpu.vector_load %arg16[%swap3A_335, %swap3A_336] {strides = array<i32>} : memref<80x128xf32, #tpu.memory_space<vmem>>, vector<1x16xf32>,
          %swap3A_338 = vector.shape_cast %swap3A_337 : vector<1x16xf32> to vector<16xf32>
          %swap3A_339 = vector.shape_cast %mul3A_334 : vector<16xf32> to vector<1x16xf32>
          tpu.vector_store %arg16[%swap3A_335, %swap3A_336], %swap3A_339 {strides = array<i32>} : memref<80x128xf32, #tpu.memory_space<vmem>>, vector<1x16xf32>,
          %get3A_340 = arith.index_cast %add3A_303 : i32 to index
          %get3A_341 = arith.constant 48 : index
          %get3A_342 = tpu.vector_load %arg16[%get3A_340, %get3A_341] {strides = array<i32>} : memref<80x128xf32, #tpu.memory_space<vmem>>, vector<1x16xf32>,
          %get3A_343 = vector.shape_cast %get3A_342 : vector<1x16xf32> to vector<16xf32>
          %mul3A_344 = arith.mulf %get3A_343, %get3A_309 : vector<16xf32>
          %swap3A_345 = arith.index_cast %add3A_303 : i32 to index
          %swap3A_346 = arith.constant 48 : index
          %swap3A_347 = tpu.vector_load %arg16[%swap3A_345, %swap3A_346] {strides = array<i32>} : memref<80x128xf32, #tpu.memory_space<vmem>>, vector<1x16xf32>,
          %swap3A_348 = vector.shape_cast %swap3A_347 : vector<1x16xf32> to vector<16xf32>
          %swap3A_349 = vector.shape_cast %mul3A_344 : vector<16xf32> to vector<1x16xf32>
          tpu.vector_store %arg16[%swap3A_345, %swap3A_346], %swap3A_349 {strides = array<i32>} : memref<80x128xf32, #tpu.memory_space<vmem>>, vector<1x16xf32>,
          %get3A_350 = arith.index_cast %add3A_303 : i32 to index
          %get3A_351 = arith.constant 64 : index
          %get3A_352 = tpu.vector_load %arg16[%get3A_350, %get3A_351] {strides = array<i32>} : memref<80x128xf32, #tpu.memory_space<vmem>>, vector<1x16xf32>,
          %get3A_353 = vector.shape_cast %get3A_352 : vector<1x16xf32> to vector<16xf32>
          %mul3A_354 = arith.mulf %get3A_353, %get3A_309 : vector<16xf32>
          %swap3A_355 = arith.index_cast %add3A_303 : i32 to index
          %swap3A_356 = arith.constant 64 : index
          %swap3A_357 = tpu.vector_load %arg16[%swap3A_355, %swap3A_356] {strides = array<i32>} : memref<80x128xf32, #tpu.memory_space<vmem>>, vector<1x16xf32>,
          %swap3A_358 = vector.shape_cast %swap3A_357 : vector<1x16xf32> to vector<16xf32>
          %swap3A_359 = vector.shape_cast %mul3A_354 : vector<16xf32> to vector<1x16xf32>
          tpu.vector_store %arg16[%swap3A_355, %swap3A_356], %swap3A_359 {strides = array<i32>} : memref<80x128xf32, #tpu.memory_space<vmem>>, vector<1x16xf32>,
          %get3A_360 = arith.index_cast %add3A_303 : i32 to index
          %get3A_361 = arith.constant 80 : index
          %get3A_362 = tpu.vector_load %arg16[%get3A_360, %get3A_361] {strides = array<i32>} : memref<80x128xf32, #tpu.memory_space<vmem>>, vector<1x16xf32>,
          %get3A_363 = vector.shape_cast %get3A_362 : vector<1x16xf32> to vector<16xf32>
          %mul3A_364 = arith.mulf %get3A_363, %get3A_309 : vector<16xf32>
          %swap3A_365 = arith.index_cast %add3A_303 : i32 to index
          %swap3A_366 = arith.constant 80 : index
          %swap3A_367 = tpu.vector_load %arg16[%swap3A_365, %swap3A_366] {strides = array<i32>} : memref<80x128xf32, #tpu.memory_space<vmem>>, vector<1x16xf32>,
          %swap3A_368 = vector.shape_cast %swap3A_367 : vector<1x16xf32> to vector<16xf32>
          %swap3A_369 = vector.shape_cast %mul3A_364 : vector<16xf32> to vector<1x16xf32>
          tpu.vector_store %arg16[%swap3A_365, %swap3A_366], %swap3A_369 {strides = array<i32>} : memref<80x128xf32, #tpu.memory_space<vmem>>, vector<1x16xf32>,
          %get3A_370 = arith.index_cast %add3A_303 : i32 to index
          %get3A_371 = arith.constant 96 : index
          %get3A_372 = tpu.vector_load %arg16[%get3A_370, %get3A_371] {strides = array<i32>} : memref<80x128xf32, #tpu.memory_space<vmem>>, vector<1x16xf32>,
          %get3A_373 = vector.shape_cast %get3A_372 : vector<1x16xf32> to vector<16xf32>
          %mul3A_374 = arith.mulf %get3A_373, %get3A_309 : vector<16xf32>
          %swap3A_375 = arith.index_cast %add3A_303 : i32 to index
          %swap3A_376 = arith.constant 96 : index
          %swap3A_377 = tpu.vector_load %arg16[%swap3A_375, %swap3A_376] {strides = array<i32>} : memref<80x128xf32, #tpu.memory_space<vmem>>, vector<1x16xf32>,
          %swap3A_378 = vector.shape_cast %swap3A_377 : vector<1x16xf32> to vector<16xf32>
          %swap3A_379 = vector.shape_cast %mul3A_374 : vector<16xf32> to vector<1x16xf32>
          tpu.vector_store %arg16[%swap3A_375, %swap3A_376], %swap3A_379 {strides = array<i32>} : memref<80x128xf32, #tpu.memory_space<vmem>>, vector<1x16xf32>,
          %get3A_380 = arith.index_cast %add3A_303 : i32 to index
          %get3A_381 = arith.constant 112 : index
          %get3A_382 = tpu.vector_load %arg16[%get3A_380, %get3A_381] {strides = array<i32>} : memref<80x128xf32, #tpu.memory_space<vmem>>, vector<1x16xf32>,
          %get3A_383 = vector.shape_cast %get3A_382 : vector<1x16xf32> to vector<16xf32>
          %mul3A_384 = arith.mulf %get3A_383, %get3A_309 : vector<16xf32>
          %swap3A_385 = arith.index_cast %add3A_303 : i32 to index
          %swap3A_386 = arith.constant 112 : index
          %swap3A_387 = tpu.vector_load %arg16[%swap3A_385, %swap3A_386] {strides = array<i32>} : memref<80x128xf32, #tpu.memory_space<vmem>>, vector<1x16xf32>,
          %swap3A_388 = vector.shape_cast %swap3A_387 : vector<1x16xf32> to vector<16xf32>
          %swap3A_389 = vector.shape_cast %mul3A_384 : vector<16xf32> to vector<1x16xf32>
          tpu.vector_store %arg16[%swap3A_385, %swap3A_386], %swap3A_389 {strides = array<i32>} : memref<80x128xf32, #tpu.memory_space<vmem>>, vector<1x16xf32>,
          %mul3A_390 = arith.constant 16 : i32
          %mul3A_391 = arith.muli %scan3A_121, %mul3A_390 : i32
          %add3A_392 = arith.constant 3 : i32
          %add3A_393 = arith.addi %mul3A_391, %add3A_392 : i32
          %get3A_394 = arith.constant 1 : i32
          %get3A_395 = arith.index_cast %get3A_394 : i32 to index
          %get3A_396 = arith.index_cast %add3A_393 : i32 to index
          %get3A_397 = arith.constant 0 : index
          %get3A_398 = tpu.vector_load %arg14[%get3A_395, %get3A_396, %get3A_397] {strides = array<i32>} : memref<2x80x16xf32, #tpu.memory_space<vmem>>, vector<1x1x16xf32>,
          %get3A_399 = vector.shape_cast %get3A_398 : vector<1x1x16xf32> to vector<16xf32>
          %get3A_400 = arith.index_cast %add3A_393 : i32 to index
          %get3A_401 = arith.constant 0 : index
          %get3A_402 = tpu.vector_load %arg16[%get3A_400, %get3A_401] {strides = array<i32>} : memref<80x128xf32, #tpu.memory_space<vmem>>, vector<1x16xf32>,
          %get3A_403 = vector.shape_cast %get3A_402 : vector<1x16xf32> to vector<16xf32>
          %mul3A_404 = arith.mulf %get3A_403, %get3A_399 : vector<16xf32>
          %swap3A_405 = arith.index_cast %add3A_393 : i32 to index
          %swap3A_406 = arith.constant 0 : index
          %swap3A_407 = tpu.vector_load %arg16[%swap3A_405, %swap3A_406] {strides = array<i32>} : memref<80x128xf32, #tpu.memory_space<vmem>>, vector<1x16xf32>,
          %swap3A_408 = vector.shape_cast %swap3A_407 : vector<1x16xf32> to vector<16xf32>
          %swap3A_409 = vector.shape_cast %mul3A_404 : vector<16xf32> to vector<1x16xf32>
          tpu.vector_store %arg16[%swap3A_405, %swap3A_406], %swap3A_409 {strides = array<i32>} : memref<80x128xf32, #tpu.memory_space<vmem>>, vector<1x16xf32>,
          %get3A_410 = arith.index_cast %add3A_393 : i32 to index
          %get3A_411 = arith.constant 16 : index
          %get3A_412 = tpu.vector_load %arg16[%get3A_410, %get3A_411] {strides = array<i32>} : memref<80x128xf32, #tpu.memory_space<vmem>>, vector<1x16xf32>,
          %get3A_413 = vector.shape_cast %get3A_412 : vector<1x16xf32> to vector<16xf32>
          %mul3A_414 = arith.mulf %get3A_413, %get3A_399 : vector<16xf32>
          %swap3A_415 = arith.index_cast %add3A_393 : i32 to index
          %swap3A_416 = arith.constant 16 : index
          %swap3A_417 = tpu.vector_load %arg16[%swap3A_415, %swap3A_416] {strides = array<i32>} : memref<80x128xf32, #tpu.memory_space<vmem>>, vector<1x16xf32>,
          %swap3A_418 = vector.shape_cast %swap3A_417 : vector<1x16xf32> to vector<16xf32>
          %swap3A_419 = vector.shape_cast %mul3A_414 : vector<16xf32> to vector<1x16xf32>
          tpu.vector_store %arg16[%swap3A_415, %swap3A_416], %swap3A_419 {strides = array<i32>} : memref<80x128xf32, #tpu.memory_space<vmem>>, vector<1x16xf32>,
          %get3A_420 = arith.index_cast %add3A_393 : i32 to index
          %get3A_421 = arith.constant 32 : index
          %get3A_422 = tpu.vector_load %arg16[%get3A_420, %get3A_421] {strides = array<i32>} : memref<80x128xf32, #tpu.memory_space<vmem>>, vector<1x16xf32>,
          %get3A_423 = vector.shape_cast %get3A_422 : vector<1x16xf32> to vector<16xf32>
          %mul3A_424 = arith.mulf %get3A_423, %get3A_399 : vector<16xf32>
          %swap3A_425 = arith.index_cast %add3A_393 : i32 to index
          %swap3A_426 = arith.constant 32 : index
          %swap3A_427 = tpu.vector_load %arg16[%swap3A_425, %swap3A_426] {strides = array<i32>} : memref<80x128xf32, #tpu.memory_space<vmem>>, vector<1x16xf32>,
          %swap3A_428 = vector.shape_cast %swap3A_427 : vector<1x16xf32> to vector<16xf32>
          %swap3A_429 = vector.shape_cast %mul3A_424 : vector<16xf32> to vector<1x16xf32>
          tpu.vector_store %arg16[%swap3A_425, %swap3A_426], %swap3A_429 {strides = array<i32>} : memref<80x128xf32, #tpu.memory_space<vmem>>, vector<1x16xf32>,
          %get3A_430 = arith.index_cast %add3A_393 : i32 to index
          %get3A_431 = arith.constant 48 : index
          %get3A_432 = tpu.vector_load %arg16[%get3A_430, %get3A_431] {strides = array<i32>} : memref<80x128xf32, #tpu.memory_space<vmem>>, vector<1x16xf32>,
          %get3A_433 = vector.shape_cast %get3A_432 : vector<1x16xf32> to vector<16xf32>
          %mul3A_434 = arith.mulf %get3A_433, %get3A_399 : vector<16xf32>
          %swap3A_435 = arith.index_cast %add3A_393 : i32 to index
          %swap3A_436 = arith.constant 48 : index
          %swap3A_437 = tpu.vector_load %arg16[%swap3A_435, %swap3A_436] {strides = array<i32>} : memref<80x128xf32, #tpu.memory_space<vmem>>, vector<1x16xf32>,
          %swap3A_438 = vector.shape_cast %swap3A_437 : vector<1x16xf32> to vector<16xf32>
          %swap3A_439 = vector.shape_cast %mul3A_434 : vector<16xf32> to vector<1x16xf32>
          tpu.vector_store %arg16[%swap3A_435, %swap3A_436], %swap3A_439 {strides = array<i32>} : memref<80x128xf32, #tpu.memory_space<vmem>>, vector<1x16xf32>,
          %get3A_440 = arith.index_cast %add3A_393 : i32 to index
          %get3A_441 = arith.constant 64 : index
          %get3A_442 = tpu.vector_load %arg16[%get3A_440, %get3A_441] {strides = array<i32>} : memref<80x128xf32, #tpu.memory_space<vmem>>, vector<1x16xf32>,
          %get3A_443 = vector.shape_cast %get3A_442 : vector<1x16xf32> to vector<16xf32>
          %mul3A_444 = arith.mulf %get3A_443, %get3A_399 : vector<16xf32>
          %swap3A_445 = arith.index_cast %add3A_393 : i32 to index
          %swap3A_446 = arith.constant 64 : index
          %swap3A_447 = tpu.vector_load %arg16[%swap3A_445, %swap3A_446] {strides = array<i32>} : memref<80x128xf32, #tpu.memory_space<vmem>>, vector<1x16xf32>,
          %swap3A_448 = vector.shape_cast %swap3A_447 : vector<1x16xf32> to vector<16xf32>
          %swap3A_449 = vector.shape_cast %mul3A_444 : vector<16xf32> to vector<1x16xf32>
          tpu.vector_store %arg16[%swap3A_445, %swap3A_446], %swap3A_449 {strides = array<i32>} : memref<80x128xf32, #tpu.memory_space<vmem>>, vector<1x16xf32>,
          %get3A_450 = arith.index_cast %add3A_393 : i32 to index
          %get3A_451 = arith.constant 80 : index
          %get3A_452 = tpu.vector_load %arg16[%get3A_450, %get3A_451] {strides = array<i32>} : memref<80x128xf32, #tpu.memory_space<vmem>>, vector<1x16xf32>,
          %get3A_453 = vector.shape_cast %get3A_452 : vector<1x16xf32> to vector<16xf32>
          %mul3A_454 = arith.mulf %get3A_453, %get3A_399 : vector<16xf32>
          %swap3A_455 = arith.index_cast %add3A_393 : i32 to index
          %swap3A_456 = arith.constant 80 : index
          %swap3A_457 = tpu.vector_load %arg16[%swap3A_455, %swap3A_456] {strides = array<i32>} : memref<80x128xf32, #tpu.memory_space<vmem>>, vector<1x16xf32>,
          %swap3A_458 = vector.shape_cast %swap3A_457 : vector<1x16xf32> to vector<16xf32>
          %swap3A_459 = vector.shape_cast %mul3A_454 : vector<16xf32> to vector<1x16xf32>
          tpu.vector_store %arg16[%swap3A_455, %swap3A_456], %swap3A_459 {strides = array<i32>} : memref<80x128xf32, #tpu.memory_space<vmem>>, vector<1x16xf32>,
          %get3A_460 = arith.index_cast %add3A_393 : i32 to index
          %get3A_461 = arith.constant 96 : index
          %get3A_462 = tpu.vector_load %arg16[%get3A_460, %get3A_461] {strides = array<i32>} : memref<80x128xf32, #tpu.memory_space<vmem>>, vector<1x16xf32>,
          %get3A_463 = vector.shape_cast %get3A_462 : vector<1x16xf32> to vector<16xf32>
          %mul3A_464 = arith.mulf %get3A_463, %get3A_399 : vector<16xf32>
          %swap3A_465 = arith.index_cast %add3A_393 : i32 to index
          %swap3A_466 = arith.constant 96 : index
          %swap3A_467 = tpu.vector_load %arg16[%swap3A_465, %swap3A_466] {strides = array<i32>} : memref<80x128xf32, #tpu.memory_space<vmem>>, vector<1x16xf32>,
          %swap3A_468 = vector.shape_cast %swap3A_467 : vector<1x16xf32> to vector<16xf32>
          %swap3A_469 = vector.shape_cast %mul3A_464 : vector<16xf32> to vector<1x16xf32>
          tpu.vector_store %arg16[%swap3A_465, %swap3A_466], %swap3A_469 {strides = array<i32>} : memref<80x128xf32, #tpu.memory_space<vmem>>, vector<1x16xf32>,
          %get3A_470 = arith.index_cast %add3A_393 : i32 to index
          %get3A_471 = arith.constant 112 : index
          %get3A_472 = tpu.vector_load %arg16[%get3A_470, %get3A_471] {strides = array<i32>} : memref<80x128xf32, #tpu.memory_space<vmem>>, vector<1x16xf32>,
          %get3A_473 = vector.shape_cast %get3A_472 : vector<1x16xf32> to vector<16xf32>
          %mul3A_474 = arith.mulf %get3A_473, %get3A_399 : vector<16xf32>
          %swap3A_475 = arith.index_cast %add3A_393 : i32 to index
          %swap3A_476 = arith.constant 112 : index
          %swap3A_477 = tpu.vector_load %arg16[%swap3A_475, %swap3A_476] {strides = array<i32>} : memref<80x128xf32, #tpu.memory_space<vmem>>, vector<1x16xf32>,
          %swap3A_478 = vector.shape_cast %swap3A_477 : vector<1x16xf32> to vector<16xf32>
          %swap3A_479 = vector.shape_cast %mul3A_474 : vector<16xf32> to vector<1x16xf32>
          tpu.vector_store %arg16[%swap3A_475, %swap3A_476], %swap3A_479 {strides = array<i32>} : memref<80x128xf32, #tpu.memory_space<vmem>>, vector<1x16xf32>,
          %mul3A_480 = arith.constant 16 : i32
          %mul3A_481 = arith.muli %scan3A_121, %mul3A_480 : i32
          %add3A_482 = arith.constant 4 : i32
          %add3A_483 = arith.addi %mul3A_481, %add3A_482 : i32
          %get3A_484 = arith.constant 1 : i32
          %get3A_485 = arith.index_cast %get3A_484 : i32 to index
          %get3A_486 = arith.index_cast %add3A_483 : i32 to index
          %get3A_487 = arith.constant 0 : index
          %get3A_488 = tpu.vector_load %arg14[%get3A_485, %get3A_486, %get3A_487] {strides = array<i32>} : memref<2x80x16xf32, #tpu.memory_space<vmem>>, vector<1x1x16xf32>,
          %get3A_489 = vector.shape_cast %get3A_488 : vector<1x1x16xf32> to vector<16xf32>
          %get3A_490 = arith.index_cast %add3A_483 : i32 to index
          %get3A_491 = arith.constant 0 : index
          %get3A_492 = tpu.vector_load %arg16[%get3A_490, %get3A_491] {strides = array<i32>} : memref<80x128xf32, #tpu.memory_space<vmem>>, vector<1x16xf32>,
          %get3A_493 = vector.shape_cast %get3A_492 : vector<1x16xf32> to vector<16xf32>
          %mul3A_494 = arith.mulf %get3A_493, %get3A_489 : vector<16xf32>
          %swap3A_495 = arith.index_cast %add3A_483 : i32 to index
          %swap3A_496 = arith.constant 0 : index
          %swap3A_497 = tpu.vector_load %arg16[%swap3A_495, %swap3A_496] {strides = array<i32>} : memref<80x128xf32, #tpu.memory_space<vmem>>, vector<1x16xf32>,
          %swap3A_498 = vector.shape_cast %swap3A_497 : vector<1x16xf32> to vector<16xf32>
          %swap3A_499 = vector.shape_cast %mul3A_494 : vector<16xf32> to vector<1x16xf32>
          tpu.vector_store %arg16[%swap3A_495, %swap3A_496], %swap3A_499 {strides = array<i32>} : memref<80x128xf32, #tpu.memory_space<vmem>>, vector<1x16xf32>,
          %get3A_500 = arith.index_cast %add3A_483 : i32 to index
          %get3A_501 = arith.constant 16 : index
          %get3A_502 = tpu.vector_load %arg16[%get3A_500, %get3A_501] {strides = array<i32>} : memref<80x128xf32, #tpu.memory_space<vmem>>, vector<1x16xf32>,
          %get3A_503 = vector.shape_cast %get3A_502 : vector<1x16xf32> to vector<16xf32>
          %mul3A_504 = arith.mulf %get3A_503, %get3A_489 : vector<16xf32>
          %swap3A_505 = arith.index_cast %add3A_483 : i32 to index
          %swap3A_506 = arith.constant 16 : index
          %swap3A_507 = tpu.vector_load %arg16[%swap3A_505, %swap3A_506] {strides = array<i32>} : memref<80x128xf32, #tpu.memory_space<vmem>>, vector<1x16xf32>,
          %swap3A_508 = vector.shape_cast %swap3A_507 : vector<1x16xf32> to vector<16xf32>
          %swap3A_509 = vector.shape_cast %mul3A_504 : vector<16xf32> to vector<1x16xf32>
          tpu.vector_store %arg16[%swap3A_505, %swap3A_506], %swap3A_509 {strides = array<i32>} : memref<80x128xf32, #tpu.memory_space<vmem>>, vector<1x16xf32>,
          %get3A_510 = arith.index_cast %add3A_483 : i32 to index
          %get3A_511 = arith.constant 32 : index
          %get3A_512 = tpu.vector_load %arg16[%get3A_510, %get3A_511] {strides = array<i32>} : memref<80x128xf32, #tpu.memory_space<vmem>>, vector<1x16xf32>,
          %get3A_513 = vector.shape_cast %get3A_512 : vector<1x16xf32> to vector<16xf32>
          %mul3A_514 = arith.mulf %get3A_513, %get3A_489 : vector<16xf32>
          %swap3A_515 = arith.index_cast %add3A_483 : i32 to index
          %swap3A_516 = arith.constant 32 : index
          %swap3A_517 = tpu.vector_load %arg16[%swap3A_515, %swap3A_516] {strides = array<i32>} : memref<80x128xf32, #tpu.memory_space<vmem>>, vector<1x16xf32>,
          %swap3A_518 = vector.shape_cast %swap3A_517 : vector<1x16xf32> to vector<16xf32>
          %swap3A_519 = vector.shape_cast %mul3A_514 : vector<16xf32> to vector<1x16xf32>
          tpu.vector_store %arg16[%swap3A_515, %swap3A_516], %swap3A_519 {strides = array<i32>} : memref<80x128xf32, #tpu.memory_space<vmem>>, vector<1x16xf32>,
          %get3A_520 = arith.index_cast %add3A_483 : i32 to index
          %get3A_521 = arith.constant 48 : index
          %get3A_522 = tpu.vector_load %arg16[%get3A_520, %get3A_521] {strides = array<i32>} : memref<80x128xf32, #tpu.memory_space<vmem>>, vector<1x16xf32>,
          %get3A_523 = vector.shape_cast %get3A_522 : vector<1x16xf32> to vector<16xf32>
          %mul3A_524 = arith.mulf %get3A_523, %get3A_489 : vector<16xf32>
          %swap3A_525 = arith.index_cast %add3A_483 : i32 to index
          %swap3A_526 = arith.constant 48 : index
          %swap3A_527 = tpu.vector_load %arg16[%swap3A_525, %swap3A_526] {strides = array<i32>} : memref<80x128xf32, #tpu.memory_space<vmem>>, vector<1x16xf32>,
          %swap3A_528 = vector.shape_cast %swap3A_527 : vector<1x16xf32> to vector<16xf32>
          %swap3A_529 = vector.shape_cast %mul3A_524 : vector<16xf32> to vector<1x16xf32>
          tpu.vector_store %arg16[%swap3A_525, %swap3A_526], %swap3A_529 {strides = array<i32>} : memref<80x128xf32, #tpu.memory_space<vmem>>, vector<1x16xf32>,
          %get3A_530 = arith.index_cast %add3A_483 : i32 to index
          %get3A_531 = arith.constant 64 : index
          %get3A_532 = tpu.vector_load %arg16[%get3A_530, %get3A_531] {strides = array<i32>} : memref<80x128xf32, #tpu.memory_space<vmem>>, vector<1x16xf32>,
          %get3A_533 = vector.shape_cast %get3A_532 : vector<1x16xf32> to vector<16xf32>
          %mul3A_534 = arith.mulf %get3A_533, %get3A_489 : vector<16xf32>
          %swap3A_535 = arith.index_cast %add3A_483 : i32 to index
          %swap3A_536 = arith.constant 64 : index
          %swap3A_537 = tpu.vector_load %arg16[%swap3A_535, %swap3A_536] {strides = array<i32>} : memref<80x128xf32, #tpu.memory_space<vmem>>, vector<1x16xf32>,
          %swap3A_538 = vector.shape_cast %swap3A_537 : vector<1x16xf32> to vector<16xf32>
          %swap3A_539 = vector.shape_cast %mul3A_534 : vector<16xf32> to vector<1x16xf32>
          tpu.vector_store %arg16[%swap3A_535, %swap3A_536], %swap3A_539 {strides = array<i32>} : memref<80x128xf32, #tpu.memory_space<vmem>>, vector<1x16xf32>,
          %get3A_540 = arith.index_cast %add3A_483 : i32 to index
          %get3A_541 = arith.constant 80 : index
          %get3A_542 = tpu.vector_load %arg16[%get3A_540, %get3A_541] {strides = array<i32>} : memref<80x128xf32, #tpu.memory_space<vmem>>, vector<1x16xf32>,
          %get3A_543 = vector.shape_cast %get3A_542 : vector<1x16xf32> to vector<16xf32>
          %mul3A_544 = arith.mulf %get3A_543, %get3A_489 : vector<16xf32>
          %swap3A_545 = arith.index_cast %add3A_483 : i32 to index
          %swap3A_546 = arith.constant 80 : index
          %swap3A_547 = tpu.vector_load %arg16[%swap3A_545, %swap3A_546] {strides = array<i32>} : memref<80x128xf32, #tpu.memory_space<vmem>>, vector<1x16xf32>,
          %swap3A_548 = vector.shape_cast %swap3A_547 : vector<1x16xf32> to vector<16xf32>
          %swap3A_549 = vector.shape_cast %mul3A_544 : vector<16xf32> to vector<1x16xf32>
          tpu.vector_store %arg16[%swap3A_545, %swap3A_546], %swap3A_549 {strides = array<i32>} : memref<80x128xf32, #tpu.memory_space<vmem>>, vector<1x16xf32>,
          %get3A_550 = arith.index_cast %add3A_483 : i32 to index
          %get3A_551 = arith.constant 96 : index
          %get3A_552 = tpu.vector_load %arg16[%get3A_550, %get3A_551] {strides = array<i32>} : memref<80x128xf32, #tpu.memory_space<vmem>>, vector<1x16xf32>,
          %get3A_553 = vector.shape_cast %get3A_552 : vector<1x16xf32> to vector<16xf32>
          %mul3A_554 = arith.mulf %get3A_553, %get3A_489 : vector<16xf32>
          %swap3A_555 = arith.index_cast %add3A_483 : i32 to index
          %swap3A_556 = arith.constant 96 : index
          %swap3A_557 = tpu.vector_load %arg16[%swap3A_555, %swap3A_556] {strides = array<i32>} : memref<80x128xf32, #tpu.memory_space<vmem>>, vector<1x16xf32>,
          %swap3A_558 = vector.shape_cast %swap3A_557 : vector<1x16xf32> to vector<16xf32>
          %swap3A_559 = vector.shape_cast %mul3A_554 : vector<16xf32> to vector<1x16xf32>
          tpu.vector_store %arg16[%swap3A_555, %swap3A_556], %swap3A_559 {strides = array<i32>} : memref<80x128xf32, #tpu.memory_space<vmem>>, vector<1x16xf32>,
          %get3A_560 = arith.index_cast %add3A_483 : i32 to index
          %get3A_561 = arith.constant 112 : index
          %get3A_562 = tpu.vector_load %arg16[%get3A_560, %get3A_561] {strides = array<i32>} : memref<80x128xf32, #tpu.memory_space<vmem>>, vector<1x16xf32>,
          %get3A_563 = vector.shape_cast %get3A_562 : vector<1x16xf32> to vector<16xf32>
          %mul3A_564 = arith.mulf %get3A_563, %get3A_489 : vector<16xf32>
          %swap3A_565 = arith.index_cast %add3A_483 : i32 to index
          %swap3A_566 = arith.constant 112 : index
          %swap3A_567 = tpu.vector_load %arg16[%swap3A_565, %swap3A_566] {strides = array<i32>} : memref<80x128xf32, #tpu.memory_space<vmem>>, vector<1x16xf32>,
          %swap3A_568 = vector.shape_cast %swap3A_567 : vector<1x16xf32> to vector<16xf32>
          %swap3A_569 = vector.shape_cast %mul3A_564 : vector<16xf32> to vector<1x16xf32>
          tpu.vector_store %arg16[%swap3A_565, %swap3A_566], %swap3A_569 {strides = array<i32>} : memref<80x128xf32, #tpu.memory_space<vmem>>, vector<1x16xf32>,
          %mul3A_570 = arith.constant 16 : i32
          %mul3A_571 = arith.muli %scan3A_121, %mul3A_570 : i32
          %add3A_572 = arith.constant 5 : i32
          %add3A_573 = arith.addi %mul3A_571, %add3A_572 : i32
          %get3A_574 = arith.constant 1 : i32
          %get3A_575 = arith.index_cast %get3A_574 : i32 to index
          %get3A_576 = arith.index_cast %add3A_573 : i32 to index
          %get3A_577 = arith.constant 0 : index
          %get3A_578 = tpu.vector_load %arg14[%get3A_575, %get3A_576, %get3A_577] {strides = array<i32>} : memref<2x80x16xf32, #tpu.memory_space<vmem>>, vector<1x1x16xf32>,
          %get3A_579 = vector.shape_cast %get3A_578 : vector<1x1x16xf32> to vector<16xf32>
          %get3A_580 = arith.index_cast %add3A_573 : i32 to index
          %get3A_581 = arith.constant 0 : index
          %get3A_582 = tpu.vector_load %arg16[%get3A_580, %get3A_581] {strides = array<i32>} : memref<80x128xf32, #tpu.memory_space<vmem>>, vector<1x16xf32>,
          %get3A_583 = vector.shape_cast %get3A_582 : vector<1x16xf32> to vector<16xf32>
          %mul3A_584 = arith.mulf %get3A_583, %get3A_579 : vector<16xf32>
          %swap3A_585 = arith.index_cast %add3A_573 : i32 to index
          %swap3A_586 = arith.constant 0 : index
          %swap3A_587 = tpu.vector_load %arg16[%swap3A_585, %swap3A_586] {strides = array<i32>} : memref<80x128xf32, #tpu.memory_space<vmem>>, vector<1x16xf32>,
          %swap3A_588 = vector.shape_cast %swap3A_587 : vector<1x16xf32> to vector<16xf32>
          %swap3A_589 = vector.shape_cast %mul3A_584 : vector<16xf32> to vector<1x16xf32>
          tpu.vector_store %arg16[%swap3A_585, %swap3A_586], %swap3A_589 {strides = array<i32>} : memref<80x128xf32, #tpu.memory_space<vmem>>, vector<1x16xf32>,
          %get3A_590 = arith.index_cast %add3A_573 : i32 to index
          %get3A_591 = arith.constant 16 : index
          %get3A_592 = tpu.vector_load %arg16[%get3A_590, %get3A_591] {strides = array<i32>} : memref<80x128xf32, #tpu.memory_space<vmem>>, vector<1x16xf32>,
          %get3A_593 = vector.shape_cast %get3A_592 : vector<1x16xf32> to vector<16xf32>
          %mul3A_594 = arith.mulf %get3A_593, %get3A_579 : vector<16xf32>
          %swap3A_595 = arith.index_cast %add3A_573 : i32 to index
          %swap3A_596 = arith.constant 16 : index
          %swap3A_597 = tpu.vector_load %arg16[%swap3A_595, %swap3A_596] {strides = array<i32>} : memref<80x128xf32, #tpu.memory_space<vmem>>, vector<1x16xf32>,
          %swap3A_598 = vector.shape_cast %swap3A_597 : vector<1x16xf32> to vector<16xf32>
          %swap3A_599 = vector.shape_cast %mul3A_594 : vector<16xf32> to vector<1x16xf32>
          tpu.vector_store %arg16[%swap3A_595, %swap3A_596], %swap3A_599 {strides = array<i32>} : memref<80x128xf32, #tpu.memory_space<vmem>>, vector<1x16xf32>,
          %get3A_600 = arith.index_cast %add3A_573 : i32 to index
          %get3A_601 = arith.constant 32 : index
          %get3A_602 = tpu.vector_load %arg16[%get3A_600, %get3A_601] {strides = array<i32>} : memref<80x128xf32, #tpu.memory_space<vmem>>, vector<1x16xf32>,
          %get3A_603 = vector.shape_cast %get3A_602 : vector<1x16xf32> to vector<16xf32>
          %mul3A_604 = arith.mulf %get3A_603, %get3A_579 : vector<16xf32>
          %swap3A_605 = arith.index_cast %add3A_573 : i32 to index
          %swap3A_606 = arith.constant 32 : index
          %swap3A_607 = tpu.vector_load %arg16[%swap3A_605, %swap3A_606] {strides = array<i32>} : memref<80x128xf32, #tpu.memory_space<vmem>>, vector<1x16xf32>,
          %swap3A_608 = vector.shape_cast %swap3A_607 : vector<1x16xf32> to vector<16xf32>
          %swap3A_609 = vector.shape_cast %mul3A_604 : vector<16xf32> to vector<1x16xf32>
          tpu.vector_store %arg16[%swap3A_605, %swap3A_606], %swap3A_609 {strides = array<i32>} : memref<80x128xf32, #tpu.memory_space<vmem>>, vector<1x16xf32>,
          %get3A_610 = arith.index_cast %add3A_573 : i32 to index
          %get3A_611 = arith.constant 48 : index
          %get3A_612 = tpu.vector_load %arg16[%get3A_610, %get3A_611] {strides = array<i32>} : memref<80x128xf32, #tpu.memory_space<vmem>>, vector<1x16xf32>,
          %get3A_613 = vector.shape_cast %get3A_612 : vector<1x16xf32> to vector<16xf32>
          %mul3A_614 = arith.mulf %get3A_613, %get3A_579 : vector<16xf32>
          %swap3A_615 = arith.index_cast %add3A_573 : i32 to index
          %swap3A_616 = arith.constant 48 : index
          %swap3A_617 = tpu.vector_load %arg16[%swap3A_615, %swap3A_616] {strides = array<i32>} : memref<80x128xf32, #tpu.memory_space<vmem>>, vector<1x16xf32>,
          %swap3A_618 = vector.shape_cast %swap3A_617 : vector<1x16xf32> to vector<16xf32>
          %swap3A_619 = vector.shape_cast %mul3A_614 : vector<16xf32> to vector<1x16xf32>
          tpu.vector_store %arg16[%swap3A_615, %swap3A_616], %swap3A_619 {strides = array<i32>} : memref<80x128xf32, #tpu.memory_space<vmem>>, vector<1x16xf32>,
          %get3A_620 = arith.index_cast %add3A_573 : i32 to index
          %get3A_621 = arith.constant 64 : index
          %get3A_622 = tpu.vector_load %arg16[%get3A_620, %get3A_621] {strides = array<i32>} : memref<80x128xf32, #tpu.memory_space<vmem>>, vector<1x16xf32>,
          %get3A_623 = vector.shape_cast %get3A_622 : vector<1x16xf32> to vector<16xf32>
          %mul3A_624 = arith.mulf %get3A_623, %get3A_579 : vector<16xf32>
          %swap3A_625 = arith.index_cast %add3A_573 : i32 to index
          %swap3A_626 = arith.constant 64 : index
          %swap3A_627 = tpu.vector_load %arg16[%swap3A_625, %swap3A_626] {strides = array<i32>} : memref<80x128xf32, #tpu.memory_space<vmem>>, vector<1x16xf32>,
          %swap3A_628 = vector.shape_cast %swap3A_627 : vector<1x16xf32> to vector<16xf32>
          %swap3A_629 = vector.shape_cast %mul3A_624 : vector<16xf32> to vector<1x16xf32>
          tpu.vector_store %arg16[%swap3A_625, %swap3A_626], %swap3A_629 {strides = array<i32>} : memref<80x128xf32, #tpu.memory_space<vmem>>, vector<1x16xf32>,
          %get3A_630 = arith.index_cast %add3A_573 : i32 to index
          %get3A_631 = arith.constant 80 : index
          %get3A_632 = tpu.vector_load %arg16[%get3A_630, %get3A_631] {strides = array<i32>} : memref<80x128xf32, #tpu.memory_space<vmem>>, vector<1x16xf32>,
          %get3A_633 = vector.shape_cast %get3A_632 : vector<1x16xf32> to vector<16xf32>
          %mul3A_634 = arith.mulf %get3A_633, %get3A_579 : vector<16xf32>
          %swap3A_635 = arith.index_cast %add3A_573 : i32 to index
          %swap3A_636 = arith.constant 80 : index
          %swap3A_637 = tpu.vector_load %arg16[%swap3A_635, %swap3A_636] {strides = array<i32>} : memref<80x128xf32, #tpu.memory_space<vmem>>, vector<1x16xf32>,
          %swap3A_638 = vector.shape_cast %swap3A_637 : vector<1x16xf32> to vector<16xf32>
          %swap3A_639 = vector.shape_cast %mul3A_634 : vector<16xf32> to vector<1x16xf32>
          tpu.vector_store %arg16[%swap3A_635, %swap3A_636], %swap3A_639 {strides = array<i32>} : memref<80x128xf32, #tpu.memory_space<vmem>>, vector<1x16xf32>,
          %get3A_640 = arith.index_cast %add3A_573 : i32 to index
          %get3A_641 = arith.constant 96 : index
          %get3A_642 = tpu.vector_load %arg16[%get3A_640, %get3A_641] {strides = array<i32>} : memref<80x128xf32, #tpu.memory_space<vmem>>, vector<1x16xf32>,
          %get3A_643 = vector.shape_cast %get3A_642 : vector<1x16xf32> to vector<16xf32>
          %mul3A_644 = arith.mulf %get3A_643, %get3A_579 : vector<16xf32>
          %swap3A_645 = arith.index_cast %add3A_573 : i32 to index
          %swap3A_646 = arith.constant 96 : index
          %swap3A_647 = tpu.vector_load %arg16[%swap3A_645, %swap3A_646] {strides = array<i32>} : memref<80x128xf32, #tpu.memory_space<vmem>>, vector<1x16xf32>,
          %swap3A_648 = vector.shape_cast %swap3A_647 : vector<1x16xf32> to vector<16xf32>
          %swap3A_649 = vector.shape_cast %mul3A_644 : vector<16xf32> to vector<1x16xf32>
          tpu.vector_store %arg16[%swap3A_645, %swap3A_646], %swap3A_649 {strides = array<i32>} : memref<80x128xf32, #tpu.memory_space<vmem>>, vector<1x16xf32>,
          %get3A_650 = arith.index_cast %add3A_573 : i32 to index
          %get3A_651 = arith.constant 112 : index
          %get3A_652 = tpu.vector_load %arg16[%get3A_650, %get3A_651] {strides = array<i32>} : memref<80x128xf32, #tpu.memory_space<vmem>>, vector<1x16xf32>,
          %get3A_653 = vector.shape_cast %get3A_652 : vector<1x16xf32> to vector<16xf32>
          %mul3A_654 = arith.mulf %get3A_653, %get3A_579 : vector<16xf32>
          %swap3A_655 = arith.index_cast %add3A_573 : i32 to index
          %swap3A_656 = arith.constant 112 : index
          %swap3A_657 = tpu.vector_load %arg16[%swap3A_655, %swap3A_656] {strides = array<i32>} : memref<80x128xf32, #tpu.memory_space<vmem>>, vector<1x16xf32>,
          %swap3A_658 = vector.shape_cast %swap3A_657 : vector<1x16xf32> to vector<16xf32>
          %swap3A_659 = vector.shape_cast %mul3A_654 : vector<16xf32> to vector<1x16xf32>
          tpu.vector_store %arg16[%swap3A_655, %swap3A_656], %swap3A_659 {strides = array<i32>} : memref<80x128xf32, #tpu.memory_space<vmem>>, vector<1x16xf32>,
          %mul3A_660 = arith.constant 16 : i32
          %mul3A_661 = arith.muli %scan3A_121, %mul3A_660 : i32
          %add3A_662 = arith.constant 6 : i32
          %add3A_663 = arith.addi %mul3A_661, %add3A_662 : i32
          %get3A_664 = arith.constant 1 : i32
          %get3A_665 = arith.index_cast %get3A_664 : i32 to index
          %get3A_666 = arith.index_cast %add3A_663 : i32 to index
          %get3A_667 = arith.constant 0 : index
          %get3A_668 = tpu.vector_load %arg14[%get3A_665, %get3A_666, %get3A_667] {strides = array<i32>} : memref<2x80x16xf32, #tpu.memory_space<vmem>>, vector<1x1x16xf32>,
          %get3A_669 = vector.shape_cast %get3A_668 : vector<1x1x16xf32> to vector<16xf32>
          %get3A_670 = arith.index_cast %add3A_663 : i32 to index
          %get3A_671 = arith.constant 0 : index
          %get3A_672 = tpu.vector_load %arg16[%get3A_670, %get3A_671] {strides = array<i32>} : memref<80x128xf32, #tpu.memory_space<vmem>>, vector<1x16xf32>,
          %get3A_673 = vector.shape_cast %get3A_672 : vector<1x16xf32> to vector<16xf32>
          %mul3A_674 = arith.mulf %get3A_673, %get3A_669 : vector<16xf32>
          %swap3A_675 = arith.index_cast %add3A_663 : i32 to index
          %swap3A_676 = arith.constant 0 : index
          %swap3A_677 = tpu.vector_load %arg16[%swap3A_675, %swap3A_676] {strides = array<i32>} : memref<80x128xf32, #tpu.memory_space<vmem>>, vector<1x16xf32>,
          %swap3A_678 = vector.shape_cast %swap3A_677 : vector<1x16xf32> to vector<16xf32>
          %swap3A_679 = vector.shape_cast %mul3A_674 : vector<16xf32> to vector<1x16xf32>
          tpu.vector_store %arg16[%swap3A_675, %swap3A_676], %swap3A_679 {strides = array<i32>} : memref<80x128xf32, #tpu.memory_space<vmem>>, vector<1x16xf32>,
          %get3A_680 = arith.index_cast %add3A_663 : i32 to index
          %get3A_681 = arith.constant 16 : index
          %get3A_682 = tpu.vector_load %arg16[%get3A_680, %get3A_681] {strides = array<i32>} : memref<80x128xf32, #tpu.memory_space<vmem>>, vector<1x16xf32>,
          %get3A_683 = vector.shape_cast %get3A_682 : vector<1x16xf32> to vector<16xf32>
          %mul3A_684 = arith.mulf %get3A_683, %get3A_669 : vector<16xf32>
          %swap3A_685 = arith.index_cast %add3A_663 : i32 to index
          %swap3A_686 = arith.constant 16 : index
          %swap3A_687 = tpu.vector_load %arg16[%swap3A_685, %swap3A_686] {strides = array<i32>} : memref<80x128xf32, #tpu.memory_space<vmem>>, vector<1x16xf32>,
          %swap3A_688 = vector.shape_cast %swap3A_687 : vector<1x16xf32> to vector<16xf32>
          %swap3A_689 = vector.shape_cast %mul3A_684 : vector<16xf32> to vector<1x16xf32>
          tpu.vector_store %arg16[%swap3A_685, %swap3A_686], %swap3A_689 {strides = array<i32>} : memref<80x128xf32, #tpu.memory_space<vmem>>, vector<1x16xf32>,
          %get3A_690 = arith.index_cast %add3A_663 : i32 to index
          %get3A_691 = arith.constant 32 : index
          %get3A_692 = tpu.vector_load %arg16[%get3A_690, %get3A_691] {strides = array<i32>} : memref<80x128xf32, #tpu.memory_space<vmem>>, vector<1x16xf32>,
          %get3A_693 = vector.shape_cast %get3A_692 : vector<1x16xf32> to vector<16xf32>
          %mul3A_694 = arith.mulf %get3A_693, %get3A_669 : vector<16xf32>
          %swap3A_695 = arith.index_cast %add3A_663 : i32 to index
          %swap3A_696 = arith.constant 32 : index
          %swap3A_697 = tpu.vector_load %arg16[%swap3A_695, %swap3A_696] {strides = array<i32>} : memref<80x128xf32, #tpu.memory_space<vmem>>, vector<1x16xf32>,
          %swap3A_698 = vector.shape_cast %swap3A_697 : vector<1x16xf32> to vector<16xf32>
          %swap3A_699 = vector.shape_cast %mul3A_694 : vector<16xf32> to vector<1x16xf32>
          tpu.vector_store %arg16[%swap3A_695, %swap3A_696], %swap3A_699 {strides = array<i32>} : memref<80x128xf32, #tpu.memory_space<vmem>>, vector<1x16xf32>,
          %get3A_700 = arith.index_cast %add3A_663 : i32 to index
          %get3A_701 = arith.constant 48 : index
          %get3A_702 = tpu.vector_load %arg16[%get3A_700, %get3A_701] {strides = array<i32>} : memref<80x128xf32, #tpu.memory_space<vmem>>, vector<1x16xf32>,
          %get3A_703 = vector.shape_cast %get3A_702 : vector<1x16xf32> to vector<16xf32>
          %mul3A_704 = arith.mulf %get3A_703, %get3A_669 : vector<16xf32>
          %swap3A_705 = arith.index_cast %add3A_663 : i32 to index
          %swap3A_706 = arith.constant 48 : index
          %swap3A_707 = tpu.vector_load %arg16[%swap3A_705, %swap3A_706] {strides = array<i32>} : memref<80x128xf32, #tpu.memory_space<vmem>>, vector<1x16xf32>,
          %swap3A_708 = vector.shape_cast %swap3A_707 : vector<1x16xf32> to vector<16xf32>
          %swap3A_709 = vector.shape_cast %mul3A_704 : vector<16xf32> to vector<1x16xf32>
          tpu.vector_store %arg16[%swap3A_705, %swap3A_706], %swap3A_709 {strides = array<i32>} : memref<80x128xf32, #tpu.memory_space<vmem>>, vector<1x16xf32>,
          %get3A_710 = arith.index_cast %add3A_663 : i32 to index
          %get3A_711 = arith.constant 64 : index
          %get3A_712 = tpu.vector_load %arg16[%get3A_710, %get3A_711] {strides = array<i32>} : memref<80x128xf32, #tpu.memory_space<vmem>>, vector<1x16xf32>,
          %get3A_713 = vector.shape_cast %get3A_712 : vector<1x16xf32> to vector<16xf32>
          %mul3A_714 = arith.mulf %get3A_713, %get3A_669 : vector<16xf32>
          %swap3A_715 = arith.index_cast %add3A_663 : i32 to index
          %swap3A_716 = arith.constant 64 : index
          %swap3A_717 = tpu.vector_load %arg16[%swap3A_715, %swap3A_716] {strides = array<i32>} : memref<80x128xf32, #tpu.memory_space<vmem>>, vector<1x16xf32>,
          %swap3A_718 = vector.shape_cast %swap3A_717 : vector<1x16xf32> to vector<16xf32>
          %swap3A_719 = vector.shape_cast %mul3A_714 : vector<16xf32> to vector<1x16xf32>
          tpu.vector_store %arg16[%swap3A_715, %swap3A_716], %swap3A_719 {strides = array<i32>} : memref<80x128xf32, #tpu.memory_space<vmem>>, vector<1x16xf32>,
          %get3A_720 = arith.index_cast %add3A_663 : i32 to index
          %get3A_721 = arith.constant 80 : index
          %get3A_722 = tpu.vector_load %arg16[%get3A_720, %get3A_721] {strides = array<i32>} : memref<80x128xf32, #tpu.memory_space<vmem>>, vector<1x16xf32>,
          %get3A_723 = vector.shape_cast %get3A_722 : vector<1x16xf32> to vector<16xf32>
          %mul3A_724 = arith.mulf %get3A_723, %get3A_669 : vector<16xf32>
          %swap3A_725 = arith.index_cast %add3A_663 : i32 to index
          %swap3A_726 = arith.constant 80 : index
          %swap3A_727 = tpu.vector_load %arg16[%swap3A_725, %swap3A_726] {strides = array<i32>} : memref<80x128xf32, #tpu.memory_space<vmem>>, vector<1x16xf32>,
          %swap3A_728 = vector.shape_cast %swap3A_727 : vector<1x16xf32> to vector<16xf32>
          %swap3A_729 = vector.shape_cast %mul3A_724 : vector<16xf32> to vector<1x16xf32>
          tpu.vector_store %arg16[%swap3A_725, %swap3A_726], %swap3A_729 {strides = array<i32>} : memref<80x128xf32, #tpu.memory_space<vmem>>, vector<1x16xf32>,
          %get3A_730 = arith.index_cast %add3A_663 : i32 to index
          %get3A_731 = arith.constant 96 : index
          %get3A_732 = tpu.vector_load %arg16[%get3A_730, %get3A_731] {strides = array<i32>} : memref<80x128xf32, #tpu.memory_space<vmem>>, vector<1x16xf32>,
          %get3A_733 = vector.shape_cast %get3A_732 : vector<1x16xf32> to vector<16xf32>
          %mul3A_734 = arith.mulf %get3A_733, %get3A_669 : vector<16xf32>
          %swap3A_735 = arith.index_cast %add3A_663 : i32 to index
          %swap3A_736 = arith.constant 96 : index
          %swap3A_737 = tpu.vector_load %arg16[%swap3A_735, %swap3A_736] {strides = array<i32>} : memref<80x128xf32, #tpu.memory_space<vmem>>, vector<1x16xf32>,
          %swap3A_738 = vector.shape_cast %swap3A_737 : vector<1x16xf32> to vector<16xf32>
          %swap3A_739 = vector.shape_cast %mul3A_734 : vector<16xf32> to vector<1x16xf32>
          tpu.vector_store %arg16[%swap3A_735, %swap3A_736], %swap3A_739 {strides = array<i32>} : memref<80x128xf32, #tpu.memory_space<vmem>>, vector<1x16xf32>,
          %get3A_740 = arith.index_cast %add3A_663 : i32 to index
          %get3A_741 = arith.constant 112 : index
          %get3A_742 = tpu.vector_load %arg16[%get3A_740, %get3A_741] {strides = array<i32>} : memref<80x128xf32, #tpu.memory_space<vmem>>, vector<1x16xf32>,
          %get3A_743 = vector.shape_cast %get3A_742 : vector<1x16xf32> to vector<16xf32>
          %mul3A_744 = arith.mulf %get3A_743, %get3A_669 : vector<16xf32>
          %swap3A_745 = arith.index_cast %add3A_663 : i32 to index
          %swap3A_746 = arith.constant 112 : index
          %swap3A_747 = tpu.vector_load %arg16[%swap3A_745, %swap3A_746] {strides = array<i32>} : memref<80x128xf32, #tpu.memory_space<vmem>>, vector<1x16xf32>,
          %swap3A_748 = vector.shape_cast %swap3A_747 : vector<1x16xf32> to vector<16xf32>
          %swap3A_749 = vector.shape_cast %mul3A_744 : vector<16xf32> to vector<1x16xf32>
          tpu.vector_store %arg16[%swap3A_745, %swap3A_746], %swap3A_749 {strides = array<i32>} : memref<80x128xf32, #tpu.memory_space<vmem>>, vector<1x16xf32>,
          %mul3A_750 = arith.constant 16 : i32
          %mul3A_751 = arith.muli %scan3A_121, %mul3A_750 : i32
          %add3A_752 = arith.constant 7 : i32
          %add3A_753 = arith.addi %mul3A_751, %add3A_752 : i32
          %get3A_754 = arith.constant 1 : i32
          %get3A_755 = arith.index_cast %get3A_754 : i32 to index
          %get3A_756 = arith.index_cast %add3A_753 : i32 to index
          %get3A_757 = arith.constant 0 : index
          %get3A_758 = tpu.vector_load %arg14[%get3A_755, %get3A_756, %get3A_757] {strides = array<i32>} : memref<2x80x16xf32, #tpu.memory_space<vmem>>, vector<1x1x16xf32>,
          %get3A_759 = vector.shape_cast %get3A_758 : vector<1x1x16xf32> to vector<16xf32>
          %get3A_760 = arith.index_cast %add3A_753 : i32 to index
          %get3A_761 = arith.constant 0 : index
          %get3A_762 = tpu.vector_load %arg16[%get3A_760, %get3A_761] {strides = array<i32>} : memref<80x128xf32, #tpu.memory_space<vmem>>, vector<1x16xf32>,
          %get3A_763 = vector.shape_cast %get3A_762 : vector<1x16xf32> to vector<16xf32>
          %mul3A_764 = arith.mulf %get3A_763, %get3A_759 : vector<16xf32>
          %swap3A_765 = arith.index_cast %add3A_753 : i32 to index
          %swap3A_766 = arith.constant 0 : index
          %swap3A_767 = tpu.vector_load %arg16[%swap3A_765, %swap3A_766] {strides = array<i32>} : memref<80x128xf32, #tpu.memory_space<vmem>>, vector<1x16xf32>,
          %swap3A_768 = vector.shape_cast %swap3A_767 : vector<1x16xf32> to vector<16xf32>
          %swap3A_769 = vector.shape_cast %mul3A_764 : vector<16xf32> to vector<1x16xf32>
          tpu.vector_store %arg16[%swap3A_765, %swap3A_766], %swap3A_769 {strides = array<i32>} : memref<80x128xf32, #tpu.memory_space<vmem>>, vector<1x16xf32>,
          %get3A_770 = arith.index_cast %add3A_753 : i32 to index
          %get3A_771 = arith.constant 16 : index
          %get3A_772 = tpu.vector_load %arg16[%get3A_770, %get3A_771] {strides = array<i32>} : memref<80x128xf32, #tpu.memory_space<vmem>>, vector<1x16xf32>,
          %get3A_773 = vector.shape_cast %get3A_772 : vector<1x16xf32> to vector<16xf32>
          %mul3A_774 = arith.mulf %get3A_773, %get3A_759 : vector<16xf32>
          %swap3A_775 = arith.index_cast %add3A_753 : i32 to index
          %swap3A_776 = arith.constant 16 : index
          %swap3A_777 = tpu.vector_load %arg16[%swap3A_775, %swap3A_776] {strides = array<i32>} : memref<80x128xf32, #tpu.memory_space<vmem>>, vector<1x16xf32>,
          %swap3A_778 = vector.shape_cast %swap3A_777 : vector<1x16xf32> to vector<16xf32>
          %swap3A_779 = vector.shape_cast %mul3A_774 : vector<16xf32> to vector<1x16xf32>
          tpu.vector_store %arg16[%swap3A_775, %swap3A_776], %swap3A_779 {strides = array<i32>} : memref<80x128xf32, #tpu.memory_space<vmem>>, vector<1x16xf32>,
          %get3A_780 = arith.index_cast %add3A_753 : i32 to index
          %get3A_781 = arith.constant 32 : index
          %get3A_782 = tpu.vector_load %arg16[%get3A_780, %get3A_781] {strides = array<i32>} : memref<80x128xf32, #tpu.memory_space<vmem>>, vector<1x16xf32>,
          %get3A_783 = vector.shape_cast %get3A_782 : vector<1x16xf32> to vector<16xf32>
          %mul3A_784 = arith.mulf %get3A_783, %get3A_759 : vector<16xf32>
          %swap3A_785 = arith.index_cast %add3A_753 : i32 to index
          %swap3A_786 = arith.constant 32 : index
          %swap3A_787 = tpu.vector_load %arg16[%swap3A_785, %swap3A_786] {strides = array<i32>} : memref<80x128xf32, #tpu.memory_space<vmem>>, vector<1x16xf32>,
          %swap3A_788 = vector.shape_cast %swap3A_787 : vector<1x16xf32> to vector<16xf32>
          %swap3A_789 = vector.shape_cast %mul3A_784 : vector<16xf32> to vector<1x16xf32>
          tpu.vector_store %arg16[%swap3A_785, %swap3A_786], %swap3A_789 {strides = array<i32>} : memref<80x128xf32, #tpu.memory_space<vmem>>, vector<1x16xf32>,
          %get3A_790 = arith.index_cast %add3A_753 : i32 to index
          %get3A_791 = arith.constant 48 : index
          %get3A_792 = tpu.vector_load %arg16[%get3A_790, %get3A_791] {strides = array<i32>} : memref<80x128xf32, #tpu.memory_space<vmem>>, vector<1x16xf32>,
          %get3A_793 = vector.shape_cast %get3A_792 : vector<1x16xf32> to vector<16xf32>
          %mul3A_794 = arith.mulf %get3A_793, %get3A_759 : vector<16xf32>
          %swap3A_795 = arith.index_cast %add3A_753 : i32 to index
          %swap3A_796 = arith.constant 48 : index
          %swap3A_797 = tpu.vector_load %arg16[%swap3A_795, %swap3A_796] {strides = array<i32>} : memref<80x128xf32, #tpu.memory_space<vmem>>, vector<1x16xf32>,
          %swap3A_798 = vector.shape_cast %swap3A_797 : vector<1x16xf32> to vector<16xf32>
          %swap3A_799 = vector.shape_cast %mul3A_794 : vector<16xf32> to vector<1x16xf32>
          tpu.vector_store %arg16[%swap3A_795, %swap3A_796], %swap3A_799 {strides = array<i32>} : memref<80x128xf32, #tpu.memory_space<vmem>>, vector<1x16xf32>,
          %get3A_800 = arith.index_cast %add3A_753 : i32 to index
          %get3A_801 = arith.constant 64 : index
          %get3A_802 = tpu.vector_load %arg16[%get3A_800, %get3A_801] {strides = array<i32>} : memref<80x128xf32, #tpu.memory_space<vmem>>, vector<1x16xf32>,
          %get3A_803 = vector.shape_cast %get3A_802 : vector<1x16xf32> to vector<16xf32>
          %mul3A_804 = arith.mulf %get3A_803, %get3A_759 : vector<16xf32>
          %swap3A_805 = arith.index_cast %add3A_753 : i32 to index
          %swap3A_806 = arith.constant 64 : index
          %swap3A_807 = tpu.vector_load %arg16[%swap3A_805, %swap3A_806] {strides = array<i32>} : memref<80x128xf32, #tpu.memory_space<vmem>>, vector<1x16xf32>,
          %swap3A_808 = vector.shape_cast %swap3A_807 : vector<1x16xf32> to vector<16xf32>
          %swap3A_809 = vector.shape_cast %mul3A_804 : vector<16xf32> to vector<1x16xf32>
          tpu.vector_store %arg16[%swap3A_805, %swap3A_806], %swap3A_809 {strides = array<i32>} : memref<80x128xf32, #tpu.memory_space<vmem>>, vector<1x16xf32>,
          %get3A_810 = arith.index_cast %add3A_753 : i32 to index
          %get3A_811 = arith.constant 80 : index
          %get3A_812 = tpu.vector_load %arg16[%get3A_810, %get3A_811] {strides = array<i32>} : memref<80x128xf32, #tpu.memory_space<vmem>>, vector<1x16xf32>,
          %get3A_813 = vector.shape_cast %get3A_812 : vector<1x16xf32> to vector<16xf32>
          %mul3A_814 = arith.mulf %get3A_813, %get3A_759 : vector<16xf32>
          %swap3A_815 = arith.index_cast %add3A_753 : i32 to index
          %swap3A_816 = arith.constant 80 : index
          %swap3A_817 = tpu.vector_load %arg16[%swap3A_815, %swap3A_816] {strides = array<i32>} : memref<80x128xf32, #tpu.memory_space<vmem>>, vector<1x16xf32>,
          %swap3A_818 = vector.shape_cast %swap3A_817 : vector<1x16xf32> to vector<16xf32>
          %swap3A_819 = vector.shape_cast %mul3A_814 : vector<16xf32> to vector<1x16xf32>
          tpu.vector_store %arg16[%swap3A_815, %swap3A_816], %swap3A_819 {strides = array<i32>} : memref<80x128xf32, #tpu.memory_space<vmem>>, vector<1x16xf32>,
          %get3A_820 = arith.index_cast %add3A_753 : i32 to index
          %get3A_821 = arith.constant 96 : index
          %get3A_822 = tpu.vector_load %arg16[%get3A_820, %get3A_821] {strides = array<i32>} : memref<80x128xf32, #tpu.memory_space<vmem>>, vector<1x16xf32>,
          %get3A_823 = vector.shape_cast %get3A_822 : vector<1x16xf32> to vector<16xf32>
          %mul3A_824 = arith.mulf %get3A_823, %get3A_759 : vector<16xf32>
          %swap3A_825 = arith.index_cast %add3A_753 : i32 to index
          %swap3A_826 = arith.constant 96 : index
          %swap3A_827 = tpu.vector_load %arg16[%swap3A_825, %swap3A_826] {strides = array<i32>} : memref<80x128xf32, #tpu.memory_space<vmem>>, vector<1x16xf32>,
          %swap3A_828 = vector.shape_cast %swap3A_827 : vector<1x16xf32> to vector<16xf32>
          %swap3A_829 = vector.shape_cast %mul3A_824 : vector<16xf32> to vector<1x16xf32>
          tpu.vector_store %arg16[%swap3A_825, %swap3A_826], %swap3A_829 {strides = array<i32>} : memref<80x128xf32, #tpu.memory_space<vmem>>, vector<1x16xf32>,
          %get3A_830 = arith.index_cast %add3A_753 : i32 to index
          %get3A_831 = arith.constant 112 : index
          %get3A_832 = tpu.vector_load %arg16[%get3A_830, %get3A_831] {strides = array<i32>} : memref<80x128xf32, #tpu.memory_space<vmem>>, vector<1x16xf32>,
          %get3A_833 = vector.shape_cast %get3A_832 : vector<1x16xf32> to vector<16xf32>
          %mul3A_834 = arith.mulf %get3A_833, %get3A_759 : vector<16xf32>
          %swap3A_835 = arith.index_cast %add3A_753 : i32 to index
          %swap3A_836 = arith.constant 112 : index
          %swap3A_837 = tpu.vector_load %arg16[%swap3A_835, %swap3A_836] {strides = array<i32>} : memref<80x128xf32, #tpu.memory_space<vmem>>, vector<1x16xf32>,
          %swap3A_838 = vector.shape_cast %swap3A_837 : vector<1x16xf32> to vector<16xf32>
          %swap3A_839 = vector.shape_cast %mul3A_834 : vector<16xf32> to vector<1x16xf32>
          tpu.vector_store %arg16[%swap3A_835, %swap3A_836], %swap3A_839 {strides = array<i32>} : memref<80x128xf32, #tpu.memory_space<vmem>>, vector<1x16xf32>,
          %mul3A_840 = arith.constant 16 : i32
          %mul3A_841 = arith.muli %scan3A_121, %mul3A_840 : i32
          %add3A_842 = arith.constant 8 : i32
          %add3A_843 = arith.addi %mul3A_841, %add3A_842 : i32
          %get3A_844 = arith.constant 1 : i32
          %get3A_845 = arith.index_cast %get3A_844 : i32 to index
          %get3A_846 = arith.index_cast %add3A_843 : i32 to index
          %get3A_847 = arith.constant 0 : index
          %get3A_848 = tpu.vector_load %arg14[%get3A_845, %get3A_846, %get3A_847] {strides = array<i32>} : memref<2x80x16xf32, #tpu.memory_space<vmem>>, vector<1x1x16xf32>,
          %get3A_849 = vector.shape_cast %get3A_848 : vector<1x1x16xf32> to vector<16xf32>
          %get3A_850 = arith.index_cast %add3A_843 : i32 to index
          %get3A_851 = arith.constant 0 : index
          %get3A_852 = tpu.vector_load %arg16[%get3A_850, %get3A_851] {strides = array<i32>} : memref<80x128xf32, #tpu.memory_space<vmem>>, vector<1x16xf32>,
          %get3A_853 = vector.shape_cast %get3A_852 : vector<1x16xf32> to vector<16xf32>
          %mul3A_854 = arith.mulf %get3A_853, %get3A_849 : vector<16xf32>
          %swap3A_855 = arith.index_cast %add3A_843 : i32 to index
          %swap3A_856 = arith.constant 0 : index
          %swap3A_857 = tpu.vector_load %arg16[%swap3A_855, %swap3A_856] {strides = array<i32>} : memref<80x128xf32, #tpu.memory_space<vmem>>, vector<1x16xf32>,
          %swap3A_858 = vector.shape_cast %swap3A_857 : vector<1x16xf32> to vector<16xf32>
          %swap3A_859 = vector.shape_cast %mul3A_854 : vector<16xf32> to vector<1x16xf32>
          tpu.vector_store %arg16[%swap3A_855, %swap3A_856], %swap3A_859 {strides = array<i32>} : memref<80x128xf32, #tpu.memory_space<vmem>>, vector<1x16xf32>,
          %get3A_860 = arith.index_cast %add3A_843 : i32 to index
          %get3A_861 = arith.constant 16 : index
          %get3A_862 = tpu.vector_load %arg16[%get3A_860, %get3A_861] {strides = array<i32>} : memref<80x128xf32, #tpu.memory_space<vmem>>, vector<1x16xf32>,
          %get3A_863 = vector.shape_cast %get3A_862 : vector<1x16xf32> to vector<16xf32>
          %mul3A_864 = arith.mulf %get3A_863, %get3A_849 : vector<16xf32>
          %swap3A_865 = arith.index_cast %add3A_843 : i32 to index
          %swap3A_866 = arith.constant 16 : index
          %swap3A_867 = tpu.vector_load %arg16[%swap3A_865, %swap3A_866] {strides = array<i32>} : memref<80x128xf32, #tpu.memory_space<vmem>>, vector<1x16xf32>,
          %swap3A_868 = vector.shape_cast %swap3A_867 : vector<1x16xf32> to vector<16xf32>
          %swap3A_869 = vector.shape_cast %mul3A_864 : vector<16xf32> to vector<1x16xf32>
          tpu.vector_store %arg16[%swap3A_865, %swap3A_866], %swap3A_869 {strides = array<i32>} : memref<80x128xf32, #tpu.memory_space<vmem>>, vector<1x16xf32>,
          %get3A_870 = arith.index_cast %add3A_843 : i32 to index
          %get3A_871 = arith.constant 32 : index
          %get3A_872 = tpu.vector_load %arg16[%get3A_870, %get3A_871] {strides = array<i32>} : memref<80x128xf32, #tpu.memory_space<vmem>>, vector<1x16xf32>,
          %get3A_873 = vector.shape_cast %get3A_872 : vector<1x16xf32> to vector<16xf32>
          %mul3A_874 = arith.mulf %get3A_873, %get3A_849 : vector<16xf32>
          %swap3A_875 = arith.index_cast %add3A_843 : i32 to index
          %swap3A_876 = arith.constant 32 : index
          %swap3A_877 = tpu.vector_load %arg16[%swap3A_875, %swap3A_876] {strides = array<i32>} : memref<80x128xf32, #tpu.memory_space<vmem>>, vector<1x16xf32>,
          %swap3A_878 = vector.shape_cast %swap3A_877 : vector<1x16xf32> to vector<16xf32>
          %swap3A_879 = vector.shape_cast %mul3A_874 : vector<16xf32> to vector<1x16xf32>
          tpu.vector_store %arg16[%swap3A_875, %swap3A_876], %swap3A_879 {strides = array<i32>} : memref<80x128xf32, #tpu.memory_space<vmem>>, vector<1x16xf32>,
          %get3A_880 = arith.index_cast %add3A_843 : i32 to index
          %get3A_881 = arith.constant 48 : index
          %get3A_882 = tpu.vector_load %arg16[%get3A_880, %get3A_881] {strides = array<i32>} : memref<80x128xf32, #tpu.memory_space<vmem>>, vector<1x16xf32>,
          %get3A_883 = vector.shape_cast %get3A_882 : vector<1x16xf32> to vector<16xf32>
          %mul3A_884 = arith.mulf %get3A_883, %get3A_849 : vector<16xf32>
          %swap3A_885 = arith.index_cast %add3A_843 : i32 to index
          %swap3A_886 = arith.constant 48 : index
          %swap3A_887 = tpu.vector_load %arg16[%swap3A_885, %swap3A_886] {strides = array<i32>} : memref<80x128xf32, #tpu.memory_space<vmem>>, vector<1x16xf32>,
          %swap3A_888 = vector.shape_cast %swap3A_887 : vector<1x16xf32> to vector<16xf32>
          %swap3A_889 = vector.shape_cast %mul3A_884 : vector<16xf32> to vector<1x16xf32>
          tpu.vector_store %arg16[%swap3A_885, %swap3A_886], %swap3A_889 {strides = array<i32>} : memref<80x128xf32, #tpu.memory_space<vmem>>, vector<1x16xf32>,
          %get3A_890 = arith.index_cast %add3A_843 : i32 to index
          %get3A_891 = arith.constant 64 : index
          %get3A_892 = tpu.vector_load %arg16[%get3A_890, %get3A_891] {strides = array<i32>} : memref<80x128xf32, #tpu.memory_space<vmem>>, vector<1x16xf32>,
          %get3A_893 = vector.shape_cast %get3A_892 : vector<1x16xf32> to vector<16xf32>
          %mul3A_894 = arith.mulf %get3A_893, %get3A_849 : vector<16xf32>
          %swap3A_895 = arith.index_cast %add3A_843 : i32 to index
          %swap3A_896 = arith.constant 64 : index
          %swap3A_897 = tpu.vector_load %arg16[%swap3A_895, %swap3A_896] {strides = array<i32>} : memref<80x128xf32, #tpu.memory_space<vmem>>, vector<1x16xf32>,
          %swap3A_898 = vector.shape_cast %swap3A_897 : vector<1x16xf32> to vector<16xf32>
          %swap3A_899 = vector.shape_cast %mul3A_894 : vector<16xf32> to vector<1x16xf32>
          tpu.vector_store %arg16[%swap3A_895, %swap3A_896], %swap3A_899 {strides = array<i32>} : memref<80x128xf32, #tpu.memory_space<vmem>>, vector<1x16xf32>,
          %get3A_900 = arith.index_cast %add3A_843 : i32 to index
          %get3A_901 = arith.constant 80 : index
          %get3A_902 = tpu.vector_load %arg16[%get3A_900, %get3A_901] {strides = array<i32>} : memref<80x128xf32, #tpu.memory_space<vmem>>, vector<1x16xf32>,
          %get3A_903 = vector.shape_cast %get3A_902 : vector<1x16xf32> to vector<16xf32>
          %mul3A_904 = arith.mulf %get3A_903, %get3A_849 : vector<16xf32>
          %swap3A_905 = arith.index_cast %add3A_843 : i32 to index
          %swap3A_906 = arith.constant 80 : index
          %swap3A_907 = tpu.vector_load %arg16[%swap3A_905, %swap3A_906] {strides = array<i32>} : memref<80x128xf32, #tpu.memory_space<vmem>>, vector<1x16xf32>,
          %swap3A_908 = vector.shape_cast %swap3A_907 : vector<1x16xf32> to vector<16xf32>
          %swap3A_909 = vector.shape_cast %mul3A_904 : vector<16xf32> to vector<1x16xf32>
          tpu.vector_store %arg16[%swap3A_905, %swap3A_906], %swap3A_909 {strides = array<i32>} : memref<80x128xf32, #tpu.memory_space<vmem>>, vector<1x16xf32>,
          %get3A_910 = arith.index_cast %add3A_843 : i32 to index
          %get3A_911 = arith.constant 96 : index
          %get3A_912 = tpu.vector_load %arg16[%get3A_910, %get3A_911] {strides = array<i32>} : memref<80x128xf32, #tpu.memory_space<vmem>>, vector<1x16xf32>,
          %get3A_913 = vector.shape_cast %get3A_912 : vector<1x16xf32> to vector<16xf32>
          %mul3A_914 = arith.mulf %get3A_913, %get3A_849 : vector<16xf32>
          %swap3A_915 = arith.index_cast %add3A_843 : i32 to index
          %swap3A_916 = arith.constant 96 : index
          %swap3A_917 = tpu.vector_load %arg16[%swap3A_915, %swap3A_916] {strides = array<i32>} : memref<80x128xf32, #tpu.memory_space<vmem>>, vector<1x16xf32>,
          %swap3A_918 = vector.shape_cast %swap3A_917 : vector<1x16xf32> to vector<16xf32>
          %swap3A_919 = vector.shape_cast %mul3A_914 : vector<16xf32> to vector<1x16xf32>
          tpu.vector_store %arg16[%swap3A_915, %swap3A_916], %swap3A_919 {strides = array<i32>} : memref<80x128xf32, #tpu.memory_space<vmem>>, vector<1x16xf32>,
          %get3A_920 = arith.index_cast %add3A_843 : i32 to index
          %get3A_921 = arith.constant 112 : index
          %get3A_922 = tpu.vector_load %arg16[%get3A_920, %get3A_921] {strides = array<i32>} : memref<80x128xf32, #tpu.memory_space<vmem>>, vector<1x16xf32>,
          %get3A_923 = vector.shape_cast %get3A_922 : vector<1x16xf32> to vector<16xf32>
          %mul3A_924 = arith.mulf %get3A_923, %get3A_849 : vector<16xf32>
          %swap3A_925 = arith.index_cast %add3A_843 : i32 to index
          %swap3A_926 = arith.constant 112 : index
          %swap3A_927 = tpu.vector_load %arg16[%swap3A_925, %swap3A_926] {strides = array<i32>} : memref<80x128xf32, #tpu.memory_space<vmem>>, vector<1x16xf32>,
          %swap3A_928 = vector.shape_cast %swap3A_927 : vector<1x16xf32> to vector<16xf32>
          %swap3A_929 = vector.shape_cast %mul3A_924 : vector<16xf32> to vector<1x16xf32>
          tpu.vector_store %arg16[%swap3A_925, %swap3A_926], %swap3A_929 {strides = array<i32>} : memref<80x128xf32, #tpu.memory_space<vmem>>, vector<1x16xf32>,
          %mul3A_930 = arith.constant 16 : i32
          %mul3A_931 = arith.muli %scan3A_121, %mul3A_930 : i32
          %add3A_932 = arith.constant 9 : i32
          %add3A_933 = arith.addi %mul3A_931, %add3A_932 : i32
          %get3A_934 = arith.constant 1 : i32
          %get3A_935 = arith.index_cast %get3A_934 : i32 to index
          %get3A_936 = arith.index_cast %add3A_933 : i32 to index
          %get3A_937 = arith.constant 0 : index
          %get3A_938 = tpu.vector_load %arg14[%get3A_935, %get3A_936, %get3A_937] {strides = array<i32>} : memref<2x80x16xf32, #tpu.memory_space<vmem>>, vector<1x1x16xf32>,
          %get3A_939 = vector.shape_cast %get3A_938 : vector<1x1x16xf32> to vector<16xf32>
          %get3A_940 = arith.index_cast %add3A_933 : i32 to index
          %get3A_941 = arith.constant 0 : index
          %get3A_942 = tpu.vector_load %arg16[%get3A_940, %get3A_941] {strides = array<i32>} : memref<80x128xf32, #tpu.memory_space<vmem>>, vector<1x16xf32>,
          %get3A_943 = vector.shape_cast %get3A_942 : vector<1x16xf32> to vector<16xf32>
          %mul3A_944 = arith.mulf %get3A_943, %get3A_939 : vector<16xf32>
          %swap3A_945 = arith.index_cast %add3A_933 : i32 to index
          %swap3A_946 = arith.constant 0 : index
          %swap3A_947 = tpu.vector_load %arg16[%swap3A_945, %swap3A_946] {strides = array<i32>} : memref<80x128xf32, #tpu.memory_space<vmem>>, vector<1x16xf32>,
          %swap3A_948 = vector.shape_cast %swap3A_947 : vector<1x16xf32> to vector<16xf32>
          %swap3A_949 = vector.shape_cast %mul3A_944 : vector<16xf32> to vector<1x16xf32>
          tpu.vector_store %arg16[%swap3A_945, %swap3A_946], %swap3A_949 {strides = array<i32>} : memref<80x128xf32, #tpu.memory_space<vmem>>, vector<1x16xf32>,
          %get3A_950 = arith.index_cast %add3A_933 : i32 to index
          %get3A_951 = arith.constant 16 : index
          %get3A_952 = tpu.vector_load %arg16[%get3A_950, %get3A_951] {strides = array<i32>} : memref<80x128xf32, #tpu.memory_space<vmem>>, vector<1x16xf32>,
          %get3A_953 = vector.shape_cast %get3A_952 : vector<1x16xf32> to vector<16xf32>
          %mul3A_954 = arith.mulf %get3A_953, %get3A_939 : vector<16xf32>
          %swap3A_955 = arith.index_cast %add3A_933 : i32 to index
          %swap3A_956 = arith.constant 16 : index
          %swap3A_957 = tpu.vector_load %arg16[%swap3A_955, %swap3A_956] {strides = array<i32>} : memref<80x128xf32, #tpu.memory_space<vmem>>, vector<1x16xf32>,
          %swap3A_958 = vector.shape_cast %swap3A_957 : vector<1x16xf32> to vector<16xf32>
          %swap3A_959 = vector.shape_cast %mul3A_954 : vector<16xf32> to vector<1x16xf32>
          tpu.vector_store %arg16[%swap3A_955, %swap3A_956], %swap3A_959 {strides = array<i32>} : memref<80x128xf32, #tpu.memory_space<vmem>>, vector<1x16xf32>,
          %get3A_960 = arith.index_cast %add3A_933 : i32 to index
          %get3A_961 = arith.constant 32 : index
          %get3A_962 = tpu.vector_load %arg16[%get3A_960, %get3A_961] {strides = array<i32>} : memref<80x128xf32, #tpu.memory_space<vmem>>, vector<1x16xf32>,
          %get3A_963 = vector.shape_cast %get3A_962 : vector<1x16xf32> to vector<16xf32>
          %mul3A_964 = arith.mulf %get3A_963, %get3A_939 : vector<16xf32>
          %swap3A_965 = arith.index_cast %add3A_933 : i32 to index
          %swap3A_966 = arith.constant 32 : index
          %swap3A_967 = tpu.vector_load %arg16[%swap3A_965, %swap3A_966] {strides = array<i32>} : memref<80x128xf32, #tpu.memory_space<vmem>>, vector<1x16xf32>,
          %swap3A_968 = vector.shape_cast %swap3A_967 : vector<1x16xf32> to vector<16xf32>
          %swap3A_969 = vector.shape_cast %mul3A_964 : vector<16xf32> to vector<1x16xf32>
          tpu.vector_store %arg16[%swap3A_965, %swap3A_966], %swap3A_969 {strides = array<i32>} : memref<80x128xf32, #tpu.memory_space<vmem>>, vector<1x16xf32>,
          %get3A_970 = arith.index_cast %add3A_933 : i32 to index
          %get3A_971 = arith.constant 48 : index
          %get3A_972 = tpu.vector_load %arg16[%get3A_970, %get3A_971] {strides = array<i32>} : memref<80x128xf32, #tpu.memory_space<vmem>>, vector<1x16xf32>,
          %get3A_973 = vector.shape_cast %get3A_972 : vector<1x16xf32> to vector<16xf32>
          %mul3A_974 = arith.mulf %get3A_973, %get3A_939 : vector<16xf32>
          %swap3A_975 = arith.index_cast %add3A_933 : i32 to index
          %swap3A_976 = arith.constant 48 : index
          %swap3A_977 = tpu.vector_load %arg16[%swap3A_975, %swap3A_976] {strides = array<i32>} : memref<80x128xf32, #tpu.memory_space<vmem>>, vector<1x16xf32>,
          %swap3A_978 = vector.shape_cast %swap3A_977 : vector<1x16xf32> to vector<16xf32>
          %swap3A_979 = vector.shape_cast %mul3A_974 : vector<16xf32> to vector<1x16xf32>
          tpu.vector_store %arg16[%swap3A_975, %swap3A_976], %swap3A_979 {strides = array<i32>} : memref<80x128xf32, #tpu.memory_space<vmem>>, vector<1x16xf32>,
          %get3A_980 = arith.index_cast %add3A_933 : i32 to index
          %get3A_981 = arith.constant 64 : index
          %get3A_982 = tpu.vector_load %arg16[%get3A_980, %get3A_981] {strides = array<i32>} : memref<80x128xf32, #tpu.memory_space<vmem>>, vector<1x16xf32>,
          %get3A_983 = vector.shape_cast %get3A_982 : vector<1x16xf32> to vector<16xf32>
          %mul3A_984 = arith.mulf %get3A_983, %get3A_939 : vector<16xf32>
          %swap3A_985 = arith.index_cast %add3A_933 : i32 to index
          %swap3A_986 = arith.constant 64 : index
          %swap3A_987 = tpu.vector_load %arg16[%swap3A_985, %swap3A_986] {strides = array<i32>} : memref<80x128xf32, #tpu.memory_space<vmem>>, vector<1x16xf32>,
          %swap3A_988 = vector.shape_cast %swap3A_987 : vector<1x16xf32> to vector<16xf32>
          %swap3A_989 = vector.shape_cast %mul3A_984 : vector<16xf32> to vector<1x16xf32>
          tpu.vector_store %arg16[%swap3A_985, %swap3A_986], %swap3A_989 {strides = array<i32>} : memref<80x128xf32, #tpu.memory_space<vmem>>, vector<1x16xf32>,
          %get3A_990 = arith.index_cast %add3A_933 : i32 to index
          %get3A_991 = arith.constant 80 : index
          %get3A_992 = tpu.vector_load %arg16[%get3A_990, %get3A_991] {strides = array<i32>} : memref<80x128xf32, #tpu.memory_space<vmem>>, vector<1x16xf32>,
          %get3A_993 = vector.shape_cast %get3A_992 : vector<1x16xf32> to vector<16xf32>
          %mul3A_994 = arith.mulf %get3A_993, %get3A_939 : vector<16xf32>
          %swap3A_995 = arith.index_cast %add3A_933 : i32 to index
          %swap3A_996 = arith.constant 80 : index
          %swap3A_997 = tpu.vector_load %arg16[%swap3A_995, %swap3A_996] {strides = array<i32>} : memref<80x128xf32, #tpu.memory_space<vmem>>, vector<1x16xf32>,
          %swap3A_998 = vector.shape_cast %swap3A_997 : vector<1x16xf32> to vector<16xf32>
          %swap3A_999 = vector.shape_cast %mul3A_994 : vector<16xf32> to vector<1x16xf32>
          tpu.vector_store %arg16[%swap3A_995, %swap3A_996], %swap3A_999 {strides = array<i32>} : memref<80x128xf32, #tpu.memory_space<vmem>>, vector<1x16xf32>,
          %get3A_1000 = arith.index_cast %add3A_933 : i32 to index
          %get3A_1001 = arith.constant 96 : index
          %get3A_1002 = tpu.vector_load %arg16[%get3A_1000, %get3A_1001] {strides = array<i32>} : memref<80x128xf32, #tpu.memory_space<vmem>>, vector<1x16xf32>,
          %get3A_1003 = vector.shape_cast %get3A_1002 : vector<1x16xf32> to vector<16xf32>
          %mul3A_1004 = arith.mulf %get3A_1003, %get3A_939 : vector<16xf32>
          %swap3A_1005 = arith.index_cast %add3A_933 : i32 to index
          %swap3A_1006 = arith.constant 96 : index
          %swap3A_1007 = tpu.vector_load %arg16[%swap3A_1005, %swap3A_1006] {strides = array<i32>} : memref<80x128xf32, #tpu.memory_space<vmem>>, vector<1x16xf32>,
          %swap3A_1008 = vector.shape_cast %swap3A_1007 : vector<1x16xf32> to vector<16xf32>
          %swap3A_1009 = vector.shape_cast %mul3A_1004 : vector<16xf32> to vector<1x16xf32>
          tpu.vector_store %arg16[%swap3A_1005, %swap3A_1006], %swap3A_1009 {strides = array<i32>} : memref<80x128xf32, #tpu.memory_space<vmem>>, vector<1x16xf32>,
          %get3A_1010 = arith.index_cast %add3A_933 : i32 to index
          %get3A_1011 = arith.constant 112 : index
          %get3A_1012 = tpu.vector_load %arg16[%get3A_1010, %get3A_1011] {strides = array<i32>} : memref<80x128xf32, #tpu.memory_space<vmem>>, vector<1x16xf32>,
          %get3A_1013 = vector.shape_cast %get3A_1012 : vector<1x16xf32> to vector<16xf32>
          %mul3A_1014 = arith.mulf %get3A_1013, %get3A_939 : vector<16xf32>
          %swap3A_1015 = arith.index_cast %add3A_933 : i32 to index
          %swap3A_1016 = arith.constant 112 : index
          %swap3A_1017 = tpu.vector_load %arg16[%swap3A_1015, %swap3A_1016] {strides = array<i32>} : memref<80x128xf32, #tpu.memory_space<vmem>>, vector<1x16xf32>,
          %swap3A_1018 = vector.shape_cast %swap3A_1017 : vector<1x16xf32> to vector<16xf32>
          %swap3A_1019 = vector.shape_cast %mul3A_1014 : vector<16xf32> to vector<1x16xf32>
          tpu.vector_store %arg16[%swap3A_1015, %swap3A_1016], %swap3A_1019 {strides = array<i32>} : memref<80x128xf32, #tpu.memory_space<vmem>>, vector<1x16xf32>,
          %mul3A_1020 = arith.constant 16 : i32
          %mul3A_1021 = arith.muli %scan3A_121, %mul3A_1020 : i32
          %add3A_1022 = arith.constant 10 : i32
          %add3A_1023 = arith.addi %mul3A_1021, %add3A_1022 : i32
          %get3A_1024 = arith.constant 1 : i32
          %get3A_1025 = arith.index_cast %get3A_1024 : i32 to index
          %get3A_1026 = arith.index_cast %add3A_1023 : i32 to index
          %get3A_1027 = arith.constant 0 : index
          %get3A_1028 = tpu.vector_load %arg14[%get3A_1025, %get3A_1026, %get3A_1027] {strides = array<i32>} : memref<2x80x16xf32, #tpu.memory_space<vmem>>, vector<1x1x16xf32>,
          %get3A_1029 = vector.shape_cast %get3A_1028 : vector<1x1x16xf32> to vector<16xf32>
          %get3A_1030 = arith.index_cast %add3A_1023 : i32 to index
          %get3A_1031 = arith.constant 0 : index
          %get3A_1032 = tpu.vector_load %arg16[%get3A_1030, %get3A_1031] {strides = array<i32>} : memref<80x128xf32, #tpu.memory_space<vmem>>, vector<1x16xf32>,
          %get3A_1033 = vector.shape_cast %get3A_1032 : vector<1x16xf32> to vector<16xf32>
          %mul3A_1034 = arith.mulf %get3A_1033, %get3A_1029 : vector<16xf32>
          %swap3A_1035 = arith.index_cast %add3A_1023 : i32 to index
          %swap3A_1036 = arith.constant 0 : index
          %swap3A_1037 = tpu.vector_load %arg16[%swap3A_1035, %swap3A_1036] {strides = array<i32>} : memref<80x128xf32, #tpu.memory_space<vmem>>, vector<1x16xf32>,
          %swap3A_1038 = vector.shape_cast %swap3A_1037 : vector<1x16xf32> to vector<16xf32>
          %swap3A_1039 = vector.shape_cast %mul3A_1034 : vector<16xf32> to vector<1x16xf32>
          tpu.vector_store %arg16[%swap3A_1035, %swap3A_1036], %swap3A_1039 {strides = array<i32>} : memref<80x128xf32, #tpu.memory_space<vmem>>, vector<1x16xf32>,
          %get3A_1040 = arith.index_cast %add3A_1023 : i32 to index
          %get3A_1041 = arith.constant 16 : index
          %get3A_1042 = tpu.vector_load %arg16[%get3A_1040, %get3A_1041] {strides = array<i32>} : memref<80x128xf32, #tpu.memory_space<vmem>>, vector<1x16xf32>,
          %get3A_1043 = vector.shape_cast %get3A_1042 : vector<1x16xf32> to vector<16xf32>
          %mul3A_1044 = arith.mulf %get3A_1043, %get3A_1029 : vector<16xf32>
          %swap3A_1045 = arith.index_cast %add3A_1023 : i32 to index
          %swap3A_1046 = arith.constant 16 : index
          %swap3A_1047 = tpu.vector_load %arg16[%swap3A_1045, %swap3A_1046] {strides = array<i32>} : memref<80x128xf32, #tpu.memory_space<vmem>>, vector<1x16xf32>,
          %swap3A_1048 = vector.shape_cast %swap3A_1047 : vector<1x16xf32> to vector<16xf32>
          %swap3A_1049 = vector.shape_cast %mul3A_1044 : vector<16xf32> to vector<1x16xf32>
          tpu.vector_store %arg16[%swap3A_1045, %swap3A_1046], %swap3A_1049 {strides = array<i32>} : memref<80x128xf32, #tpu.memory_space<vmem>>, vector<1x16xf32>,
          %get3A_1050 = arith.index_cast %add3A_1023 : i32 to index
          %get3A_1051 = arith.constant 32 : index
          %get3A_1052 = tpu.vector_load %arg16[%get3A_1050, %get3A_1051] {strides = array<i32>} : memref<80x128xf32, #tpu.memory_space<vmem>>, vector<1x16xf32>,
          %get3A_1053 = vector.shape_cast %get3A_1052 : vector<1x16xf32> to vector<16xf32>
          %mul3A_1054 = arith.mulf %get3A_1053, %get3A_1029 : vector<16xf32>
          %swap3A_1055 = arith.index_cast %add3A_1023 : i32 to index
          %swap3A_1056 = arith.constant 32 : index
          %swap3A_1057 = tpu.vector_load %arg16[%swap3A_1055, %swap3A_1056] {strides = array<i32>} : memref<80x128xf32, #tpu.memory_space<vmem>>, vector<1x16xf32>,
          %swap3A_1058 = vector.shape_cast %swap3A_1057 : vector<1x16xf32> to vector<16xf32>
          %swap3A_1059 = vector.shape_cast %mul3A_1054 : vector<16xf32> to vector<1x16xf32>
          tpu.vector_store %arg16[%swap3A_1055, %swap3A_1056], %swap3A_1059 {strides = array<i32>} : memref<80x128xf32, #tpu.memory_space<vmem>>, vector<1x16xf32>,
          %get3A_1060 = arith.index_cast %add3A_1023 : i32 to index
          %get3A_1061 = arith.constant 48 : index
          %get3A_1062 = tpu.vector_load %arg16[%get3A_1060, %get3A_1061] {strides = array<i32>} : memref<80x128xf32, #tpu.memory_space<vmem>>, vector<1x16xf32>,
          %get3A_1063 = vector.shape_cast %get3A_1062 : vector<1x16xf32> to vector<16xf32>
          %mul3A_1064 = arith.mulf %get3A_1063, %get3A_1029 : vector<16xf32>
          %swap3A_1065 = arith.index_cast %add3A_1023 : i32 to index
          %swap3A_1066 = arith.constant 48 : index
          %swap3A_1067 = tpu.vector_load %arg16[%swap3A_1065, %swap3A_1066] {strides = array<i32>} : memref<80x128xf32, #tpu.memory_space<vmem>>, vector<1x16xf32>,
          %swap3A_1068 = vector.shape_cast %swap3A_1067 : vector<1x16xf32> to vector<16xf32>
          %swap3A_1069 = vector.shape_cast %mul3A_1064 : vector<16xf32> to vector<1x16xf32>
          tpu.vector_store %arg16[%swap3A_1065, %swap3A_1066], %swap3A_1069 {strides = array<i32>} : memref<80x128xf32, #tpu.memory_space<vmem>>, vector<1x16xf32>,
          %get3A_1070 = arith.index_cast %add3A_1023 : i32 to index
          %get3A_1071 = arith.constant 64 : index
          %get3A_1072 = tpu.vector_load %arg16[%get3A_1070, %get3A_1071] {strides = array<i32>} : memref<80x128xf32, #tpu.memory_space<vmem>>, vector<1x16xf32>,
          %get3A_1073 = vector.shape_cast %get3A_1072 : vector<1x16xf32> to vector<16xf32>
          %mul3A_1074 = arith.mulf %get3A_1073, %get3A_1029 : vector<16xf32>
          %swap3A_1075 = arith.index_cast %add3A_1023 : i32 to index
          %swap3A_1076 = arith.constant 64 : index
          %swap3A_1077 = tpu.vector_load %arg16[%swap3A_1075, %swap3A_1076] {strides = array<i32>} : memref<80x128xf32, #tpu.memory_space<vmem>>, vector<1x16xf32>,
          %swap3A_1078 = vector.shape_cast %swap3A_1077 : vector<1x16xf32> to vector<16xf32>
          %swap3A_1079 = vector.shape_cast %mul3A_1074 : vector<16xf32> to vector<1x16xf32>
          tpu.vector_store %arg16[%swap3A_1075, %swap3A_1076], %swap3A_1079 {strides = array<i32>} : memref<80x128xf32, #tpu.memory_space<vmem>>, vector<1x16xf32>,
          %get3A_1080 = arith.index_cast %add3A_1023 : i32 to index
          %get3A_1081 = arith.constant 80 : index
          %get3A_1082 = tpu.vector_load %arg16[%get3A_1080, %get3A_1081] {strides = array<i32>} : memref<80x128xf32, #tpu.memory_space<vmem>>, vector<1x16xf32>,
          %get3A_1083 = vector.shape_cast %get3A_1082 : vector<1x16xf32> to vector<16xf32>
          %mul3A_1084 = arith.mulf %get3A_1083, %get3A_1029 : vector<16xf32>
          %swap3A_1085 = arith.index_cast %add3A_1023 : i32 to index
          %swap3A_1086 = arith.constant 80 : index
          %swap3A_1087 = tpu.vector_load %arg16[%swap3A_1085, %swap3A_1086] {strides = array<i32>} : memref<80x128xf32, #tpu.memory_space<vmem>>, vector<1x16xf32>,
          %swap3A_1088 = vector.shape_cast %swap3A_1087 : vector<1x16xf32> to vector<16xf32>
          %swap3A_1089 = vector.shape_cast %mul3A_1084 : vector<16xf32> to vector<1x16xf32>
          tpu.vector_store %arg16[%swap3A_1085, %swap3A_1086], %swap3A_1089 {strides = array<i32>} : memref<80x128xf32, #tpu.memory_space<vmem>>, vector<1x16xf32>,
          %get3A_1090 = arith.index_cast %add3A_1023 : i32 to index
          %get3A_1091 = arith.constant 96 : index
          %get3A_1092 = tpu.vector_load %arg16[%get3A_1090, %get3A_1091] {strides = array<i32>} : memref<80x128xf32, #tpu.memory_space<vmem>>, vector<1x16xf32>,
          %get3A_1093 = vector.shape_cast %get3A_1092 : vector<1x16xf32> to vector<16xf32>
          %mul3A_1094 = arith.mulf %get3A_1093, %get3A_1029 : vector<16xf32>
          %swap3A_1095 = arith.index_cast %add3A_1023 : i32 to index
          %swap3A_1096 = arith.constant 96 : index
          %swap3A_1097 = tpu.vector_load %arg16[%swap3A_1095, %swap3A_1096] {strides = array<i32>} : memref<80x128xf32, #tpu.memory_space<vmem>>, vector<1x16xf32>,
          %swap3A_1098 = vector.shape_cast %swap3A_1097 : vector<1x16xf32> to vector<16xf32>
          %swap3A_1099 = vector.shape_cast %mul3A_1094 : vector<16xf32> to vector<1x16xf32>
          tpu.vector_store %arg16[%swap3A_1095, %swap3A_1096], %swap3A_1099 {strides = array<i32>} : memref<80x128xf32, #tpu.memory_space<vmem>>, vector<1x16xf32>,
          %get3A_1100 = arith.index_cast %add3A_1023 : i32 to index
          %get3A_1101 = arith.constant 112 : index
          %get3A_1102 = tpu.vector_load %arg16[%get3A_1100, %get3A_1101] {strides = array<i32>} : memref<80x128xf32, #tpu.memory_space<vmem>>, vector<1x16xf32>,
          %get3A_1103 = vector.shape_cast %get3A_1102 : vector<1x16xf32> to vector<16xf32>
          %mul3A_1104 = arith.mulf %get3A_1103, %get3A_1029 : vector<16xf32>
          %swap3A_1105 = arith.index_cast %add3A_1023 : i32 to index
          %swap3A_1106 = arith.constant 112 : index
          %swap3A_1107 = tpu.vector_load %arg16[%swap3A_1105, %swap3A_1106] {strides = array<i32>} : memref<80x128xf32, #tpu.memory_space<vmem>>, vector<1x16xf32>,
          %swap3A_1108 = vector.shape_cast %swap3A_1107 : vector<1x16xf32> to vector<16xf32>
          %swap3A_1109 = vector.shape_cast %mul3A_1104 : vector<16xf32> to vector<1x16xf32>
          tpu.vector_store %arg16[%swap3A_1105, %swap3A_1106], %swap3A_1109 {strides = array<i32>} : memref<80x128xf32, #tpu.memory_space<vmem>>, vector<1x16xf32>,
          %mul3A_1110 = arith.constant 16 : i32
          %mul3A_1111 = arith.muli %scan3A_121, %mul3A_1110 : i32
          %add3A_1112 = arith.constant 11 : i32
          %add3A_1113 = arith.addi %mul3A_1111, %add3A_1112 : i32
          %get3A_1114 = arith.constant 1 : i32
          %get3A_1115 = arith.index_cast %get3A_1114 : i32 to index
          %get3A_1116 = arith.index_cast %add3A_1113 : i32 to index
          %get3A_1117 = arith.constant 0 : index
          %get3A_1118 = tpu.vector_load %arg14[%get3A_1115, %get3A_1116, %get3A_1117] {strides = array<i32>} : memref<2x80x16xf32, #tpu.memory_space<vmem>>, vector<1x1x16xf32>,
          %get3A_1119 = vector.shape_cast %get3A_1118 : vector<1x1x16xf32> to vector<16xf32>
          %get3A_1120 = arith.index_cast %add3A_1113 : i32 to index
          %get3A_1121 = arith.constant 0 : index
          %get3A_1122 = tpu.vector_load %arg16[%get3A_1120, %get3A_1121] {strides = array<i32>} : memref<80x128xf32, #tpu.memory_space<vmem>>, vector<1x16xf32>,
          %get3A_1123 = vector.shape_cast %get3A_1122 : vector<1x16xf32> to vector<16xf32>
          %mul3A_1124 = arith.mulf %get3A_1123, %get3A_1119 : vector<16xf32>
          %swap3A_1125 = arith.index_cast %add3A_1113 : i32 to index
          %swap3A_1126 = arith.constant 0 : index
          %swap3A_1127 = tpu.vector_load %arg16[%swap3A_1125, %swap3A_1126] {strides = array<i32>} : memref<80x128xf32, #tpu.memory_space<vmem>>, vector<1x16xf32>,
          %swap3A_1128 = vector.shape_cast %swap3A_1127 : vector<1x16xf32> to vector<16xf32>
          %swap3A_1129 = vector.shape_cast %mul3A_1124 : vector<16xf32> to vector<1x16xf32>
          tpu.vector_store %arg16[%swap3A_1125, %swap3A_1126], %swap3A_1129 {strides = array<i32>} : memref<80x128xf32, #tpu.memory_space<vmem>>, vector<1x16xf32>,
          %get3A_1130 = arith.index_cast %add3A_1113 : i32 to index
          %get3A_1131 = arith.constant 16 : index
          %get3A_1132 = tpu.vector_load %arg16[%get3A_1130, %get3A_1131] {strides = array<i32>} : memref<80x128xf32, #tpu.memory_space<vmem>>, vector<1x16xf32>,
          %get3A_1133 = vector.shape_cast %get3A_1132 : vector<1x16xf32> to vector<16xf32>
          %mul3A_1134 = arith.mulf %get3A_1133, %get3A_1119 : vector<16xf32>
          %swap3A_1135 = arith.index_cast %add3A_1113 : i32 to index
          %swap3A_1136 = arith.constant 16 : index
          %swap3A_1137 = tpu.vector_load %arg16[%swap3A_1135, %swap3A_1136] {strides = array<i32>} : memref<80x128xf32, #tpu.memory_space<vmem>>, vector<1x16xf32>,
          %swap3A_1138 = vector.shape_cast %swap3A_1137 : vector<1x16xf32> to vector<16xf32>
          %swap3A_1139 = vector.shape_cast %mul3A_1134 : vector<16xf32> to vector<1x16xf32>
          tpu.vector_store %arg16[%swap3A_1135, %swap3A_1136], %swap3A_1139 {strides = array<i32>} : memref<80x128xf32, #tpu.memory_space<vmem>>, vector<1x16xf32>,
          %get3A_1140 = arith.index_cast %add3A_1113 : i32 to index
          %get3A_1141 = arith.constant 32 : index
          %get3A_1142 = tpu.vector_load %arg16[%get3A_1140, %get3A_1141] {strides = array<i32>} : memref<80x128xf32, #tpu.memory_space<vmem>>, vector<1x16xf32>,
          %get3A_1143 = vector.shape_cast %get3A_1142 : vector<1x16xf32> to vector<16xf32>
          %mul3A_1144 = arith.mulf %get3A_1143, %get3A_1119 : vector<16xf32>
          %swap3A_1145 = arith.index_cast %add3A_1113 : i32 to index
          %swap3A_1146 = arith.constant 32 : index
          %swap3A_1147 = tpu.vector_load %arg16[%swap3A_1145, %swap3A_1146] {strides = array<i32>} : memref<80x128xf32, #tpu.memory_space<vmem>>, vector<1x16xf32>,
          %swap3A_1148 = vector.shape_cast %swap3A_1147 : vector<1x16xf32> to vector<16xf32>
          %swap3A_1149 = vector.shape_cast %mul3A_1144 : vector<16xf32> to vector<1x16xf32>
          tpu.vector_store %arg16[%swap3A_1145, %swap3A_1146], %swap3A_1149 {strides = array<i32>} : memref<80x128xf32, #tpu.memory_space<vmem>>, vector<1x16xf32>,
          %get3A_1150 = arith.index_cast %add3A_1113 : i32 to index
          %get3A_1151 = arith.constant 48 : index
          %get3A_1152 = tpu.vector_load %arg16[%get3A_1150, %get3A_1151] {strides = array<i32>} : memref<80x128xf32, #tpu.memory_space<vmem>>, vector<1x16xf32>,
          %get3A_1153 = vector.shape_cast %get3A_1152 : vector<1x16xf32> to vector<16xf32>
          %mul3A_1154 = arith.mulf %get3A_1153, %get3A_1119 : vector<16xf32>
          %swap3A_1155 = arith.index_cast %add3A_1113 : i32 to index
          %swap3A_1156 = arith.constant 48 : index
          %swap3A_1157 = tpu.vector_load %arg16[%swap3A_1155, %swap3A_1156] {strides = array<i32>} : memref<80x128xf32, #tpu.memory_space<vmem>>, vector<1x16xf32>,
          %swap3A_1158 = vector.shape_cast %swap3A_1157 : vector<1x16xf32> to vector<16xf32>
          %swap3A_1159 = vector.shape_cast %mul3A_1154 : vector<16xf32> to vector<1x16xf32>
          tpu.vector_store %arg16[%swap3A_1155, %swap3A_1156], %swap3A_1159 {strides = array<i32>} : memref<80x128xf32, #tpu.memory_space<vmem>>, vector<1x16xf32>,
          %get3A_1160 = arith.index_cast %add3A_1113 : i32 to index
          %get3A_1161 = arith.constant 64 : index
          %get3A_1162 = tpu.vector_load %arg16[%get3A_1160, %get3A_1161] {strides = array<i32>} : memref<80x128xf32, #tpu.memory_space<vmem>>, vector<1x16xf32>,
          %get3A_1163 = vector.shape_cast %get3A_1162 : vector<1x16xf32> to vector<16xf32>
          %mul3A_1164 = arith.mulf %get3A_1163, %get3A_1119 : vector<16xf32>
          %swap3A_1165 = arith.index_cast %add3A_1113 : i32 to index
          %swap3A_1166 = arith.constant 64 : index
          %swap3A_1167 = tpu.vector_load %arg16[%swap3A_1165, %swap3A_1166] {strides = array<i32>} : memref<80x128xf32, #tpu.memory_space<vmem>>, vector<1x16xf32>,
          %swap3A_1168 = vector.shape_cast %swap3A_1167 : vector<1x16xf32> to vector<16xf32>
          %swap3A_1169 = vector.shape_cast %mul3A_1164 : vector<16xf32> to vector<1x16xf32>
          tpu.vector_store %arg16[%swap3A_1165, %swap3A_1166], %swap3A_1169 {strides = array<i32>} : memref<80x128xf32, #tpu.memory_space<vmem>>, vector<1x16xf32>,
          %get3A_1170 = arith.index_cast %add3A_1113 : i32 to index
          %get3A_1171 = arith.constant 80 : index
          %get3A_1172 = tpu.vector_load %arg16[%get3A_1170, %get3A_1171] {strides = array<i32>} : memref<80x128xf32, #tpu.memory_space<vmem>>, vector<1x16xf32>,
          %get3A_1173 = vector.shape_cast %get3A_1172 : vector<1x16xf32> to vector<16xf32>
          %mul3A_1174 = arith.mulf %get3A_1173, %get3A_1119 : vector<16xf32>
          %swap3A_1175 = arith.index_cast %add3A_1113 : i32 to index
          %swap3A_1176 = arith.constant 80 : index
          %swap3A_1177 = tpu.vector_load %arg16[%swap3A_1175, %swap3A_1176] {strides = array<i32>} : memref<80x128xf32, #tpu.memory_space<vmem>>, vector<1x16xf32>,
          %swap3A_1178 = vector.shape_cast %swap3A_1177 : vector<1x16xf32> to vector<16xf32>
          %swap3A_1179 = vector.shape_cast %mul3A_1174 : vector<16xf32> to vector<1x16xf32>
          tpu.vector_store %arg16[%swap3A_1175, %swap3A_1176], %swap3A_1179 {strides = array<i32>} : memref<80x128xf32, #tpu.memory_space<vmem>>, vector<1x16xf32>,
          %get3A_1180 = arith.index_cast %add3A_1113 : i32 to index
          %get3A_1181 = arith.constant 96 : index
          %get3A_1182 = tpu.vector_load %arg16[%get3A_1180, %get3A_1181] {strides = array<i32>} : memref<80x128xf32, #tpu.memory_space<vmem>>, vector<1x16xf32>,
          %get3A_1183 = vector.shape_cast %get3A_1182 : vector<1x16xf32> to vector<16xf32>
          %mul3A_1184 = arith.mulf %get3A_1183, %get3A_1119 : vector<16xf32>
          %swap3A_1185 = arith.index_cast %add3A_1113 : i32 to index
          %swap3A_1186 = arith.constant 96 : index
          %swap3A_1187 = tpu.vector_load %arg16[%swap3A_1185, %swap3A_1186] {strides = array<i32>} : memref<80x128xf32, #tpu.memory_space<vmem>>, vector<1x16xf32>,
          %swap3A_1188 = vector.shape_cast %swap3A_1187 : vector<1x16xf32> to vector<16xf32>
          %swap3A_1189 = vector.shape_cast %mul3A_1184 : vector<16xf32> to vector<1x16xf32>
          tpu.vector_store %arg16[%swap3A_1185, %swap3A_1186], %swap3A_1189 {strides = array<i32>} : memref<80x128xf32, #tpu.memory_space<vmem>>, vector<1x16xf32>,
          %get3A_1190 = arith.index_cast %add3A_1113 : i32 to index
          %get3A_1191 = arith.constant 112 : index
          %get3A_1192 = tpu.vector_load %arg16[%get3A_1190, %get3A_1191] {strides = array<i32>} : memref<80x128xf32, #tpu.memory_space<vmem>>, vector<1x16xf32>,
          %get3A_1193 = vector.shape_cast %get3A_1192 : vector<1x16xf32> to vector<16xf32>
          %mul3A_1194 = arith.mulf %get3A_1193, %get3A_1119 : vector<16xf32>
          %swap3A_1195 = arith.index_cast %add3A_1113 : i32 to index
          %swap3A_1196 = arith.constant 112 : index
          %swap3A_1197 = tpu.vector_load %arg16[%swap3A_1195, %swap3A_1196] {strides = array<i32>} : memref<80x128xf32, #tpu.memory_space<vmem>>, vector<1x16xf32>,
          %swap3A_1198 = vector.shape_cast %swap3A_1197 : vector<1x16xf32> to vector<16xf32>
          %swap3A_1199 = vector.shape_cast %mul3A_1194 : vector<16xf32> to vector<1x16xf32>
          tpu.vector_store %arg16[%swap3A_1195, %swap3A_1196], %swap3A_1199 {strides = array<i32>} : memref<80x128xf32, #tpu.memory_space<vmem>>, vector<1x16xf32>,
          %mul3A_1200 = arith.constant 16 : i32
          %mul3A_1201 = arith.muli %scan3A_121, %mul3A_1200 : i32
          %add3A_1202 = arith.constant 12 : i32
          %add3A_1203 = arith.addi %mul3A_1201, %add3A_1202 : i32
          %get3A_1204 = arith.constant 1 : i32
          %get3A_1205 = arith.index_cast %get3A_1204 : i32 to index
          %get3A_1206 = arith.index_cast %add3A_1203 : i32 to index
          %get3A_1207 = arith.constant 0 : index
          %get3A_1208 = tpu.vector_load %arg14[%get3A_1205, %get3A_1206, %get3A_1207] {strides = array<i32>} : memref<2x80x16xf32, #tpu.memory_space<vmem>>, vector<1x1x16xf32>,
          %get3A_1209 = vector.shape_cast %get3A_1208 : vector<1x1x16xf32> to vector<16xf32>
          %get3A_1210 = arith.index_cast %add3A_1203 : i32 to index
          %get3A_1211 = arith.constant 0 : index
          %get3A_1212 = tpu.vector_load %arg16[%get3A_1210, %get3A_1211] {strides = array<i32>} : memref<80x128xf32, #tpu.memory_space<vmem>>, vector<1x16xf32>,
          %get3A_1213 = vector.shape_cast %get3A_1212 : vector<1x16xf32> to vector<16xf32>
          %mul3A_1214 = arith.mulf %get3A_1213, %get3A_1209 : vector<16xf32>
          %swap3A_1215 = arith.index_cast %add3A_1203 : i32 to index
          %swap3A_1216 = arith.constant 0 : index
          %swap3A_1217 = tpu.vector_load %arg16[%swap3A_1215, %swap3A_1216] {strides = array<i32>} : memref<80x128xf32, #tpu.memory_space<vmem>>, vector<1x16xf32>,
          %swap3A_1218 = vector.shape_cast %swap3A_1217 : vector<1x16xf32> to vector<16xf32>
          %swap3A_1219 = vector.shape_cast %mul3A_1214 : vector<16xf32> to vector<1x16xf32>
          tpu.vector_store %arg16[%swap3A_1215, %swap3A_1216], %swap3A_1219 {strides = array<i32>} : memref<80x128xf32, #tpu.memory_space<vmem>>, vector<1x16xf32>,
          %get3A_1220 = arith.index_cast %add3A_1203 : i32 to index
          %get3A_1221 = arith.constant 16 : index
          %get3A_1222 = tpu.vector_load %arg16[%get3A_1220, %get3A_1221] {strides = array<i32>} : memref<80x128xf32, #tpu.memory_space<vmem>>, vector<1x16xf32>,
          %get3A_1223 = vector.shape_cast %get3A_1222 : vector<1x16xf32> to vector<16xf32>
          %mul3A_1224 = arith.mulf %get3A_1223, %get3A_1209 : vector<16xf32>
          %swap3A_1225 = arith.index_cast %add3A_1203 : i32 to index
          %swap3A_1226 = arith.constant 16 : index
          %swap3A_1227 = tpu.vector_load %arg16[%swap3A_1225, %swap3A_1226] {strides = array<i32>} : memref<80x128xf32, #tpu.memory_space<vmem>>, vector<1x16xf32>,
          %swap3A_1228 = vector.shape_cast %swap3A_1227 : vector<1x16xf32> to vector<16xf32>
          %swap3A_1229 = vector.shape_cast %mul3A_1224 : vector<16xf32> to vector<1x16xf32>
          tpu.vector_store %arg16[%swap3A_1225, %swap3A_1226], %swap3A_1229 {strides = array<i32>} : memref<80x128xf32, #tpu.memory_space<vmem>>, vector<1x16xf32>,
          %get3A_1230 = arith.index_cast %add3A_1203 : i32 to index
          %get3A_1231 = arith.constant 32 : index
          %get3A_1232 = tpu.vector_load %arg16[%get3A_1230, %get3A_1231] {strides = array<i32>} : memref<80x128xf32, #tpu.memory_space<vmem>>, vector<1x16xf32>,
          %get3A_1233 = vector.shape_cast %get3A_1232 : vector<1x16xf32> to vector<16xf32>
          %mul3A_1234 = arith.mulf %get3A_1233, %get3A_1209 : vector<16xf32>
          %swap3A_1235 = arith.index_cast %add3A_1203 : i32 to index
          %swap3A_1236 = arith.constant 32 : index
          %swap3A_1237 = tpu.vector_load %arg16[%swap3A_1235, %swap3A_1236] {strides = array<i32>} : memref<80x128xf32, #tpu.memory_space<vmem>>, vector<1x16xf32>,
          %swap3A_1238 = vector.shape_cast %swap3A_1237 : vector<1x16xf32> to vector<16xf32>
          %swap3A_1239 = vector.shape_cast %mul3A_1234 : vector<16xf32> to vector<1x16xf32>
          tpu.vector_store %arg16[%swap3A_1235, %swap3A_1236], %swap3A_1239 {strides = array<i32>} : memref<80x128xf32, #tpu.memory_space<vmem>>, vector<1x16xf32>,
          %get3A_1240 = arith.index_cast %add3A_1203 : i32 to index
          %get3A_1241 = arith.constant 48 : index
          %get3A_1242 = tpu.vector_load %arg16[%get3A_1240, %get3A_1241] {strides = array<i32>} : memref<80x128xf32, #tpu.memory_space<vmem>>, vector<1x16xf32>,
          %get3A_1243 = vector.shape_cast %get3A_1242 : vector<1x16xf32> to vector<16xf32>
          %mul3A_1244 = arith.mulf %get3A_1243, %get3A_1209 : vector<16xf32>
          %swap3A_1245 = arith.index_cast %add3A_1203 : i32 to index
          %swap3A_1246 = arith.constant 48 : index
          %swap3A_1247 = tpu.vector_load %arg16[%swap3A_1245, %swap3A_1246] {strides = array<i32>} : memref<80x128xf32, #tpu.memory_space<vmem>>, vector<1x16xf32>,
          %swap3A_1248 = vector.shape_cast %swap3A_1247 : vector<1x16xf32> to vector<16xf32>
          %swap3A_1249 = vector.shape_cast %mul3A_1244 : vector<16xf32> to vector<1x16xf32>
          tpu.vector_store %arg16[%swap3A_1245, %swap3A_1246], %swap3A_1249 {strides = array<i32>} : memref<80x128xf32, #tpu.memory_space<vmem>>, vector<1x16xf32>,
          %get3A_1250 = arith.index_cast %add3A_1203 : i32 to index
          %get3A_1251 = arith.constant 64 : index
          %get3A_1252 = tpu.vector_load %arg16[%get3A_1250, %get3A_1251] {strides = array<i32>} : memref<80x128xf32, #tpu.memory_space<vmem>>, vector<1x16xf32>,
          %get3A_1253 = vector.shape_cast %get3A_1252 : vector<1x16xf32> to vector<16xf32>
          %mul3A_1254 = arith.mulf %get3A_1253, %get3A_1209 : vector<16xf32>
          %swap3A_1255 = arith.index_cast %add3A_1203 : i32 to index
          %swap3A_1256 = arith.constant 64 : index
          %swap3A_1257 = tpu.vector_load %arg16[%swap3A_1255, %swap3A_1256] {strides = array<i32>} : memref<80x128xf32, #tpu.memory_space<vmem>>, vector<1x16xf32>,
          %swap3A_1258 = vector.shape_cast %swap3A_1257 : vector<1x16xf32> to vector<16xf32>
          %swap3A_1259 = vector.shape_cast %mul3A_1254 : vector<16xf32> to vector<1x16xf32>
          tpu.vector_store %arg16[%swap3A_1255, %swap3A_1256], %swap3A_1259 {strides = array<i32>} : memref<80x128xf32, #tpu.memory_space<vmem>>, vector<1x16xf32>,
          %get3A_1260 = arith.index_cast %add3A_1203 : i32 to index
          %get3A_1261 = arith.constant 80 : index
          %get3A_1262 = tpu.vector_load %arg16[%get3A_1260, %get3A_1261] {strides = array<i32>} : memref<80x128xf32, #tpu.memory_space<vmem>>, vector<1x16xf32>,
          %get3A_1263 = vector.shape_cast %get3A_1262 : vector<1x16xf32> to vector<16xf32>
          %mul3A_1264 = arith.mulf %get3A_1263, %get3A_1209 : vector<16xf32>
          %swap3A_1265 = arith.index_cast %add3A_1203 : i32 to index
          %swap3A_1266 = arith.constant 80 : index
          %swap3A_1267 = tpu.vector_load %arg16[%swap3A_1265, %swap3A_1266] {strides = array<i32>} : memref<80x128xf32, #tpu.memory_space<vmem>>, vector<1x16xf32>,
          %swap3A_1268 = vector.shape_cast %swap3A_1267 : vector<1x16xf32> to vector<16xf32>
          %swap3A_1269 = vector.shape_cast %mul3A_1264 : vector<16xf32> to vector<1x16xf32>
          tpu.vector_store %arg16[%swap3A_1265, %swap3A_1266], %swap3A_1269 {strides = array<i32>} : memref<80x128xf32, #tpu.memory_space<vmem>>, vector<1x16xf32>,
          %get3A_1270 = arith.index_cast %add3A_1203 : i32 to index
          %get3A_1271 = arith.constant 96 : index
          %get3A_1272 = tpu.vector_load %arg16[%get3A_1270, %get3A_1271] {strides = array<i32>} : memref<80x128xf32, #tpu.memory_space<vmem>>, vector<1x16xf32>,
          %get3A_1273 = vector.shape_cast %get3A_1272 : vector<1x16xf32> to vector<16xf32>
          %mul3A_1274 = arith.mulf %get3A_1273, %get3A_1209 : vector<16xf32>
          %swap3A_1275 = arith.index_cast %add3A_1203 : i32 to index
          %swap3A_1276 = arith.constant 96 : index
          %swap3A_1277 = tpu.vector_load %arg16[%swap3A_1275, %swap3A_1276] {strides = array<i32>} : memref<80x128xf32, #tpu.memory_space<vmem>>, vector<1x16xf32>,
          %swap3A_1278 = vector.shape_cast %swap3A_1277 : vector<1x16xf32> to vector<16xf32>
          %swap3A_1279 = vector.shape_cast %mul3A_1274 : vector<16xf32> to vector<1x16xf32>
          tpu.vector_store %arg16[%swap3A_1275, %swap3A_1276], %swap3A_1279 {strides = array<i32>} : memref<80x128xf32, #tpu.memory_space<vmem>>, vector<1x16xf32>,
          %get3A_1280 = arith.index_cast %add3A_1203 : i32 to index
          %get3A_1281 = arith.constant 112 : index
          %get3A_1282 = tpu.vector_load %arg16[%get3A_1280, %get3A_1281] {strides = array<i32>} : memref<80x128xf32, #tpu.memory_space<vmem>>, vector<1x16xf32>,
          %get3A_1283 = vector.shape_cast %get3A_1282 : vector<1x16xf32> to vector<16xf32>
          %mul3A_1284 = arith.mulf %get3A_1283, %get3A_1209 : vector<16xf32>
          %swap3A_1285 = arith.index_cast %add3A_1203 : i32 to index
          %swap3A_1286 = arith.constant 112 : index
          %swap3A_1287 = tpu.vector_load %arg16[%swap3A_1285, %swap3A_1286] {strides = array<i32>} : memref<80x128xf32, #tpu.memory_space<vmem>>, vector<1x16xf32>,
          %swap3A_1288 = vector.shape_cast %swap3A_1287 : vector<1x16xf32> to vector<16xf32>
          %swap3A_1289 = vector.shape_cast %mul3A_1284 : vector<16xf32> to vector<1x16xf32>
          tpu.vector_store %arg16[%swap3A_1285, %swap3A_1286], %swap3A_1289 {strides = array<i32>} : memref<80x128xf32, #tpu.memory_space<vmem>>, vector<1x16xf32>,
          %mul3A_1290 = arith.constant 16 : i32
          %mul3A_1291 = arith.muli %scan3A_121, %mul3A_1290 : i32
          %add3A_1292 = arith.constant 13 : i32
          %add3A_1293 = arith.addi %mul3A_1291, %add3A_1292 : i32
          %get3A_1294 = arith.constant 1 : i32
          %get3A_1295 = arith.index_cast %get3A_1294 : i32 to index
          %get3A_1296 = arith.index_cast %add3A_1293 : i32 to index
          %get3A_1297 = arith.constant 0 : index
          %get3A_1298 = tpu.vector_load %arg14[%get3A_1295, %get3A_1296, %get3A_1297] {strides = array<i32>} : memref<2x80x16xf32, #tpu.memory_space<vmem>>, vector<1x1x16xf32>,
          %get3A_1299 = vector.shape_cast %get3A_1298 : vector<1x1x16xf32> to vector<16xf32>
          %get3A_1300 = arith.index_cast %add3A_1293 : i32 to index
          %get3A_1301 = arith.constant 0 : index
          %get3A_1302 = tpu.vector_load %arg16[%get3A_1300, %get3A_1301] {strides = array<i32>} : memref<80x128xf32, #tpu.memory_space<vmem>>, vector<1x16xf32>,
          %get3A_1303 = vector.shape_cast %get3A_1302 : vector<1x16xf32> to vector<16xf32>
          %mul3A_1304 = arith.mulf %get3A_1303, %get3A_1299 : vector<16xf32>
          %swap3A_1305 = arith.index_cast %add3A_1293 : i32 to index
          %swap3A_1306 = arith.constant 0 : index
          %swap3A_1307 = tpu.vector_load %arg16[%swap3A_1305, %swap3A_1306] {strides = array<i32>} : memref<80x128xf32, #tpu.memory_space<vmem>>, vector<1x16xf32>,
          %swap3A_1308 = vector.shape_cast %swap3A_1307 : vector<1x16xf32> to vector<16xf32>
          %swap3A_1309 = vector.shape_cast %mul3A_1304 : vector<16xf32> to vector<1x16xf32>
          tpu.vector_store %arg16[%swap3A_1305, %swap3A_1306], %swap3A_1309 {strides = array<i32>} : memref<80x128xf32, #tpu.memory_space<vmem>>, vector<1x16xf32>,
          %get3A_1310 = arith.index_cast %add3A_1293 : i32 to index
          %get3A_1311 = arith.constant 16 : index
          %get3A_1312 = tpu.vector_load %arg16[%get3A_1310, %get3A_1311] {strides = array<i32>} : memref<80x128xf32, #tpu.memory_space<vmem>>, vector<1x16xf32>,
          %get3A_1313 = vector.shape_cast %get3A_1312 : vector<1x16xf32> to vector<16xf32>
          %mul3A_1314 = arith.mulf %get3A_1313, %get3A_1299 : vector<16xf32>
          %swap3A_1315 = arith.index_cast %add3A_1293 : i32 to index
          %swap3A_1316 = arith.constant 16 : index
          %swap3A_1317 = tpu.vector_load %arg16[%swap3A_1315, %swap3A_1316] {strides = array<i32>} : memref<80x128xf32, #tpu.memory_space<vmem>>, vector<1x16xf32>,
          %swap3A_1318 = vector.shape_cast %swap3A_1317 : vector<1x16xf32> to vector<16xf32>
          %swap3A_1319 = vector.shape_cast %mul3A_1314 : vector<16xf32> to vector<1x16xf32>
          tpu.vector_store %arg16[%swap3A_1315, %swap3A_1316], %swap3A_1319 {strides = array<i32>} : memref<80x128xf32, #tpu.memory_space<vmem>>, vector<1x16xf32>,
          %get3A_1320 = arith.index_cast %add3A_1293 : i32 to index
          %get3A_1321 = arith.constant 32 : index
          %get3A_1322 = tpu.vector_load %arg16[%get3A_1320, %get3A_1321] {strides = array<i32>} : memref<80x128xf32, #tpu.memory_space<vmem>>, vector<1x16xf32>,
          %get3A_1323 = vector.shape_cast %get3A_1322 : vector<1x16xf32> to vector<16xf32>
          %mul3A_1324 = arith.mulf %get3A_1323, %get3A_1299 : vector<16xf32>
          %swap3A_1325 = arith.index_cast %add3A_1293 : i32 to index
          %swap3A_1326 = arith.constant 32 : index
          %swap3A_1327 = tpu.vector_load %arg16[%swap3A_1325, %swap3A_1326] {strides = array<i32>} : memref<80x128xf32, #tpu.memory_space<vmem>>, vector<1x16xf32>,
          %swap3A_1328 = vector.shape_cast %swap3A_1327 : vector<1x16xf32> to vector<16xf32>
          %swap3A_1329 = vector.shape_cast %mul3A_1324 : vector<16xf32> to vector<1x16xf32>
          tpu.vector_store %arg16[%swap3A_1325, %swap3A_1326], %swap3A_1329 {strides = array<i32>} : memref<80x128xf32, #tpu.memory_space<vmem>>, vector<1x16xf32>,
          %get3A_1330 = arith.index_cast %add3A_1293 : i32 to index
          %get3A_1331 = arith.constant 48 : index
          %get3A_1332 = tpu.vector_load %arg16[%get3A_1330, %get3A_1331] {strides = array<i32>} : memref<80x128xf32, #tpu.memory_space<vmem>>, vector<1x16xf32>,
          %get3A_1333 = vector.shape_cast %get3A_1332 : vector<1x16xf32> to vector<16xf32>
          %mul3A_1334 = arith.mulf %get3A_1333, %get3A_1299 : vector<16xf32>
          %swap3A_1335 = arith.index_cast %add3A_1293 : i32 to index
          %swap3A_1336 = arith.constant 48 : index
          %swap3A_1337 = tpu.vector_load %arg16[%swap3A_1335, %swap3A_1336] {strides = array<i32>} : memref<80x128xf32, #tpu.memory_space<vmem>>, vector<1x16xf32>,
          %swap3A_1338 = vector.shape_cast %swap3A_1337 : vector<1x16xf32> to vector<16xf32>
          %swap3A_1339 = vector.shape_cast %mul3A_1334 : vector<16xf32> to vector<1x16xf32>
          tpu.vector_store %arg16[%swap3A_1335, %swap3A_1336], %swap3A_1339 {strides = array<i32>} : memref<80x128xf32, #tpu.memory_space<vmem>>, vector<1x16xf32>,
          %get3A_1340 = arith.index_cast %add3A_1293 : i32 to index
          %get3A_1341 = arith.constant 64 : index
          %get3A_1342 = tpu.vector_load %arg16[%get3A_1340, %get3A_1341] {strides = array<i32>} : memref<80x128xf32, #tpu.memory_space<vmem>>, vector<1x16xf32>,
          %get3A_1343 = vector.shape_cast %get3A_1342 : vector<1x16xf32> to vector<16xf32>
          %mul3A_1344 = arith.mulf %get3A_1343, %get3A_1299 : vector<16xf32>
          %swap3A_1345 = arith.index_cast %add3A_1293 : i32 to index
          %swap3A_1346 = arith.constant 64 : index
          %swap3A_1347 = tpu.vector_load %arg16[%swap3A_1345, %swap3A_1346] {strides = array<i32>} : memref<80x128xf32, #tpu.memory_space<vmem>>, vector<1x16xf32>,
          %swap3A_1348 = vector.shape_cast %swap3A_1347 : vector<1x16xf32> to vector<16xf32>
          %swap3A_1349 = vector.shape_cast %mul3A_1344 : vector<16xf32> to vector<1x16xf32>
          tpu.vector_store %arg16[%swap3A_1345, %swap3A_1346], %swap3A_1349 {strides = array<i32>} : memref<80x128xf32, #tpu.memory_space<vmem>>, vector<1x16xf32>,
          %get3A_1350 = arith.index_cast %add3A_1293 : i32 to index
          %get3A_1351 = arith.constant 80 : index
          %get3A_1352 = tpu.vector_load %arg16[%get3A_1350, %get3A_1351] {strides = array<i32>} : memref<80x128xf32, #tpu.memory_space<vmem>>, vector<1x16xf32>,
          %get3A_1353 = vector.shape_cast %get3A_1352 : vector<1x16xf32> to vector<16xf32>
          %mul3A_1354 = arith.mulf %get3A_1353, %get3A_1299 : vector<16xf32>
          %swap3A_1355 = arith.index_cast %add3A_1293 : i32 to index
          %swap3A_1356 = arith.constant 80 : index
          %swap3A_1357 = tpu.vector_load %arg16[%swap3A_1355, %swap3A_1356] {strides = array<i32>} : memref<80x128xf32, #tpu.memory_space<vmem>>, vector<1x16xf32>,
          %swap3A_1358 = vector.shape_cast %swap3A_1357 : vector<1x16xf32> to vector<16xf32>
          %swap3A_1359 = vector.shape_cast %mul3A_1354 : vector<16xf32> to vector<1x16xf32>
          tpu.vector_store %arg16[%swap3A_1355, %swap3A_1356], %swap3A_1359 {strides = array<i32>} : memref<80x128xf32, #tpu.memory_space<vmem>>, vector<1x16xf32>,
          %get3A_1360 = arith.index_cast %add3A_1293 : i32 to index
          %get3A_1361 = arith.constant 96 : index
          %get3A_1362 = tpu.vector_load %arg16[%get3A_1360, %get3A_1361] {strides = array<i32>} : memref<80x128xf32, #tpu.memory_space<vmem>>, vector<1x16xf32>,
          %get3A_1363 = vector.shape_cast %get3A_1362 : vector<1x16xf32> to vector<16xf32>
          %mul3A_1364 = arith.mulf %get3A_1363, %get3A_1299 : vector<16xf32>
          %swap3A_1365 = arith.index_cast %add3A_1293 : i32 to index
          %swap3A_1366 = arith.constant 96 : index
          %swap3A_1367 = tpu.vector_load %arg16[%swap3A_1365, %swap3A_1366] {strides = array<i32>} : memref<80x128xf32, #tpu.memory_space<vmem>>, vector<1x16xf32>,
          %swap3A_1368 = vector.shape_cast %swap3A_1367 : vector<1x16xf32> to vector<16xf32>
          %swap3A_1369 = vector.shape_cast %mul3A_1364 : vector<16xf32> to vector<1x16xf32>
          tpu.vector_store %arg16[%swap3A_1365, %swap3A_1366], %swap3A_1369 {strides = array<i32>} : memref<80x128xf32, #tpu.memory_space<vmem>>, vector<1x16xf32>,
          %get3A_1370 = arith.index_cast %add3A_1293 : i32 to index
          %get3A_1371 = arith.constant 112 : index
          %get3A_1372 = tpu.vector_load %arg16[%get3A_1370, %get3A_1371] {strides = array<i32>} : memref<80x128xf32, #tpu.memory_space<vmem>>, vector<1x16xf32>,
          %get3A_1373 = vector.shape_cast %get3A_1372 : vector<1x16xf32> to vector<16xf32>
          %mul3A_1374 = arith.mulf %get3A_1373, %get3A_1299 : vector<16xf32>
          %swap3A_1375 = arith.index_cast %add3A_1293 : i32 to index
          %swap3A_1376 = arith.constant 112 : index
          %swap3A_1377 = tpu.vector_load %arg16[%swap3A_1375, %swap3A_1376] {strides = array<i32>} : memref<80x128xf32, #tpu.memory_space<vmem>>, vector<1x16xf32>,
          %swap3A_1378 = vector.shape_cast %swap3A_1377 : vector<1x16xf32> to vector<16xf32>
          %swap3A_1379 = vector.shape_cast %mul3A_1374 : vector<16xf32> to vector<1x16xf32>
          tpu.vector_store %arg16[%swap3A_1375, %swap3A_1376], %swap3A_1379 {strides = array<i32>} : memref<80x128xf32, #tpu.memory_space<vmem>>, vector<1x16xf32>,
          %mul3A_1380 = arith.constant 16 : i32
          %mul3A_1381 = arith.muli %scan3A_121, %mul3A_1380 : i32
          %add3A_1382 = arith.constant 14 : i32
          %add3A_1383 = arith.addi %mul3A_1381, %add3A_1382 : i32
          %get3A_1384 = arith.constant 1 : i32
          %get3A_1385 = arith.index_cast %get3A_1384 : i32 to index
          %get3A_1386 = arith.index_cast %add3A_1383 : i32 to index
          %get3A_1387 = arith.constant 0 : index
          %get3A_1388 = tpu.vector_load %arg14[%get3A_1385, %get3A_1386, %get3A_1387] {strides = array<i32>} : memref<2x80x16xf32, #tpu.memory_space<vmem>>, vector<1x1x16xf32>,
          %get3A_1389 = vector.shape_cast %get3A_1388 : vector<1x1x16xf32> to vector<16xf32>
          %get3A_1390 = arith.index_cast %add3A_1383 : i32 to index
          %get3A_1391 = arith.constant 0 : index
          %get3A_1392 = tpu.vector_load %arg16[%get3A_1390, %get3A_1391] {strides = array<i32>} : memref<80x128xf32, #tpu.memory_space<vmem>>, vector<1x16xf32>,
          %get3A_1393 = vector.shape_cast %get3A_1392 : vector<1x16xf32> to vector<16xf32>
          %mul3A_1394 = arith.mulf %get3A_1393, %get3A_1389 : vector<16xf32>
          %swap3A_1395 = arith.index_cast %add3A_1383 : i32 to index
          %swap3A_1396 = arith.constant 0 : index
          %swap3A_1397 = tpu.vector_load %arg16[%swap3A_1395, %swap3A_1396] {strides = array<i32>} : memref<80x128xf32, #tpu.memory_space<vmem>>, vector<1x16xf32>,
          %swap3A_1398 = vector.shape_cast %swap3A_1397 : vector<1x16xf32> to vector<16xf32>
          %swap3A_1399 = vector.shape_cast %mul3A_1394 : vector<16xf32> to vector<1x16xf32>
          tpu.vector_store %arg16[%swap3A_1395, %swap3A_1396], %swap3A_1399 {strides = array<i32>} : memref<80x128xf32, #tpu.memory_space<vmem>>, vector<1x16xf32>,
          %get3A_1400 = arith.index_cast %add3A_1383 : i32 to index
          %get3A_1401 = arith.constant 16 : index
          %get3A_1402 = tpu.vector_load %arg16[%get3A_1400, %get3A_1401] {strides = array<i32>} : memref<80x128xf32, #tpu.memory_space<vmem>>, vector<1x16xf32>,
          %get3A_1403 = vector.shape_cast %get3A_1402 : vector<1x16xf32> to vector<16xf32>
          %mul3A_1404 = arith.mulf %get3A_1403, %get3A_1389 : vector<16xf32>
          %swap3A_1405 = arith.index_cast %add3A_1383 : i32 to index
          %swap3A_1406 = arith.constant 16 : index
          %swap3A_1407 = tpu.vector_load %arg16[%swap3A_1405, %swap3A_1406] {strides = array<i32>} : memref<80x128xf32, #tpu.memory_space<vmem>>, vector<1x16xf32>,
          %swap3A_1408 = vector.shape_cast %swap3A_1407 : vector<1x16xf32> to vector<16xf32>
          %swap3A_1409 = vector.shape_cast %mul3A_1404 : vector<16xf32> to vector<1x16xf32>
          tpu.vector_store %arg16[%swap3A_1405, %swap3A_1406], %swap3A_1409 {strides = array<i32>} : memref<80x128xf32, #tpu.memory_space<vmem>>, vector<1x16xf32>,
          %get3A_1410 = arith.index_cast %add3A_1383 : i32 to index
          %get3A_1411 = arith.constant 32 : index
          %get3A_1412 = tpu.vector_load %arg16[%get3A_1410, %get3A_1411] {strides = array<i32>} : memref<80x128xf32, #tpu.memory_space<vmem>>, vector<1x16xf32>,
          %get3A_1413 = vector.shape_cast %get3A_1412 : vector<1x16xf32> to vector<16xf32>
          %mul3A_1414 = arith.mulf %get3A_1413, %get3A_1389 : vector<16xf32>
          %swap3A_1415 = arith.index_cast %add3A_1383 : i32 to index
          %swap3A_1416 = arith.constant 32 : index
          %swap3A_1417 = tpu.vector_load %arg16[%swap3A_1415, %swap3A_1416] {strides = array<i32>} : memref<80x128xf32, #tpu.memory_space<vmem>>, vector<1x16xf32>,
          %swap3A_1418 = vector.shape_cast %swap3A_1417 : vector<1x16xf32> to vector<16xf32>
          %swap3A_1419 = vector.shape_cast %mul3A_1414 : vector<16xf32> to vector<1x16xf32>
          tpu.vector_store %arg16[%swap3A_1415, %swap3A_1416], %swap3A_1419 {strides = array<i32>} : memref<80x128xf32, #tpu.memory_space<vmem>>, vector<1x16xf32>,
          %get3A_1420 = arith.index_cast %add3A_1383 : i32 to index
          %get3A_1421 = arith.constant 48 : index
          %get3A_1422 = tpu.vector_load %arg16[%get3A_1420, %get3A_1421] {strides = array<i32>} : memref<80x128xf32, #tpu.memory_space<vmem>>, vector<1x16xf32>,
          %get3A_1423 = vector.shape_cast %get3A_1422 : vector<1x16xf32> to vector<16xf32>
          %mul3A_1424 = arith.mulf %get3A_1423, %get3A_1389 : vector<16xf32>
          %swap3A_1425 = arith.index_cast %add3A_1383 : i32 to index
          %swap3A_1426 = arith.constant 48 : index
          %swap3A_1427 = tpu.vector_load %arg16[%swap3A_1425, %swap3A_1426] {strides = array<i32>} : memref<80x128xf32, #tpu.memory_space<vmem>>, vector<1x16xf32>,
          %swap3A_1428 = vector.shape_cast %swap3A_1427 : vector<1x16xf32> to vector<16xf32>
          %swap3A_1429 = vector.shape_cast %mul3A_1424 : vector<16xf32> to vector<1x16xf32>
          tpu.vector_store %arg16[%swap3A_1425, %swap3A_1426], %swap3A_1429 {strides = array<i32>} : memref<80x128xf32, #tpu.memory_space<vmem>>, vector<1x16xf32>,
          %get3A_1430 = arith.index_cast %add3A_1383 : i32 to index
          %get3A_1431 = arith.constant 64 : index
          %get3A_1432 = tpu.vector_load %arg16[%get3A_1430, %get3A_1431] {strides = array<i32>} : memref<80x128xf32, #tpu.memory_space<vmem>>, vector<1x16xf32>,
          %get3A_1433 = vector.shape_cast %get3A_1432 : vector<1x16xf32> to vector<16xf32>
          %mul3A_1434 = arith.mulf %get3A_1433, %get3A_1389 : vector<16xf32>
          %swap3A_1435 = arith.index_cast %add3A_1383 : i32 to index
          %swap3A_1436 = arith.constant 64 : index
          %swap3A_1437 = tpu.vector_load %arg16[%swap3A_1435, %swap3A_1436] {strides = array<i32>} : memref<80x128xf32, #tpu.memory_space<vmem>>, vector<1x16xf32>,
          %swap3A_1438 = vector.shape_cast %swap3A_1437 : vector<1x16xf32> to vector<16xf32>
          %swap3A_1439 = vector.shape_cast %mul3A_1434 : vector<16xf32> to vector<1x16xf32>
          tpu.vector_store %arg16[%swap3A_1435, %swap3A_1436], %swap3A_1439 {strides = array<i32>} : memref<80x128xf32, #tpu.memory_space<vmem>>, vector<1x16xf32>,
          %get3A_1440 = arith.index_cast %add3A_1383 : i32 to index
          %get3A_1441 = arith.constant 80 : index
          %get3A_1442 = tpu.vector_load %arg16[%get3A_1440, %get3A_1441] {strides = array<i32>} : memref<80x128xf32, #tpu.memory_space<vmem>>, vector<1x16xf32>,
          %get3A_1443 = vector.shape_cast %get3A_1442 : vector<1x16xf32> to vector<16xf32>
          %mul3A_1444 = arith.mulf %get3A_1443, %get3A_1389 : vector<16xf32>
          %swap3A_1445 = arith.index_cast %add3A_1383 : i32 to index
          %swap3A_1446 = arith.constant 80 : index
          %swap3A_1447 = tpu.vector_load %arg16[%swap3A_1445, %swap3A_1446] {strides = array<i32>} : memref<80x128xf32, #tpu.memory_space<vmem>>, vector<1x16xf32>,
          %swap3A_1448 = vector.shape_cast %swap3A_1447 : vector<1x16xf32> to vector<16xf32>
          %swap3A_1449 = vector.shape_cast %mul3A_1444 : vector<16xf32> to vector<1x16xf32>
          tpu.vector_store %arg16[%swap3A_1445, %swap3A_1446], %swap3A_1449 {strides = array<i32>} : memref<80x128xf32, #tpu.memory_space<vmem>>, vector<1x16xf32>,
          %get3A_1450 = arith.index_cast %add3A_1383 : i32 to index
          %get3A_1451 = arith.constant 96 : index
          %get3A_1452 = tpu.vector_load %arg16[%get3A_1450, %get3A_1451] {strides = array<i32>} : memref<80x128xf32, #tpu.memory_space<vmem>>, vector<1x16xf32>,
          %get3A_1453 = vector.shape_cast %get3A_1452 : vector<1x16xf32> to vector<16xf32>
          %mul3A_1454 = arith.mulf %get3A_1453, %get3A_1389 : vector<16xf32>
          %swap3A_1455 = arith.index_cast %add3A_1383 : i32 to index
          %swap3A_1456 = arith.constant 96 : index
          %swap3A_1457 = tpu.vector_load %arg16[%swap3A_1455, %swap3A_1456] {strides = array<i32>} : memref<80x128xf32, #tpu.memory_space<vmem>>, vector<1x16xf32>,
          %swap3A_1458 = vector.shape_cast %swap3A_1457 : vector<1x16xf32> to vector<16xf32>
          %swap3A_1459 = vector.shape_cast %mul3A_1454 : vector<16xf32> to vector<1x16xf32>
          tpu.vector_store %arg16[%swap3A_1455, %swap3A_1456], %swap3A_1459 {strides = array<i32>} : memref<80x128xf32, #tpu.memory_space<vmem>>, vector<1x16xf32>,
          %get3A_1460 = arith.index_cast %add3A_1383 : i32 to index
          %get3A_1461 = arith.constant 112 : index
          %get3A_1462 = tpu.vector_load %arg16[%get3A_1460, %get3A_1461] {strides = array<i32>} : memref<80x128xf32, #tpu.memory_space<vmem>>, vector<1x16xf32>,
          %get3A_1463 = vector.shape_cast %get3A_1462 : vector<1x16xf32> to vector<16xf32>
          %mul3A_1464 = arith.mulf %get3A_1463, %get3A_1389 : vector<16xf32>
          %swap3A_1465 = arith.index_cast %add3A_1383 : i32 to index
          %swap3A_1466 = arith.constant 112 : index
          %swap3A_1467 = tpu.vector_load %arg16[%swap3A_1465, %swap3A_1466] {strides = array<i32>} : memref<80x128xf32, #tpu.memory_space<vmem>>, vector<1x16xf32>,
          %swap3A_1468 = vector.shape_cast %swap3A_1467 : vector<1x16xf32> to vector<16xf32>
          %swap3A_1469 = vector.shape_cast %mul3A_1464 : vector<16xf32> to vector<1x16xf32>
          tpu.vector_store %arg16[%swap3A_1465, %swap3A_1466], %swap3A_1469 {strides = array<i32>} : memref<80x128xf32, #tpu.memory_space<vmem>>, vector<1x16xf32>,
          %mul3A_1470 = arith.constant 16 : i32
          %mul3A_1471 = arith.muli %scan3A_121, %mul3A_1470 : i32
          %add3A_1472 = arith.constant 15 : i32
          %add3A_1473 = arith.addi %mul3A_1471, %add3A_1472 : i32
          %get3A_1474 = arith.constant 1 : i32
          %get3A_1475 = arith.index_cast %get3A_1474 : i32 to index
          %get3A_1476 = arith.index_cast %add3A_1473 : i32 to index
          %get3A_1477 = arith.constant 0 : index
          %get3A_1478 = tpu.vector_load %arg14[%get3A_1475, %get3A_1476, %get3A_1477] {strides = array<i32>} : memref<2x80x16xf32, #tpu.memory_space<vmem>>, vector<1x1x16xf32>,
          %get3A_1479 = vector.shape_cast %get3A_1478 : vector<1x1x16xf32> to vector<16xf32>
          %get3A_1480 = arith.index_cast %add3A_1473 : i32 to index
          %get3A_1481 = arith.constant 0 : index
          %get3A_1482 = tpu.vector_load %arg16[%get3A_1480, %get3A_1481] {strides = array<i32>} : memref<80x128xf32, #tpu.memory_space<vmem>>, vector<1x16xf32>,
          %get3A_1483 = vector.shape_cast %get3A_1482 : vector<1x16xf32> to vector<16xf32>
          %mul3A_1484 = arith.mulf %get3A_1483, %get3A_1479 : vector<16xf32>
          %swap3A_1485 = arith.index_cast %add3A_1473 : i32 to index
          %swap3A_1486 = arith.constant 0 : index
          %swap3A_1487 = tpu.vector_load %arg16[%swap3A_1485, %swap3A_1486] {strides = array<i32>} : memref<80x128xf32, #tpu.memory_space<vmem>>, vector<1x16xf32>,
          %swap3A_1488 = vector.shape_cast %swap3A_1487 : vector<1x16xf32> to vector<16xf32>
          %swap3A_1489 = vector.shape_cast %mul3A_1484 : vector<16xf32> to vector<1x16xf32>
          tpu.vector_store %arg16[%swap3A_1485, %swap3A_1486], %swap3A_1489 {strides = array<i32>} : memref<80x128xf32, #tpu.memory_space<vmem>>, vector<1x16xf32>,
          %get3A_1490 = arith.index_cast %add3A_1473 : i32 to index
          %get3A_1491 = arith.constant 16 : index
          %get3A_1492 = tpu.vector_load %arg16[%get3A_1490, %get3A_1491] {strides = array<i32>} : memref<80x128xf32, #tpu.memory_space<vmem>>, vector<1x16xf32>,
          %get3A_1493 = vector.shape_cast %get3A_1492 : vector<1x16xf32> to vector<16xf32>
          %mul3A_1494 = arith.mulf %get3A_1493, %get3A_1479 : vector<16xf32>
          %swap3A_1495 = arith.index_cast %add3A_1473 : i32 to index
          %swap3A_1496 = arith.constant 16 : index
          %swap3A_1497 = tpu.vector_load %arg16[%swap3A_1495, %swap3A_1496] {strides = array<i32>} : memref<80x128xf32, #tpu.memory_space<vmem>>, vector<1x16xf32>,
          %swap3A_1498 = vector.shape_cast %swap3A_1497 : vector<1x16xf32> to vector<16xf32>
          %swap3A_1499 = vector.shape_cast %mul3A_1494 : vector<16xf32> to vector<1x16xf32>
          tpu.vector_store %arg16[%swap3A_1495, %swap3A_1496], %swap3A_1499 {strides = array<i32>} : memref<80x128xf32, #tpu.memory_space<vmem>>, vector<1x16xf32>,
          %get3A_1500 = arith.index_cast %add3A_1473 : i32 to index
          %get3A_1501 = arith.constant 32 : index
          %get3A_1502 = tpu.vector_load %arg16[%get3A_1500, %get3A_1501] {strides = array<i32>} : memref<80x128xf32, #tpu.memory_space<vmem>>, vector<1x16xf32>,
          %get3A_1503 = vector.shape_cast %get3A_1502 : vector<1x16xf32> to vector<16xf32>
          %mul3A_1504 = arith.mulf %get3A_1503, %get3A_1479 : vector<16xf32>
          %swap3A_1505 = arith.index_cast %add3A_1473 : i32 to index
          %swap3A_1506 = arith.constant 32 : index
          %swap3A_1507 = tpu.vector_load %arg16[%swap3A_1505, %swap3A_1506] {strides = array<i32>} : memref<80x128xf32, #tpu.memory_space<vmem>>, vector<1x16xf32>,
          %swap3A_1508 = vector.shape_cast %swap3A_1507 : vector<1x16xf32> to vector<16xf32>
          %swap3A_1509 = vector.shape_cast %mul3A_1504 : vector<16xf32> to vector<1x16xf32>
          tpu.vector_store %arg16[%swap3A_1505, %swap3A_1506], %swap3A_1509 {strides = array<i32>} : memref<80x128xf32, #tpu.memory_space<vmem>>, vector<1x16xf32>,
          %get3A_1510 = arith.index_cast %add3A_1473 : i32 to index
          %get3A_1511 = arith.constant 48 : index
          %get3A_1512 = tpu.vector_load %arg16[%get3A_1510, %get3A_1511] {strides = array<i32>} : memref<80x128xf32, #tpu.memory_space<vmem>>, vector<1x16xf32>,
          %get3A_1513 = vector.shape_cast %get3A_1512 : vector<1x16xf32> to vector<16xf32>
          %mul3A_1514 = arith.mulf %get3A_1513, %get3A_1479 : vector<16xf32>
          %swap3A_1515 = arith.index_cast %add3A_1473 : i32 to index
          %swap3A_1516 = arith.constant 48 : index
          %swap3A_1517 = tpu.vector_load %arg16[%swap3A_1515, %swap3A_1516] {strides = array<i32>} : memref<80x128xf32, #tpu.memory_space<vmem>>, vector<1x16xf32>,
          %swap3A_1518 = vector.shape_cast %swap3A_1517 : vector<1x16xf32> to vector<16xf32>
          %swap3A_1519 = vector.shape_cast %mul3A_1514 : vector<16xf32> to vector<1x16xf32>
          tpu.vector_store %arg16[%swap3A_1515, %swap3A_1516], %swap3A_1519 {strides = array<i32>} : memref<80x128xf32, #tpu.memory_space<vmem>>, vector<1x16xf32>,
          %get3A_1520 = arith.index_cast %add3A_1473 : i32 to index
          %get3A_1521 = arith.constant 64 : index
          %get3A_1522 = tpu.vector_load %arg16[%get3A_1520, %get3A_1521] {strides = array<i32>} : memref<80x128xf32, #tpu.memory_space<vmem>>, vector<1x16xf32>,
          %get3A_1523 = vector.shape_cast %get3A_1522 : vector<1x16xf32> to vector<16xf32>
          %mul3A_1524 = arith.mulf %get3A_1523, %get3A_1479 : vector<16xf32>
          %swap3A_1525 = arith.index_cast %add3A_1473 : i32 to index
          %swap3A_1526 = arith.constant 64 : index
          %swap3A_1527 = tpu.vector_load %arg16[%swap3A_1525, %swap3A_1526] {strides = array<i32>} : memref<80x128xf32, #tpu.memory_space<vmem>>, vector<1x16xf32>,
          %swap3A_1528 = vector.shape_cast %swap3A_1527 : vector<1x16xf32> to vector<16xf32>
          %swap3A_1529 = vector.shape_cast %mul3A_1524 : vector<16xf32> to vector<1x16xf32>
          tpu.vector_store %arg16[%swap3A_1525, %swap3A_1526], %swap3A_1529 {strides = array<i32>} : memref<80x128xf32, #tpu.memory_space<vmem>>, vector<1x16xf32>,
          %get3A_1530 = arith.index_cast %add3A_1473 : i32 to index
          %get3A_1531 = arith.constant 80 : index
          %get3A_1532 = tpu.vector_load %arg16[%get3A_1530, %get3A_1531] {strides = array<i32>} : memref<80x128xf32, #tpu.memory_space<vmem>>, vector<1x16xf32>,
          %get3A_1533 = vector.shape_cast %get3A_1532 : vector<1x16xf32> to vector<16xf32>
          %mul3A_1534 = arith.mulf %get3A_1533, %get3A_1479 : vector<16xf32>
          %swap3A_1535 = arith.index_cast %add3A_1473 : i32 to index
          %swap3A_1536 = arith.constant 80 : index
          %swap3A_1537 = tpu.vector_load %arg16[%swap3A_1535, %swap3A_1536] {strides = array<i32>} : memref<80x128xf32, #tpu.memory_space<vmem>>, vector<1x16xf32>,
          %swap3A_1538 = vector.shape_cast %swap3A_1537 : vector<1x16xf32> to vector<16xf32>
          %swap3A_1539 = vector.shape_cast %mul3A_1534 : vector<16xf32> to vector<1x16xf32>
          tpu.vector_store %arg16[%swap3A_1535, %swap3A_1536], %swap3A_1539 {strides = array<i32>} : memref<80x128xf32, #tpu.memory_space<vmem>>, vector<1x16xf32>,
          %get3A_1540 = arith.index_cast %add3A_1473 : i32 to index
          %get3A_1541 = arith.constant 96 : index
          %get3A_1542 = tpu.vector_load %arg16[%get3A_1540, %get3A_1541] {strides = array<i32>} : memref<80x128xf32, #tpu.memory_space<vmem>>, vector<1x16xf32>,
          %get3A_1543 = vector.shape_cast %get3A_1542 : vector<1x16xf32> to vector<16xf32>
          %mul3A_1544 = arith.mulf %get3A_1543, %get3A_1479 : vector<16xf32>
          %swap3A_1545 = arith.index_cast %add3A_1473 : i32 to index
          %swap3A_1546 = arith.constant 96 : index
          %swap3A_1547 = tpu.vector_load %arg16[%swap3A_1545, %swap3A_1546] {strides = array<i32>} : memref<80x128xf32, #tpu.memory_space<vmem>>, vector<1x16xf32>,
          %swap3A_1548 = vector.shape_cast %swap3A_1547 : vector<1x16xf32> to vector<16xf32>
          %swap3A_1549 = vector.shape_cast %mul3A_1544 : vector<16xf32> to vector<1x16xf32>
          tpu.vector_store %arg16[%swap3A_1545, %swap3A_1546], %swap3A_1549 {strides = array<i32>} : memref<80x128xf32, #tpu.memory_space<vmem>>, vector<1x16xf32>,
          %get3A_1550 = arith.index_cast %add3A_1473 : i32 to index
          %get3A_1551 = arith.constant 112 : index
          %get3A_1552 = tpu.vector_load %arg16[%get3A_1550, %get3A_1551] {strides = array<i32>} : memref<80x128xf32, #tpu.memory_space<vmem>>, vector<1x16xf32>,
          %get3A_1553 = vector.shape_cast %get3A_1552 : vector<1x16xf32> to vector<16xf32>
          %mul3A_1554 = arith.mulf %get3A_1553, %get3A_1479 : vector<16xf32>
          %swap3A_1555 = arith.index_cast %add3A_1473 : i32 to index
          %swap3A_1556 = arith.constant 112 : index
          %swap3A_1557 = tpu.vector_load %arg16[%swap3A_1555, %swap3A_1556] {strides = array<i32>} : memref<80x128xf32, #tpu.memory_space<vmem>>, vector<1x16xf32>,
          %swap3A_1558 = vector.shape_cast %swap3A_1557 : vector<1x16xf32> to vector<16xf32>
          %swap3A_1559 = vector.shape_cast %mul3A_1554 : vector<16xf32> to vector<1x16xf32>
          tpu.vector_store %arg16[%swap3A_1555, %swap3A_1556], %swap3A_1559 {strides = array<i32>} : memref<80x128xf32, #tpu.memory_space<vmem>>, vector<1x16xf32>,
        }
        %scan3A_120 = arith.constant 5 : i32
      } else {
      }
      %eq3A_100 = arith.constant 0 : i32
      %eq3A_101 = arith.cmpi eq, %rem3A_38, %eq3A_100 : i32
      %convert_element_type3A_102 = arith.extui %eq3A_101 : i1 to i32
      %cond3A_103 = arith.constant 0 : i32
      %cond3A_104 = arith.cmpi ne, %convert_element_type3A_102, %cond3A_103 : i32
      scf.if %cond3A_104 {
        %eq3A_115 = arith.constant 0 : i32
        %eq3A_116 = arith.cmpi eq, %rem3A_35, %eq3A_115 : i32
        %convert_element_type3A_117 = arith.extui %eq3A_116 : i1 to i32
        %cond3A_118 = arith.constant 0 : i32
        %cond3A_119 = arith.cmpi ne, %convert_element_type3A_117, %cond3A_118 : i32
        scf.if %cond3A_119 {
          %dma_start3A_125 = arith.constant 0 : i32
          %dma_start3A_126 = arith.constant 0 : i32
          %dma_start3A_127 = tpu.memref_slice %arg17[%dma_start3A_125, %dma_start3A_126] : memref<10240x128xf32, #tpu.memory_space<vmem_shared>> -> memref<10240x128xf32, #tpu.memory_space<vmem_shared>>
          tpu.enqueue_indirect_dma source(%arg15 : memref<80x128xf32, #tpu.memory_space<vmem>>) target(%dma_start3A_127 : memref<10240x128xf32, #tpu.memory_space<vmem_shared>>) offsets(%arg11 : memref<80xi32, #tpu.memory_space<vmem>>) semaphore(%arg20 : memref<!tpu.dma_semaphore, #tpu.memory_space<semaphore_mem>>) {add = true}
        } else {
        }
        %eq3A_120 = arith.constant 1 : i32
        %eq3A_121 = arith.cmpi eq, %rem3A_35, %eq3A_120 : i32
        %convert_element_type3A_122 = arith.extui %eq3A_121 : i1 to i32
        %cond3A_123 = arith.constant 0 : i32
        %cond3A_124 = arith.cmpi ne, %convert_element_type3A_122, %cond3A_123 : i32
        scf.if %cond3A_124 {
          %dma_start3A_125 = arith.constant 0 : i32
          %dma_start3A_126 = arith.constant 0 : i32
          %dma_start3A_127 = tpu.memref_slice %arg17[%dma_start3A_125, %dma_start3A_126] : memref<10240x128xf32, #tpu.memory_space<vmem_shared>> -> memref<10240x128xf32, #tpu.memory_space<vmem_shared>>
          tpu.enqueue_indirect_dma source(%arg16 : memref<80x128xf32, #tpu.memory_space<vmem>>) target(%dma_start3A_127 : memref<10240x128xf32, #tpu.memory_space<vmem_shared>>) offsets(%arg11 : memref<80xi32, #tpu.memory_space<vmem>>) semaphore(%arg20 : memref<!tpu.dma_semaphore, #tpu.memory_space<semaphore_mem>>) {add = true}
        } else {
        }
      } else {
      }
      %eq3A_105 = arith.constant 1 : i32
      %eq3A_106 = arith.cmpi eq, %rem3A_38, %eq3A_105 : i32
      %convert_element_type3A_107 = arith.extui %eq3A_106 : i1 to i32
      %cond3A_108 = arith.constant 0 : i32
      %cond3A_109 = arith.cmpi ne, %convert_element_type3A_107, %cond3A_108 : i32
      scf.if %cond3A_109 {
        %eq3A_115 = arith.constant 0 : i32
        %eq3A_116 = arith.cmpi eq, %rem3A_35, %eq3A_115 : i32
        %convert_element_type3A_117 = arith.extui %eq3A_116 : i1 to i32
        %cond3A_118 = arith.constant 0 : i32
        %cond3A_119 = arith.cmpi ne, %convert_element_type3A_117, %cond3A_118 : i32
        scf.if %cond3A_119 {
          %dma_start3A_125 = arith.constant 0 : i32
          %dma_start3A_126 = arith.constant 0 : i32
          %dma_start3A_127 = tpu.memref_slice %arg17[%dma_start3A_125, %dma_start3A_126] : memref<10240x128xf32, #tpu.memory_space<vmem_shared>> -> memref<10240x128xf32, #tpu.memory_space<vmem_shared>>
          tpu.enqueue_indirect_dma source(%arg15 : memref<80x128xf32, #tpu.memory_space<vmem>>) target(%dma_start3A_127 : memref<10240x128xf32, #tpu.memory_space<vmem_shared>>) offsets(%arg12 : memref<80xi32, #tpu.memory_space<vmem>>) semaphore(%arg20 : memref<!tpu.dma_semaphore, #tpu.memory_space<semaphore_mem>>) {add = true}
        } else {
        }
        %eq3A_120 = arith.constant 1 : i32
        %eq3A_121 = arith.cmpi eq, %rem3A_35, %eq3A_120 : i32
        %convert_element_type3A_122 = arith.extui %eq3A_121 : i1 to i32
        %cond3A_123 = arith.constant 0 : i32
        %cond3A_124 = arith.cmpi ne, %convert_element_type3A_122, %cond3A_123 : i32
        scf.if %cond3A_124 {
          %dma_start3A_125 = arith.constant 0 : i32
          %dma_start3A_126 = arith.constant 0 : i32
          %dma_start3A_127 = tpu.memref_slice %arg17[%dma_start3A_125, %dma_start3A_126] : memref<10240x128xf32, #tpu.memory_space<vmem_shared>> -> memref<10240x128xf32, #tpu.memory_space<vmem_shared>>
          tpu.enqueue_indirect_dma source(%arg16 : memref<80x128xf32, #tpu.memory_space<vmem>>) target(%dma_start3A_127 : memref<10240x128xf32, #tpu.memory_space<vmem_shared>>) offsets(%arg12 : memref<80xi32, #tpu.memory_space<vmem>>) semaphore(%arg20 : memref<!tpu.dma_semaphore, #tpu.memory_space<semaphore_mem>>) {add = true}
        } else {
        }
      } else {
      }
      %eq3A_110 = arith.constant 2 : i32
      %eq3A_111 = arith.cmpi eq, %rem3A_38, %eq3A_110 : i32
      %convert_element_type3A_112 = arith.extui %eq3A_111 : i1 to i32
      %cond3A_113 = arith.constant 0 : i32
      %cond3A_114 = arith.cmpi ne, %convert_element_type3A_112, %cond3A_113 : i32
      scf.if %cond3A_114 {
        %eq3A_115 = arith.constant 0 : i32
        %eq3A_116 = arith.cmpi eq, %rem3A_35, %eq3A_115 : i32
        %convert_element_type3A_117 = arith.extui %eq3A_116 : i1 to i32
        %cond3A_118 = arith.constant 0 : i32
        %cond3A_119 = arith.cmpi ne, %convert_element_type3A_117, %cond3A_118 : i32
        scf.if %cond3A_119 {
          %dma_start3A_125 = arith.constant 0 : i32
          %dma_start3A_126 = arith.constant 0 : i32
          %dma_start3A_127 = tpu.memref_slice %arg17[%dma_start3A_125, %dma_start3A_126] : memref<10240x128xf32, #tpu.memory_space<vmem_shared>> -> memref<10240x128xf32, #tpu.memory_space<vmem_shared>>
          tpu.enqueue_indirect_dma source(%arg15 : memref<80x128xf32, #tpu.memory_space<vmem>>) target(%dma_start3A_127 : memref<10240x128xf32, #tpu.memory_space<vmem_shared>>) offsets(%arg13 : memref<80xi32, #tpu.memory_space<vmem>>) semaphore(%arg20 : memref<!tpu.dma_semaphore, #tpu.memory_space<semaphore_mem>>) {add = true}
        } else {
        }
        %eq3A_120 = arith.constant 1 : i32
        %eq3A_121 = arith.cmpi eq, %rem3A_35, %eq3A_120 : i32
        %convert_element_type3A_122 = arith.extui %eq3A_121 : i1 to i32
        %cond3A_123 = arith.constant 0 : i32
        %cond3A_124 = arith.cmpi ne, %convert_element_type3A_122, %cond3A_123 : i32
        scf.if %cond3A_124 {
          %dma_start3A_125 = arith.constant 0 : i32
          %dma_start3A_126 = arith.constant 0 : i32
          %dma_start3A_127 = tpu.memref_slice %arg17[%dma_start3A_125, %dma_start3A_126] : memref<10240x128xf32, #tpu.memory_space<vmem_shared>> -> memref<10240x128xf32, #tpu.memory_space<vmem_shared>>
          tpu.enqueue_indirect_dma source(%arg16 : memref<80x128xf32, #tpu.memory_space<vmem>>) target(%dma_start3A_127 : memref<10240x128xf32, #tpu.memory_space<vmem_shared>>) offsets(%arg13 : memref<80xi32, #tpu.memory_space<vmem>>) semaphore(%arg20 : memref<!tpu.dma_semaphore, #tpu.memory_space<semaphore_mem>>) {add = true}
        } else {
        }
      } else {
      }
    }
    %scan3A_30 = arith.constant 125 : i32
    %dma_wait3A = arith.constant 0 : i32
    %dma_wait3A_31 = arith.constant 0 : i32
    %dma_wait3A_32 = tpu.memref_slice %arg17[%dma_wait3A, %dma_wait3A_31] : memref<10240x128xf32, #tpu.memory_space<vmem_shared>> -> memref<10240x128xf32, #tpu.memory_space<vmem_shared>>
    tpu.wait_indirect_dma semaphore(%arg20 : memref<!tpu.dma_semaphore, #tpu.memory_space<semaphore_mem>>) src(%arg15 : memref<80x128xf32, #tpu.memory_space<vmem>>) dst(%dma_wait3A_32 : memref<10240x128xf32, #tpu.memory_space<vmem_shared>>)
    %barrier3A_33 = arith.constant 0 : index
    tpu.barrier barrier_id(%barrier3A_33)
    "tpu.region"() ({
      %run_scoped3A_34 = tpu.sem_alloc : memref<!tpu.dma_semaphore, #tpu.memory_space<semaphore_mem>>
      %dma_start3A_35 = arith.constant 0 : i32
      %dma_start3A_36 = tpu.memref_slice %arg7[%arg0, %mul3A_2, %dma_start3A_35] : memref<2x10240x128xf32, #tpu.memory_space<hbm>> -> memref<1x640x128xf32, #tpu.memory_space<hbm>>
      %dma_start3A_37 = tpu.memref_squeeze %dma_start3A_36 : memref<1x640x128xf32, #tpu.memory_space<hbm>> -> memref<640x128xf32, #tpu.memory_space<hbm>>
      %dma_start3A_38 = arith.constant 0 : i32
      %dma_start3A_39 = tpu.memref_slice %arg17[%mul3A_2, %dma_start3A_38] : memref<10240x128xf32, #tpu.memory_space<vmem_shared>> -> memref<640x128xf32, #tpu.memory_space<vmem_shared>>
      tpu.enqueue_dma source(%dma_start3A_39 : memref<640x128xf32, #tpu.memory_space<vmem_shared>>) target(%dma_start3A_37 : memref<640x128xf32, #tpu.memory_space<hbm>>) target_semaphore(%run_scoped3A_34 : memref<!tpu.dma_semaphore, #tpu.memory_space<semaphore_mem>>)
      %dma_wait3A_40 = arith.constant 0 : i32
      %dma_wait3A_41 = tpu.memref_slice %arg7[%arg0, %mul3A_2, %dma_wait3A_40] : memref<2x10240x128xf32, #tpu.memory_space<hbm>> -> memref<1x640x128xf32, #tpu.memory_space<hbm>>
      %dma_wait3A_42 = tpu.memref_squeeze %dma_wait3A_41 : memref<1x640x128xf32, #tpu.memory_space<hbm>> -> memref<640x128xf32, #tpu.memory_space<hbm>>
      %dma_wait3A_43 = arith.constant 0 : i32
      %dma_wait3A_44 = tpu.memref_slice %arg17[%mul3A_2, %dma_wait3A_43] : memref<10240x128xf32, #tpu.memory_space<vmem_shared>> -> memref<640x128xf32, #tpu.memory_space<vmem_shared>>
      tpu.wait_dma2 semaphore(%run_scoped3A_34 : memref<!tpu.dma_semaphore, #tpu.memory_space<semaphore_mem>>) src(%dma_wait3A_44 : memref<640x128xf32, #tpu.memory_space<vmem_shared>>) dst(%dma_wait3A_42 : memref<640x128xf32, #tpu.memory_space<hbm>>)
      tpu.yield
    }) : () -> ()
    return
  }
}

module attributes {stable_mosaic.version = 14 : i64} {
  func.func @_add_body(%arg0: i32, %arg1: memref<2000x128xf32, #tpu.memory_space<vmem>>, %arg2: memref<2000x128xf32, #tpu.memory_space<vmem>>, %arg3: memref<2000x128xf32, #tpu.memory_space<vmem>>) attributes {dimension_semantics = [#tpu.dimension_semantics<arbitrary>], iteration_bounds = array<i64: 5>, scalar_prefetch = 0 : i64, scratch_operands = 0 : i64, tpu.core_type = #tpu.core_type<tc>, window_params = [{transform_indices = @transform_0, window_bounds = array<i64: 2000, 128>}, {transform_indices = @transform_1, window_bounds = array<i64: 2000, 128>}, {transform_indices = @transform_2, window_bounds = array<i64: 2000, 128>}]} {
    %get3A = arith.constant 0 : index
    %get3A_0 = arith.constant 0 : index
    %get3A_1 = vector.load %arg1[%get3A, %get3A_0] : memref<2000x128xf32, #tpu.memory_space<vmem>>, vector<2000x128xf32>
    %get3A_2 = arith.constant 0 : index
    %get3A_3 = arith.constant 0 : index
    %get3A_4 = vector.load %arg2[%get3A_2, %get3A_3] : memref<2000x128xf32, #tpu.memory_space<vmem>>, vector<2000x128xf32>
    %add3A = arith.addf %get3A_1, %get3A_4 : vector<2000x128xf32>
    %swap3A = arith.constant 0 : index
    %swap3A_5 = arith.constant 0 : index
    %swap3A_6 = vector.load %arg3[%swap3A, %swap3A_5] : memref<2000x128xf32, #tpu.memory_space<vmem>>, vector<2000x128xf32>
    tpu.vector_store %arg3[%swap3A, %swap3A_5], %add3A {strides = array<i32>} : memref<2000x128xf32, #tpu.memory_space<vmem>>, vector<2000x128xf32>,
    return
  }
  func.func @transform_0(%arg0: i32) -> (i32, i32) {
    %c0_i32 = arith.constant 0 : i32
    %c0_i32_0 = arith.constant 0 : i32
    return %arg0, %c0_i32 : i32, i32
  }
  func.func @transform_1(%arg0: i32) -> (i32, i32) {
    %c0_i32 = arith.constant 0 : i32
    %c0_i32_0 = arith.constant 0 : i32
    return %arg0, %c0_i32 : i32, i32
  }
  func.func @transform_2(%arg0: i32) -> (i32, i32) {
    %c0_i32 = arith.constant 0 : i32
    %c0_i32_0 = arith.constant 0 : i32
    return %arg0, %c0_i32 : i32, i32
  }
}

</mosaic_0001>

<sc_bundles>
// kernel: kernel.4.cloned.1.call-start
scs
__scs_entry_jumppad:
0x0: {  	(pc) =	sbr.rel $0x88, $3  }
0x1: {  	(tag) =	ssettag $0x0;
	lr =	simm.s32 $0x1  }
0x2: {  	[smem:$0x3F9E] =	sst lr;
	_ =	strace $0xD0000000  }
0x3: {  	_ = 	snop  }
0x4: {  	_ = 	snop  }
0x5: {  	_ = 	snop  }
0x6: {  	_ = 	snop  }
0x7: {  	_ = 	snop  }
__scs_overlays_trampoline_lowered:
0x8: {  	[smem:$0x3FAD] =	sst s0  }
0x9: {  	[smem:$0x3FAE] =	sst s1  }
0xa: {  	[smem:$0x3FAF] =	sst s2  }
0xb: {  	[smem:$0x3FB0] =	sst s3  }
0xc: {  	[smem:$0x3FB1] =	sst s4  }
0xd: {  	[smem:$0x3FB2] =	sst s5  }
0xe: {  	[smem:$0x3FB3] =	sst s6  }
0xf: {  	[smem:$0x3FB4] =	sst s7  }
0x10: {  	[smem:$0x3FB5] =	sst s8  }
0x11: {  	[smem:$0x3FB6] =	sst s9;
	s0 =	simm.s32 @!p0 $0x0  }
0x12: {  	s1 =	sld [smem:$0x3F9C];
	s0 =	simm.s32 @p0 $0x1  }
0x13: {  	[smem:$0x3FB7] =	sst s0;
	s0 =	simm.s32 @!p1 $0x0  }
0x14: {  	s2 =	sld [smem:$0x3F9B];
	s0 =	simm.s32 @p1 $0x1  }
0x15: {  	[smem:$0x3FB8] =	sst s0;
	s0 =	simm.s32 @!p2 $0x0  }
0x16: {  	s3 =	sld [smem:$0x3FDB];
	s0 =	simm.s32 @p2 $0x1  }
0x17: {  	s4 =	simm.s32 $0x1BF5;
	[smem:$0x3FBA] =	sst s0  }
0x18: {  	s0 =	sld [smem:$0x3F9D];
	_ =	swait.ge [sflag:s4], $0x0  }
0x19: {  	s7 =	sld [smem:$0x3F9E]  }
0x1a: {  	s8 =	sadd.s32 $0xFFFFE003, lr  }
0x1b: {  	s9 =	sadd.s32 $0xFFFFFEF7, lr;
	s5 =	simm.s32 $0xFFFFFFFF;
	p2 =	slt.u32 s8, $0xFFFFF086  }
0x1c: {  	p1 =	slt.u32 s9, $0xF7A;
	s5 =	simm.s32 @!p2 $0x0  }
0x1d: {  	s5 =	simm.s32 @p1 $0x1;
	p0 =	seq.s32 s7, s2  }
0x1e: {  	s7 =	smul.u32 @!p0 $0xF7A, s2;
	p2 =	seq.s32 @!p0 s5, $0x0  }
0x1f: {  	s9 =	smul.u32 $0xF7A, s1;
	s8 =	simm.s32 @!p0 $0x1BF5;
	p2 =	por !p2, p0  }
0x20: {  	[sflag:s8] =	ssyncset.s32 @!p0 $0xFFFFF086;
	s6 =	sadd.s32 @!p0 s3, s7;
	s7 =	simm.s32 @!p0 $0x108  }
0x21: {  	s3 =	sadd.s32 s3, s9;
	s6 =	sadd.s32 @!p0 $0x88, s6;
	s7 =	simm.s32 @p2 $0x1082  }
0x22: {  	[simem:s7], [sflag:s8] =	dma.local @!p0 [hbm:s6], $0xF7A  }
0x23: {  	s9 =	sor.u32 $0xD0000000, s2;
	s6 =	simm.s32 $0x108;
	_ =	swait.ge @!p0 [sflag:s8], $0x0  }
0x24: {  	s3 =	sadd.s32 $0x88, s3;
	s6 =	simm.s32 @!p1 $0x1082;
	[sflag:s4] =	ssyncset.s32 $0xFFFFF086  }
0x25: {  	[simem:s6], [sflag:s4] =	dma.local [hbm:s3], $0xF7A  }
0x26: {  	[smem:$0x3F9E] =	sst s1;
	(tag) =	ssettag s2;
	_ =	strace s9  }
0x27: {  	s1 =	sld [smem:$0x3FAE]  }
0x28: {  	s2 =	sld [smem:$0x3FAF]  }
0x29: {  	s4 =	sld [smem:$0x3FB1]  }
0x2a: {  	p0 =	seq.s32 s5, $0x0;
	s5 =	sld [smem:$0x3FB2]  }
0x2b: {  	s6 =	sld [smem:$0x3FB3]  }
0x2c: {  	s7 =	sld [smem:$0x3FB4]  }
0x2d: {  	s3 =	simm.s32 $0x108;
	s8 =	sld [smem:$0x3FB5]  }
0x2e: {  	s3 =	simm.s32 @!p0 $0x1082;
	s9 =	sld [smem:$0x3FB6]  }
0x2f: {  	lr =	sadd.s32 s0, s3;
	s0 =	sld [smem:$0x3FAD]  }
0x30: {  	s3 =	sld [smem:$0x3FB0]  }
0x31: {  	[smem:$0x3FB9] =	sst s10  }
0x32: {  	s10 =	sld [smem:$0x3FB7];
	_ =	sdelay $0x3  }
0x33: {  	p0 =	seq.s32 s10, $0x1;
	s10 =	sld [smem:$0x3FB9];
	_ =	sdelay $0x3  }
0x34: {  	[smem:$0x3FB9] =	sst s10  }
0x35: {  	s10 =	sld [smem:$0x3FB8];
	_ =	sdelay $0x3  }
0x36: {  	p1 =	seq.s32 s10, $0x1;
	s10 =	sld [smem:$0x3FB9];
	_ =	sdelay $0x3  }
0x37: {  	[smem:$0x3FB9] =	sst s10  }
0x38: {  	s10 =	sld [smem:$0x3FBA]  }
0x39: {  	_ = 	snop;
	(pc) =	sbr.ind lr, $3  }
0x3a: {  	_ = 	snop  }
0x3b: {  	_ = 	snop  }
0x3c: {  	p2 =	seq.s32 s10, $0x1;
	s10 =	sld [smem:$0x3FB9]  }
0x3d: {  	_ =	shalt  }
0x3e: {  	_ =	shalt  }
0x3f: {  	_ =	shalt  }
0x40: {  	_ =	shalt  }
0x41: {  	_ =	shalt  }
0x42: {  	_ =	shalt  }
0x43: {  	_ =	shalt  }
0x44: {  	_ =	shalt  }
0x45: {  	_ =	shalt  }
0x46: {  	_ =	shalt  }
0x47: {  	_ =	shalt  }
0x48: {  	_ =	shalt  }
0x49: {  	_ =	shalt  }
0x4a: {  	_ =	shalt  }
0x4b: {  	_ =	shalt  }
0x4c: {  	_ =	shalt  }
0x4d: {  	_ =	shalt  }
0x4e: {  	_ =	shalt  }
0x4f: {  	_ =	shalt  }
0x50: {  	_ =	shalt  }
0x51: {  	_ =	shalt  }
0x52: {  	_ =	shalt  }
0x53: {  	_ =	shalt  }
0x54: {  	_ =	shalt  }
0x55: {  	_ =	shalt  }
0x56: {  	_ =	shalt  }
0x57: {  	_ =	shalt  }
0x58: {  	_ =	shalt  }
0x59: {  	_ =	shalt  }
0x5a: {  	_ =	shalt  }
0x5b: {  	_ =	shalt  }
0x5c: {  	_ =	shalt  }
0x5d: {  	_ =	shalt  }
0x5e: {  	_ =	shalt  }
0x5f: {  	_ =	shalt  }
0x60: {  	_ =	shalt  }
0x61: {  	_ =	shalt  }
0x62: {  	_ =	shalt  }
0x63: {  	_ =	shalt  }
0x64: {  	_ =	shalt  }
0x65: {  	_ =	shalt  }
0x66: {  	_ =	shalt  }
0x67: {  	_ =	shalt  }
0x68: {  	_ =	shalt  }
0x69: {  	_ =	shalt  }
0x6a: {  	_ =	shalt  }
0x6b: {  	_ =	shalt  }
0x6c: {  	_ =	shalt  }
0x6d: {  	_ =	shalt  }
0x6e: {  	_ =	shalt  }
0x6f: {  	_ =	shalt  }
0x70: {  	_ =	shalt  }
0x71: {  	_ =	shalt  }
0x72: {  	_ =	shalt  }
0x73: {  	_ =	shalt  }
0x74: {  	_ =	shalt  }
0x75: {  	_ =	shalt  }
0x76: {  	_ =	shalt  }
0x77: {  	_ =	shalt  }
0x78: {  	_ =	shalt  }
0x79: {  	_ =	shalt  }
0x7a: {  	_ =	shalt  }
0x7b: {  	_ =	shalt  }
0x7c: {  	_ =	shalt  }
0x7d: {  	_ =	shalt  }
0x7e: {  	_ =	shalt  }
0x7f: {  	_ =	shalt  }
0x80: {  	_ =	shalt  }
0x81: {  	_ =	shalt  }
0x82: {  	_ =	shalt  }
0x83: {  	_ =	shalt  }
0x84: {  	_ =	shalt  }
0x85: {  	_ =	shalt  }
0x86: {  	_ =	shalt  }
0x87: {  	_ =	shalt  }
.Lfunc_end0:
.L_simem_size_0:
called_computation_lowered:
.L_overlay_start_0:
0x88: {  	s2 =	sld [smem:$0x3FD9]  }
0x89: {  	s3 =	sld [smem:$0x3FFE];
	_ =	sdelay $0x1  }
0x8a: {  	s1 =	srdreg.scid  }
0x8b: {  	s0 =	sand.u32 $0x1, s1  }
0x8c: {  	s17 =	sshll.u32 s0, $0xA;
	s2 =	sadd.s32 s3, s2  }
0x8d: {  	s2 =	sadd.s32 s2, s17  }
0x8e: {  	[smem:$0x3FC5] =	sst s2  }
0x8f: {  	_ = 	snop  }
0x90: {  	s2 =	sld [smem:$0x3FC9]  }
0x91: {  	s18 =	sld [smem:$0x3FD0];
	(tm) =	ssettm $0x1  }
0x92: {  	s4 =	sld [smem:$0x3FFB];
	_ =	sdelay $0x3  }
0x93: {  	_ =	strace s4  }
0x94: {  	s4 =	sld [smem:$0x3FFC];
	_ =	sdelay $0x3  }
0x95: {  	_ =	strace s4  }
0x96: {  	s4 =	sld [smem:$0x3FFD];
	_ =	sdelay $0x3  }
0x97: {  	_ =	strace s4  }
0x98: {  	_ =	strace $0x8FFFFFFF  }
0x99: {  	s19 =	sld [smem:$0x3FDB];
	_ =	sdelay $0x1  }
0x9a: {  	s5 =	simm.s32 $_scs_section_size  }
0x9b: {  	s6 =	simm.s32 $_size__tile_overlayer_lowered;
	s7 =	simm.s32 $_tile_overlayer_lowered  }
0x9c: {  	s22 =	simm.s32 $0x1BFF;
	s21 =	sshll.u32 s7, $0x1;
	s4 =	sadd.s32 s5, s19  }
0x9d: {  	s8 =	simm.s32 $0x0;
	s20 =	sshll.u32 s6, $0x1;
	s6 =	sadd.s32 s21, s4  }
0x9e: {  	[timem:s8], [sflag:s22] =	dma.local [hbm:s6], s20  }
0x9f: {  	_ =	swait.ge [sflag:s22], s20  }
0xa0: {  	s5 =	ssub.s32 $0x0, s20;
	[sflag:s22] =	ssyncset.done $0x0  }
0xa1: {  	[sflag:s22] =	ssyncadd.s32 s5;
	_ =	sdelay $0x1  }
0xa2: {  	s23 =	simm.s32 $0x1B8B  }
0xa3: {  	_ =	swait.ge [sflag:s23], $0x1  }
0xa4: {  	[sflag:s23] =	ssyncset.done $0x0  }
0xa5: {  	s25 =	simm.s32 $0x1B8E;
	s24 =	sld [smem:$0x3FFE];
	[sflag:s23] =	ssyncadd.s32 $0xFFFFFFFF  }
0xa6: {  	s26 =	simm.s32 $execute0_lowered;
	[smem:$0x3FD2] =	sst s25  }
0xa7: {  	s6 =	sshll.u32 s26, $0x1;
	_ =	strace $0x80000046;
	[dreg:$0x1] =	wrdreg $0xFFFFFFFF  }
0xa8: {  	s28 =	simm.s32 $_size_execute0_lowered;
	s4 =	sadd.s32 s4, s6;
	[dreg:$0x0] =	wrdreg $0x0  }
0xa9: {  	s6 =	sshll.u32 s28, $0x1;
	[dreg:$0x2] =	wrdreg s4  }
0xaa: {  	[dreg:$0x3] =	wrdreg s6  }
0xab: {  	[dreg:$0x4] =	wrdreg $0xC0  }
0xac: {  	_ =	task [dreg:s8], $0x5FFFF  }
0xad: {  	[dreg:$0x1] =	wrdreg $0xFFFFFFFF  }
0xae: {  	[dreg:$0x0] =	wrdreg $0x60  }
0xaf: {  	[dreg:$0x2] =	wrdreg s2  }
0xb0: {  	[dreg:$0x3] =	wrdreg s18  }
0xb1: {  	[dreg:$0x4] =	wrdreg s24  }
0xb2: {  	[dreg:$0x5] =	wrdreg $0xA3000  }
0xb3: {  	[dreg:$0x6] =	wrdreg $0x9  }
0xb4: {  	_ =	task.clear_ibuf [dreg:s8], $0x7FFFF;
	_ =	strace $0x90000046  }
0xb5: {  	s29 =	simm.s32 $0x9;
	_ =	strace $0x80000048  }
0xb6: {  	_ =	swait.ge [sflag:s29], $0x1  }
0xb7: {  	[sflag:s29] =	ssyncadd.s32 $0xFFFFFFFF  }
0xb8: {  	_ =	strace $0x90000048  }
0xb9: {  	_ =	sfence  }
0xba: {  	s30 =	sld [smem:$0x0];
	_ =	sdelay $0x2  }
0xbb: {  	s31 =	sshll.u32 s1, $0xD;
	s1 =	sshrl.u32 s1, $0x2  }
0xbc: {  	s3 =	sand.u32 $0x4000, s31;
	s1 =	sadd.s32 s1, s30  }
0xbd: {  	s0 =	sor.u32 s3, s0;
	s1 =	sshll.u32 s1, $0x11  }
0xbe: {  	s0 =	sor.u32 s1, s0  }
0xbf: {  	s0 =	sadd.s32 $0x8F2B, s0  }
0xc0: {  	[sflag:s0] =	ssyncadd.remote.s32 $0x1  }
0xc1: {  	_ =	sfence.sel $0xFFFF  }
0xc2: {  	[dreg:$0x0] =	wrdreg $0xFFFFFFFF;
	(pc) =	sbr.abs _section_cstart, $3  }
0xc3: {  	[dreg:$0x1] =	wrdreg $0xFFFFFFFF  }
0xc4: {  	_ =	task.clear_ibuf [dreg:s8], $0x2FFFF;
	_ =	strace $0x9FFFFFFF  }
0xc5: {  	(tm) =	ssettm $0x7FFFFFFF  }
tec
execute0_lowered:
.L_overlay_start_1:
0x0: {  	(tag) =	ssettag $0x1  }
0x1: {  	s1 =	rddreg [dreg:$0x0]  }
0x2: {  	s2 =	rddreg [dreg:$0x1]  }
0x3: {  	s4 =	rddreg [dreg:$0x2]  }
0x4: {  	s5 =	rddreg [dreg:$0x3];
	s6 =	simm.s32 $0x0;
	s12 =	stileid.u32  }
0x5: {  	s0 =	srdreg.scid;
	s19 =	simm.s32 $0x5;
	s28 =	simm.s32 $0x1  }
0x6: {  	s29 =	simm.s32 $0x3;
	s30 =	simm.s32 $0x4;
	s31 =	simm.s32 $0x0  }
0x7: {  	[smem:$0x7FF] =	sst s6;
	s3 =	smul.u32 $0x14000, s12;
	s0 =	sand.u32 $0x1, s0  }
0x8: {  	s7 =	sadd.s32 $0x10000, s4;
	s14 =	smul.u32 $0x50000, s12;
	_ =	strace $0x80000047  }
0x9: {  	s8 =	smul.u32 $0x140000, s0;
	s10 =	sshll.u32 s0, $0x4;
	s0 =	ssub.s32 $0x2, s0  }
0xa: {  	s9 =	sshrl.u32 s3, $0x3;
	s10 =	sor.u32 s12, s10;
	s11 =	sshrl.u32 s0, $0x1  }
0xb: {  	s15 =	sshrl.u32 s14, $0x2;
	s3 =	sadd.s32 s3, s8;
	s8 =	smul.u32 $0x138800, s10  }
0xc: {  	s16 =	sadd.s32 s9, s4;
	s0 =	ssub.s32 s0, s11;
	s13 =	sshll.u32 s10, $0xB  }
0xd: {  	s9 =	sshll.u32 s10, $0xE;
	s15 =	sadd.s32 s15, s5;
	s3 =	sshrl.u32 s3, $0x3  }
.Ltmp0:
0xe: {  	s24 =	sadd.s32 s2, s13;
	s12 =	sadd.s32 s4, s13;
	(pc) =	sbr.rel .LBB2_1-.Ltmp0, $4  }
0xf: {  	s26 =	sor.u32 $0x10, s13;
	s16 =	sadd.s32 $0x4F2000, s16;
	s18 =	smax.u32 s0, $0x1  }
0x10: {  	s3 =	sadd.s32 s3, s4;
	s23 =	sshrl.u32 s8, $0x3;
	[dreg:$0x5] =	wrdreg s24  }
0x11: {  	s13 =	sadd.s32 s2, s26;
	s14 =	sadd.s32 s4, s26;
	s25 =	sadd.s32 s7, s23  }
0x12: {  	s26 =	simm.s32 $0x2;
	s17 =	sadd.s32 $0x51A000, s3;
	[dreg:$0x6] =	wrdreg s25  }
.LBB2_28:
0x13: {  	_ =	swait.ge [sflag:s29], $0x2800  }
0x14: {  	s31 =	sadd.s32 $0x1, s31;
	[sflag:s29] =	ssyncset.done $0x0  }
0x15: {  	p0 =	sne.s32 s31, s18;
	[sflag:s29] =	ssyncadd.s32 $0xFFFFD800  }
.Ltmp1:
0x16: {  	[bflag:$0x0] =	sbarrier.arrive $0xFFFF;
	(pc) =	sbr.rel @!p0 .LBB2_29-.Ltmp1, $4  }
0x17: {  	[hbm:s17], [sflag:s0] =	dma.local [spmem:s20], $0x2800  }
0x18: {  	_ =	swait.ge [sflag:s19], $0x2800  }
0x19: {  	[sflag:s19] =	ssyncset.done $0x0  }
0x1a: {  	[sflag:s19] =	ssyncadd.s32 $0xFFFFD800  }
.LBB2_1:
0x1b: {  	s0 =	rddreg [dreg:$0x5]  }
0x1c: {  	[tilespmem:s6], [sflag:$0x5] =	stream.linear.gather [hbm4b:s0+s6], $0x80, $0x38;
	[tilespmem:$0x1E300] =	vst v63  }
0x1d: {  	_ =	swait.ge [sflag:s19], $0x80  }
0x1e: {  	[sflag:s19] =	ssyncset.done $0x0  }
0x1f: {  	s3 =	simm.s32 $0x300;
	s11 =	rddreg [dreg:$0x6];
	[sflag:s19] =	ssyncadd.s32 $0xFFFFFF80  }
0x20: {  	[tilespmem:s3], [sflag:$0x2] =	stream.linear.gather [hbm4b:s11+s6], $0x2800, $0x38;
	[tilespmem:$0x1E300] =	vst v63  }
0x21: {  	s20 =	simm.s32 $0x50;
	s21 =	simm.s32 $0x5300  }
0x22: {  	[tilespmem:s21], [sflag:$0x1] =	stream.indirect.gather [hbm4b:s1+s20], $0x80, s6, s20, $0xb8;
	[tilespmem:$0x1E300] =	vst v63  }
0x23: {  	s22 =	simm.s32 $0x180  }
0x24: {  	[tilespmem:s22], [sflag:$0x5] =	stream.linear.gather [hbm4b:s12+s6], $0x80, $0x38;
	[tilespmem:$0x1E300] =	vst v63  }
0x25: {  	_ =	swait.ge [sflag:s19], $0x80  }
0x26: {  	[sflag:s19] =	ssyncset.done $0x0  }
0x27: {  	s23 =	simm.s32 $0x80;
	[sflag:s19] =	ssyncadd.s32 $0xFFFFFF80  }
0x28: {  	[tilespmem:s23], [sflag:$0x5] =	stream.linear.gather [hbm4b:s13+s6], $0x80, $0x38;
	[tilespmem:$0x1E300] =	vst v63  }
0x29: {  	_ =	swait.ge [sflag:s19], $0x80  }
0x2a: {  	[sflag:s19] =	ssyncset.done $0x0  }
0x2b: {  	s24 =	simm.s32 $0x200;
	[sflag:s19] =	ssyncadd.s32 $0xFFFFFF80  }
0x2c: {  	[tilespmem:s24], [sflag:$0x5] =	stream.linear.gather [hbm4b:s14+s6], $0x80, $0x38;
	[tilespmem:$0x1E300] =	vst v63  }
0x2d: {  	s25 =	stileid.u32;
	_ =	swait.ge [sflag:s19], $0x80  }
0x2e: {  	s0 =	sshll.u32 s25, $0x6;
	[sflag:s19] =	ssyncset.done $0x0  }
0x2f: {  	s0 =	sor.u32 $0x1C05, s0;
	s20 =	sshrl.u32 s15, $0x3;
	[sflag:s19] =	ssyncadd.s32 $0xFFFFFF80  }
0x30: {  	[spmem:s20], [sflag:s0] =	dma.local [hbm:s16], $0x2800  }
.Ltmp2:
0x31: {  	_ =	swait.ge [sflag:s19], $0x2800;
	(pc) =	sbr.rel .LBB2_2-.Ltmp2, $4  }
0x32: {  	[sflag:s19] =	ssyncset.done $0x0  }
0x33: {  	[sflag:s19] =	ssyncadd.s32 $0xFFFFD800  }
0x34: {  	[bflag:$0x0] =	sbarrier.arrive $0xFFFF  }
0x35: {  	s22 =	simm.s32 $0x0  }
.LBB2_26:
0x36: {  	s3 =	simm.s32 @!p0 $0x50;
	s10 =	simm.s32 @!p0 $0x280;
	s11 =	simm.s32 @!p0 $0x7B00  }
0x37: {  	[spmem:s5] =	stream.indirect.scatter.add.f32 @!p0 [tilespmem:s11], [sflag:$0x3], $0x80, s10, s3, $0xb8;
	[tilespmem:$0x1E300] =	vst v63  }
0x38: {  	s3 =	simm.s32 @p0 $0x50;
	s10 =	simm.s32 @p0 $0x280;
	s11 =	simm.s32 @p0 $0x5300  }
0x39: {  	[spmem:s5] =	stream.indirect.scatter.add.f32 @p0 [tilespmem:s11], [sflag:$0x3], $0x80, s10, s3, $0xb8;
	[tilespmem:$0x1E300] =	vst v63  }
.LBB2_27:
0x3a: {  	p0 =	sne.s32 s22, $0x7D  }
.Ltmp3:
0x3b: {  	_ = 	snop;
	(pc) =	sbr.rel @!p0 .LBB2_28-.Ltmp3, $1  }
0x3c: {  	_ =	sdelay $0x3  }
.LBB2_2:
0x3d: {  	p0 =	seq.s32 s22, $0x0  }
.Ltmp4:
0x3e: {  	_ = 	snop;
	(pc) =	sbr.rel @p0 .LBB2_5-.Ltmp4, $2  }
0x3f: {  	_ =	sdelay $0x2  }
0x40: {  	s21 =	smov.u32 s22;
	s23 =	smul.u32 $0xAB, s22;
	s22 =	sadd.s32 $0x1, s22  }
0x41: {  	p0 =	seq.s32 s21, $0x7C  }
.Ltmp5:
0x42: {  	_ = 	snop;
	(pc) =	sbr.rel @!p0 .LBB2_4-.Ltmp5, $4  }
0x43: {  	_ = 	snop  }
0x44: {  	_ =	swait.ge [sflag:s29], $0x2800  }
0x45: {  	[sflag:s29] =	ssyncset.done $0x0  }
0x46: {  	[sflag:s29] =	ssyncadd.s32 $0xFFFFD800  }
0x47: {  	_ =	swait.ge [sflag:s26], $0x2800  }
.Ltmp6:
0x48: {  	[sflag:s26] =	ssyncset.done $0x0;
	(pc) =	sbr.rel .LBB2_16-.Ltmp6, $4  }
0x49: {  	[sflag:s26] =	ssyncadd.s32 $0xFFFFD800  }
0x4a: {  	_ =	swait.ge [sflag:s28], $0x2800  }
0x4b: {  	[sflag:s28] =	ssyncset.done $0x0  }
0x4c: {  	[sflag:s28] =	ssyncadd.s32 $0xFFFFD800  }
.LBB2_4:
0x4d: {  	_ =	swait.ge [sflag:s30], $0x80  }
0x4e: {  	[sflag:s30] =	ssyncset.done $0x0  }
0x4f: {  	[sflag:s30] =	ssyncadd.s32 $0xFFFFFF80  }
0x50: {  	_ =	swait.ge [sflag:s30], $0x80  }
0x51: {  	[sflag:s30] =	ssyncset.done $0x0  }
0x52: {  	[sflag:s30] =	ssyncadd.s32 $0xFFFFFF80  }
.LBB2_5:
0x53: {  	_ = 	snop  }
0x54: {  	s3 =	sadd.s32 $0xAB, s23  }
0x55: {  	s3 =	sshrl.u32 s3, $0x9  }
0x56: {  	s3 =	sand.u32 $0x7F, s3  }
0x57: {  	s3 =	smul.u32 $0x3, s3;
	_ =	sdelay $0x1  }
0x58: {  	s3 =	ssub.s32 s22, s3  }
0x59: {  	s3 =	sand.u32 $0xFF, s3  }
0x5a: {  	_ =	swait.ge [sflag:s26], $0x2800;
	p1 =	seq.s32 s3, $0x2  }
.Ltmp7:
0x5b: {  	[sflag:s26] =	ssyncset.done $0x0;
	(pc) =	sbr.rel @p1 .LBB2_9-.Ltmp7, $4  }
0x5c: {  	[sflag:s26] =	ssyncadd.s32 $0xFFFFD800  }
0x5d: {  	_ =	swait.ge [sflag:s28], $0x2800  }
0x5e: {  	s24 =	sand.u32 $0x1, s21;
	[sflag:s28] =	ssyncset.done $0x0  }
0x5f: {  	p0 =	seq.s32 s24, $0x0;
	[sflag:s28] =	ssyncadd.s32 $0xFFFFD800  }
0x60: {  	p1 =	seq.s32 s3, $0x1  }
.Ltmp8:
0x61: {  	_ = 	snop;
	(pc) =	sbr.rel @!p1 .LBB2_7-.Ltmp8, $1  }
0x62: {  	_ =	sdelay $0x3  }
.Ltmp9:
0x63: {  	(pc) =	sbr.rel .LBB2_10-.Ltmp9, $4  }
0x64: {  	s3 =	simm.s32 @p0 $0x50;
	s10 =	simm.s32 @p0 $0x80;
	s25 =	simm.s32 @p0 $0x7B00  }
0x65: {  	[tilespmem:s25], [sflag:$0x1] =	stream.indirect.gather @p0 [hbm4b:s1+s3], $0x80, s10, s3, $0xb8;
	[tilespmem:$0x1E300] =	vst v63  }
0x66: {  	s3 =	simm.s32 @!p0 $0x50;
	s10 =	simm.s32 @!p0 $0x80;
	s25 =	simm.s32 @!p0 $0x5300  }
0x67: {  	[tilespmem:s25], [sflag:$0x1] =	stream.indirect.gather @!p0 [hbm4b:s1+s3], $0x80, s10, s3, $0xb8;
	[tilespmem:$0x1E300] =	vst v63  }
.LBB2_9:
.Ltmp10:
0x68: {  	(pc) =	sbr.rel .LBB2_10-.Ltmp10, $4  }
0x69: {  	s3 =	simm.s32 @p0 $0x50;
	s10 =	simm.s32 @p0 $0x100;
	s25 =	simm.s32 @p0 $0x7B00  }
0x6a: {  	[tilespmem:s25], [sflag:$0x1] =	stream.indirect.gather @p0 [hbm4b:s1+s3], $0x80, s10, s3, $0xb8;
	[tilespmem:$0x1E300] =	vst v63  }
0x6b: {  	s3 =	simm.s32 @!p0 $0x50;
	s10 =	simm.s32 @!p0 $0x100;
	s25 =	simm.s32 @!p0 $0x5300  }
0x6c: {  	[tilespmem:s25], [sflag:$0x1] =	stream.indirect.gather @!p0 [hbm4b:s1+s3], $0x80, s10, s3, $0xb8;
	[tilespmem:$0x1E300] =	vst v63  }
.LBB2_7:
0x6d: {  	s3 =	simm.s32 @p0 $0x50;
	s10 =	simm.s32 @p0 $0x0;
	s25 =	simm.s32 @p0 $0x7B00  }
0x6e: {  	[tilespmem:s25], [sflag:$0x1] =	stream.indirect.gather @p0 [hbm4b:s1+s3], $0x80, s10, s3, $0xb8;
	[tilespmem:$0x1E300] =	vst v63  }
0x6f: {  	s3 =	simm.s32 @!p0 $0x50;
	s10 =	simm.s32 @!p0 $0x0;
	s25 =	simm.s32 @!p0 $0x5300  }
0x70: {  	[tilespmem:s25], [sflag:$0x1] =	stream.indirect.gather @!p0 [hbm4b:s1+s3], $0x80, s10, s3, $0xb8;
	[tilespmem:$0x1E300] =	vst v63  }
.LBB2_10:
0x71: {  	s3 =	sxor.u32 $0x1, s24;
	s10 =	smul.u32 $0x2800, s22  }
0x72: {  	p0 =	sgt.u32 s21, $0x7A;
	s3 =	smul.u32 $0xA000, s3  }
.Ltmp11:
0x73: {  	_ = 	snop;
	(pc) =	sbr.rel @p0 .LBB2_15-.Ltmp11, $4  }
0x74: {  	s10 =	sadd.s32 s8, s10  }
0x75: {  	s3 =	sshrl.u32 s3, $0x2;
	s10 =	sshrl.u32 s10, $0x3  }
0x76: {  	s3 =	sor.u32 $0x300, s3;
	s10 =	sadd.s32 s7, s10  }
0x77: {  	[tilespmem:s3], [sflag:$0x2] =	stream.linear.gather [hbm4b:s10+s6], $0x2800, $0x38;
	[tilespmem:$0x1E300] =	vst v63  }
0x78: {  	s3 =	sadd.s32 $0x156, s23  }
0x79: {  	s3 =	sshrl.u32 s3, $0x9  }
0x7a: {  	s3 =	sand.u32 $0x7F, s3  }
0x7b: {  	s3 =	smul.u32 $0x3, s3  }
0x7c: {  	s25 =	sadd.s32 $0x2, s21  }
0x7d: {  	s3 =	ssub.s32 s25, s3  }
0x7e: {  	s3 =	sand.u32 $0xFF, s3  }
0x7f: {  	p0 =	seq.s32 s3, $0x0  }
.Ltmp12:
0x80: {  	_ = 	snop;
	(pc) =	sbr.rel @p0 .LBB2_12-.Ltmp12, $1  }
0x81: {  	_ =	sdelay $0x3  }
.Ltmp13:
0x82: {  	(pc) =	sbr.rel .LBB2_14-.Ltmp13, $4  }
0x83: {  	_ = 	snop  }
0x84: {  	p0 =	seq.s32 s3, $0x2  }
0x85: {  	s3 =	simm.s32 @p0 $0x280;
	s10 =	simm.s32 @p0 $0x100  }
0x86: {  	s3 =	simm.s32 @!p0 $0x200;
	s10 =	simm.s32 @!p0 $0x80  }
.LBB2_12:
0x87: {  	s3 =	simm.s32 $0x180;
	s10 =	simm.s32 $0x0  }
.LBB2_14:
0x88: {  	s25 =	sshll.u32 s25, $0x7  }
0x89: {  	s11 =	sand.u32 $0x7C00, s25  }
0x8a: {  	s25 =	sand.u32 $0x380, s25;
	s11 =	sadd.s32 s9, s11  }
0x8b: {  	s11 =	sor.u32 s25, s11  }
0x8c: {  	s11 =	sshrl.u32 s11, $0x3  }
0x8d: {  	s25 =	sadd.s32 s2, s11  }
0x8e: {  	[tilespmem:s10], [sflag:$0x4] =	stream.linear.gather [hbm4b:s25+s6], $0x80, $0x38;
	[tilespmem:$0x1E300] =	vst v63  }
0x8f: {  	s25 =	sadd.s32 s4, s11  }
0x90: {  	[tilespmem:s3], [sflag:$0x4] =	stream.linear.gather [hbm4b:s25+s6], $0x80, $0x38;
	[tilespmem:$0x1E300] =	vst v63  }
.LBB2_15:
0x91: {  	p0 =	sne.s32 s24, $0x0  }
.Ltmp14:
0x92: {  	_ = 	snop;
	(pc) =	sbr.rel @p0 .LBB2_19-.Ltmp14, $1  }
0x93: {  	_ =	sdelay $0x3  }
.LBB2_16:
0x94: {  	s24 =	simm.s32 $0x0  }
0x95: {  	v12 =	vld [tilespmem:s24+$0x300]  }
0x96: {  	v13 =	vld [tilespmem:s24+$0x380]  }
0x97: {  	v14 =	vld [tilespmem:s24+$0x400]  }
0x98: {  	v15 =	vld [tilespmem:s24+$0x480]  }
0x99: {  	v11 =	vld [tilespmem:s24+$0x500]  }
0x9a: {  	v10 =	vld [tilespmem:s24+$0x580]  }
0x9b: {  	v9 =	vld [tilespmem:s24+$0x600]  }
0x9c: {  	v8 =	vld [tilespmem:s24+$0x680]  }
0x9d: {  	v7 =	vld [tilespmem:s24+$0x700]  }
0x9e: {  	v6 =	vld [tilespmem:s24+$0x780]  }
0x9f: {  	v5 =	vld [tilespmem:s24+$0x800]  }
0xa0: {  	v16 =	vld [tilespmem:s24+$0x5300]  }
0xa1: {  	v17 =	vld [tilespmem:s24+$0x5310]  }
0xa2: {  	v18 =	vld [tilespmem:s24+$0x5320]  }
0xa3: {  	v19 =	vld [tilespmem:s24+$0x5330]  }
0xa4: {  	v20 =	vld [tilespmem:s24+$0x5340]  }
0xa5: {  	v21 =	vld [tilespmem:s24+$0x5350]  }
0xa6: {  	v22 =	vld [tilespmem:s24+$0x5360]  }
0xa7: {  	v47 =	vld [tilespmem:s24+$0x5370]  }
0xa8: {  	v48 =	vld [tilespmem:s24+$0x5380]  }
0xa9: {  	v49 =	vld [tilespmem:s24+$0x5390]  }
0xaa: {  	v50 =	vld [tilespmem:s24+$0x53A0]  }
0xab: {  	v51 =	vld [tilespmem:s24+$0x53B0];
	v16 =	vmul.f32 v16, v12  }
0xac: {  	v52 =	vld [tilespmem:s24+$0x53C0];
	v17 =	vmul.f32 v17, v12  }
0xad: {  	v53 =	vld [tilespmem:s24+$0x53D0];
	v18 =	vmul.f32 v18, v12;
	[tilespmem:s24+$0x5300] =	vst v16  }
0xae: {  	v56 =	vld [tilespmem:s24+$0x5400];
	v19 =	vmul.f32 v19, v12;
	[tilespmem:s24+$0x5310] =	vst v17  }
0xaf: {  	v57 =	vld [tilespmem:s24+$0x5410];
	v20 =	vmul.f32 v20, v12;
	[tilespmem:s24+$0x5320] =	vst v18  }
0xb0: {  	v58 =	vld [tilespmem:s24+$0x5420];
	v21 =	vmul.f32 v21, v12;
	[tilespmem:s24+$0x5330] =	vst v19  }
0xb1: {  	v59 =	vld [tilespmem:s24+$0x5430];
	v22 =	vmul.f32 v22, v12;
	[tilespmem:s24+$0x5340] =	vst v20  }
0xb2: {  	v27 =	vld [tilespmem:s24+$0x5480];
	v12 =	vmul.f32 v47, v12;
	[tilespmem:s24+$0x5350] =	vst v21  }
0xb3: {  	v29 =	vld [tilespmem:s24+$0x5490];
	v62 =	vmul.f32 v56, v14;
	[tilespmem:s24+$0x5360] =	vst v22  }
0xb4: {  	v30 =	vld [tilespmem:s24+$0x54A0];
	v24 =	vmul.f32 v57, v14;
	[tilespmem:s24+$0x5370] =	vst v12  }
0xb5: {  	v39 =	vld [tilespmem:s24+$0x5500];
	v26 =	vmul.f32 v58, v14;
	[tilespmem:s24+$0x5400] =	vst v62  }
0xb6: {  	v40 =	vld [tilespmem:s24+$0x5510];
	v28 =	vmul.f32 v59, v14;
	[tilespmem:s24+$0x5410] =	vst v24  }
0xb7: {  	v54 =	vld [tilespmem:s24+$0x53E0];
	v34 =	vmul.f32 v27, v15;
	[tilespmem:s24+$0x5420] =	vst v26  }
0xb8: {  	v55 =	vld [tilespmem:s24+$0x53F0];
	v36 =	vmul.f32 v29, v15;
	[tilespmem:s24+$0x5430] =	vst v28  }
0xb9: {  	v60 =	vld [tilespmem:s24+$0x5440];
	v38 =	vmul.f32 v30, v15;
	[tilespmem:s24+$0x5480] =	vst v34  }
0xba: {  	v61 =	vld [tilespmem:s24+$0x5450];
	v45 =	vmul.f32 v39, v11;
	[tilespmem:s24+$0x5490] =	vst v36  }
0xbb: {  	v63 =	vld [tilespmem:s24+$0x5460];
	v47 =	vmul.f32 v40, v11;
	[tilespmem:s24+$0x54A0] =	vst v38  }
0xbc: {  	v25 =	vld [tilespmem:s24+$0x5470];
	v17 =	vmul.f32 v48, v13;
	[tilespmem:s24+$0x5500] =	vst v45  }
0xbd: {  	v31 =	vld [tilespmem:s24+$0x54B0];
	v18 =	vmul.f32 v49, v13;
	[tilespmem:s24+$0x5510] =	vst v47  }
0xbe: {  	v32 =	vld [tilespmem:s24+$0x54C0];
	v19 =	vmul.f32 v50, v13;
	[tilespmem:s24+$0x5380] =	vst v17  }
0xbf: {  	v33 =	vld [tilespmem:s24+$0x54D0];
	v20 =	vmul.f32 v51, v13;
	[tilespmem:s24+$0x5390] =	vst v18  }
0xc0: {  	v35 =	vld [tilespmem:s24+$0x54E0];
	v21 =	vmul.f32 v52, v13;
	[tilespmem:s24+$0x53A0] =	vst v19  }
0xc1: {  	v37 =	vld [tilespmem:s24+$0x54F0];
	v16 =	vmul.f32 v53, v13;
	[tilespmem:s24+$0x53B0] =	vst v20  }
0xc2: {  	v41 =	vld [tilespmem:s24+$0x5520];
	v12 =	vmul.f32 v54, v13;
	[tilespmem:s24+$0x53C0] =	vst v21  }
0xc3: {  	v30 =	vld [tilespmem:s24+$0x5700];
	v13 =	vmul.f32 v55, v13;
	[tilespmem:s24+$0x53D0] =	vst v16  }
0xc4: {  	v40 =	vld [tilespmem:s24+$0x5780];
	[tilespmem:s24+$0x53E0] =	vst v12;
	v16 =	vmul.f32 v60, v14  }
0xc5: {  	v42 =	vld [tilespmem:s24+$0x5530];
	[tilespmem:s24+$0x53F0] =	vst v13;
	v12 =	vmul.f32 v61, v14  }
0xc6: {  	v43 =	vld [tilespmem:s24+$0x5540];
	v13 =	vmul.f32 v63, v14;
	[tilespmem:s24+$0x5440] =	vst v16  }
0xc7: {  	v44 =	vld [tilespmem:s24+$0x5550];
	v14 =	vmul.f32 v25, v14;
	[tilespmem:s24+$0x5450] =	vst v12  }
0xc8: {  	v46 =	vld [tilespmem:s24+$0x5560];
	v36 =	vmul.f32 v30, v7;
	[tilespmem:s24+$0x5460] =	vst v13  }
0xc9: {  	v23 =	vld [tilespmem:s24+$0x5690];
	v45 =	vmul.f32 v40, v6;
	[tilespmem:s24+$0x5470] =	vst v14  }
0xca: {  	v49 =	vld [tilespmem:s24+$0x5580];
	v16 =	vmul.f32 v31, v15;
	[tilespmem:s24+$0x5700] =	vst v36  }
0xcb: {  	v56 =	vld [tilespmem:s24+$0x55E0];
	v12 =	vmul.f32 v32, v15;
	[tilespmem:s24+$0x5780] =	vst v45  }
0xcc: {  	v57 =	vld [tilespmem:s24+$0x55F0];
	v13 =	vmul.f32 v33, v15;
	[tilespmem:s24+$0x54B0] =	vst v16  }
0xcd: {  	v58 =	vld [tilespmem:s24+$0x5600];
	v14 =	vmul.f32 v35, v15;
	[tilespmem:s24+$0x54C0] =	vst v12  }
0xce: {  	v59 =	vld [tilespmem:s24+$0x5610];
	v15 =	vmul.f32 v37, v15;
	[tilespmem:s24+$0x54D0] =	vst v13  }
0xcf: {  	v27 =	vld [tilespmem:s24+$0x56D0];
	v55 =	vmul.f32 v49, v10;
	[tilespmem:s24+$0x54E0] =	vst v14  }
0xd0: {  	v48 =	vld [tilespmem:s24+$0x5570];
	[tilespmem:s24+$0x54F0] =	vst v15;
	v16 =	vmul.f32 v41, v11  }
0xd1: {  	v50 =	vld [tilespmem:s24+$0x5590];
	v12 =	vmul.f32 v42, v11;
	[tilespmem:s24+$0x5580] =	vst v55  }
0xd2: {  	v51 =	vld [tilespmem:s24+$0x55A0];
	v13 =	vmul.f32 v43, v11;
	[tilespmem:s24+$0x5520] =	vst v16  }
0xd3: {  	v52 =	vld [tilespmem:s24+$0x55B0];
	v14 =	vmul.f32 v44, v11;
	[tilespmem:s24+$0x5530] =	vst v12  }
0xd4: {  	v53 =	vld [tilespmem:s24+$0x55C0];
	v15 =	vmul.f32 v46, v11;
	[tilespmem:s24+$0x5540] =	vst v13  }
0xd5: {  	v54 =	vld [tilespmem:s24+$0x55D0];
	v11 =	vmul.f32 v48, v11;
	[tilespmem:s24+$0x5550] =	vst v14  }
0xd6: {  	v29 =	vld [tilespmem:s24+$0x56F0];
	[tilespmem:s24+$0x5560] =	vst v15;
	v16 =	vmul.f32 v50, v10  }
0xd7: {  	v62 =	vld [tilespmem:s24+$0x5640];
	[tilespmem:s24+$0x5570] =	vst v11;
	v12 =	vmul.f32 v51, v10  }
0xd8: {  	v31 =	vld [tilespmem:s24+$0x5710];
	v13 =	vmul.f32 v52, v10;
	[tilespmem:s24+$0x5590] =	vst v16  }
0xd9: {  	v32 =	vld [tilespmem:s24+$0x5720];
	v14 =	vmul.f32 v53, v10;
	[tilespmem:s24+$0x55A0] =	vst v12  }
0xda: {  	v22 =	vld [tilespmem:s24+$0x5680];
	v15 =	vmul.f32 v54, v10;
	[tilespmem:s24+$0x55B0] =	vst v13  }
0xdb: {  	v60 =	vld [tilespmem:s24+$0x5620];
	v11 =	vmul.f32 v56, v10;
	[tilespmem:s24+$0x55C0] =	vst v14  }
0xdc: {  	v61 =	vld [tilespmem:s24+$0x5630];
	v10 =	vmul.f32 v57, v10;
	[tilespmem:s24+$0x55D0] =	vst v15  }
0xdd: {  	v63 =	vld [tilespmem:s24+$0x5650];
	v37 =	vmul.f32 v31, v7;
	[tilespmem:s24+$0x55E0] =	vst v11  }
0xde: {  	v20 =	vld [tilespmem:s24+$0x5660];
	v39 =	vmul.f32 v32, v7;
	[tilespmem:s24+$0x55F0] =	vst v10  }
0xdf: {  	v21 =	vld [tilespmem:s24+$0x5670];
	v16 =	vmul.f32 v58, v9;
	[tilespmem:s24+$0x5710] =	vst v37  }
0xe0: {  	v41 =	vld [tilespmem:s24+$0x5790];
	v12 =	vmul.f32 v59, v9;
	[tilespmem:s24+$0x5720] =	vst v39  }
0xe1: {  	v48 =	vld [tilespmem:s24+$0x5800];
	v13 =	vmul.f32 v60, v9;
	[tilespmem:s24+$0x5600] =	vst v16  }
0xe2: {  	v24 =	vld [tilespmem:s24+$0x56A0];
	v14 =	vmul.f32 v61, v9;
	[tilespmem:s24+$0x5610] =	vst v12  }
0xe3: {  	v25 =	vld [tilespmem:s24+$0x56B0];
	v15 =	vmul.f32 v62, v9;
	[tilespmem:s24+$0x5620] =	vst v13  }
0xe4: {  	v26 =	vld [tilespmem:s24+$0x56C0];
	v11 =	vmul.f32 v63, v9;
	[tilespmem:s24+$0x5630] =	vst v14  }
0xe5: {  	v28 =	vld [tilespmem:s24+$0x56E0];
	v10 =	vmul.f32 v20, v9;
	v9 =	vmul.f32 v21, v9;
	[tilespmem:s24+$0x5640] =	vst v15  }
0xe6: {  	v4 =	vld [tilespmem:s24+$0x880];
	v46 =	vmul.f32 v41, v6;
	v52 =	vmul.f32 v48, v5;
	[tilespmem:s24+$0x5650] =	vst v11  }
0xe7: {  	v3 =	vld [tilespmem:s24+$0x900];
	[tilespmem:s24+$0x5660] =	vst v10;
	v12 =	vmul.f32 v22, v8;
	v13 =	vmul.f32 v23, v8  }
0xe8: {  	v2 =	vld [tilespmem:s24+$0x980];
	[tilespmem:s24+$0x5670] =	vst v9;
	v14 =	vmul.f32 v24, v8;
	v15 =	vmul.f32 v25, v8  }
0xe9: {  	v34 =	vld [tilespmem:s24+$0x5740];
	v11 =	vmul.f32 v26, v8;
	v10 =	vmul.f32 v27, v8;
	[tilespmem:s24+$0x5790] =	vst v46  }
0xea: {  	v38 =	vld [tilespmem:s24+$0x5770];
	v9 =	vmul.f32 v28, v8;
	v8 =	vmul.f32 v29, v8;
	[tilespmem:s24+$0x5800] =	vst v52  }
0xeb: {  	v33 =	vld [tilespmem:s24+$0x5730];
	[tilespmem:s24+$0x5680] =	vst v12  }
0xec: {  	[tilespmem:s24+$0x56F0] =	vst v8;
	v8 =	vld [tilespmem:s24+$0x5760]  }
0xed: {  	v35 =	vld [tilespmem:s24+$0x5750];
	[tilespmem:s24+$0x5690] =	vst v13  }
0xee: {  	v1 =	vld [tilespmem:s24+$0xA00];
	[tilespmem:s24+$0x56A0] =	vst v14  }
0xef: {  	v0 =	vld [tilespmem:s24+$0xA80];
	[tilespmem:s24+$0x56B0] =	vst v15  }
0xf0: {  	v47 =	vld [tilespmem:s24+$0x57F0];
	[tilespmem:s24+$0x56C0] =	vst v11;
	v11 =	vmul.f32 v33, v7  }
0xf1: {  	v42 =	vld [tilespmem:s24+$0x57A0];
	[tilespmem:s24+$0x56D0] =	vst v10;
	v10 =	vmul.f32 v34, v7;
	v8 =	vmul.f32 v8, v7  }
0xf2: {  	v43 =	vld [tilespmem:s24+$0x57B0];
	[tilespmem:s24+$0x56E0] =	vst v9;
	v9 =	vmul.f32 v35, v7;
	v7 =	vmul.f32 v38, v7  }
0xf3: {  	[tilespmem:s24+$0x5760] =	vst v8;
	v8 =	vld [tilespmem:s24+$0x57D0]  }
0xf4: {  	[tilespmem:s24+$0x5770] =	vst v7;
	v7 =	vld [tilespmem:s24+$0x57E0]  }
0xf5: {  	v44 =	vld [tilespmem:s24+$0x57C0];
	[tilespmem:s24+$0x5730] =	vst v11  }
0xf6: {  	v49 =	vld [tilespmem:s24+$0x5810];
	[tilespmem:s24+$0x5740] =	vst v10;
	v11 =	vmul.f32 v42, v6  }
0xf7: {  	v55 =	vld [tilespmem:s24+$0x5890];
	[tilespmem:s24+$0x5750] =	vst v9;
	v10 =	vmul.f32 v43, v6  }
0xf8: {  	v50 =	vld [tilespmem:s24+$0x5820];
	[tilespmem:s24+$0x57A0] =	vst v11;
	v8 =	vmul.f32 v8, v6  }
0xf9: {  	v51 =	vld [tilespmem:s24+$0x5830];
	[tilespmem:s24+$0x57B0] =	vst v10;
	v7 =	vmul.f32 v7, v6  }
0xfa: {  	v9 =	vmul.f32 v44, v6;
	v6 =	vmul.f32 v47, v6;
	[tilespmem:s24+$0x57D0] =	vst v8;
	v8 =	vld [tilespmem:s24+$0x5840]  }
0xfb: {  	[tilespmem:s24+$0x57E0] =	vst v7;
	v7 =	vld [tilespmem:s24+$0x5850]  }
0xfc: {  	v11 =	vmul.f32 v49, v5;
	[tilespmem:s24+$0x57F0] =	vst v6;
	v6 =	vld [tilespmem:s24+$0x5860]  }
0xfd: {  	v53 =	vld [tilespmem:s24+$0x5870];
	[tilespmem:s24+$0x57C0] =	vst v9;
	v10 =	vmul.f32 v50, v5  }
0xfe: {  	v54 =	vld [tilespmem:s24+$0x5880];
	v9 =	vmul.f32 v51, v5;
	[tilespmem:s24+$0x5810] =	vst v11  }
0xff: {  	v56 =	vld [tilespmem:s24+$0x58A0];
	[tilespmem:s24+$0x5820] =	vst v10;
	v8 =	vmul.f32 v8, v5  }
0x100: {  	v57 =	vld [tilespmem:s24+$0x58F0];
	[tilespmem:s24+$0x5830] =	vst v9;
	v7 =	vmul.f32 v7, v5  }
0x101: {  	v6 =	vmul.f32 v6, v5;
	[tilespmem:s24+$0x5840] =	vst v8;
	v8 =	vld [tilespmem:s24+$0x58B0]  }
0x102: {  	v5 =	vmul.f32 v53, v5;
	[tilespmem:s24+$0x5850] =	vst v7;
	v7 =	vld [tilespmem:s24+$0x58C0]  }
0x103: {  	v11 =	vmul.f32 v54, v4;
	[tilespmem:s24+$0x5860] =	vst v6;
	v6 =	vld [tilespmem:s24+$0x58D0]  }
0x104: {  	v10 =	vmul.f32 v55, v4;
	[tilespmem:s24+$0x5870] =	vst v5;
	v5 =	vld [tilespmem:s24+$0x58E0]  }
0x105: {  	v58 =	vld [tilespmem:s24+$0x5900];
	v9 =	vmul.f32 v56, v4;
	[tilespmem:s24+$0x5880] =	vst v11  }
0x106: {  	v59 =	vld [tilespmem:s24+$0x5910];
	[tilespmem:s24+$0x5890] =	vst v10;
	v8 =	vmul.f32 v8, v4  }
0x107: {  	v60 =	vld [tilespmem:s24+$0x5970];
	[tilespmem:s24+$0x58A0] =	vst v9;
	v7 =	vmul.f32 v7, v4  }
0x108: {  	v6 =	vmul.f32 v6, v4;
	[tilespmem:s24+$0x58B0] =	vst v8;
	v8 =	vld [tilespmem:s24+$0x5920]  }
0x109: {  	v5 =	vmul.f32 v5, v4;
	[tilespmem:s24+$0x58C0] =	vst v7;
	v7 =	vld [tilespmem:s24+$0x5930]  }
0x10a: {  	v4 =	vmul.f32 v57, v4;
	[tilespmem:s24+$0x58D0] =	vst v6;
	v6 =	vld [tilespmem:s24+$0x5940]  }
0x10b: {  	v10 =	vmul.f32 v58, v3;
	[tilespmem:s24+$0x58E0] =	vst v5;
	v5 =	vld [tilespmem:s24+$0x5950]  }
0x10c: {  	v9 =	vmul.f32 v59, v3;
	[tilespmem:s24+$0x58F0] =	vst v4;
	v4 =	vld [tilespmem:s24+$0x5960]  }
0x10d: {  	v61 =	vld [tilespmem:s24+$0x5980];
	[tilespmem:s24+$0x5900] =	vst v10;
	v8 =	vmul.f32 v8, v3  }
0x10e: {  	v62 =	vld [tilespmem:s24+$0x59F0];
	[tilespmem:s24+$0x5910] =	vst v9;
	v7 =	vmul.f32 v7, v3  }
0x10f: {  	v6 =	vmul.f32 v6, v3;
	[tilespmem:s24+$0x5920] =	vst v8;
	v8 =	vld [tilespmem:s24+$0x5990]  }
0x110: {  	v5 =	vmul.f32 v5, v3;
	[tilespmem:s24+$0x5930] =	vst v7;
	v7 =	vld [tilespmem:s24+$0x59A0]  }
0x111: {  	v4 =	vmul.f32 v4, v3;
	[tilespmem:s24+$0x5940] =	vst v6;
	v6 =	vld [tilespmem:s24+$0x59B0]  }
0x112: {  	v3 =	vmul.f32 v60, v3;
	[tilespmem:s24+$0x5950] =	vst v5;
	v5 =	vld [tilespmem:s24+$0x59C0]  }
0x113: {  	v9 =	vmul.f32 v61, v2;
	[tilespmem:s24+$0x5960] =	vst v4;
	v4 =	vld [tilespmem:s24+$0x59D0]  }
0x114: {  	[tilespmem:s24+$0x5970] =	vst v3;
	v3 =	vld [tilespmem:s24+$0x59E0];
	v8 =	vmul.f32 v8, v2  }
0x115: {  	v63 =	vld [tilespmem:s24+$0x5A50];
	[tilespmem:s24+$0x5980] =	vst v9;
	v7 =	vmul.f32 v7, v2  }
0x116: {  	v6 =	vmul.f32 v6, v2;
	[tilespmem:s24+$0x5990] =	vst v8;
	v8 =	vld [tilespmem:s24+$0x5A00]  }
0x117: {  	v5 =	vmul.f32 v5, v2;
	[tilespmem:s24+$0x59A0] =	vst v7;
	v7 =	vld [tilespmem:s24+$0x5A10]  }
0x118: {  	v4 =	vmul.f32 v4, v2;
	[tilespmem:s24+$0x59B0] =	vst v6  }
0x119: {  	v3 =	vmul.f32 v3, v2;
	v6 =	vld [tilespmem:s24+$0x5A20];
	[tilespmem:s24+$0x59C0] =	vst v5  }
0x11a: {  	v2 =	vmul.f32 v62, v2;
	v5 =	vld [tilespmem:s24+$0x5A30];
	[tilespmem:s24+$0x59D0] =	vst v4  }
0x11b: {  	v9 =	vmul.f32 v63, v1;
	v4 =	vld [tilespmem:s24+$0x5A40];
	[tilespmem:s24+$0x59E0] =	vst v3  }
0x11c: {  	[tilespmem:s24+$0x59F0] =	vst v2;
	v3 =	vmul.f32 v8, v1;
	v2 =	vmul.f32 v7, v1;
	v7 =	vld [tilespmem:s24+$0x5A70]  }
0x11d: {  	[tilespmem:s24+$0x5A50] =	vst v9;
	v8 =	vld [tilespmem:s24+$0x5A60]  }
0x11e: {  	[tilespmem:s24+$0x5A00] =	vst v3;
	v3 =	vmul.f32 v6, v1;
	v6 =	vld [tilespmem:s24+$0x5A80]  }
0x11f: {  	p0 =	por $0x0, $0x0;
	[tilespmem:s24+$0x5A10] =	vst v2;
	v2 =	vmul.f32 v5, v1;
	v5 =	vld [tilespmem:s24+$0x5A90]  }
.Ltmp15:
0x120: {  	v4 =	vmul.f32 v4, v1;
	[tilespmem:s24+$0x5A20] =	vst v3;
	v3 =	vld [tilespmem:s24+$0x5AA0];
	(pc) =	sbr.rel @p0 .LBB2_18-.Ltmp15, $4  }
0x121: {  	[tilespmem:s24+$0x5A30] =	vst v2;
	v2 =	vld [tilespmem:s24+$0x5AB0];
	v7 =	vmul.f32 v7, v1  }
0x122: {  	[tilespmem:s24+$0x5A40] =	vst v4;
	v4 =	vld [tilespmem:s24+$0x5AC0];
	v8 =	vmul.f32 v8, v1  }
0x123: {  	v1 =	vld [tilespmem:s24+$0x5AD0];
	[tilespmem:s24+$0x5A70] =	vst v7;
	v7 =	vmul.f32 v6, v0  }
0x124: {  	s25 =	simm.s32 $0x1;
	[tilespmem:s24+$0x5A60] =	vst v8;
	v6 =	vmul.f32 v5, v0;
	v5 =	vld [tilespmem:s24+$0x5AE0]  }
.LBB2_17:
0x125: {  	s3 =	sshll.u32 s25, $0xB;
	p0 =	seq.s32 s25, $0x4;
	[tilespmem:s24+$0x5A80] =	vst v7;
	v3 =	vmul.f32 v3, v0;
	v7 =	vld [tilespmem:s24+$0x5AF0]  }
0x126: {  	v14 =	vld [tilespmem:s3+$0x300];
	[tilespmem:s24+$0x5A90] =	vst v6;
	v2 =	vmul.f32 v2, v0  }
0x127: {  	v15 =	vld [tilespmem:s3+$0x380];
	[tilespmem:s24+$0x5AA0] =	vst v3;
	v3 =	vmul.f32 v4, v0  }
0x128: {  	v13 =	vld [tilespmem:s3+$0x400];
	[tilespmem:s24+$0x5AB0] =	vst v2;
	v1 =	vmul.f32 v1, v0  }
0x129: {  	v12 =	vld [tilespmem:s3+$0x480];
	[tilespmem:s24+$0x5AC0] =	vst v3;
	v2 =	vmul.f32 v5, v0  }
0x12a: {  	v11 =	vld [tilespmem:s3+$0x500];
	[tilespmem:s24+$0x5AD0] =	vst v1;
	v0 =	vmul.f32 v7, v0  }
0x12b: {  	v10 =	vld [tilespmem:s3+$0x580];
	[tilespmem:s24+$0x5AE0] =	vst v2  }
0x12c: {  	v9 =	vld [tilespmem:s3+$0x600];
	[tilespmem:s24+$0x5AF0] =	vst v0;
	s24 =	smov.u32 s3  }
0x12d: {  	v8 =	vld [tilespmem:s24+$0x680]  }
0x12e: {  	v7 =	vld [tilespmem:s24+$0x700]  }
0x12f: {  	v6 =	vld [tilespmem:s24+$0x780]  }
0x130: {  	v5 =	vld [tilespmem:s24+$0x800]  }
0x131: {  	v4 =	vld [tilespmem:s24+$0x880]  }
0x132: {  	v3 =	vld [tilespmem:s24+$0x900]  }
0x133: {  	v2 =	vld [tilespmem:s24+$0x980]  }
0x134: {  	v1 =	vld [tilespmem:s24+$0xA00]  }
0x135: {  	v0 =	vld [tilespmem:s24+$0xA80]  }
0x136: {  	v16 =	vld [tilespmem:s24+$0x5300]  }
0x137: {  	v17 =	vld [tilespmem:s24+$0x5310]  }
0x138: {  	v18 =	vld [tilespmem:s24+$0x5320]  }
0x139: {  	v19 =	vld [tilespmem:s24+$0x5330]  }
0x13a: {  	v20 =	vld [tilespmem:s24+$0x5340]  }
0x13b: {  	v16 =	vmul.f32 v16, v14;
	v21 =	vld [tilespmem:s24+$0x5350]  }
0x13c: {  	v17 =	vmul.f32 v17, v14;
	v22 =	vld [tilespmem:s24+$0x5360]  }
0x13d: {  	[tilespmem:s24+$0x5300] =	vst v16;
	v16 =	vmul.f32 v18, v14;
	v18 =	vld [tilespmem:s24+$0x5370]  }
0x13e: {  	[tilespmem:s24+$0x5310] =	vst v17;
	v17 =	vmul.f32 v19, v14;
	v19 =	vld [tilespmem:s24+$0x5380]  }
0x13f: {  	[tilespmem:s24+$0x5320] =	vst v16;
	v16 =	vmul.f32 v20, v14;
	v20 =	vld [tilespmem:s24+$0x5390]  }
0x140: {  	[tilespmem:s24+$0x5330] =	vst v17;
	v17 =	vmul.f32 v21, v14;
	v21 =	vld [tilespmem:s24+$0x53A0]  }
0x141: {  	[tilespmem:s24+$0x5340] =	vst v16;
	v16 =	vmul.f32 v22, v14;
	v22 =	vld [tilespmem:s24+$0x53B0]  }
0x142: {  	[tilespmem:s24+$0x5350] =	vst v17;
	v14 =	vmul.f32 v18, v14;
	v17 =	vld [tilespmem:s24+$0x53C0]  }
0x143: {  	[tilespmem:s24+$0x5360] =	vst v16;
	v16 =	vmul.f32 v19, v15;
	v18 =	vld [tilespmem:s24+$0x53D0]  }
0x144: {  	[tilespmem:s24+$0x5370] =	vst v14;
	v14 =	vmul.f32 v20, v15;
	v19 =	vld [tilespmem:s24+$0x53E0]  }
0x145: {  	[tilespmem:s24+$0x5380] =	vst v16;
	v16 =	vmul.f32 v21, v15;
	v20 =	vld [tilespmem:s24+$0x53F0]  }
0x146: {  	[tilespmem:s24+$0x5390] =	vst v14;
	v14 =	vmul.f32 v22, v15;
	v21 =	vld [tilespmem:s24+$0x5400]  }
0x147: {  	[tilespmem:s24+$0x53A0] =	vst v16;
	v16 =	vmul.f32 v17, v15;
	v17 =	vld [tilespmem:s24+$0x5410]  }
0x148: {  	[tilespmem:s24+$0x53B0] =	vst v14;
	v14 =	vmul.f32 v18, v15;
	v18 =	vld [tilespmem:s24+$0x5420]  }
0x149: {  	[tilespmem:s24+$0x53C0] =	vst v16;
	v16 =	vmul.f32 v19, v15;
	v19 =	vld [tilespmem:s24+$0x5430]  }
0x14a: {  	[tilespmem:s24+$0x53D0] =	vst v14;
	v14 =	vmul.f32 v20, v15;
	v15 =	vld [tilespmem:s24+$0x5440]  }
0x14b: {  	[tilespmem:s24+$0x53E0] =	vst v16;
	v16 =	vmul.f32 v21, v13;
	v20 =	vld [tilespmem:s24+$0x5450]  }
0x14c: {  	[tilespmem:s24+$0x53F0] =	vst v14;
	v14 =	vmul.f32 v17, v13;
	v17 =	vld [tilespmem:s24+$0x5460]  }
0x14d: {  	[tilespmem:s24+$0x5400] =	vst v16;
	v16 =	vmul.f32 v18, v13;
	v18 =	vld [tilespmem:s24+$0x5470]  }
0x14e: {  	[tilespmem:s24+$0x5410] =	vst v14;
	v14 =	vmul.f32 v19, v13;
	v19 =	vld [tilespmem:s24+$0x5480]  }
0x14f: {  	[tilespmem:s24+$0x5420] =	vst v16;
	v15 =	vmul.f32 v15, v13;
	v16 =	vld [tilespmem:s24+$0x5490]  }
0x150: {  	[tilespmem:s24+$0x5430] =	vst v14;
	v14 =	vmul.f32 v20, v13;
	v20 =	vld [tilespmem:s24+$0x54A0]  }
0x151: {  	[tilespmem:s24+$0x5440] =	vst v15;
	v15 =	vmul.f32 v17, v13;
	v17 =	vld [tilespmem:s24+$0x54B0]  }
0x152: {  	[tilespmem:s24+$0x5450] =	vst v14;
	v13 =	vmul.f32 v18, v13;
	v14 =	vld [tilespmem:s24+$0x54C0]  }
0x153: {  	[tilespmem:s24+$0x5460] =	vst v15;
	v15 =	vmul.f32 v19, v12;
	v18 =	vld [tilespmem:s24+$0x54D0]  }
0x154: {  	[tilespmem:s24+$0x5470] =	vst v13;
	v13 =	vmul.f32 v16, v12;
	v16 =	vld [tilespmem:s24+$0x54E0]  }
0x155: {  	[tilespmem:s24+$0x5480] =	vst v15;
	v15 =	vmul.f32 v20, v12;
	v19 =	vld [tilespmem:s24+$0x54F0]  }
0x156: {  	[tilespmem:s24+$0x5490] =	vst v13;
	v13 =	vmul.f32 v17, v12;
	v17 =	vld [tilespmem:s24+$0x5500]  }
0x157: {  	[tilespmem:s24+$0x54A0] =	vst v15;
	v14 =	vmul.f32 v14, v12;
	v15 =	vld [tilespmem:s24+$0x5510]  }
0x158: {  	[tilespmem:s24+$0x54B0] =	vst v13;
	v13 =	vmul.f32 v18, v12;
	v18 =	vld [tilespmem:s24+$0x5520]  }
0x159: {  	[tilespmem:s24+$0x54C0] =	vst v14;
	v14 =	vmul.f32 v16, v12;
	v16 =	vld [tilespmem:s24+$0x5530]  }
0x15a: {  	[tilespmem:s24+$0x54D0] =	vst v13;
	v12 =	vmul.f32 v19, v12;
	v13 =	vld [tilespmem:s24+$0x5540]  }
0x15b: {  	[tilespmem:s24+$0x54E0] =	vst v14;
	v14 =	vmul.f32 v17, v11;
	v17 =	vld [tilespmem:s24+$0x5550]  }
0x15c: {  	[tilespmem:s24+$0x54F0] =	vst v12;
	v12 =	vmul.f32 v15, v11;
	v15 =	vld [tilespmem:s24+$0x5560]  }
0x15d: {  	[tilespmem:s24+$0x5500] =	vst v14;
	v14 =	vmul.f32 v18, v11;
	v18 =	vld [tilespmem:s24+$0x5570]  }
0x15e: {  	[tilespmem:s24+$0x5510] =	vst v12;
	v12 =	vmul.f32 v16, v11;
	v16 =	vld [tilespmem:s24+$0x5580]  }
0x15f: {  	[tilespmem:s24+$0x5520] =	vst v14;
	v13 =	vmul.f32 v13, v11;
	v14 =	vld [tilespmem:s24+$0x5590]  }
0x160: {  	[tilespmem:s24+$0x5530] =	vst v12;
	v12 =	vmul.f32 v17, v11;
	v17 =	vld [tilespmem:s24+$0x55A0]  }
0x161: {  	[tilespmem:s24+$0x5540] =	vst v13;
	v13 =	vmul.f32 v15, v11;
	v15 =	vld [tilespmem:s24+$0x55B0]  }
0x162: {  	[tilespmem:s24+$0x5550] =	vst v12;
	v11 =	vmul.f32 v18, v11;
	v12 =	vld [tilespmem:s24+$0x55C0]  }
0x163: {  	[tilespmem:s24+$0x5560] =	vst v13;
	v13 =	vmul.f32 v16, v10;
	v16 =	vld [tilespmem:s24+$0x55D0]  }
0x164: {  	[tilespmem:s24+$0x5570] =	vst v11;
	v11 =	vmul.f32 v14, v10;
	v14 =	vld [tilespmem:s24+$0x55E0]  }
0x165: {  	[tilespmem:s24+$0x5580] =	vst v13;
	v13 =	vmul.f32 v17, v10;
	v17 =	vld [tilespmem:s24+$0x55F0]  }
0x166: {  	[tilespmem:s24+$0x5590] =	vst v11;
	v11 =	vmul.f32 v15, v10;
	v15 =	vld [tilespmem:s24+$0x5600]  }
0x167: {  	[tilespmem:s24+$0x55A0] =	vst v13;
	v12 =	vmul.f32 v12, v10;
	v13 =	vld [tilespmem:s24+$0x5610]  }
0x168: {  	[tilespmem:s24+$0x55B0] =	vst v11;
	v11 =	vmul.f32 v16, v10;
	v16 =	vld [tilespmem:s24+$0x5620]  }
0x169: {  	[tilespmem:s24+$0x55C0] =	vst v12;
	v12 =	vmul.f32 v14, v10;
	v14 =	vld [tilespmem:s24+$0x5630]  }
0x16a: {  	[tilespmem:s24+$0x55D0] =	vst v11;
	v10 =	vmul.f32 v17, v10;
	v11 =	vld [tilespmem:s24+$0x5640]  }
0x16b: {  	[tilespmem:s24+$0x55E0] =	vst v12;
	v12 =	vmul.f32 v15, v9;
	v15 =	vld [tilespmem:s24+$0x5650]  }
0x16c: {  	[tilespmem:s24+$0x55F0] =	vst v10;
	v10 =	vmul.f32 v13, v9;
	v13 =	vld [tilespmem:s24+$0x5660]  }
0x16d: {  	[tilespmem:s24+$0x5600] =	vst v12;
	v12 =	vmul.f32 v16, v9;
	v16 =	vld [tilespmem:s24+$0x5670]  }
0x16e: {  	[tilespmem:s24+$0x5610] =	vst v10;
	v10 =	vmul.f32 v14, v9;
	v14 =	vld [tilespmem:s24+$0x5680]  }
0x16f: {  	[tilespmem:s24+$0x5620] =	vst v12;
	v11 =	vmul.f32 v11, v9;
	v12 =	vld [tilespmem:s24+$0x5690]  }
0x170: {  	[tilespmem:s24+$0x5630] =	vst v10;
	v10 =	vmul.f32 v15, v9;
	v15 =	vld [tilespmem:s24+$0x56A0]  }
0x171: {  	[tilespmem:s24+$0x5640] =	vst v11;
	v11 =	vmul.f32 v13, v9;
	v13 =	vld [tilespmem:s24+$0x56B0]  }
0x172: {  	[tilespmem:s24+$0x5650] =	vst v10;
	v9 =	vmul.f32 v16, v9;
	v10 =	vld [tilespmem:s24+$0x56C0]  }
0x173: {  	[tilespmem:s24+$0x5660] =	vst v11;
	v11 =	vmul.f32 v14, v8;
	v14 =	vld [tilespmem:s24+$0x56D0]  }
0x174: {  	[tilespmem:s24+$0x5670] =	vst v9;
	v9 =	vmul.f32 v12, v8;
	v12 =	vld [tilespmem:s24+$0x56E0]  }
0x175: {  	[tilespmem:s24+$0x5680] =	vst v11;
	v11 =	vmul.f32 v15, v8;
	v15 =	vld [tilespmem:s24+$0x56F0]  }
0x176: {  	[tilespmem:s24+$0x5690] =	vst v9;
	v9 =	vmul.f32 v13, v8;
	v13 =	vld [tilespmem:s24+$0x5700]  }
0x177: {  	[tilespmem:s24+$0x56A0] =	vst v11;
	v10 =	vmul.f32 v10, v8;
	v11 =	vld [tilespmem:s24+$0x5710]  }
0x178: {  	[tilespmem:s24+$0x56B0] =	vst v9;
	v9 =	vmul.f32 v14, v8;
	v14 =	vld [tilespmem:s24+$0x5720]  }
0x179: {  	[tilespmem:s24+$0x56C0] =	vst v10;
	v10 =	vmul.f32 v12, v8;
	v12 =	vld [tilespmem:s24+$0x5730]  }
0x17a: {  	[tilespmem:s24+$0x56D0] =	vst v9;
	v8 =	vmul.f32 v15, v8;
	v9 =	vld [tilespmem:s24+$0x5740]  }
0x17b: {  	[tilespmem:s24+$0x56E0] =	vst v10;
	v10 =	vmul.f32 v13, v7;
	v13 =	vld [tilespmem:s24+$0x5750]  }
0x17c: {  	[tilespmem:s24+$0x56F0] =	vst v8;
	v8 =	vmul.f32 v11, v7;
	v11 =	vld [tilespmem:s24+$0x5760]  }
0x17d: {  	[tilespmem:s24+$0x5700] =	vst v10;
	v10 =	vmul.f32 v14, v7;
	v14 =	vld [tilespmem:s24+$0x5770]  }
0x17e: {  	[tilespmem:s24+$0x5710] =	vst v8;
	v8 =	vmul.f32 v12, v7;
	v12 =	vld [tilespmem:s24+$0x5780]  }
0x17f: {  	[tilespmem:s24+$0x5720] =	vst v10;
	v9 =	vmul.f32 v9, v7;
	v10 =	vld [tilespmem:s24+$0x5790]  }
0x180: {  	[tilespmem:s24+$0x5730] =	vst v8;
	v8 =	vmul.f32 v13, v7;
	v13 =	vld [tilespmem:s24+$0x57A0]  }
0x181: {  	[tilespmem:s24+$0x5740] =	vst v9;
	v9 =	vmul.f32 v11, v7;
	v11 =	vld [tilespmem:s24+$0x57B0]  }
0x182: {  	[tilespmem:s24+$0x5750] =	vst v8;
	v7 =	vmul.f32 v14, v7;
	v8 =	vld [tilespmem:s24+$0x57C0]  }
0x183: {  	[tilespmem:s24+$0x5760] =	vst v9;
	v9 =	vmul.f32 v12, v6;
	v12 =	vld [tilespmem:s24+$0x57D0]  }
0x184: {  	[tilespmem:s24+$0x5770] =	vst v7;
	v7 =	vmul.f32 v10, v6;
	v10 =	vld [tilespmem:s24+$0x57E0]  }
0x185: {  	[tilespmem:s24+$0x5780] =	vst v9;
	v9 =	vmul.f32 v13, v6;
	v13 =	vld [tilespmem:s24+$0x57F0]  }
0x186: {  	[tilespmem:s24+$0x5790] =	vst v7;
	v7 =	vmul.f32 v11, v6;
	v11 =	vld [tilespmem:s24+$0x5800]  }
0x187: {  	[tilespmem:s24+$0x57A0] =	vst v9;
	v8 =	vmul.f32 v8, v6;
	v9 =	vld [tilespmem:s24+$0x5810]  }
0x188: {  	[tilespmem:s24+$0x57B0] =	vst v7;
	v7 =	vmul.f32 v12, v6;
	v12 =	vld [tilespmem:s24+$0x5820]  }
0x189: {  	[tilespmem:s24+$0x57C0] =	vst v8;
	v8 =	vmul.f32 v10, v6;
	v10 =	vld [tilespmem:s24+$0x5830]  }
0x18a: {  	[tilespmem:s24+$0x57D0] =	vst v7;
	v6 =	vmul.f32 v13, v6;
	v7 =	vld [tilespmem:s24+$0x5840]  }
0x18b: {  	[tilespmem:s24+$0x57E0] =	vst v8;
	v8 =	vmul.f32 v11, v5;
	v11 =	vld [tilespmem:s24+$0x5850]  }
0x18c: {  	[tilespmem:s24+$0x57F0] =	vst v6;
	v6 =	vmul.f32 v9, v5;
	v9 =	vld [tilespmem:s24+$0x5860]  }
0x18d: {  	[tilespmem:s24+$0x5800] =	vst v8;
	v8 =	vmul.f32 v12, v5;
	v12 =	vld [tilespmem:s24+$0x5870]  }
0x18e: {  	[tilespmem:s24+$0x5810] =	vst v6;
	v6 =	vmul.f32 v10, v5;
	v10 =	vld [tilespmem:s24+$0x5880]  }
0x18f: {  	[tilespmem:s24+$0x5820] =	vst v8;
	v7 =	vmul.f32 v7, v5;
	v8 =	vld [tilespmem:s24+$0x5890]  }
0x190: {  	[tilespmem:s24+$0x5830] =	vst v6;
	v6 =	vmul.f32 v11, v5;
	v11 =	vld [tilespmem:s24+$0x58A0]  }
0x191: {  	[tilespmem:s24+$0x5840] =	vst v7;
	v7 =	vmul.f32 v9, v5;
	v9 =	vld [tilespmem:s24+$0x58B0]  }
0x192: {  	[tilespmem:s24+$0x5850] =	vst v6;
	v5 =	vmul.f32 v12, v5;
	v6 =	vld [tilespmem:s24+$0x58C0]  }
0x193: {  	[tilespmem:s24+$0x5860] =	vst v7;
	v7 =	vmul.f32 v10, v4;
	v10 =	vld [tilespmem:s24+$0x58D0]  }
0x194: {  	[tilespmem:s24+$0x5870] =	vst v5;
	v5 =	vmul.f32 v8, v4;
	v8 =	vld [tilespmem:s24+$0x58E0]  }
0x195: {  	[tilespmem:s24+$0x5880] =	vst v7;
	v7 =	vmul.f32 v11, v4;
	v11 =	vld [tilespmem:s24+$0x58F0]  }
0x196: {  	[tilespmem:s24+$0x5890] =	vst v5;
	v5 =	vmul.f32 v9, v4;
	v9 =	vld [tilespmem:s24+$0x5900]  }
0x197: {  	[tilespmem:s24+$0x58A0] =	vst v7;
	v6 =	vmul.f32 v6, v4;
	v7 =	vld [tilespmem:s24+$0x5910]  }
0x198: {  	[tilespmem:s24+$0x58B0] =	vst v5;
	v5 =	vmul.f32 v10, v4;
	v10 =	vld [tilespmem:s24+$0x5920]  }
0x199: {  	[tilespmem:s24+$0x58C0] =	vst v6;
	v6 =	vmul.f32 v8, v4;
	v8 =	vld [tilespmem:s24+$0x5930]  }
0x19a: {  	[tilespmem:s24+$0x58D0] =	vst v5;
	v4 =	vmul.f32 v11, v4;
	v5 =	vld [tilespmem:s24+$0x5940]  }
0x19b: {  	[tilespmem:s24+$0x58E0] =	vst v6;
	v6 =	vmul.f32 v9, v3;
	v9 =	vld [tilespmem:s24+$0x5950]  }
0x19c: {  	[tilespmem:s24+$0x58F0] =	vst v4;
	v4 =	vmul.f32 v7, v3;
	v7 =	vld [tilespmem:s24+$0x5960]  }
0x19d: {  	[tilespmem:s24+$0x5900] =	vst v6;
	v6 =	vmul.f32 v10, v3;
	v10 =	vld [tilespmem:s24+$0x5970]  }
0x19e: {  	[tilespmem:s24+$0x5910] =	vst v4;
	v4 =	vmul.f32 v8, v3;
	v8 =	vld [tilespmem:s24+$0x5980]  }
0x19f: {  	[tilespmem:s24+$0x5920] =	vst v6;
	v5 =	vmul.f32 v5, v3;
	v6 =	vld [tilespmem:s24+$0x5990]  }
0x1a0: {  	[tilespmem:s24+$0x5930] =	vst v4;
	v4 =	vmul.f32 v9, v3;
	v9 =	vld [tilespmem:s24+$0x59A0]  }
0x1a1: {  	[tilespmem:s24+$0x5940] =	vst v5;
	v5 =	vmul.f32 v7, v3;
	v7 =	vld [tilespmem:s24+$0x59B0]  }
0x1a2: {  	[tilespmem:s24+$0x5950] =	vst v4;
	v3 =	vmul.f32 v10, v3;
	v4 =	vld [tilespmem:s24+$0x59C0]  }
0x1a3: {  	[tilespmem:s24+$0x5960] =	vst v5;
	v5 =	vmul.f32 v8, v2;
	v8 =	vld [tilespmem:s24+$0x59D0]  }
0x1a4: {  	[tilespmem:s24+$0x5970] =	vst v3;
	v3 =	vmul.f32 v6, v2;
	v6 =	vld [tilespmem:s24+$0x59E0]  }
0x1a5: {  	[tilespmem:s24+$0x5980] =	vst v5;
	v5 =	vmul.f32 v9, v2;
	v9 =	vld [tilespmem:s24+$0x59F0]  }
0x1a6: {  	[tilespmem:s24+$0x5990] =	vst v3;
	v3 =	vmul.f32 v7, v2;
	v7 =	vld [tilespmem:s24+$0x5A00]  }
0x1a7: {  	[tilespmem:s24+$0x59A0] =	vst v5;
	v4 =	vmul.f32 v4, v2;
	v5 =	vld [tilespmem:s24+$0x5A10]  }
0x1a8: {  	[tilespmem:s24+$0x59B0] =	vst v3;
	v3 =	vmul.f32 v8, v2;
	v8 =	vld [tilespmem:s24+$0x5A20]  }
0x1a9: {  	[tilespmem:s24+$0x59C0] =	vst v4;
	v4 =	vmul.f32 v6, v2;
	v6 =	vld [tilespmem:s24+$0x5A30]  }
0x1aa: {  	[tilespmem:s24+$0x59D0] =	vst v3;
	v2 =	vmul.f32 v9, v2;
	v3 =	vld [tilespmem:s24+$0x5A40]  }
0x1ab: {  	[tilespmem:s24+$0x59E0] =	vst v4;
	v4 =	vmul.f32 v7, v1;
	v7 =	vld [tilespmem:s24+$0x5A50]  }
0x1ac: {  	[tilespmem:s24+$0x59F0] =	vst v2;
	v2 =	vmul.f32 v5, v1;
	v5 =	vld [tilespmem:s24+$0x5A60]  }
0x1ad: {  	[tilespmem:s24+$0x5A00] =	vst v4;
	v4 =	vmul.f32 v8, v1;
	v8 =	vld [tilespmem:s24+$0x5A70]  }
0x1ae: {  	[tilespmem:s24+$0x5A10] =	vst v2;
	v2 =	vmul.f32 v6, v1;
	v6 =	vld [tilespmem:s24+$0x5A80]  }
0x1af: {  	[tilespmem:s24+$0x5A20] =	vst v4;
	v4 =	vmul.f32 v3, v1;
	v9 =	vld [tilespmem:s24+$0x5A90]  }
.Ltmp16:
0x1b0: {  	[tilespmem:s24+$0x5A30] =	vst v2;
	v7 =	vmul.f32 v7, v1;
	v3 =	vld [tilespmem:s24+$0x5AA0];
	(pc) =	sbr.rel @!p0 .LBB2_17-.Ltmp16, $4  }
0x1b1: {  	[tilespmem:s24+$0x5A40] =	vst v4;
	v5 =	vmul.f32 v5, v1;
	v2 =	vld [tilespmem:s24+$0x5AB0]  }
0x1b2: {  	[tilespmem:s24+$0x5A50] =	vst v7;
	v8 =	vmul.f32 v8, v1;
	v4 =	vld [tilespmem:s24+$0x5AC0]  }
0x1b3: {  	[tilespmem:s24+$0x5A60] =	vst v5;
	v7 =	vmul.f32 v6, v0;
	v1 =	vld [tilespmem:s24+$0x5AD0]  }
0x1b4: {  	s25 =	sadd.s32 $0x1, s25;
	[tilespmem:s24+$0x5A70] =	vst v8;
	v6 =	vmul.f32 v9, v0;
	v5 =	vld [tilespmem:s24+$0x5AE0]  }
.LBB2_18:
0x1b5: {  	[tilespmem:s24+$0x5A80] =	vst v7;
	v3 =	vmul.f32 v3, v0;
	v60 =	vld [tilespmem:s24+$0x5AF0]  }
0x1b6: {  	[tilespmem:s24+$0x5A90] =	vst v6;
	v2 =	vmul.f32 v2, v0  }
0x1b7: {  	[tilespmem:s24+$0x5AA0] =	vst v3;
	v61 =	vmul.f32 v4, v0  }
.Ltmp17:
0x1b8: {  	[tilespmem:s24+$0x5AB0] =	vst v2;
	v1 =	vmul.f32 v1, v0;
	(pc) =	sbr.rel .LBB2_22-.Ltmp17, $4  }
0x1b9: {  	[tilespmem:s24+$0x5AC0] =	vst v61;
	v62 =	vmul.f32 v5, v0  }
0x1ba: {  	[tilespmem:s24+$0x5AD0] =	vst v1;
	v63 =	vmul.f32 v60, v0  }
0x1bb: {  	[tilespmem:s24+$0x5AE0] =	vst v62  }
0x1bc: {  	p0 =	por $0x1, $0x1;
	[tilespmem:s24+$0x5AF0] =	vst v63  }
.LBB2_19:
0x1bd: {  	s24 =	simm.s32 $0x0  }
0x1be: {  	v12 =	vld [tilespmem:s24+$0x2B00]  }
0x1bf: {  	v13 =	vld [tilespmem:s24+$0x2B80]  }
0x1c0: {  	v14 =	vld [tilespmem:s24+$0x2C00]  }
0x1c1: {  	v15 =	vld [tilespmem:s24+$0x2C80]  }
0x1c2: {  	v11 =	vld [tilespmem:s24+$0x2D00]  }
0x1c3: {  	v10 =	vld [tilespmem:s24+$0x2D80]  }
0x1c4: {  	v9 =	vld [tilespmem:s24+$0x2E00]  }
0x1c5: {  	v8 =	vld [tilespmem:s24+$0x2E80]  }
0x1c6: {  	v7 =	vld [tilespmem:s24+$0x2F00]  }
0x1c7: {  	v6 =	vld [tilespmem:s24+$0x2F80]  }
0x1c8: {  	v5 =	vld [tilespmem:s24+$0x3000]  }
0x1c9: {  	v16 =	vld [tilespmem:s24+$0x7B00]  }
0x1ca: {  	v17 =	vld [tilespmem:s24+$0x7B10]  }
0x1cb: {  	v18 =	vld [tilespmem:s24+$0x7B20]  }
0x1cc: {  	v19 =	vld [tilespmem:s24+$0x7B30]  }
0x1cd: {  	v20 =	vld [tilespmem:s24+$0x7B40]  }
0x1ce: {  	v21 =	vld [tilespmem:s24+$0x7B50]  }
0x1cf: {  	v22 =	vld [tilespmem:s24+$0x7B60]  }
0x1d0: {  	v47 =	vld [tilespmem:s24+$0x7B70]  }
0x1d1: {  	v48 =	vld [tilespmem:s24+$0x7B80]  }
0x1d2: {  	v49 =	vld [tilespmem:s24+$0x7B90]  }
0x1d3: {  	v50 =	vld [tilespmem:s24+$0x7BA0]  }
0x1d4: {  	v51 =	vld [tilespmem:s24+$0x7BB0];
	v16 =	vmul.f32 v16, v12  }
0x1d5: {  	v52 =	vld [tilespmem:s24+$0x7BC0];
	v17 =	vmul.f32 v17, v12  }
0x1d6: {  	v53 =	vld [tilespmem:s24+$0x7BD0];
	v18 =	vmul.f32 v18, v12;
	[tilespmem:s24+$0x7B00] =	vst v16  }
0x1d7: {  	v56 =	vld [tilespmem:s24+$0x7C00];
	v19 =	vmul.f32 v19, v12;
	[tilespmem:s24+$0x7B10] =	vst v17  }
0x1d8: {  	v57 =	vld [tilespmem:s24+$0x7C10];
	v20 =	vmul.f32 v20, v12;
	[tilespmem:s24+$0x7B20] =	vst v18  }
0x1d9: {  	v58 =	vld [tilespmem:s24+$0x7C20];
	v21 =	vmul.f32 v21, v12;
	[tilespmem:s24+$0x7B30] =	vst v19  }
0x1da: {  	v59 =	vld [tilespmem:s24+$0x7C30];
	v22 =	vmul.f32 v22, v12;
	[tilespmem:s24+$0x7B40] =	vst v20  }
0x1db: {  	v27 =	vld [tilespmem:s24+$0x7C80];
	v12 =	vmul.f32 v47, v12;
	[tilespmem:s24+$0x7B50] =	vst v21  }
0x1dc: {  	v29 =	vld [tilespmem:s24+$0x7C90];
	v62 =	vmul.f32 v56, v14;
	[tilespmem:s24+$0x7B60] =	vst v22  }
0x1dd: {  	v30 =	vld [tilespmem:s24+$0x7CA0];
	v24 =	vmul.f32 v57, v14;
	[tilespmem:s24+$0x7B70] =	vst v12  }
0x1de: {  	v39 =	vld [tilespmem:s24+$0x7D00];
	v26 =	vmul.f32 v58, v14;
	[tilespmem:s24+$0x7C00] =	vst v62  }
0x1df: {  	v40 =	vld [tilespmem:s24+$0x7D10];
	v28 =	vmul.f32 v59, v14;
	[tilespmem:s24+$0x7C10] =	vst v24  }
0x1e0: {  	v54 =	vld [tilespmem:s24+$0x7BE0];
	v34 =	vmul.f32 v27, v15;
	[tilespmem:s24+$0x7C20] =	vst v26  }
0x1e1: {  	v55 =	vld [tilespmem:s24+$0x7BF0];
	v36 =	vmul.f32 v29, v15;
	[tilespmem:s24+$0x7C30] =	vst v28  }
0x1e2: {  	v60 =	vld [tilespmem:s24+$0x7C40];
	v38 =	vmul.f32 v30, v15;
	[tilespmem:s24+$0x7C80] =	vst v34  }
0x1e3: {  	v61 =	vld [tilespmem:s24+$0x7C50];
	v45 =	vmul.f32 v39, v11;
	[tilespmem:s24+$0x7C90] =	vst v36  }
0x1e4: {  	v63 =	vld [tilespmem:s24+$0x7C60];
	v47 =	vmul.f32 v40, v11;
	[tilespmem:s24+$0x7CA0] =	vst v38  }
0x1e5: {  	v25 =	vld [tilespmem:s24+$0x7C70];
	v17 =	vmul.f32 v48, v13;
	[tilespmem:s24+$0x7D00] =	vst v45  }
0x1e6: {  	v31 =	vld [tilespmem:s24+$0x7CB0];
	v18 =	vmul.f32 v49, v13;
	[tilespmem:s24+$0x7D10] =	vst v47  }
0x1e7: {  	v32 =	vld [tilespmem:s24+$0x7CC0];
	v19 =	vmul.f32 v50, v13;
	[tilespmem:s24+$0x7B80] =	vst v17  }
0x1e8: {  	v33 =	vld [tilespmem:s24+$0x7CD0];
	v20 =	vmul.f32 v51, v13;
	[tilespmem:s24+$0x7B90] =	vst v18  }
0x1e9: {  	v35 =	vld [tilespmem:s24+$0x7CE0];
	v21 =	vmul.f32 v52, v13;
	[tilespmem:s24+$0x7BA0] =	vst v19  }
0x1ea: {  	v37 =	vld [tilespmem:s24+$0x7CF0];
	v16 =	vmul.f32 v53, v13;
	[tilespmem:s24+$0x7BB0] =	vst v20  }
0x1eb: {  	v41 =	vld [tilespmem:s24+$0x7D20];
	v12 =	vmul.f32 v54, v13;
	[tilespmem:s24+$0x7BC0] =	vst v21  }
0x1ec: {  	v30 =	vld [tilespmem:s24+$0x7F00];
	v13 =	vmul.f32 v55, v13;
	[tilespmem:s24+$0x7BD0] =	vst v16  }
0x1ed: {  	v40 =	vld [tilespmem:s24+$0x7F80];
	[tilespmem:s24+$0x7BE0] =	vst v12;
	v16 =	vmul.f32 v60, v14  }
0x1ee: {  	v42 =	vld [tilespmem:s24+$0x7D30];
	[tilespmem:s24+$0x7BF0] =	vst v13;
	v12 =	vmul.f32 v61, v14  }
0x1ef: {  	v43 =	vld [tilespmem:s24+$0x7D40];
	v13 =	vmul.f32 v63, v14;
	[tilespmem:s24+$0x7C40] =	vst v16  }
0x1f0: {  	v44 =	vld [tilespmem:s24+$0x7D50];
	v14 =	vmul.f32 v25, v14;
	[tilespmem:s24+$0x7C50] =	vst v12  }
0x1f1: {  	v46 =	vld [tilespmem:s24+$0x7D60];
	v36 =	vmul.f32 v30, v7;
	[tilespmem:s24+$0x7C60] =	vst v13  }
0x1f2: {  	v23 =	vld [tilespmem:s24+$0x7E90];
	v45 =	vmul.f32 v40, v6;
	[tilespmem:s24+$0x7C70] =	vst v14  }
0x1f3: {  	v49 =	vld [tilespmem:s24+$0x7D80];
	v16 =	vmul.f32 v31, v15;
	[tilespmem:s24+$0x7F00] =	vst v36  }
0x1f4: {  	v56 =	vld [tilespmem:s24+$0x7DE0];
	v12 =	vmul.f32 v32, v15;
	[tilespmem:s24+$0x7F80] =	vst v45  }
0x1f5: {  	v57 =	vld [tilespmem:s24+$0x7DF0];
	v13 =	vmul.f32 v33, v15;
	[tilespmem:s24+$0x7CB0] =	vst v16  }
0x1f6: {  	v58 =	vld [tilespmem:s24+$0x7E00];
	v14 =	vmul.f32 v35, v15;
	[tilespmem:s24+$0x7CC0] =	vst v12  }
0x1f7: {  	v59 =	vld [tilespmem:s24+$0x7E10];
	v15 =	vmul.f32 v37, v15;
	[tilespmem:s24+$0x7CD0] =	vst v13  }
0x1f8: {  	v27 =	vld [tilespmem:s24+$0x7ED0];
	v55 =	vmul.f32 v49, v10;
	[tilespmem:s24+$0x7CE0] =	vst v14  }
0x1f9: {  	v48 =	vld [tilespmem:s24+$0x7D70];
	[tilespmem:s24+$0x7CF0] =	vst v15;
	v16 =	vmul.f32 v41, v11  }
0x1fa: {  	v50 =	vld [tilespmem:s24+$0x7D90];
	v12 =	vmul.f32 v42, v11;
	[tilespmem:s24+$0x7D80] =	vst v55  }
0x1fb: {  	v51 =	vld [tilespmem:s24+$0x7DA0];
	v13 =	vmul.f32 v43, v11;
	[tilespmem:s24+$0x7D20] =	vst v16  }
0x1fc: {  	v52 =	vld [tilespmem:s24+$0x7DB0];
	v14 =	vmul.f32 v44, v11;
	[tilespmem:s24+$0x7D30] =	vst v12  }
0x1fd: {  	v53 =	vld [tilespmem:s24+$0x7DC0];
	v15 =	vmul.f32 v46, v11;
	[tilespmem:s24+$0x7D40] =	vst v13  }
0x1fe: {  	v54 =	vld [tilespmem:s24+$0x7DD0];
	v11 =	vmul.f32 v48, v11;
	[tilespmem:s24+$0x7D50] =	vst v14  }
0x1ff: {  	v29 =	vld [tilespmem:s24+$0x7EF0];
	[tilespmem:s24+$0x7D60] =	vst v15;
	v16 =	vmul.f32 v50, v10  }
0x200: {  	v62 =	vld [tilespmem:s24+$0x7E40];
	[tilespmem:s24+$0x7D70] =	vst v11;
	v12 =	vmul.f32 v51, v10  }
0x201: {  	v31 =	vld [tilespmem:s24+$0x7F10];
	v13 =	vmul.f32 v52, v10;
	[tilespmem:s24+$0x7D90] =	vst v16  }
0x202: {  	v32 =	vld [tilespmem:s24+$0x7F20];
	v14 =	vmul.f32 v53, v10;
	[tilespmem:s24+$0x7DA0] =	vst v12  }
0x203: {  	v22 =	vld [tilespmem:s24+$0x7E80];
	v15 =	vmul.f32 v54, v10;
	[tilespmem:s24+$0x7DB0] =	vst v13  }
0x204: {  	v60 =	vld [tilespmem:s24+$0x7E20];
	v11 =	vmul.f32 v56, v10;
	[tilespmem:s24+$0x7DC0] =	vst v14  }
0x205: {  	v61 =	vld [tilespmem:s24+$0x7E30];
	v10 =	vmul.f32 v57, v10;
	[tilespmem:s24+$0x7DD0] =	vst v15  }
0x206: {  	v63 =	vld [tilespmem:s24+$0x7E50];
	v37 =	vmul.f32 v31, v7;
	[tilespmem:s24+$0x7DE0] =	vst v11  }
0x207: {  	v20 =	vld [tilespmem:s24+$0x7E60];
	v39 =	vmul.f32 v32, v7;
	[tilespmem:s24+$0x7DF0] =	vst v10  }
0x208: {  	v21 =	vld [tilespmem:s24+$0x7E70];
	v16 =	vmul.f32 v58, v9;
	[tilespmem:s24+$0x7F10] =	vst v37  }
0x209: {  	v41 =	vld [tilespmem:s24+$0x7F90];
	v12 =	vmul.f32 v59, v9;
	[tilespmem:s24+$0x7F20] =	vst v39  }
0x20a: {  	v48 =	vld [tilespmem:s24+$0x8000];
	v13 =	vmul.f32 v60, v9;
	[tilespmem:s24+$0x7E00] =	vst v16  }
0x20b: {  	v24 =	vld [tilespmem:s24+$0x7EA0];
	v14 =	vmul.f32 v61, v9;
	[tilespmem:s24+$0x7E10] =	vst v12  }
0x20c: {  	v25 =	vld [tilespmem:s24+$0x7EB0];
	v15 =	vmul.f32 v62, v9;
	[tilespmem:s24+$0x7E20] =	vst v13  }
0x20d: {  	v26 =	vld [tilespmem:s24+$0x7EC0];
	v11 =	vmul.f32 v63, v9;
	[tilespmem:s24+$0x7E30] =	vst v14  }
0x20e: {  	v28 =	vld [tilespmem:s24+$0x7EE0];
	v10 =	vmul.f32 v20, v9;
	v9 =	vmul.f32 v21, v9;
	[tilespmem:s24+$0x7E40] =	vst v15  }
0x20f: {  	v4 =	vld [tilespmem:s24+$0x3080];
	v46 =	vmul.f32 v41, v6;
	v52 =	vmul.f32 v48, v5;
	[tilespmem:s24+$0x7E50] =	vst v11  }
0x210: {  	v3 =	vld [tilespmem:s24+$0x3100];
	[tilespmem:s24+$0x7E60] =	vst v10;
	v12 =	vmul.f32 v22, v8;
	v13 =	vmul.f32 v23, v8  }
0x211: {  	v2 =	vld [tilespmem:s24+$0x3180];
	[tilespmem:s24+$0x7E70] =	vst v9;
	v14 =	vmul.f32 v24, v8;
	v15 =	vmul.f32 v25, v8  }
0x212: {  	v34 =	vld [tilespmem:s24+$0x7F40];
	v11 =	vmul.f32 v26, v8;
	v10 =	vmul.f32 v27, v8;
	[tilespmem:s24+$0x7F90] =	vst v46  }
0x213: {  	v38 =	vld [tilespmem:s24+$0x7F70];
	v9 =	vmul.f32 v28, v8;
	v8 =	vmul.f32 v29, v8;
	[tilespmem:s24+$0x8000] =	vst v52  }
0x214: {  	v33 =	vld [tilespmem:s24+$0x7F30];
	[tilespmem:s24+$0x7E80] =	vst v12  }
0x215: {  	[tilespmem:s24+$0x7EF0] =	vst v8;
	v8 =	vld [tilespmem:s24+$0x7F60]  }
0x216: {  	v35 =	vld [tilespmem:s24+$0x7F50];
	[tilespmem:s24+$0x7E90] =	vst v13  }
0x217: {  	v1 =	vld [tilespmem:s24+$0x3200];
	[tilespmem:s24+$0x7EA0] =	vst v14  }
0x218: {  	v0 =	vld [tilespmem:s24+$0x3280];
	[tilespmem:s24+$0x7EB0] =	vst v15  }
0x219: {  	v47 =	vld [tilespmem:s24+$0x7FF0];
	[tilespmem:s24+$0x7EC0] =	vst v11;
	v11 =	vmul.f32 v33, v7  }
0x21a: {  	v42 =	vld [tilespmem:s24+$0x7FA0];
	[tilespmem:s24+$0x7ED0] =	vst v10;
	v10 =	vmul.f32 v34, v7;
	v8 =	vmul.f32 v8, v7  }
0x21b: {  	v43 =	vld [tilespmem:s24+$0x7FB0];
	[tilespmem:s24+$0x7EE0] =	vst v9;
	v9 =	vmul.f32 v35, v7;
	v7 =	vmul.f32 v38, v7  }
0x21c: {  	[tilespmem:s24+$0x7F60] =	vst v8;
	v8 =	vld [tilespmem:s24+$0x7FD0]  }
0x21d: {  	[tilespmem:s24+$0x7F70] =	vst v7;
	v7 =	vld [tilespmem:s24+$0x7FE0]  }
0x21e: {  	v44 =	vld [tilespmem:s24+$0x7FC0];
	[tilespmem:s24+$0x7F30] =	vst v11  }
0x21f: {  	v49 =	vld [tilespmem:s24+$0x8010];
	[tilespmem:s24+$0x7F40] =	vst v10;
	v11 =	vmul.f32 v42, v6  }
0x220: {  	v55 =	vld [tilespmem:s24+$0x8090];
	[tilespmem:s24+$0x7F50] =	vst v9;
	v10 =	vmul.f32 v43, v6  }
0x221: {  	v50 =	vld [tilespmem:s24+$0x8020];
	[tilespmem:s24+$0x7FA0] =	vst v11;
	v8 =	vmul.f32 v8, v6  }
0x222: {  	v51 =	vld [tilespmem:s24+$0x8030];
	[tilespmem:s24+$0x7FB0] =	vst v10;
	v7 =	vmul.f32 v7, v6  }
0x223: {  	v9 =	vmul.f32 v44, v6;
	v6 =	vmul.f32 v47, v6;
	[tilespmem:s24+$0x7FD0] =	vst v8;
	v8 =	vld [tilespmem:s24+$0x8040]  }
0x224: {  	[tilespmem:s24+$0x7FE0] =	vst v7;
	v7 =	vld [tilespmem:s24+$0x8050]  }
0x225: {  	v11 =	vmul.f32 v49, v5;
	[tilespmem:s24+$0x7FF0] =	vst v6;
	v6 =	vld [tilespmem:s24+$0x8060]  }
0x226: {  	v53 =	vld [tilespmem:s24+$0x8070];
	[tilespmem:s24+$0x7FC0] =	vst v9;
	v10 =	vmul.f32 v50, v5  }
0x227: {  	v54 =	vld [tilespmem:s24+$0x8080];
	v9 =	vmul.f32 v51, v5;
	[tilespmem:s24+$0x8010] =	vst v11  }
0x228: {  	v56 =	vld [tilespmem:s24+$0x80A0];
	[tilespmem:s24+$0x8020] =	vst v10;
	v8 =	vmul.f32 v8, v5  }
0x229: {  	v57 =	vld [tilespmem:s24+$0x80F0];
	[tilespmem:s24+$0x8030] =	vst v9;
	v7 =	vmul.f32 v7, v5  }
0x22a: {  	v6 =	vmul.f32 v6, v5;
	[tilespmem:s24+$0x8040] =	vst v8;
	v8 =	vld [tilespmem:s24+$0x80B0]  }
0x22b: {  	v5 =	vmul.f32 v53, v5;
	[tilespmem:s24+$0x8050] =	vst v7;
	v7 =	vld [tilespmem:s24+$0x80C0]  }
0x22c: {  	v11 =	vmul.f32 v54, v4;
	[tilespmem:s24+$0x8060] =	vst v6;
	v6 =	vld [tilespmem:s24+$0x80D0]  }
0x22d: {  	v10 =	vmul.f32 v55, v4;
	[tilespmem:s24+$0x8070] =	vst v5;
	v5 =	vld [tilespmem:s24+$0x80E0]  }
0x22e: {  	v58 =	vld [tilespmem:s24+$0x8100];
	v9 =	vmul.f32 v56, v4;
	[tilespmem:s24+$0x8080] =	vst v11  }
0x22f: {  	v59 =	vld [tilespmem:s24+$0x8110];
	[tilespmem:s24+$0x8090] =	vst v10;
	v8 =	vmul.f32 v8, v4  }
0x230: {  	v60 =	vld [tilespmem:s24+$0x8170];
	[tilespmem:s24+$0x80A0] =	vst v9;
	v7 =	vmul.f32 v7, v4  }
0x231: {  	v6 =	vmul.f32 v6, v4;
	[tilespmem:s24+$0x80B0] =	vst v8;
	v8 =	vld [tilespmem:s24+$0x8120]  }
0x232: {  	v5 =	vmul.f32 v5, v4;
	[tilespmem:s24+$0x80C0] =	vst v7;
	v7 =	vld [tilespmem:s24+$0x8130]  }
0x233: {  	v4 =	vmul.f32 v57, v4;
	[tilespmem:s24+$0x80D0] =	vst v6;
	v6 =	vld [tilespmem:s24+$0x8140]  }
0x234: {  	v10 =	vmul.f32 v58, v3;
	[tilespmem:s24+$0x80E0] =	vst v5;
	v5 =	vld [tilespmem:s24+$0x8150]  }
0x235: {  	v9 =	vmul.f32 v59, v3;
	[tilespmem:s24+$0x80F0] =	vst v4;
	v4 =	vld [tilespmem:s24+$0x8160]  }
0x236: {  	v61 =	vld [tilespmem:s24+$0x8180];
	[tilespmem:s24+$0x8100] =	vst v10;
	v8 =	vmul.f32 v8, v3  }
0x237: {  	v62 =	vld [tilespmem:s24+$0x81F0];
	[tilespmem:s24+$0x8110] =	vst v9;
	v7 =	vmul.f32 v7, v3  }
0x238: {  	v6 =	vmul.f32 v6, v3;
	[tilespmem:s24+$0x8120] =	vst v8;
	v8 =	vld [tilespmem:s24+$0x8190]  }
0x239: {  	v5 =	vmul.f32 v5, v3;
	[tilespmem:s24+$0x8130] =	vst v7;
	v7 =	vld [tilespmem:s24+$0x81A0]  }
0x23a: {  	v4 =	vmul.f32 v4, v3;
	[tilespmem:s24+$0x8140] =	vst v6;
	v6 =	vld [tilespmem:s24+$0x81B0]  }
0x23b: {  	v3 =	vmul.f32 v60, v3;
	[tilespmem:s24+$0x8150] =	vst v5;
	v5 =	vld [tilespmem:s24+$0x81C0]  }
0x23c: {  	v9 =	vmul.f32 v61, v2;
	[tilespmem:s24+$0x8160] =	vst v4;
	v4 =	vld [tilespmem:s24+$0x81D0]  }
0x23d: {  	[tilespmem:s24+$0x8170] =	vst v3;
	v3 =	vld [tilespmem:s24+$0x81E0];
	v8 =	vmul.f32 v8, v2  }
0x23e: {  	v63 =	vld [tilespmem:s24+$0x8250];
	[tilespmem:s24+$0x8180] =	vst v9;
	v7 =	vmul.f32 v7, v2  }
0x23f: {  	v6 =	vmul.f32 v6, v2;
	[tilespmem:s24+$0x8190] =	vst v8;
	v8 =	vld [tilespmem:s24+$0x8200]  }
0x240: {  	v5 =	vmul.f32 v5, v2;
	[tilespmem:s24+$0x81A0] =	vst v7;
	v7 =	vld [tilespmem:s24+$0x8210]  }
0x241: {  	v4 =	vmul.f32 v4, v2;
	[tilespmem:s24+$0x81B0] =	vst v6  }
0x242: {  	v3 =	vmul.f32 v3, v2;
	v6 =	vld [tilespmem:s24+$0x8220];
	[tilespmem:s24+$0x81C0] =	vst v5  }
0x243: {  	v2 =	vmul.f32 v62, v2;
	v5 =	vld [tilespmem:s24+$0x8230];
	[tilespmem:s24+$0x81D0] =	vst v4  }
0x244: {  	v9 =	vmul.f32 v63, v1;
	v4 =	vld [tilespmem:s24+$0x8240];
	[tilespmem:s24+$0x81E0] =	vst v3  }
0x245: {  	[tilespmem:s24+$0x81F0] =	vst v2;
	v3 =	vmul.f32 v8, v1;
	v2 =	vmul.f32 v7, v1;
	v7 =	vld [tilespmem:s24+$0x8270]  }
0x246: {  	[tilespmem:s24+$0x8250] =	vst v9;
	v8 =	vld [tilespmem:s24+$0x8260]  }
0x247: {  	[tilespmem:s24+$0x8200] =	vst v3;
	v3 =	vmul.f32 v6, v1;
	v6 =	vld [tilespmem:s24+$0x8280]  }
0x248: {  	[tilespmem:s24+$0x8210] =	vst v2;
	v2 =	vmul.f32 v5, v1;
	v5 =	vld [tilespmem:s24+$0x8290]  }
0x249: {  	v4 =	vmul.f32 v4, v1;
	[tilespmem:s24+$0x8220] =	vst v3;
	v3 =	vld [tilespmem:s24+$0x82A0]  }
0x24a: {  	[tilespmem:s24+$0x8230] =	vst v2;
	v2 =	vld [tilespmem:s24+$0x82B0];
	v7 =	vmul.f32 v7, v1  }
0x24b: {  	[tilespmem:s24+$0x8240] =	vst v4;
	v4 =	vld [tilespmem:s24+$0x82C0];
	v8 =	vmul.f32 v8, v1  }
0x24c: {  	v1 =	vld [tilespmem:s24+$0x82D0];
	[tilespmem:s24+$0x8270] =	vst v7;
	v7 =	vmul.f32 v6, v0  }
0x24d: {  	s25 =	simm.s32 $0x1;
	[tilespmem:s24+$0x8260] =	vst v8;
	v6 =	vmul.f32 v5, v0;
	v5 =	vld [tilespmem:s24+$0x82E0]  }
.LBB2_20:
0x24e: {  	s3 =	sshll.u32 s25, $0xB;
	p0 =	sne.s32 s25, $0x4;
	[tilespmem:s24+$0x8280] =	vst v7;
	v3 =	vmul.f32 v3, v0;
	v7 =	vld [tilespmem:s24+$0x82F0]  }
0x24f: {  	v14 =	vld [tilespmem:s3+$0x2B00];
	[tilespmem:s24+$0x8290] =	vst v6;
	v2 =	vmul.f32 v2, v0  }
0x250: {  	v15 =	vld [tilespmem:s3+$0x2B80];
	[tilespmem:s24+$0x82A0] =	vst v3;
	v3 =	vmul.f32 v4, v0  }
0x251: {  	v13 =	vld [tilespmem:s3+$0x2C00];
	[tilespmem:s24+$0x82B0] =	vst v2;
	v1 =	vmul.f32 v1, v0  }
0x252: {  	v12 =	vld [tilespmem:s3+$0x2C80];
	[tilespmem:s24+$0x82C0] =	vst v3;
	v2 =	vmul.f32 v5, v0  }
0x253: {  	v11 =	vld [tilespmem:s3+$0x2D00];
	[tilespmem:s24+$0x82D0] =	vst v1;
	v0 =	vmul.f32 v7, v0  }
0x254: {  	v10 =	vld [tilespmem:s3+$0x2D80];
	[tilespmem:s24+$0x82E0] =	vst v2  }
0x255: {  	v9 =	vld [tilespmem:s3+$0x2E00];
	[tilespmem:s24+$0x82F0] =	vst v0;
	s24 =	smov.u32 s3  }
0x256: {  	v8 =	vld [tilespmem:s24+$0x2E80]  }
0x257: {  	v7 =	vld [tilespmem:s24+$0x2F00]  }
0x258: {  	v6 =	vld [tilespmem:s24+$0x2F80]  }
0x259: {  	v5 =	vld [tilespmem:s24+$0x3000]  }
0x25a: {  	v4 =	vld [tilespmem:s24+$0x3080]  }
0x25b: {  	v3 =	vld [tilespmem:s24+$0x3100]  }
0x25c: {  	v2 =	vld [tilespmem:s24+$0x3180]  }
0x25d: {  	v1 =	vld [tilespmem:s24+$0x3200]  }
0x25e: {  	v0 =	vld [tilespmem:s24+$0x3280]  }
0x25f: {  	v16 =	vld [tilespmem:s24+$0x7B00]  }
0x260: {  	v17 =	vld [tilespmem:s24+$0x7B10]  }
0x261: {  	v18 =	vld [tilespmem:s24+$0x7B20]  }
0x262: {  	v19 =	vld [tilespmem:s24+$0x7B30]  }
0x263: {  	v20 =	vld [tilespmem:s24+$0x7B40]  }
0x264: {  	v16 =	vmul.f32 v16, v14;
	v21 =	vld [tilespmem:s24+$0x7B50]  }
0x265: {  	v17 =	vmul.f32 v17, v14;
	v22 =	vld [tilespmem:s24+$0x7B60]  }
0x266: {  	[tilespmem:s24+$0x7B00] =	vst v16;
	v16 =	vmul.f32 v18, v14;
	v18 =	vld [tilespmem:s24+$0x7B70]  }
0x267: {  	[tilespmem:s24+$0x7B10] =	vst v17;
	v17 =	vmul.f32 v19, v14;
	v19 =	vld [tilespmem:s24+$0x7B80]  }
0x268: {  	[tilespmem:s24+$0x7B20] =	vst v16;
	v16 =	vmul.f32 v20, v14;
	v20 =	vld [tilespmem:s24+$0x7B90]  }
0x269: {  	[tilespmem:s24+$0x7B30] =	vst v17;
	v17 =	vmul.f32 v21, v14;
	v21 =	vld [tilespmem:s24+$0x7BA0]  }
0x26a: {  	[tilespmem:s24+$0x7B40] =	vst v16;
	v16 =	vmul.f32 v22, v14;
	v22 =	vld [tilespmem:s24+$0x7BB0]  }
0x26b: {  	[tilespmem:s24+$0x7B50] =	vst v17;
	v14 =	vmul.f32 v18, v14;
	v17 =	vld [tilespmem:s24+$0x7BC0]  }
0x26c: {  	[tilespmem:s24+$0x7B60] =	vst v16;
	v16 =	vmul.f32 v19, v15;
	v18 =	vld [tilespmem:s24+$0x7BD0]  }
0x26d: {  	[tilespmem:s24+$0x7B70] =	vst v14;
	v14 =	vmul.f32 v20, v15;
	v19 =	vld [tilespmem:s24+$0x7BE0]  }
0x26e: {  	[tilespmem:s24+$0x7B80] =	vst v16;
	v16 =	vmul.f32 v21, v15;
	v20 =	vld [tilespmem:s24+$0x7BF0]  }
0x26f: {  	[tilespmem:s24+$0x7B90] =	vst v14;
	v14 =	vmul.f32 v22, v15;
	v21 =	vld [tilespmem:s24+$0x7C00]  }
0x270: {  	[tilespmem:s24+$0x7BA0] =	vst v16;
	v16 =	vmul.f32 v17, v15;
	v17 =	vld [tilespmem:s24+$0x7C10]  }
0x271: {  	[tilespmem:s24+$0x7BB0] =	vst v14;
	v14 =	vmul.f32 v18, v15;
	v18 =	vld [tilespmem:s24+$0x7C20]  }
0x272: {  	[tilespmem:s24+$0x7BC0] =	vst v16;
	v16 =	vmul.f32 v19, v15;
	v19 =	vld [tilespmem:s24+$0x7C30]  }
0x273: {  	[tilespmem:s24+$0x7BD0] =	vst v14;
	v14 =	vmul.f32 v20, v15;
	v15 =	vld [tilespmem:s24+$0x7C40]  }
0x274: {  	[tilespmem:s24+$0x7BE0] =	vst v16;
	v16 =	vmul.f32 v21, v13;
	v20 =	vld [tilespmem:s24+$0x7C50]  }
0x275: {  	[tilespmem:s24+$0x7BF0] =	vst v14;
	v14 =	vmul.f32 v17, v13;
	v17 =	vld [tilespmem:s24+$0x7C60]  }
0x276: {  	[tilespmem:s24+$0x7C00] =	vst v16;
	v16 =	vmul.f32 v18, v13;
	v18 =	vld [tilespmem:s24+$0x7C70]  }
0x277: {  	[tilespmem:s24+$0x7C10] =	vst v14;
	v14 =	vmul.f32 v19, v13;
	v19 =	vld [tilespmem:s24+$0x7C80]  }
0x278: {  	[tilespmem:s24+$0x7C20] =	vst v16;
	v15 =	vmul.f32 v15, v13;
	v16 =	vld [tilespmem:s24+$0x7C90]  }
0x279: {  	[tilespmem:s24+$0x7C30] =	vst v14;
	v14 =	vmul.f32 v20, v13;
	v20 =	vld [tilespmem:s24+$0x7CA0]  }
0x27a: {  	[tilespmem:s24+$0x7C40] =	vst v15;
	v15 =	vmul.f32 v17, v13;
	v17 =	vld [tilespmem:s24+$0x7CB0]  }
0x27b: {  	[tilespmem:s24+$0x7C50] =	vst v14;
	v13 =	vmul.f32 v18, v13;
	v14 =	vld [tilespmem:s24+$0x7CC0]  }
0x27c: {  	[tilespmem:s24+$0x7C60] =	vst v15;
	v15 =	vmul.f32 v19, v12;
	v18 =	vld [tilespmem:s24+$0x7CD0]  }
0x27d: {  	[tilespmem:s24+$0x7C70] =	vst v13;
	v13 =	vmul.f32 v16, v12;
	v16 =	vld [tilespmem:s24+$0x7CE0]  }
0x27e: {  	[tilespmem:s24+$0x7C80] =	vst v15;
	v15 =	vmul.f32 v20, v12;
	v19 =	vld [tilespmem:s24+$0x7CF0]  }
0x27f: {  	[tilespmem:s24+$0x7C90] =	vst v13;
	v13 =	vmul.f32 v17, v12;
	v17 =	vld [tilespmem:s24+$0x7D00]  }
0x280: {  	[tilespmem:s24+$0x7CA0] =	vst v15;
	v14 =	vmul.f32 v14, v12;
	v15 =	vld [tilespmem:s24+$0x7D10]  }
0x281: {  	[tilespmem:s24+$0x7CB0] =	vst v13;
	v13 =	vmul.f32 v18, v12;
	v18 =	vld [tilespmem:s24+$0x7D20]  }
0x282: {  	[tilespmem:s24+$0x7CC0] =	vst v14;
	v14 =	vmul.f32 v16, v12;
	v16 =	vld [tilespmem:s24+$0x7D30]  }
0x283: {  	[tilespmem:s24+$0x7CD0] =	vst v13;
	v12 =	vmul.f32 v19, v12;
	v13 =	vld [tilespmem:s24+$0x7D40]  }
0x284: {  	[tilespmem:s24+$0x7CE0] =	vst v14;
	v14 =	vmul.f32 v17, v11;
	v17 =	vld [tilespmem:s24+$0x7D50]  }
0x285: {  	[tilespmem:s24+$0x7CF0] =	vst v12;
	v12 =	vmul.f32 v15, v11;
	v15 =	vld [tilespmem:s24+$0x7D60]  }
0x286: {  	[tilespmem:s24+$0x7D00] =	vst v14;
	v14 =	vmul.f32 v18, v11;
	v18 =	vld [tilespmem:s24+$0x7D70]  }
0x287: {  	[tilespmem:s24+$0x7D10] =	vst v12;
	v12 =	vmul.f32 v16, v11;
	v16 =	vld [tilespmem:s24+$0x7D80]  }
0x288: {  	[tilespmem:s24+$0x7D20] =	vst v14;
	v13 =	vmul.f32 v13, v11;
	v14 =	vld [tilespmem:s24+$0x7D90]  }
0x289: {  	[tilespmem:s24+$0x7D30] =	vst v12;
	v12 =	vmul.f32 v17, v11;
	v17 =	vld [tilespmem:s24+$0x7DA0]  }
0x28a: {  	[tilespmem:s24+$0x7D40] =	vst v13;
	v13 =	vmul.f32 v15, v11;
	v15 =	vld [tilespmem:s24+$0x7DB0]  }
0x28b: {  	[tilespmem:s24+$0x7D50] =	vst v12;
	v11 =	vmul.f32 v18, v11;
	v12 =	vld [tilespmem:s24+$0x7DC0]  }
0x28c: {  	[tilespmem:s24+$0x7D60] =	vst v13;
	v13 =	vmul.f32 v16, v10;
	v16 =	vld [tilespmem:s24+$0x7DD0]  }
0x28d: {  	[tilespmem:s24+$0x7D70] =	vst v11;
	v11 =	vmul.f32 v14, v10;
	v14 =	vld [tilespmem:s24+$0x7DE0]  }
0x28e: {  	[tilespmem:s24+$0x7D80] =	vst v13;
	v13 =	vmul.f32 v17, v10;
	v17 =	vld [tilespmem:s24+$0x7DF0]  }
0x28f: {  	[tilespmem:s24+$0x7D90] =	vst v11;
	v11 =	vmul.f32 v15, v10;
	v15 =	vld [tilespmem:s24+$0x7E00]  }
0x290: {  	[tilespmem:s24+$0x7DA0] =	vst v13;
	v12 =	vmul.f32 v12, v10;
	v13 =	vld [tilespmem:s24+$0x7E10]  }
0x291: {  	[tilespmem:s24+$0x7DB0] =	vst v11;
	v11 =	vmul.f32 v16, v10;
	v16 =	vld [tilespmem:s24+$0x7E20]  }
0x292: {  	[tilespmem:s24+$0x7DC0] =	vst v12;
	v12 =	vmul.f32 v14, v10;
	v14 =	vld [tilespmem:s24+$0x7E30]  }
0x293: {  	[tilespmem:s24+$0x7DD0] =	vst v11;
	v10 =	vmul.f32 v17, v10;
	v11 =	vld [tilespmem:s24+$0x7E40]  }
0x294: {  	[tilespmem:s24+$0x7DE0] =	vst v12;
	v12 =	vmul.f32 v15, v9;
	v15 =	vld [tilespmem:s24+$0x7E50]  }
0x295: {  	[tilespmem:s24+$0x7DF0] =	vst v10;
	v10 =	vmul.f32 v13, v9;
	v13 =	vld [tilespmem:s24+$0x7E60]  }
0x296: {  	[tilespmem:s24+$0x7E00] =	vst v12;
	v12 =	vmul.f32 v16, v9;
	v16 =	vld [tilespmem:s24+$0x7E70]  }
0x297: {  	[tilespmem:s24+$0x7E10] =	vst v10;
	v10 =	vmul.f32 v14, v9;
	v14 =	vld [tilespmem:s24+$0x7E80]  }
0x298: {  	[tilespmem:s24+$0x7E20] =	vst v12;
	v11 =	vmul.f32 v11, v9;
	v12 =	vld [tilespmem:s24+$0x7E90]  }
0x299: {  	[tilespmem:s24+$0x7E30] =	vst v10;
	v10 =	vmul.f32 v15, v9;
	v15 =	vld [tilespmem:s24+$0x7EA0]  }
0x29a: {  	[tilespmem:s24+$0x7E40] =	vst v11;
	v11 =	vmul.f32 v13, v9;
	v13 =	vld [tilespmem:s24+$0x7EB0]  }
0x29b: {  	[tilespmem:s24+$0x7E50] =	vst v10;
	v9 =	vmul.f32 v16, v9;
	v10 =	vld [tilespmem:s24+$0x7EC0]  }
0x29c: {  	[tilespmem:s24+$0x7E60] =	vst v11;
	v11 =	vmul.f32 v14, v8;
	v14 =	vld [tilespmem:s24+$0x7ED0]  }
0x29d: {  	[tilespmem:s24+$0x7E70] =	vst v9;
	v9 =	vmul.f32 v12, v8;
	v12 =	vld [tilespmem:s24+$0x7EE0]  }
0x29e: {  	[tilespmem:s24+$0x7E80] =	vst v11;
	v11 =	vmul.f32 v15, v8;
	v15 =	vld [tilespmem:s24+$0x7EF0]  }
0x29f: {  	[tilespmem:s24+$0x7E90] =	vst v9;
	v9 =	vmul.f32 v13, v8;
	v13 =	vld [tilespmem:s24+$0x7F00]  }
0x2a0: {  	[tilespmem:s24+$0x7EA0] =	vst v11;
	v10 =	vmul.f32 v10, v8;
	v11 =	vld [tilespmem:s24+$0x7F10]  }
0x2a1: {  	[tilespmem:s24+$0x7EB0] =	vst v9;
	v9 =	vmul.f32 v14, v8;
	v14 =	vld [tilespmem:s24+$0x7F20]  }
0x2a2: {  	[tilespmem:s24+$0x7EC0] =	vst v10;
	v10 =	vmul.f32 v12, v8;
	v12 =	vld [tilespmem:s24+$0x7F30]  }
0x2a3: {  	[tilespmem:s24+$0x7ED0] =	vst v9;
	v8 =	vmul.f32 v15, v8;
	v9 =	vld [tilespmem:s24+$0x7F40]  }
0x2a4: {  	[tilespmem:s24+$0x7EE0] =	vst v10;
	v10 =	vmul.f32 v13, v7;
	v13 =	vld [tilespmem:s24+$0x7F50]  }
0x2a5: {  	[tilespmem:s24+$0x7EF0] =	vst v8;
	v8 =	vmul.f32 v11, v7;
	v11 =	vld [tilespmem:s24+$0x7F60]  }
0x2a6: {  	[tilespmem:s24+$0x7F00] =	vst v10;
	v10 =	vmul.f32 v14, v7;
	v14 =	vld [tilespmem:s24+$0x7F70]  }
0x2a7: {  	[tilespmem:s24+$0x7F10] =	vst v8;
	v8 =	vmul.f32 v12, v7;
	v12 =	vld [tilespmem:s24+$0x7F80]  }
0x2a8: {  	[tilespmem:s24+$0x7F20] =	vst v10;
	v9 =	vmul.f32 v9, v7;
	v10 =	vld [tilespmem:s24+$0x7F90]  }
0x2a9: {  	[tilespmem:s24+$0x7F30] =	vst v8;
	v8 =	vmul.f32 v13, v7;
	v13 =	vld [tilespmem:s24+$0x7FA0]  }
0x2aa: {  	[tilespmem:s24+$0x7F40] =	vst v9;
	v9 =	vmul.f32 v11, v7;
	v11 =	vld [tilespmem:s24+$0x7FB0]  }
0x2ab: {  	[tilespmem:s24+$0x7F50] =	vst v8;
	v7 =	vmul.f32 v14, v7;
	v8 =	vld [tilespmem:s24+$0x7FC0]  }
0x2ac: {  	[tilespmem:s24+$0x7F60] =	vst v9;
	v9 =	vmul.f32 v12, v6;
	v12 =	vld [tilespmem:s24+$0x7FD0]  }
0x2ad: {  	[tilespmem:s24+$0x7F70] =	vst v7;
	v7 =	vmul.f32 v10, v6;
	v10 =	vld [tilespmem:s24+$0x7FE0]  }
0x2ae: {  	[tilespmem:s24+$0x7F80] =	vst v9;
	v9 =	vmul.f32 v13, v6;
	v13 =	vld [tilespmem:s24+$0x7FF0]  }
0x2af: {  	[tilespmem:s24+$0x7F90] =	vst v7;
	v7 =	vmul.f32 v11, v6;
	v11 =	vld [tilespmem:s24+$0x8000]  }
0x2b0: {  	[tilespmem:s24+$0x7FA0] =	vst v9;
	v8 =	vmul.f32 v8, v6;
	v9 =	vld [tilespmem:s24+$0x8010]  }
0x2b1: {  	[tilespmem:s24+$0x7FB0] =	vst v7;
	v7 =	vmul.f32 v12, v6;
	v12 =	vld [tilespmem:s24+$0x8020]  }
0x2b2: {  	[tilespmem:s24+$0x7FC0] =	vst v8;
	v8 =	vmul.f32 v10, v6;
	v10 =	vld [tilespmem:s24+$0x8030]  }
0x2b3: {  	[tilespmem:s24+$0x7FD0] =	vst v7;
	v6 =	vmul.f32 v13, v6;
	v7 =	vld [tilespmem:s24+$0x8040]  }
0x2b4: {  	[tilespmem:s24+$0x7FE0] =	vst v8;
	v8 =	vmul.f32 v11, v5;
	v11 =	vld [tilespmem:s24+$0x8050]  }
0x2b5: {  	[tilespmem:s24+$0x7FF0] =	vst v6;
	v6 =	vmul.f32 v9, v5;
	v9 =	vld [tilespmem:s24+$0x8060]  }
0x2b6: {  	[tilespmem:s24+$0x8000] =	vst v8;
	v8 =	vmul.f32 v12, v5;
	v12 =	vld [tilespmem:s24+$0x8070]  }
0x2b7: {  	[tilespmem:s24+$0x8010] =	vst v6;
	v6 =	vmul.f32 v10, v5;
	v10 =	vld [tilespmem:s24+$0x8080]  }
0x2b8: {  	[tilespmem:s24+$0x8020] =	vst v8;
	v7 =	vmul.f32 v7, v5;
	v8 =	vld [tilespmem:s24+$0x8090]  }
0x2b9: {  	[tilespmem:s24+$0x8030] =	vst v6;
	v6 =	vmul.f32 v11, v5;
	v11 =	vld [tilespmem:s24+$0x80A0]  }
0x2ba: {  	[tilespmem:s24+$0x8040] =	vst v7;
	v7 =	vmul.f32 v9, v5;
	v9 =	vld [tilespmem:s24+$0x80B0]  }
0x2bb: {  	[tilespmem:s24+$0x8050] =	vst v6;
	v5 =	vmul.f32 v12, v5;
	v6 =	vld [tilespmem:s24+$0x80C0]  }
0x2bc: {  	[tilespmem:s24+$0x8060] =	vst v7;
	v7 =	vmul.f32 v10, v4;
	v10 =	vld [tilespmem:s24+$0x80D0]  }
0x2bd: {  	[tilespmem:s24+$0x8070] =	vst v5;
	v5 =	vmul.f32 v8, v4;
	v8 =	vld [tilespmem:s24+$0x80E0]  }
0x2be: {  	[tilespmem:s24+$0x8080] =	vst v7;
	v7 =	vmul.f32 v11, v4;
	v11 =	vld [tilespmem:s24+$0x80F0]  }
0x2bf: {  	[tilespmem:s24+$0x8090] =	vst v5;
	v5 =	vmul.f32 v9, v4;
	v9 =	vld [tilespmem:s24+$0x8100]  }
0x2c0: {  	[tilespmem:s24+$0x80A0] =	vst v7;
	v6 =	vmul.f32 v6, v4;
	v7 =	vld [tilespmem:s24+$0x8110]  }
0x2c1: {  	[tilespmem:s24+$0x80B0] =	vst v5;
	v5 =	vmul.f32 v10, v4;
	v10 =	vld [tilespmem:s24+$0x8120]  }
0x2c2: {  	[tilespmem:s24+$0x80C0] =	vst v6;
	v6 =	vmul.f32 v8, v4;
	v8 =	vld [tilespmem:s24+$0x8130]  }
0x2c3: {  	[tilespmem:s24+$0x80D0] =	vst v5;
	v4 =	vmul.f32 v11, v4;
	v5 =	vld [tilespmem:s24+$0x8140]  }
0x2c4: {  	[tilespmem:s24+$0x80E0] =	vst v6;
	v6 =	vmul.f32 v9, v3;
	v9 =	vld [tilespmem:s24+$0x8150]  }
0x2c5: {  	[tilespmem:s24+$0x80F0] =	vst v4;
	v4 =	vmul.f32 v7, v3;
	v7 =	vld [tilespmem:s24+$0x8160]  }
0x2c6: {  	[tilespmem:s24+$0x8100] =	vst v6;
	v6 =	vmul.f32 v10, v3;
	v10 =	vld [tilespmem:s24+$0x8170]  }
0x2c7: {  	[tilespmem:s24+$0x8110] =	vst v4;
	v4 =	vmul.f32 v8, v3;
	v8 =	vld [tilespmem:s24+$0x8180]  }
0x2c8: {  	[tilespmem:s24+$0x8120] =	vst v6;
	v5 =	vmul.f32 v5, v3;
	v6 =	vld [tilespmem:s24+$0x8190]  }
0x2c9: {  	[tilespmem:s24+$0x8130] =	vst v4;
	v4 =	vmul.f32 v9, v3;
	v9 =	vld [tilespmem:s24+$0x81A0]  }
0x2ca: {  	[tilespmem:s24+$0x8140] =	vst v5;
	v5 =	vmul.f32 v7, v3;
	v7 =	vld [tilespmem:s24+$0x81B0]  }
0x2cb: {  	[tilespmem:s24+$0x8150] =	vst v4;
	v3 =	vmul.f32 v10, v3;
	v4 =	vld [tilespmem:s24+$0x81C0]  }
0x2cc: {  	[tilespmem:s24+$0x8160] =	vst v5;
	v5 =	vmul.f32 v8, v2;
	v8 =	vld [tilespmem:s24+$0x81D0]  }
0x2cd: {  	[tilespmem:s24+$0x8170] =	vst v3;
	v3 =	vmul.f32 v6, v2;
	v6 =	vld [tilespmem:s24+$0x81E0]  }
0x2ce: {  	[tilespmem:s24+$0x8180] =	vst v5;
	v5 =	vmul.f32 v9, v2;
	v9 =	vld [tilespmem:s24+$0x81F0]  }
0x2cf: {  	[tilespmem:s24+$0x8190] =	vst v3;
	v3 =	vmul.f32 v7, v2;
	v7 =	vld [tilespmem:s24+$0x8200]  }
0x2d0: {  	[tilespmem:s24+$0x81A0] =	vst v5;
	v4 =	vmul.f32 v4, v2;
	v5 =	vld [tilespmem:s24+$0x8210]  }
0x2d1: {  	[tilespmem:s24+$0x81B0] =	vst v3;
	v3 =	vmul.f32 v8, v2;
	v8 =	vld [tilespmem:s24+$0x8220]  }
0x2d2: {  	[tilespmem:s24+$0x81C0] =	vst v4;
	v4 =	vmul.f32 v6, v2;
	v6 =	vld [tilespmem:s24+$0x8230]  }
0x2d3: {  	[tilespmem:s24+$0x81D0] =	vst v3;
	v2 =	vmul.f32 v9, v2;
	v3 =	vld [tilespmem:s24+$0x8240]  }
0x2d4: {  	[tilespmem:s24+$0x81E0] =	vst v4;
	v4 =	vmul.f32 v7, v1;
	v7 =	vld [tilespmem:s24+$0x8250]  }
0x2d5: {  	[tilespmem:s24+$0x81F0] =	vst v2;
	v2 =	vmul.f32 v5, v1;
	v5 =	vld [tilespmem:s24+$0x8260]  }
0x2d6: {  	[tilespmem:s24+$0x8200] =	vst v4;
	v4 =	vmul.f32 v8, v1;
	v8 =	vld [tilespmem:s24+$0x8270]  }
0x2d7: {  	[tilespmem:s24+$0x8210] =	vst v2;
	v2 =	vmul.f32 v6, v1;
	v6 =	vld [tilespmem:s24+$0x8280]  }
0x2d8: {  	[tilespmem:s24+$0x8220] =	vst v4;
	v4 =	vmul.f32 v3, v1;
	v9 =	vld [tilespmem:s24+$0x8290]  }
.Ltmp18:
0x2d9: {  	[tilespmem:s24+$0x8230] =	vst v2;
	v7 =	vmul.f32 v7, v1;
	v3 =	vld [tilespmem:s24+$0x82A0];
	(pc) =	sbr.rel @p0 .LBB2_20-.Ltmp18, $4  }
0x2da: {  	[tilespmem:s24+$0x8240] =	vst v4;
	v5 =	vmul.f32 v5, v1;
	v2 =	vld [tilespmem:s24+$0x82B0]  }
0x2db: {  	[tilespmem:s24+$0x8250] =	vst v7;
	v8 =	vmul.f32 v8, v1;
	v4 =	vld [tilespmem:s24+$0x82C0]  }
0x2dc: {  	[tilespmem:s24+$0x8260] =	vst v5;
	v7 =	vmul.f32 v6, v0;
	v1 =	vld [tilespmem:s24+$0x82D0]  }
0x2dd: {  	s25 =	sadd.s32 $0x1, s25;
	[tilespmem:s24+$0x8270] =	vst v8;
	v6 =	vmul.f32 v9, v0;
	v5 =	vld [tilespmem:s24+$0x82E0]  }
0x2de: {  	[tilespmem:s24+$0x8280] =	vst v7;
	v3 =	vmul.f32 v3, v0;
	v60 =	vld [tilespmem:s24+$0x82F0]  }
0x2df: {  	[tilespmem:s24+$0x8290] =	vst v6;
	v2 =	vmul.f32 v2, v0  }
0x2e0: {  	[tilespmem:s24+$0x82A0] =	vst v3;
	v61 =	vmul.f32 v4, v0  }
0x2e1: {  	[tilespmem:s24+$0x82B0] =	vst v2;
	v1 =	vmul.f32 v1, v0  }
0x2e2: {  	[tilespmem:s24+$0x82C0] =	vst v61;
	v62 =	vmul.f32 v5, v0  }
0x2e3: {  	[tilespmem:s24+$0x82D0] =	vst v1;
	v63 =	vmul.f32 v60, v0  }
0x2e4: {  	[tilespmem:s24+$0x82E0] =	vst v62  }
0x2e5: {  	p0 =	por $0x0, $0x0;
	[tilespmem:s24+$0x82F0] =	vst v63  }
.LBB2_22:
0x2e6: {  	s3 =	sshrl.u32 s23, $0x9  }
0x2e7: {  	s3 =	sand.u32 $0x7F, s3  }
0x2e8: {  	s3 =	smul.u32 $0x3, s3;
	_ =	sdelay $0x1  }
0x2e9: {  	s3 =	ssub.s32 s21, s3  }
0x2ea: {  	s3 =	sand.u32 $0xFF, s3  }
0x2eb: {  	p1 =	seq.s32 s3, $0x2  }
.Ltmp19:
0x2ec: {  	_ = 	snop;
	(pc) =	sbr.rel @p1 .LBB2_26-.Ltmp19, $1  }
0x2ed: {  	_ =	sdelay $0x3  }
0x2ee: {  	p1 =	seq.s32 s3, $0x1  }
.Ltmp20:
0x2ef: {  	_ = 	snop;
	(pc) =	sbr.rel @!p1 .LBB2_24-.Ltmp20, $1  }
0x2f0: {  	_ =	sdelay $0x3  }
.Ltmp21:
0x2f1: {  	(pc) =	sbr.rel .LBB2_27-.Ltmp21, $4  }
0x2f2: {  	s3 =	simm.s32 @!p0 $0x50;
	s10 =	simm.s32 @!p0 $0x200;
	s11 =	simm.s32 @!p0 $0x7B00  }
0x2f3: {  	[spmem:s5] =	stream.indirect.scatter.add.f32 @!p0 [tilespmem:s11], [sflag:$0x3], $0x80, s10, s3, $0xb8;
	[tilespmem:$0x1E300] =	vst v63  }
0x2f4: {  	s3 =	simm.s32 @p0 $0x50;
	s10 =	simm.s32 @p0 $0x200;
	s11 =	simm.s32 @p0 $0x5300  }
0x2f5: {  	[spmem:s5] =	stream.indirect.scatter.add.f32 @p0 [tilespmem:s11], [sflag:$0x3], $0x80, s10, s3, $0xb8;
	[tilespmem:$0x1E300] =	vst v63  }
.LBB2_24:
.Ltmp22:
0x2f6: {  	(pc) =	sbr.rel .LBB2_27-.Ltmp22, $4  }
0x2f7: {  	s3 =	simm.s32 @!p0 $0x50;
	s10 =	simm.s32 @!p0 $0x180;
	s11 =	simm.s32 @!p0 $0x7B00  }
0x2f8: {  	[spmem:s5] =	stream.indirect.scatter.add.f32 @!p0 [tilespmem:s11], [sflag:$0x3], $0x80, s10, s3, $0xb8;
	[tilespmem:$0x1E300] =	vst v63  }
0x2f9: {  	s3 =	simm.s32 @p0 $0x50;
	s10 =	simm.s32 @p0 $0x180;
	s11 =	simm.s32 @p0 $0x5300  }
0x2fa: {  	[spmem:s5] =	stream.indirect.scatter.add.f32 @p0 [tilespmem:s11], [sflag:$0x3], $0x80, s10, s3, $0xb8;
	[tilespmem:$0x1E300] =	vst v63  }
.LBB2_29:
0x2fb: {  	_ =	sfence.sel $0x180000  }
0x2fc: {  	[bflag:$0x0] =	sbarrier.arrive $0xFFFF  }
0x2fd: {  	_ =	strace $0x90000047  }
0x2fe: {  	s0 =	stileid.u32;
	[bflag:$0x2] =	sbarrier.arrive $0xFFFF  }
0x2ff: {  	p0 =	sne.s32 s0, $0x0;
	s0 =	rddreg [dreg:$0x4]  }
0x300: {  	s0 =	sadd.s32 @!p0 $0x100000, s0  }
0x301: {  	[sflag:s0] =	ssyncadd.tile.s32 @!p0 $0x1;
	_ =	shalt  }
.Lfunc_end2:
_tile_overlayer_lowered:
.L_overlay_start_2:
0x302: {  	(tag) =	ssettag $0x2  }
0x303: {  	s0 =	rddreg [dreg:$0x0];
	s2 =	stileid.u32  }
0x304: {  	s1 =	rddreg [dreg:$0x1];
	p0 =	sne.s32 s2, $0x0  }
0x305: {  	s3 =	rddreg [dreg:$0x2];
	[bflag:$0x3] =	sbarrier.arrive $0xFFFF;
	s2 =	simm.s32 @!p0 $0x1C05  }
0x306: {  	[timem:s3], [sflag:s2] =	dma.local @!p0 [hbm:s0], s1  }
0x307: {  	s0 =	simm.s32 @!p0 $0x5  }
0x308: {  	_ =	swait.ge @!p0 [sflag:s0], s1  }
0x309: {  	s1 =	ssub.s32 @!p0 $0x0, s1;
	[sflag:s0] =	ssyncset.done @!p0 $0x0  }
0x30a: {  	[sflag:s0] =	ssyncadd.s32 @!p0 s1  }
0x30b: {  	[bflag:$0x3] =	sbarrier.arrive $0xFFFF  }
0x30c: {  	_ =	shalt  }

</sc_bundles>
